<compile_context>
chip_gen: v7x
topology: tpu7x:2x2x1
jax: 0.10.2.dev20260603
libtpu: 0.0.44.dev20260713+nightly
codegen_flags: <defaults>
</compile_context>

<pallas_src>
import functools

import jax
import jax.numpy as jnp
from jax import lax
from jax.experimental import pallas as pl
from jax.experimental.pallas import tpu as pltpu
from jax.experimental.pallas import tpu_sc as plsc

N = 100000
E = 3200000
NP = 102400
SLICE = NP // 16
R3 = 25088
RPW = R3 // 16
K = 4
NCH = RPW // K
CROWS = 128
F32 = jnp.float32

_mesh = plsc.VectorSubcoreMesh(core_axis_name="c", subcore_axis_name="s")
_sc_params = pltpu.CompilerParams(use_tc_tiling_on_sc=False)


def _newton_rsqrt(x):
    i = lax.bitcast_convert_type(x, jnp.int32)
    i = jnp.int32(0x5F3759DF) - lax.shift_right_arithmetic(i, 1)
    y = lax.bitcast_convert_type(i, F32)
    for _ in range(3):
        y = y * (1.5 - 0.5 * x * y * y)
    return y


def _sc_all_body(src_hbm, dst_hbm, xa_hbm, xb_hbm, zeros1_hbm,
                 ones_hbm, agg_a_out, agg_b_out, t_out, dinv_out, ya_out,
                 yb_out, acc_sh, dt_sh, sbuf, dbuf, rbuf, dvbuf,
                 sbuf2, dbuf2, rbuf2, dvbuf2, xbuf, dchunk,
                 semg, sems, semg2, sems2, semi):
    cid = lax.axis_index("c")
    sid = lax.axis_index("s")
    nsl = pl.ds(sid * SLICE, SLICE)
    row0 = sid * RPW

    ones_v = dvbuf
    pltpu.sync_copy(zeros1_hbm, dt_sh.at[nsl])
    pltpu.sync_copy(ones_hbm, ones_v)
    plsc.subcore_barrier()

    def step_deg(rr, _):
        base_a = row0 + (2 * rr) * K
        la = pltpu.async_copy(dst_hbm.at[cid, pl.ds(base_a, K)], dbuf, semi)
        lb = pltpu.async_copy(dst_hbm.at[cid, pl.ds(base_a + K, K)], dbuf2,
                              semi)
        la.wait()
        for j in range(K):
            pltpu.sync_copy(ones_v.at[j], dt_sh.at[dbuf.at[j]], add=True)
        lb.wait()
        for j in range(K):
            pltpu.sync_copy(ones_v.at[j], dt_sh.at[dbuf2.at[j]], add=True)
        return _

    lax.fori_loop(0, NCH // 2, step_deg, None)
    plsc.subcore_barrier()

    def step_prep(ci, _):
        base = sid * SLICE + ci * CROWS
        csl = pl.ds(base, CROWS)
        pltpu.sync_copy(dt_sh.at[csl], dchunk)
        for i in range(CROWS // 16):
            s16 = pl.ds(i * 16, 16)
            dchunk[s16] = _newton_rsqrt(dchunk[s16] + 1.0)
        pltpu.sync_copy(dchunk, dinv_out.at[cid, csl])

        def scale(x_hbm, y_out):
            pltpu.sync_copy(x_hbm.at[cid, csl], xbuf)

            def rowmul16(i, _):
                dv16 = dchunk[pl.ds(i * 16, 16)]
                for j in range(16):
                    r = i * 16 + j
                    xbuf[r] = dv16[j] * xbuf[r]
                return _

            lax.fori_loop(0, CROWS // 16, rowmul16, None)
            pltpu.sync_copy(xbuf, y_out.at[cid, csl])
            return xbuf

        yab = scale(xa_hbm, ya_out)
        pltpu.sync_copy(yab, acc_sh.at[csl])
        scale(xb_hbm, yb_out)
        return _

    lax.fori_loop(0, SLICE // CROWS, step_prep, None)
    pltpu.sync_copy(zeros1_hbm, dt_sh.at[nsl])
    plsc.subcore_barrier()

    def _load(base, sb, db):
        pltpu.sync_copy(src_hbm.at[cid, pl.ds(base, K)], sb)
        pltpu.sync_copy(dst_hbm.at[cid, pl.ds(base, K)], db)

    def _fire(y_ref, sb, db, rb, dvb, sg, st, with_t):
        gd = [pltpu.async_copy(y_ref.at[cid].at[sb.at[j]],
                               rb.at[pl.ds(j * 128, 128)], sg)
              for j in range(K)]
        if with_t:
            gd += [pltpu.async_copy(dinv_out.at[cid].at[db.at[j]],
                                    dvb.at[j], st) for j in range(K)]
        return gd

    def _scatter(sb, db, rb, dvb, with_t):
        for j in range(K):
            pltpu.sync_copy(rb.at[pl.ds(j * 128, 128)],
                            acc_sh.at[db.at[j]], add=True)
            if with_t:
                pltpu.sync_copy(dvb.at[j], dt_sh.at[sb.at[j]], add=True)

    def _make_pass(y_ref, with_t):
        def step(rr, _):
            base_a = row0 + (2 * rr) * K
            base_b = base_a + K
            _load(base_a, sbuf, dbuf)
            ga = _fire(y_ref, sbuf, dbuf, rbuf, dvbuf, semg, sems, with_t)
            _load(base_b, sbuf2, dbuf2)
            gb = _fire(y_ref, sbuf2, dbuf2, rbuf2, dvbuf2, semg2, sems2,
                       with_t)
            for d in ga:
                d.wait()
            _scatter(sbuf, dbuf, rbuf, dvbuf, with_t)
            for d in gb:
                d.wait()
            _scatter(sbuf2, dbuf2, rbuf2, dvbuf2, with_t)
            return _
        return step

    lax.fori_loop(0, NCH // 2, _make_pass(ya_out, True), None)
    plsc.subcore_barrier()
    pltpu.sync_copy(acc_sh.at[nsl], agg_a_out.at[cid, nsl])
    pltpu.sync_copy(dt_sh.at[nsl], t_out.at[cid, nsl])
    pltpu.sync_copy(yb_out.at[cid, nsl], acc_sh.at[nsl])
    plsc.subcore_barrier()

    lax.fori_loop(0, NCH // 2, _make_pass(yb_out, False), None)
    plsc.subcore_barrier()
    pltpu.sync_copy(acc_sh.at[nsl], agg_b_out.at[cid, nsl])


def _sc_all(srcs, dsts, xa, xb, zeros1, ones):
    return pl.kernel(
        _sc_all_body,
        out_type=[
            jax.ShapeDtypeStruct((2, NP, 16), F32),
            jax.ShapeDtypeStruct((2, NP, 16), F32),
            jax.ShapeDtypeStruct((2, NP), F32),
            jax.ShapeDtypeStruct((2, NP), F32),
            jax.ShapeDtypeStruct((2, NP, 16), F32),
            jax.ShapeDtypeStruct((2, NP, 16), F32),
        ],
        mesh=_mesh,
        compiler_params=_sc_params,
        scratch_types=[
            pltpu.VMEM_SHARED((NP, 16), F32),
            pltpu.VMEM_SHARED((NP,), F32),
            pltpu.VMEM((K, 128), jnp.int32),
            pltpu.VMEM((K, 128), jnp.int32),
            pltpu.VMEM((K * 128, 16), F32),
            pltpu.VMEM((K, 128), F32),
            pltpu.VMEM((K, 128), jnp.int32),
            pltpu.VMEM((K, 128), jnp.int32),
            pltpu.VMEM((K * 128, 16), F32),
            pltpu.VMEM((K, 128), F32),
            pltpu.VMEM((CROWS, 16), F32),
            pltpu.VMEM((CROWS,), F32),
            pltpu.SemaphoreType.DMA,
            pltpu.SemaphoreType.DMA,
            pltpu.SemaphoreType.DMA,
            pltpu.SemaphoreType.DMA,
            pltpu.SemaphoreType.DMA,
        ],
    )(srcs, dsts, xa, xb, zeros1, ones)


def _tc_final_body(aggA, aggB, dinv, t,
                   W1a, W1b, b1, W2, b2, out_ref, acc, *, nb, rows):
    i = pl.program_id(1)

    @pl.when(i == 0)
    def _():
        acc[...] = jnp.zeros_like(acc)

    dv = dinv[0]
    aa = dv * aggA[0]
    ab = dv * aggB[0]
    h1 = jnp.maximum(
        jnp.dot(aa, W1a[...], preferred_element_type=F32)
        + jnp.dot(ab, W1b[...], preferred_element_type=F32)
        + b1[...], 0.0)
    rowid = i * rows + lax.broadcasted_iota(jnp.int32, (rows, 1), 0)
    m = jnp.where(rowid < N, 1.0, 0.0)
    c = m * dv * (t[0] + dv)
    acc[...] += jnp.sum(c * h1, axis=0, keepdims=True)

    @pl.when(i == nb - 1)
    def _():
        out_ref[0] = (jnp.dot(acc[...], W2[...], preferred_element_type=F32)
                      * (1.0 / N) + b2[...])


def _tc_final(aggA, aggB, dinv, t, W1a, W1b, b1, W2, b2):
    R = 2048
    nb = NP // R
    grid = (2, nb)
    col = pl.BlockSpec((1, R, 1), lambda g, i: (g, i, 0))
    mat = pl.BlockSpec((1, R, 16), lambda g, i: (g, i, 0))
    full = lambda s: pl.BlockSpec(s, lambda g, i: tuple(0 for _ in s))
    body = functools.partial(_tc_final_body, nb=nb, rows=R)
    return pl.pallas_call(
        body,
        grid=grid,
        in_specs=[mat, mat, col, col,
                  full((16, 64)), full((16, 64)), full((1, 64)),
                  full((64, 32)), full((1, 32))],
        out_specs=pl.BlockSpec((1, 1, 32), lambda g, i: (g, 0, 0)),
        out_shape=jax.ShapeDtypeStruct((2, 1, 32), F32),
        scratch_shapes=[pltpu.VMEM((1, 64), F32)],
    )(aggA, aggB, dinv, t, W1a, W1b, b1, W2, b2)


def _pad_edges(v):
    pad = jnp.full((R3 * 128 - E,), N, dtype=jnp.int32)
    return jnp.concatenate([v, pad]).reshape(R3, 128)


def kernel(features_1, edge_index_1, features_2, edge_index_2, W1, b1, W2, b2):
    f32 = jnp.float32
    xs = [jnp.pad(f, ((0, NP - N), (0, 32 - f.shape[1])))
          for f in (features_1, features_2)]
    xa = jnp.stack([x[:, :16] for x in xs])
    xb = jnp.stack([x[:, 16:] for x in xs])
    srcs = jnp.stack([_pad_edges(edge_index_1[0]), _pad_edges(edge_index_2[0])])
    dsts = jnp.stack([_pad_edges(edge_index_1[1]), _pad_edges(edge_index_2[1])])
    zeros1 = jnp.zeros((SLICE,), f32)
    ones = jnp.ones((K, 128), f32)
    W1p = jnp.pad(W1, ((0, 32 - W1.shape[0]), (0, 0)))
    W1a_, W1b_ = W1p[:16], W1p[16:]
    b1r, b2r = b1.reshape(1, 64), b2.reshape(1, 32)

    aggA, aggB, t, dinv, _ya, _yb = _sc_all(srcs, dsts, xa, xb, zeros1, ones)

    out = _tc_final(aggA, aggB, dinv[..., None], t[..., None],
                    W1a_, W1b_, b1r, W2, b2r)
    return (out[0].T, out[1].T)

# --- scband reference (transcript-rebuilt; emitter-appended) ---
"""Pipeline reference for scband-student-78675210928488 (READ-ONLY COPY).

The authoritative reference and input builder live on the scoring server;
editing this copy changes nothing except your own understanding.
"""

import jax, jax.numpy as jnp
import numpy as np

N = 100000
E = 3200000
F_IN = 21
F1 = 64
F3 = 32


def setup_inputs(seed: int = 0) -> dict:
    key = jax.random.key(seed)
    ks = jax.random.split(key, 8)
    features_1 = jax.random.normal(ks[0], (N, F_IN), dtype=jnp.float32)
    features_2 = jax.random.normal(ks[1], (N, F_IN), dtype=jnp.float32)
    edge_index_1 = jax.random.randint(ks[2], (2, E), 0, N, dtype=jnp.int32)
    edge_index_2 = jax.random.randint(ks[3], (2, E), 0, N, dtype=jnp.int32)
    W1 = jax.random.normal(ks[4], (F_IN, F1), dtype=jnp.float32) * (1.0 / np.sqrt(F_IN))
    b1 = jnp.zeros((F1,), dtype=jnp.float32)
    W2 = jax.random.normal(ks[5], (F1, F3), dtype=jnp.float32) * (1.0 / np.sqrt(F1))
    b2 = jnp.zeros((F3,), dtype=jnp.float32)
    return {"features_1": features_1, "edge_index_1": edge_index_1,
            "features_2": features_2, "edge_index_2": edge_index_2,
            "W1": W1, "b1": b1, "W2": W2, "b2": b2}


def _gcn_conv(x, W, b, src, dst, n):
    # PyG GCNConv: add self-loops, symmetric normalization, linear transform, scatter-add
    loop = jnp.arange(n, dtype=src.dtype)
    src_f = jnp.concatenate([src, loop])
    dst_f = jnp.concatenate([dst, loop])
    deg = jax.ops.segment_sum(jnp.ones_like(dst_f, dtype=jnp.float32), dst_f, num_segments=n)
    dinv = jnp.where(deg > 0, jax.lax.rsqrt(jnp.maximum(deg, 1e-12)), 0.0)
    norm = dinv[src_f] * dinv[dst_f]
    h = x @ W
    msg = jnp.take(h, src_f, axis=0) * norm[:, None]
    out = jax.ops.segment_sum(msg, dst_f, num_segments=n)
    return out + b


def reference(features_1, edge_index_1, features_2, edge_index_2, W1, b1, W2, b2):
    def layermodule(x, ei):
        src, dst = ei[0], ei[1]
        n = x.shape[0]
        h = _gcn_conv(x, W1, b1, src, dst, n)
        h = jax.nn.relu(h)
        # dropout is identity in eval mode
        h = _gcn_conv(h, W2, b2, src, dst, n)
        v = h.mean(axis=0, keepdims=True)  # [1, F3]
        return v.T  # [F3, 1]
    return (layermodule(features_1, edge_index_1), layermodule(features_2, edge_index_2))

if __name__ == "__main__":
    import jax
    _d = setup_inputs()
    print(jax.jit(kernel)(*tuple(_d.values())))

</pallas_src>

<mosaic_0001>
#map = affine_map<(d0, d1) -> (0, 0, 0)>
#map1 = affine_map<(d0, d1) -> (0)>
#map2 = affine_map<(d0, d1) -> (0, 0)>
module attributes {stable_mosaic.version = 14 : i64} {
  func.func @_sc_all_body(%arg0: i32, %arg1: i32, %arg2: memref<2x25088x128xi32, #tpu.memory_space<hbm>>, %arg3: memref<2x25088x128xi32, #tpu.memory_space<hbm>>, %arg4: memref<2x102400x16xf32, #tpu.memory_space<hbm>>, %arg5: memref<2x102400x16xf32, #tpu.memory_space<hbm>>, %arg6: memref<6400xf32, #tpu.memory_space<hbm>>, %arg7: memref<4x128xf32, #tpu.memory_space<hbm>>, %arg8: memref<2x102400x16xf32, #tpu.memory_space<hbm>>, %arg9: memref<2x102400x16xf32, #tpu.memory_space<hbm>>, %arg10: memref<2x102400xf32, #tpu.memory_space<hbm>>, %arg11: memref<2x102400xf32, #tpu.memory_space<hbm>>, %arg12: memref<2x102400x16xf32, #tpu.memory_space<hbm>>, %arg13: memref<2x102400x16xf32, #tpu.memory_space<hbm>>, %arg14: memref<102400x16xf32, #tpu.memory_space<vmem_shared>>, %arg15: memref<102400xf32, #tpu.memory_space<vmem_shared>>, %arg16: memref<4x128xi32, #tpu.memory_space<vmem>>, %arg17: memref<4x128xi32, #tpu.memory_space<vmem>>, %arg18: memref<512x16xf32, #tpu.memory_space<vmem>>, %arg19: memref<4x128xf32, #tpu.memory_space<vmem>>, %arg20: memref<4x128xi32, #tpu.memory_space<vmem>>, %arg21: memref<4x128xi32, #tpu.memory_space<vmem>>, %arg22: memref<512x16xf32, #tpu.memory_space<vmem>>, %arg23: memref<4x128xf32, #tpu.memory_space<vmem>>, %arg24: memref<128x16xf32, #tpu.memory_space<vmem>>, %arg25: memref<128xf32, #tpu.memory_space<vmem>>, %arg26: memref<!tpu.dma_semaphore, #tpu.memory_space<semaphore_mem>>, %arg27: memref<!tpu.dma_semaphore, #tpu.memory_space<semaphore_mem>>, %arg28: memref<!tpu.dma_semaphore, #tpu.memory_space<semaphore_mem>>, %arg29: memref<!tpu.dma_semaphore, #tpu.memory_space<semaphore_mem>>, %arg30: memref<!tpu.dma_semaphore, #tpu.memory_space<semaphore_mem>>) attributes {dimension_semantics = [#tpu.dimension_semantics<core_parallel>, #tpu.dimension_semantics<subcore_parallel>], iteration_bounds = array<i64: 2, 16>, scalar_prefetch = 0 : i64, scratch_operands = 17 : i64, tpu.core_type = #tpu.core_type<sc_vector_subcore>, window_params = [{transform_indices = #map}, {transform_indices = #map}, {transform_indices = #map}, {transform_indices = #map}, {transform_indices = #map1}, {transform_indices = #map2}, {transform_indices = #map}, {transform_indices = #map}, {transform_indices = #map2}, {transform_indices = #map2}, {transform_indices = #map}, {transform_indices = #map}]} {
    %mul3A = arith.constant 6400 : i32
    %mul3A_0 = arith.muli %arg1, %mul3A : i32
    %mul3A_1 = arith.constant 1568 : i32
    %mul3A_2 = arith.muli %arg1, %mul3A_1 : i32
    "tpu.region"() ({
      %run_scoped3A = tpu.sem_alloc : memref<!tpu.dma_semaphore, #tpu.memory_space<semaphore_mem>>
      %dma_start3A = tpu.memref_slice %arg15[%mul3A_0] : memref<102400xf32, #tpu.memory_space<vmem_shared>> -> memref<6400xf32, #tpu.memory_space<vmem_shared>>
      tpu.enqueue_dma source(%arg6 : memref<6400xf32, #tpu.memory_space<hbm>>) target(%dma_start3A : memref<6400xf32, #tpu.memory_space<vmem_shared>>) target_semaphore(%run_scoped3A : memref<!tpu.dma_semaphore, #tpu.memory_space<semaphore_mem>>)
      %dma_wait3A = tpu.memref_slice %arg15[%mul3A_0] : memref<102400xf32, #tpu.memory_space<vmem_shared>> -> memref<6400xf32, #tpu.memory_space<vmem_shared>>
      tpu.wait_dma2 semaphore(%run_scoped3A : memref<!tpu.dma_semaphore, #tpu.memory_space<semaphore_mem>>) src(%arg6 : memref<6400xf32, #tpu.memory_space<hbm>>) dst(%dma_wait3A : memref<6400xf32, #tpu.memory_space<vmem_shared>>)
      tpu.yield
    }) : () -> ()
    "tpu.region"() ({
      %run_scoped3A = tpu.sem_alloc : memref<!tpu.dma_semaphore, #tpu.memory_space<semaphore_mem>>
      tpu.enqueue_dma source(%arg7 : memref<4x128xf32, #tpu.memory_space<hbm>>) target(%arg19 : memref<4x128xf32, #tpu.memory_space<vmem>>) target_semaphore(%run_scoped3A : memref<!tpu.dma_semaphore, #tpu.memory_space<semaphore_mem>>)
      tpu.wait_dma2 semaphore(%run_scoped3A : memref<!tpu.dma_semaphore, #tpu.memory_space<semaphore_mem>>) src(%arg7 : memref<4x128xf32, #tpu.memory_space<hbm>>) dst(%arg19 : memref<4x128xf32, #tpu.memory_space<vmem>>)
      tpu.yield
    }) : () -> ()
    %barrier3A = arith.constant 0 : index
    tpu.barrier barrier_id(%barrier3A)
    %scan3A = arith.constant 0 : i32
    %scan3A_3 = arith.constant 196 : i32
    %scan3A_4 = arith.addi %scan3A, %scan3A_3 : i32
    %scan3A_5 = arith.constant 1 : i32
    scf.for %scan3A_27 = %scan3A to %scan3A_4 step %scan3A_5  : i32 {
      %mul3A_28 = arith.constant 2 : i32
      %mul3A_29 = arith.muli %mul3A_28, %scan3A_27 : i32
      %mul3A_30 = arith.constant 4 : i32
      %mul3A_31 = arith.muli %mul3A_29, %mul3A_30 : i32
      %add3A = arith.addi %mul3A_2, %mul3A_31 : i32
      %dma_start3A = arith.constant 0 : i32
      %dma_start3A_32 = tpu.memref_slice %arg3[%arg0, %add3A, %dma_start3A] : memref<2x25088x128xi32, #tpu.memory_space<hbm>> -> memref<1x4x128xi32, #tpu.memory_space<hbm>>
      %dma_start3A_33 = tpu.memref_squeeze %dma_start3A_32 : memref<1x4x128xi32, #tpu.memory_space<hbm>> -> memref<4x128xi32, #tpu.memory_space<hbm>>
      %dma_start3A_34 = arith.constant 0 : i32
      %dma_start3A_35 = tpu.memref_slice %arg3[%arg0, %add3A, %dma_start3A_34] : memref<2x25088x128xi32, #tpu.memory_space<hbm>> -> memref<1x4x128xi32, #tpu.memory_space<hbm>>
      %dma_start3A_36 = tpu.memref_squeeze %dma_start3A_35 : memref<1x4x128xi32, #tpu.memory_space<hbm>> -> memref<4x128xi32, #tpu.memory_space<hbm>>
      tpu.enqueue_dma source(%dma_start3A_36 : memref<4x128xi32, #tpu.memory_space<hbm>>) target(%arg17 : memref<4x128xi32, #tpu.memory_space<vmem>>) target_semaphore(%arg30 : memref<!tpu.dma_semaphore, #tpu.memory_space<semaphore_mem>>)
      %add3A_37 = arith.constant 4 : i32
      %add3A_38 = arith.addi %add3A, %add3A_37 : i32
      %dma_start3A_39 = arith.constant 0 : i32
      %dma_start3A_40 = tpu.memref_slice %arg3[%arg0, %add3A_38, %dma_start3A_39] : memref<2x25088x128xi32, #tpu.memory_space<hbm>> -> memref<1x4x128xi32, #tpu.memory_space<hbm>>
      %dma_start3A_41 = tpu.memref_squeeze %dma_start3A_40 : memref<1x4x128xi32, #tpu.memory_space<hbm>> -> memref<4x128xi32, #tpu.memory_space<hbm>>
      %dma_start3A_42 = arith.constant 0 : i32
      %dma_start3A_43 = tpu.memref_slice %arg3[%arg0, %add3A_38, %dma_start3A_42] : memref<2x25088x128xi32, #tpu.memory_space<hbm>> -> memref<1x4x128xi32, #tpu.memory_space<hbm>>
      %dma_start3A_44 = tpu.memref_squeeze %dma_start3A_43 : memref<1x4x128xi32, #tpu.memory_space<hbm>> -> memref<4x128xi32, #tpu.memory_space<hbm>>
      tpu.enqueue_dma source(%dma_start3A_44 : memref<4x128xi32, #tpu.memory_space<hbm>>) target(%arg21 : memref<4x128xi32, #tpu.memory_space<vmem>>) target_semaphore(%arg30 : memref<!tpu.dma_semaphore, #tpu.memory_space<semaphore_mem>>)
      %dma_wait3A = arith.constant 0 : i32
      %dma_wait3A_45 = tpu.memref_slice %arg3[%arg0, %add3A, %dma_wait3A] : memref<2x25088x128xi32, #tpu.memory_space<hbm>> -> memref<1x4x128xi32, #tpu.memory_space<hbm>>
      %dma_wait3A_46 = tpu.memref_squeeze %dma_wait3A_45 : memref<1x4x128xi32, #tpu.memory_space<hbm>> -> memref<4x128xi32, #tpu.memory_space<hbm>>
      %dma_wait3A_47 = arith.constant 0 : i32
      %dma_wait3A_48 = tpu.memref_slice %arg3[%arg0, %add3A, %dma_wait3A_47] : memref<2x25088x128xi32, #tpu.memory_space<hbm>> -> memref<1x4x128xi32, #tpu.memory_space<hbm>>
      %dma_wait3A_49 = tpu.memref_squeeze %dma_wait3A_48 : memref<1x4x128xi32, #tpu.memory_space<hbm>> -> memref<4x128xi32, #tpu.memory_space<hbm>>
      tpu.wait_dma2 semaphore(%arg30 : memref<!tpu.dma_semaphore, #tpu.memory_space<semaphore_mem>>) src(%dma_wait3A_49 : memref<4x128xi32, #tpu.memory_space<hbm>>) dst(%arg17 : memref<4x128xi32, #tpu.memory_space<vmem>>)
      %run_scoped3A = arith.constant 0 : i32
      %run_scoped3A_50 = arith.constant 0 : i32
      "tpu.region"() ({
        %run_scoped3A_71 = tpu.sem_alloc : memref<!tpu.dma_semaphore, #tpu.memory_space<semaphore_mem>>
        %dma_start3A_72 = arith.constant 0 : i32
        %dma_start3A_73 = tpu.memref_slice %arg19[%run_scoped3A, %dma_start3A_72] : memref<4x128xf32, #tpu.memory_space<vmem>> -> memref<1x128xf32, #tpu.memory_space<vmem>>
        %dma_start3A_74 = tpu.memref_squeeze %dma_start3A_73 : memref<1x128xf32, #tpu.memory_space<vmem>> -> memref<128xf32, #tpu.memory_space<vmem>>
        %dma_start3A_75 = arith.constant 0 : i32
        %dma_start3A_76 = tpu.memref_slice %arg17[%run_scoped3A_50, %dma_start3A_75] : memref<4x128xi32, #tpu.memory_space<vmem>> -> memref<1x128xi32, #tpu.memory_space<vmem>>
        %dma_start3A_77 = tpu.memref_squeeze %dma_start3A_76 : memref<1x128xi32, #tpu.memory_space<vmem>> -> memref<128xi32, #tpu.memory_space<vmem>>
        %dma_start3A_78 = arith.constant 0 : i32
        %dma_start3A_79 = tpu.memref_slice %arg15[%dma_start3A_78] : memref<102400xf32, #tpu.memory_space<vmem_shared>> -> memref<102400xf32, #tpu.memory_space<vmem_shared>>
        tpu.enqueue_indirect_dma source(%dma_start3A_74 : memref<128xf32, #tpu.memory_space<vmem>>) target(%dma_start3A_79 : memref<102400xf32, #tpu.memory_space<vmem_shared>>) offsets(%dma_start3A_77 : memref<128xi32, #tpu.memory_space<vmem>>) semaphore(%run_scoped3A_71 : memref<!tpu.dma_semaphore, #tpu.memory_space<semaphore_mem>>) {add = true}
        %dma_wait3A_80 = arith.constant 0 : i32
        %dma_wait3A_81 = tpu.memref_slice %arg19[%run_scoped3A, %dma_wait3A_80] : memref<4x128xf32, #tpu.memory_space<vmem>> -> memref<1x128xf32, #tpu.memory_space<vmem>>
        %dma_wait3A_82 = tpu.memref_squeeze %dma_wait3A_81 : memref<1x128xf32, #tpu.memory_space<vmem>> -> memref<128xf32, #tpu.memory_space<vmem>>
        %dma_wait3A_83 = arith.constant 0 : i32
        %dma_wait3A_84 = tpu.memref_slice %arg17[%run_scoped3A_50, %dma_wait3A_83] : memref<4x128xi32, #tpu.memory_space<vmem>> -> memref<1x128xi32, #tpu.memory_space<vmem>>
        %dma_wait3A_85 = tpu.memref_squeeze %dma_wait3A_84 : memref<1x128xi32, #tpu.memory_space<vmem>> -> memref<128xi32, #tpu.memory_space<vmem>>
        %dma_wait3A_86 = arith.constant 0 : i32
        %dma_wait3A_87 = tpu.memref_slice %arg15[%dma_wait3A_86] : memref<102400xf32, #tpu.memory_space<vmem_shared>> -> memref<102400xf32, #tpu.memory_space<vmem_shared>>
        tpu.wait_indirect_dma semaphore(%run_scoped3A_71 : memref<!tpu.dma_semaphore, #tpu.memory_space<semaphore_mem>>) src(%dma_wait3A_82 : memref<128xf32, #tpu.memory_space<vmem>>) dst(%dma_wait3A_87 : memref<102400xf32, #tpu.memory_space<vmem_shared>>)
        tpu.yield
      }) : () -> ()
      %run_scoped3A_51 = arith.constant 1 : i32
      %run_scoped3A_52 = arith.constant 1 : i32
      "tpu.region"() ({
        %run_scoped3A_71 = tpu.sem_alloc : memref<!tpu.dma_semaphore, #tpu.memory_space<semaphore_mem>>
        %dma_start3A_72 = arith.constant 0 : i32
        %dma_start3A_73 = tpu.memref_slice %arg19[%run_scoped3A_51, %dma_start3A_72] : memref<4x128xf32, #tpu.memory_space<vmem>> -> memref<1x128xf32, #tpu.memory_space<vmem>>
        %dma_start3A_74 = tpu.memref_squeeze %dma_start3A_73 : memref<1x128xf32, #tpu.memory_space<vmem>> -> memref<128xf32, #tpu.memory_space<vmem>>
        %dma_start3A_75 = arith.constant 0 : i32
        %dma_start3A_76 = tpu.memref_slice %arg17[%run_scoped3A_52, %dma_start3A_75] : memref<4x128xi32, #tpu.memory_space<vmem>> -> memref<1x128xi32, #tpu.memory_space<vmem>>
        %dma_start3A_77 = tpu.memref_squeeze %dma_start3A_76 : memref<1x128xi32, #tpu.memory_space<vmem>> -> memref<128xi32, #tpu.memory_space<vmem>>
        %dma_start3A_78 = arith.constant 0 : i32
        %dma_start3A_79 = tpu.memref_slice %arg15[%dma_start3A_78] : memref<102400xf32, #tpu.memory_space<vmem_shared>> -> memref<102400xf32, #tpu.memory_space<vmem_shared>>
        tpu.enqueue_indirect_dma source(%dma_start3A_74 : memref<128xf32, #tpu.memory_space<vmem>>) target(%dma_start3A_79 : memref<102400xf32, #tpu.memory_space<vmem_shared>>) offsets(%dma_start3A_77 : memref<128xi32, #tpu.memory_space<vmem>>) semaphore(%run_scoped3A_71 : memref<!tpu.dma_semaphore, #tpu.memory_space<semaphore_mem>>) {add = true}
        %dma_wait3A_80 = arith.constant 0 : i32
        %dma_wait3A_81 = tpu.memref_slice %arg19[%run_scoped3A_51, %dma_wait3A_80] : memref<4x128xf32, #tpu.memory_space<vmem>> -> memref<1x128xf32, #tpu.memory_space<vmem>>
        %dma_wait3A_82 = tpu.memref_squeeze %dma_wait3A_81 : memref<1x128xf32, #tpu.memory_space<vmem>> -> memref<128xf32, #tpu.memory_space<vmem>>
        %dma_wait3A_83 = arith.constant 0 : i32
        %dma_wait3A_84 = tpu.memref_slice %arg17[%run_scoped3A_52, %dma_wait3A_83] : memref<4x128xi32, #tpu.memory_space<vmem>> -> memref<1x128xi32, #tpu.memory_space<vmem>>
        %dma_wait3A_85 = tpu.memref_squeeze %dma_wait3A_84 : memref<1x128xi32, #tpu.memory_space<vmem>> -> memref<128xi32, #tpu.memory_space<vmem>>
        %dma_wait3A_86 = arith.constant 0 : i32
        %dma_wait3A_87 = tpu.memref_slice %arg15[%dma_wait3A_86] : memref<102400xf32, #tpu.memory_space<vmem_shared>> -> memref<102400xf32, #tpu.memory_space<vmem_shared>>
        tpu.wait_indirect_dma semaphore(%run_scoped3A_71 : memref<!tpu.dma_semaphore, #tpu.memory_space<semaphore_mem>>) src(%dma_wait3A_82 : memref<128xf32, #tpu.memory_space<vmem>>) dst(%dma_wait3A_87 : memref<102400xf32, #tpu.memory_space<vmem_shared>>)
        tpu.yield
      }) : () -> ()
      %run_scoped3A_53 = arith.constant 2 : i32
      %run_scoped3A_54 = arith.constant 2 : i32
      "tpu.region"() ({
        %run_scoped3A_71 = tpu.sem_alloc : memref<!tpu.dma_semaphore, #tpu.memory_space<semaphore_mem>>
        %dma_start3A_72 = arith.constant 0 : i32
        %dma_start3A_73 = tpu.memref_slice %arg19[%run_scoped3A_53, %dma_start3A_72] : memref<4x128xf32, #tpu.memory_space<vmem>> -> memref<1x128xf32, #tpu.memory_space<vmem>>
        %dma_start3A_74 = tpu.memref_squeeze %dma_start3A_73 : memref<1x128xf32, #tpu.memory_space<vmem>> -> memref<128xf32, #tpu.memory_space<vmem>>
        %dma_start3A_75 = arith.constant 0 : i32
        %dma_start3A_76 = tpu.memref_slice %arg17[%run_scoped3A_54, %dma_start3A_75] : memref<4x128xi32, #tpu.memory_space<vmem>> -> memref<1x128xi32, #tpu.memory_space<vmem>>
        %dma_start3A_77 = tpu.memref_squeeze %dma_start3A_76 : memref<1x128xi32, #tpu.memory_space<vmem>> -> memref<128xi32, #tpu.memory_space<vmem>>
        %dma_start3A_78 = arith.constant 0 : i32
        %dma_start3A_79 = tpu.memref_slice %arg15[%dma_start3A_78] : memref<102400xf32, #tpu.memory_space<vmem_shared>> -> memref<102400xf32, #tpu.memory_space<vmem_shared>>
        tpu.enqueue_indirect_dma source(%dma_start3A_74 : memref<128xf32, #tpu.memory_space<vmem>>) target(%dma_start3A_79 : memref<102400xf32, #tpu.memory_space<vmem_shared>>) offsets(%dma_start3A_77 : memref<128xi32, #tpu.memory_space<vmem>>) semaphore(%run_scoped3A_71 : memref<!tpu.dma_semaphore, #tpu.memory_space<semaphore_mem>>) {add = true}
        %dma_wait3A_80 = arith.constant 0 : i32
        %dma_wait3A_81 = tpu.memref_slice %arg19[%run_scoped3A_53, %dma_wait3A_80] : memref<4x128xf32, #tpu.memory_space<vmem>> -> memref<1x128xf32, #tpu.memory_space<vmem>>
        %dma_wait3A_82 = tpu.memref_squeeze %dma_wait3A_81 : memref<1x128xf32, #tpu.memory_space<vmem>> -> memref<128xf32, #tpu.memory_space<vmem>>
        %dma_wait3A_83 = arith.constant 0 : i32
        %dma_wait3A_84 = tpu.memref_slice %arg17[%run_scoped3A_54, %dma_wait3A_83] : memref<4x128xi32, #tpu.memory_space<vmem>> -> memref<1x128xi32, #tpu.memory_space<vmem>>
        %dma_wait3A_85 = tpu.memref_squeeze %dma_wait3A_84 : memref<1x128xi32, #tpu.memory_space<vmem>> -> memref<128xi32, #tpu.memory_space<vmem>>
        %dma_wait3A_86 = arith.constant 0 : i32
        %dma_wait3A_87 = tpu.memref_slice %arg15[%dma_wait3A_86] : memref<102400xf32, #tpu.memory_space<vmem_shared>> -> memref<102400xf32, #tpu.memory_space<vmem_shared>>
        tpu.wait_indirect_dma semaphore(%run_scoped3A_71 : memref<!tpu.dma_semaphore, #tpu.memory_space<semaphore_mem>>) src(%dma_wait3A_82 : memref<128xf32, #tpu.memory_space<vmem>>) dst(%dma_wait3A_87 : memref<102400xf32, #tpu.memory_space<vmem_shared>>)
        tpu.yield
      }) : () -> ()
      %run_scoped3A_55 = arith.constant 3 : i32
      %run_scoped3A_56 = arith.constant 3 : i32
      "tpu.region"() ({
        %run_scoped3A_71 = tpu.sem_alloc : memref<!tpu.dma_semaphore, #tpu.memory_space<semaphore_mem>>
        %dma_start3A_72 = arith.constant 0 : i32
        %dma_start3A_73 = tpu.memref_slice %arg19[%run_scoped3A_55, %dma_start3A_72] : memref<4x128xf32, #tpu.memory_space<vmem>> -> memref<1x128xf32, #tpu.memory_space<vmem>>
        %dma_start3A_74 = tpu.memref_squeeze %dma_start3A_73 : memref<1x128xf32, #tpu.memory_space<vmem>> -> memref<128xf32, #tpu.memory_space<vmem>>
        %dma_start3A_75 = arith.constant 0 : i32
        %dma_start3A_76 = tpu.memref_slice %arg17[%run_scoped3A_56, %dma_start3A_75] : memref<4x128xi32, #tpu.memory_space<vmem>> -> memref<1x128xi32, #tpu.memory_space<vmem>>
        %dma_start3A_77 = tpu.memref_squeeze %dma_start3A_76 : memref<1x128xi32, #tpu.memory_space<vmem>> -> memref<128xi32, #tpu.memory_space<vmem>>
        %dma_start3A_78 = arith.constant 0 : i32
        %dma_start3A_79 = tpu.memref_slice %arg15[%dma_start3A_78] : memref<102400xf32, #tpu.memory_space<vmem_shared>> -> memref<102400xf32, #tpu.memory_space<vmem_shared>>
        tpu.enqueue_indirect_dma source(%dma_start3A_74 : memref<128xf32, #tpu.memory_space<vmem>>) target(%dma_start3A_79 : memref<102400xf32, #tpu.memory_space<vmem_shared>>) offsets(%dma_start3A_77 : memref<128xi32, #tpu.memory_space<vmem>>) semaphore(%run_scoped3A_71 : memref<!tpu.dma_semaphore, #tpu.memory_space<semaphore_mem>>) {add = true}
        %dma_wait3A_80 = arith.constant 0 : i32
        %dma_wait3A_81 = tpu.memref_slice %arg19[%run_scoped3A_55, %dma_wait3A_80] : memref<4x128xf32, #tpu.memory_space<vmem>> -> memref<1x128xf32, #tpu.memory_space<vmem>>
        %dma_wait3A_82 = tpu.memref_squeeze %dma_wait3A_81 : memref<1x128xf32, #tpu.memory_space<vmem>> -> memref<128xf32, #tpu.memory_space<vmem>>
        %dma_wait3A_83 = arith.constant 0 : i32
        %dma_wait3A_84 = tpu.memref_slice %arg17[%run_scoped3A_56, %dma_wait3A_83] : memref<4x128xi32, #tpu.memory_space<vmem>> -> memref<1x128xi32, #tpu.memory_space<vmem>>
        %dma_wait3A_85 = tpu.memref_squeeze %dma_wait3A_84 : memref<1x128xi32, #tpu.memory_space<vmem>> -> memref<128xi32, #tpu.memory_space<vmem>>
        %dma_wait3A_86 = arith.constant 0 : i32
        %dma_wait3A_87 = tpu.memref_slice %arg15[%dma_wait3A_86] : memref<102400xf32, #tpu.memory_space<vmem_shared>> -> memref<102400xf32, #tpu.memory_space<vmem_shared>>
        tpu.wait_indirect_dma semaphore(%run_scoped3A_71 : memref<!tpu.dma_semaphore, #tpu.memory_space<semaphore_mem>>) src(%dma_wait3A_82 : memref<128xf32, #tpu.memory_space<vmem>>) dst(%dma_wait3A_87 : memref<102400xf32, #tpu.memory_space<vmem_shared>>)
        tpu.yield
      }) : () -> ()
      %dma_wait3A_57 = arith.constant 0 : i32
      %dma_wait3A_58 = tpu.memref_slice %arg3[%arg0, %add3A_38, %dma_wait3A_57] : memref<2x25088x128xi32, #tpu.memory_space<hbm>> -> memref<1x4x128xi32, #tpu.memory_space<hbm>>
      %dma_wait3A_59 = tpu.memref_squeeze %dma_wait3A_58 : memref<1x4x128xi32, #tpu.memory_space<hbm>> -> memref<4x128xi32, #tpu.memory_space<hbm>>
      %dma_wait3A_60 = arith.constant 0 : i32
      %dma_wait3A_61 = tpu.memref_slice %arg3[%arg0, %add3A_38, %dma_wait3A_60] : memref<2x25088x128xi32, #tpu.memory_space<hbm>> -> memref<1x4x128xi32, #tpu.memory_space<hbm>>
      %dma_wait3A_62 = tpu.memref_squeeze %dma_wait3A_61 : memref<1x4x128xi32, #tpu.memory_space<hbm>> -> memref<4x128xi32, #tpu.memory_space<hbm>>
      tpu.wait_dma2 semaphore(%arg30 : memref<!tpu.dma_semaphore, #tpu.memory_space<semaphore_mem>>) src(%dma_wait3A_62 : memref<4x128xi32, #tpu.memory_space<hbm>>) dst(%arg21 : memref<4x128xi32, #tpu.memory_space<vmem>>)
      %run_scoped3A_63 = arith.constant 0 : i32
      %run_scoped3A_64 = arith.constant 0 : i32
      "tpu.region"() ({
        %run_scoped3A_71 = tpu.sem_alloc : memref<!tpu.dma_semaphore, #tpu.memory_space<semaphore_mem>>
        %dma_start3A_72 = arith.constant 0 : i32
        %dma_start3A_73 = tpu.memref_slice %arg19[%run_scoped3A_63, %dma_start3A_72] : memref<4x128xf32, #tpu.memory_space<vmem>> -> memref<1x128xf32, #tpu.memory_space<vmem>>
        %dma_start3A_74 = tpu.memref_squeeze %dma_start3A_73 : memref<1x128xf32, #tpu.memory_space<vmem>> -> memref<128xf32, #tpu.memory_space<vmem>>
        %dma_start3A_75 = arith.constant 0 : i32
        %dma_start3A_76 = tpu.memref_slice %arg21[%run_scoped3A_64, %dma_start3A_75] : memref<4x128xi32, #tpu.memory_space<vmem>> -> memref<1x128xi32, #tpu.memory_space<vmem>>
        %dma_start3A_77 = tpu.memref_squeeze %dma_start3A_76 : memref<1x128xi32, #tpu.memory_space<vmem>> -> memref<128xi32, #tpu.memory_space<vmem>>
        %dma_start3A_78 = arith.constant 0 : i32
        %dma_start3A_79 = tpu.memref_slice %arg15[%dma_start3A_78] : memref<102400xf32, #tpu.memory_space<vmem_shared>> -> memref<102400xf32, #tpu.memory_space<vmem_shared>>
        tpu.enqueue_indirect_dma source(%dma_start3A_74 : memref<128xf32, #tpu.memory_space<vmem>>) target(%dma_start3A_79 : memref<102400xf32, #tpu.memory_space<vmem_shared>>) offsets(%dma_start3A_77 : memref<128xi32, #tpu.memory_space<vmem>>) semaphore(%run_scoped3A_71 : memref<!tpu.dma_semaphore, #tpu.memory_space<semaphore_mem>>) {add = true}
        %dma_wait3A_80 = arith.constant 0 : i32
        %dma_wait3A_81 = tpu.memref_slice %arg19[%run_scoped3A_63, %dma_wait3A_80] : memref<4x128xf32, #tpu.memory_space<vmem>> -> memref<1x128xf32, #tpu.memory_space<vmem>>
        %dma_wait3A_82 = tpu.memref_squeeze %dma_wait3A_81 : memref<1x128xf32, #tpu.memory_space<vmem>> -> memref<128xf32, #tpu.memory_space<vmem>>
        %dma_wait3A_83 = arith.constant 0 : i32
        %dma_wait3A_84 = tpu.memref_slice %arg21[%run_scoped3A_64, %dma_wait3A_83] : memref<4x128xi32, #tpu.memory_space<vmem>> -> memref<1x128xi32, #tpu.memory_space<vmem>>
        %dma_wait3A_85 = tpu.memref_squeeze %dma_wait3A_84 : memref<1x128xi32, #tpu.memory_space<vmem>> -> memref<128xi32, #tpu.memory_space<vmem>>
        %dma_wait3A_86 = arith.constant 0 : i32
        %dma_wait3A_87 = tpu.memref_slice %arg15[%dma_wait3A_86] : memref<102400xf32, #tpu.memory_space<vmem_shared>> -> memref<102400xf32, #tpu.memory_space<vmem_shared>>
        tpu.wait_indirect_dma semaphore(%run_scoped3A_71 : memref<!tpu.dma_semaphore, #tpu.memory_space<semaphore_mem>>) src(%dma_wait3A_82 : memref<128xf32, #tpu.memory_space<vmem>>) dst(%dma_wait3A_87 : memref<102400xf32, #tpu.memory_space<vmem_shared>>)
        tpu.yield
      }) : () -> ()
      %run_scoped3A_65 = arith.constant 1 : i32
      %run_scoped3A_66 = arith.constant 1 : i32
      "tpu.region"() ({
        %run_scoped3A_71 = tpu.sem_alloc : memref<!tpu.dma_semaphore, #tpu.memory_space<semaphore_mem>>
        %dma_start3A_72 = arith.constant 0 : i32
        %dma_start3A_73 = tpu.memref_slice %arg19[%run_scoped3A_65, %dma_start3A_72] : memref<4x128xf32, #tpu.memory_space<vmem>> -> memref<1x128xf32, #tpu.memory_space<vmem>>
        %dma_start3A_74 = tpu.memref_squeeze %dma_start3A_73 : memref<1x128xf32, #tpu.memory_space<vmem>> -> memref<128xf32, #tpu.memory_space<vmem>>
        %dma_start3A_75 = arith.constant 0 : i32
        %dma_start3A_76 = tpu.memref_slice %arg21[%run_scoped3A_66, %dma_start3A_75] : memref<4x128xi32, #tpu.memory_space<vmem>> -> memref<1x128xi32, #tpu.memory_space<vmem>>
        %dma_start3A_77 = tpu.memref_squeeze %dma_start3A_76 : memref<1x128xi32, #tpu.memory_space<vmem>> -> memref<128xi32, #tpu.memory_space<vmem>>
        %dma_start3A_78 = arith.constant 0 : i32
        %dma_start3A_79 = tpu.memref_slice %arg15[%dma_start3A_78] : memref<102400xf32, #tpu.memory_space<vmem_shared>> -> memref<102400xf32, #tpu.memory_space<vmem_shared>>
        tpu.enqueue_indirect_dma source(%dma_start3A_74 : memref<128xf32, #tpu.memory_space<vmem>>) target(%dma_start3A_79 : memref<102400xf32, #tpu.memory_space<vmem_shared>>) offsets(%dma_start3A_77 : memref<128xi32, #tpu.memory_space<vmem>>) semaphore(%run_scoped3A_71 : memref<!tpu.dma_semaphore, #tpu.memory_space<semaphore_mem>>) {add = true}
        %dma_wait3A_80 = arith.constant 0 : i32
        %dma_wait3A_81 = tpu.memref_slice %arg19[%run_scoped3A_65, %dma_wait3A_80] : memref<4x128xf32, #tpu.memory_space<vmem>> -> memref<1x128xf32, #tpu.memory_space<vmem>>
        %dma_wait3A_82 = tpu.memref_squeeze %dma_wait3A_81 : memref<1x128xf32, #tpu.memory_space<vmem>> -> memref<128xf32, #tpu.memory_space<vmem>>
        %dma_wait3A_83 = arith.constant 0 : i32
        %dma_wait3A_84 = tpu.memref_slice %arg21[%run_scoped3A_66, %dma_wait3A_83] : memref<4x128xi32, #tpu.memory_space<vmem>> -> memref<1x128xi32, #tpu.memory_space<vmem>>
        %dma_wait3A_85 = tpu.memref_squeeze %dma_wait3A_84 : memref<1x128xi32, #tpu.memory_space<vmem>> -> memref<128xi32, #tpu.memory_space<vmem>>
        %dma_wait3A_86 = arith.constant 0 : i32
        %dma_wait3A_87 = tpu.memref_slice %arg15[%dma_wait3A_86] : memref<102400xf32, #tpu.memory_space<vmem_shared>> -> memref<102400xf32, #tpu.memory_space<vmem_shared>>
        tpu.wait_indirect_dma semaphore(%run_scoped3A_71 : memref<!tpu.dma_semaphore, #tpu.memory_space<semaphore_mem>>) src(%dma_wait3A_82 : memref<128xf32, #tpu.memory_space<vmem>>) dst(%dma_wait3A_87 : memref<102400xf32, #tpu.memory_space<vmem_shared>>)
        tpu.yield
      }) : () -> ()
      %run_scoped3A_67 = arith.constant 2 : i32
      %run_scoped3A_68 = arith.constant 2 : i32
      "tpu.region"() ({
        %run_scoped3A_71 = tpu.sem_alloc : memref<!tpu.dma_semaphore, #tpu.memory_space<semaphore_mem>>
        %dma_start3A_72 = arith.constant 0 : i32
        %dma_start3A_73 = tpu.memref_slice %arg19[%run_scoped3A_67, %dma_start3A_72] : memref<4x128xf32, #tpu.memory_space<vmem>> -> memref<1x128xf32, #tpu.memory_space<vmem>>
        %dma_start3A_74 = tpu.memref_squeeze %dma_start3A_73 : memref<1x128xf32, #tpu.memory_space<vmem>> -> memref<128xf32, #tpu.memory_space<vmem>>
        %dma_start3A_75 = arith.constant 0 : i32
        %dma_start3A_76 = tpu.memref_slice %arg21[%run_scoped3A_68, %dma_start3A_75] : memref<4x128xi32, #tpu.memory_space<vmem>> -> memref<1x128xi32, #tpu.memory_space<vmem>>
        %dma_start3A_77 = tpu.memref_squeeze %dma_start3A_76 : memref<1x128xi32, #tpu.memory_space<vmem>> -> memref<128xi32, #tpu.memory_space<vmem>>
        %dma_start3A_78 = arith.constant 0 : i32
        %dma_start3A_79 = tpu.memref_slice %arg15[%dma_start3A_78] : memref<102400xf32, #tpu.memory_space<vmem_shared>> -> memref<102400xf32, #tpu.memory_space<vmem_shared>>
        tpu.enqueue_indirect_dma source(%dma_start3A_74 : memref<128xf32, #tpu.memory_space<vmem>>) target(%dma_start3A_79 : memref<102400xf32, #tpu.memory_space<vmem_shared>>) offsets(%dma_start3A_77 : memref<128xi32, #tpu.memory_space<vmem>>) semaphore(%run_scoped3A_71 : memref<!tpu.dma_semaphore, #tpu.memory_space<semaphore_mem>>) {add = true}
        %dma_wait3A_80 = arith.constant 0 : i32
        %dma_wait3A_81 = tpu.memref_slice %arg19[%run_scoped3A_67, %dma_wait3A_80] : memref<4x128xf32, #tpu.memory_space<vmem>> -> memref<1x128xf32, #tpu.memory_space<vmem>>
        %dma_wait3A_82 = tpu.memref_squeeze %dma_wait3A_81 : memref<1x128xf32, #tpu.memory_space<vmem>> -> memref<128xf32, #tpu.memory_space<vmem>>
        %dma_wait3A_83 = arith.constant 0 : i32
        %dma_wait3A_84 = tpu.memref_slice %arg21[%run_scoped3A_68, %dma_wait3A_83] : memref<4x128xi32, #tpu.memory_space<vmem>> -> memref<1x128xi32, #tpu.memory_space<vmem>>
        %dma_wait3A_85 = tpu.memref_squeeze %dma_wait3A_84 : memref<1x128xi32, #tpu.memory_space<vmem>> -> memref<128xi32, #tpu.memory_space<vmem>>
        %dma_wait3A_86 = arith.constant 0 : i32
        %dma_wait3A_87 = tpu.memref_slice %arg15[%dma_wait3A_86] : memref<102400xf32, #tpu.memory_space<vmem_shared>> -> memref<102400xf32, #tpu.memory_space<vmem_shared>>
        tpu.wait_indirect_dma semaphore(%run_scoped3A_71 : memref<!tpu.dma_semaphore, #tpu.memory_space<semaphore_mem>>) src(%dma_wait3A_82 : memref<128xf32, #tpu.memory_space<vmem>>) dst(%dma_wait3A_87 : memref<102400xf32, #tpu.memory_space<vmem_shared>>)
        tpu.yield
      }) : () -> ()
      %run_scoped3A_69 = arith.constant 3 : i32
      %run_scoped3A_70 = arith.constant 3 : i32
      "tpu.region"() ({
        %run_scoped3A_71 = tpu.sem_alloc : memref<!tpu.dma_semaphore, #tpu.memory_space<semaphore_mem>>
        %dma_start3A_72 = arith.constant 0 : i32
        %dma_start3A_73 = tpu.memref_slice %arg19[%run_scoped3A_69, %dma_start3A_72] : memref<4x128xf32, #tpu.memory_space<vmem>> -> memref<1x128xf32, #tpu.memory_space<vmem>>
        %dma_start3A_74 = tpu.memref_squeeze %dma_start3A_73 : memref<1x128xf32, #tpu.memory_space<vmem>> -> memref<128xf32, #tpu.memory_space<vmem>>
        %dma_start3A_75 = arith.constant 0 : i32
        %dma_start3A_76 = tpu.memref_slice %arg21[%run_scoped3A_70, %dma_start3A_75] : memref<4x128xi32, #tpu.memory_space<vmem>> -> memref<1x128xi32, #tpu.memory_space<vmem>>
        %dma_start3A_77 = tpu.memref_squeeze %dma_start3A_76 : memref<1x128xi32, #tpu.memory_space<vmem>> -> memref<128xi32, #tpu.memory_space<vmem>>
        %dma_start3A_78 = arith.constant 0 : i32
        %dma_start3A_79 = tpu.memref_slice %arg15[%dma_start3A_78] : memref<102400xf32, #tpu.memory_space<vmem_shared>> -> memref<102400xf32, #tpu.memory_space<vmem_shared>>
        tpu.enqueue_indirect_dma source(%dma_start3A_74 : memref<128xf32, #tpu.memory_space<vmem>>) target(%dma_start3A_79 : memref<102400xf32, #tpu.memory_space<vmem_shared>>) offsets(%dma_start3A_77 : memref<128xi32, #tpu.memory_space<vmem>>) semaphore(%run_scoped3A_71 : memref<!tpu.dma_semaphore, #tpu.memory_space<semaphore_mem>>) {add = true}
        %dma_wait3A_80 = arith.constant 0 : i32
        %dma_wait3A_81 = tpu.memref_slice %arg19[%run_scoped3A_69, %dma_wait3A_80] : memref<4x128xf32, #tpu.memory_space<vmem>> -> memref<1x128xf32, #tpu.memory_space<vmem>>
        %dma_wait3A_82 = tpu.memref_squeeze %dma_wait3A_81 : memref<1x128xf32, #tpu.memory_space<vmem>> -> memref<128xf32, #tpu.memory_space<vmem>>
        %dma_wait3A_83 = arith.constant 0 : i32
        %dma_wait3A_84 = tpu.memref_slice %arg21[%run_scoped3A_70, %dma_wait3A_83] : memref<4x128xi32, #tpu.memory_space<vmem>> -> memref<1x128xi32, #tpu.memory_space<vmem>>
        %dma_wait3A_85 = tpu.memref_squeeze %dma_wait3A_84 : memref<1x128xi32, #tpu.memory_space<vmem>> -> memref<128xi32, #tpu.memory_space<vmem>>
        %dma_wait3A_86 = arith.constant 0 : i32
        %dma_wait3A_87 = tpu.memref_slice %arg15[%dma_wait3A_86] : memref<102400xf32, #tpu.memory_space<vmem_shared>> -> memref<102400xf32, #tpu.memory_space<vmem_shared>>
        tpu.wait_indirect_dma semaphore(%run_scoped3A_71 : memref<!tpu.dma_semaphore, #tpu.memory_space<semaphore_mem>>) src(%dma_wait3A_82 : memref<128xf32, #tpu.memory_space<vmem>>) dst(%dma_wait3A_87 : memref<102400xf32, #tpu.memory_space<vmem_shared>>)
        tpu.yield
      }) : () -> ()
    }
    %scan3A_6 = arith.constant 196 : i32
    %barrier3A_7 = arith.constant 0 : index
    tpu.barrier barrier_id(%barrier3A_7)
    %scan3A_8 = arith.constant 0 : i32
    %scan3A_9 = arith.constant 50 : i32
    %scan3A_10 = arith.addi %scan3A_8, %scan3A_9 : i32
    %scan3A_11 = arith.constant 1 : i32
    scf.for %scan3A_27 = %scan3A_8 to %scan3A_10 step %scan3A_11  : i32 {
      %mul3A_28 = arith.constant 6400 : i32
      %mul3A_29 = arith.muli %arg1, %mul3A_28 : i32
      %mul3A_30 = arith.constant 128 : i32
      %mul3A_31 = arith.muli %scan3A_27, %mul3A_30 : i32
      %add3A = arith.addi %mul3A_29, %mul3A_31 : i32
      "tpu.region"() ({
        %run_scoped3A = tpu.sem_alloc : memref<!tpu.dma_semaphore, #tpu.memory_space<semaphore_mem>>
        %dma_start3A = tpu.memref_slice %arg15[%add3A] : memref<102400xf32, #tpu.memory_space<vmem_shared>> -> memref<128xf32, #tpu.memory_space<vmem_shared>>
        %dma_start3A_397 = tpu.memref_slice %arg15[%add3A] : memref<102400xf32, #tpu.memory_space<vmem_shared>> -> memref<128xf32, #tpu.memory_space<vmem_shared>>
        tpu.enqueue_dma source(%dma_start3A_397 : memref<128xf32, #tpu.memory_space<vmem_shared>>) target(%arg25 : memref<128xf32, #tpu.memory_space<vmem>>) target_semaphore(%run_scoped3A : memref<!tpu.dma_semaphore, #tpu.memory_space<semaphore_mem>>)
        %dma_wait3A = tpu.memref_slice %arg15[%add3A] : memref<102400xf32, #tpu.memory_space<vmem_shared>> -> memref<128xf32, #tpu.memory_space<vmem_shared>>
        %dma_wait3A_398 = tpu.memref_slice %arg15[%add3A] : memref<102400xf32, #tpu.memory_space<vmem_shared>> -> memref<128xf32, #tpu.memory_space<vmem_shared>>
        tpu.wait_dma2 semaphore(%run_scoped3A : memref<!tpu.dma_semaphore, #tpu.memory_space<semaphore_mem>>) src(%dma_wait3A_398 : memref<128xf32, #tpu.memory_space<vmem_shared>>) dst(%arg25 : memref<128xf32, #tpu.memory_space<vmem>>)
        tpu.yield
      }) : () -> ()
      %get3A = arith.constant 0 : index
      %get3A_32 = tpu.vector_load %arg25[%get3A] {strides = array<i32>} : memref<128xf32, #tpu.memory_space<vmem>>, vector<16xf32>,
      %get3A_33 = vector.shape_cast %get3A_32 : vector<16xf32> to vector<16xf32>
      %add3A_34 = arith.constant 1.000000e+00 : f32
      %add3A_35 = vector.broadcast %add3A_34 : f32 to vector<16xf32>
      %add3A_36 = arith.addf %get3A_33, %add3A_35 : vector<16xf32>
      %bitcast_convert_type3A = tpu.bitcast %add3A_36 : vector<16xf32> -> vector<16xi32>
      %shift_right_arithmetic3A = arith.constant 1 : i32
      %shift_right_arithmetic3A_37 = vector.broadcast %shift_right_arithmetic3A : i32 to vector<16xi32>
      %shift_right_arithmetic3A_38 = arith.shrsi %bitcast_convert_type3A, %shift_right_arithmetic3A_37 : vector<16xi32>
      %sub3A = arith.constant 1597463007 : i32
      %sub3A_39 = vector.broadcast %sub3A : i32 to vector<16xi32>
      %sub3A_40 = arith.subi %sub3A_39, %shift_right_arithmetic3A_38 : vector<16xi32>
      %bitcast_convert_type3A_41 = tpu.bitcast %sub3A_40 : vector<16xi32> -> vector<16xf32>
      %mul3A_42 = arith.constant 5.000000e-01 : f32
      %mul3A_43 = vector.broadcast %mul3A_42 : f32 to vector<16xf32>
      %mul3A_44 = arith.mulf %mul3A_43, %add3A_36 : vector<16xf32>
      %mul3A_45 = arith.mulf %mul3A_44, %bitcast_convert_type3A_41 : vector<16xf32>
      %mul3A_46 = arith.mulf %mul3A_45, %bitcast_convert_type3A_41 : vector<16xf32>
      %sub3A_47 = arith.constant 1.500000e+00 : f32
      %sub3A_48 = vector.broadcast %sub3A_47 : f32 to vector<16xf32>
      %sub3A_49 = arith.subf %sub3A_48, %mul3A_46 : vector<16xf32>
      %mul3A_50 = arith.mulf %bitcast_convert_type3A_41, %sub3A_49 : vector<16xf32>
      %mul3A_51 = arith.constant 5.000000e-01 : f32
      %mul3A_52 = vector.broadcast %mul3A_51 : f32 to vector<16xf32>
      %mul3A_53 = arith.mulf %mul3A_52, %add3A_36 : vector<16xf32>
      %mul3A_54 = arith.mulf %mul3A_53, %mul3A_50 : vector<16xf32>
      %mul3A_55 = arith.mulf %mul3A_54, %mul3A_50 : vector<16xf32>
      %sub3A_56 = arith.constant 1.500000e+00 : f32
      %sub3A_57 = vector.broadcast %sub3A_56 : f32 to vector<16xf32>
      %sub3A_58 = arith.subf %sub3A_57, %mul3A_55 : vector<16xf32>
      %mul3A_59 = arith.mulf %mul3A_50, %sub3A_58 : vector<16xf32>
      %mul3A_60 = arith.constant 5.000000e-01 : f32
      %mul3A_61 = vector.broadcast %mul3A_60 : f32 to vector<16xf32>
      %mul3A_62 = arith.mulf %mul3A_61, %add3A_36 : vector<16xf32>
      %mul3A_63 = arith.mulf %mul3A_62, %mul3A_59 : vector<16xf32>
      %mul3A_64 = arith.mulf %mul3A_63, %mul3A_59 : vector<16xf32>
      %sub3A_65 = arith.constant 1.500000e+00 : f32
      %sub3A_66 = vector.broadcast %sub3A_65 : f32 to vector<16xf32>
      %sub3A_67 = arith.subf %sub3A_66, %mul3A_64 : vector<16xf32>
      %mul3A_68 = arith.mulf %mul3A_59, %sub3A_67 : vector<16xf32>
      %swap3A = arith.constant 0 : index
      %swap3A_69 = tpu.vector_load %arg25[%swap3A] {strides = array<i32>} : memref<128xf32, #tpu.memory_space<vmem>>, vector<16xf32>,
      %swap3A_70 = vector.shape_cast %swap3A_69 : vector<16xf32> to vector<16xf32>
      %swap3A_71 = vector.shape_cast %mul3A_68 : vector<16xf32> to vector<16xf32>
      tpu.vector_store %arg25[%swap3A], %swap3A_71 {strides = array<i32>} : memref<128xf32, #tpu.memory_space<vmem>>, vector<16xf32>,
      %get3A_72 = arith.constant 16 : index
      %get3A_73 = tpu.vector_load %arg25[%get3A_72] {strides = array<i32>} : memref<128xf32, #tpu.memory_space<vmem>>, vector<16xf32>,
      %get3A_74 = vector.shape_cast %get3A_73 : vector<16xf32> to vector<16xf32>
      %add3A_75 = arith.constant 1.000000e+00 : f32
      %add3A_76 = vector.broadcast %add3A_75 : f32 to vector<16xf32>
      %add3A_77 = arith.addf %get3A_74, %add3A_76 : vector<16xf32>
      %bitcast_convert_type3A_78 = tpu.bitcast %add3A_77 : vector<16xf32> -> vector<16xi32>
      %shift_right_arithmetic3A_79 = arith.constant 1 : i32
      %shift_right_arithmetic3A_80 = vector.broadcast %shift_right_arithmetic3A_79 : i32 to vector<16xi32>
      %shift_right_arithmetic3A_81 = arith.shrsi %bitcast_convert_type3A_78, %shift_right_arithmetic3A_80 : vector<16xi32>
      %sub3A_82 = arith.constant 1597463007 : i32
      %sub3A_83 = vector.broadcast %sub3A_82 : i32 to vector<16xi32>
      %sub3A_84 = arith.subi %sub3A_83, %shift_right_arithmetic3A_81 : vector<16xi32>
      %bitcast_convert_type3A_85 = tpu.bitcast %sub3A_84 : vector<16xi32> -> vector<16xf32>
      %mul3A_86 = arith.constant 5.000000e-01 : f32
      %mul3A_87 = vector.broadcast %mul3A_86 : f32 to vector<16xf32>
      %mul3A_88 = arith.mulf %mul3A_87, %add3A_77 : vector<16xf32>
      %mul3A_89 = arith.mulf %mul3A_88, %bitcast_convert_type3A_85 : vector<16xf32>
      %mul3A_90 = arith.mulf %mul3A_89, %bitcast_convert_type3A_85 : vector<16xf32>
      %sub3A_91 = arith.constant 1.500000e+00 : f32
      %sub3A_92 = vector.broadcast %sub3A_91 : f32 to vector<16xf32>
      %sub3A_93 = arith.subf %sub3A_92, %mul3A_90 : vector<16xf32>
      %mul3A_94 = arith.mulf %bitcast_convert_type3A_85, %sub3A_93 : vector<16xf32>
      %mul3A_95 = arith.constant 5.000000e-01 : f32
      %mul3A_96 = vector.broadcast %mul3A_95 : f32 to vector<16xf32>
      %mul3A_97 = arith.mulf %mul3A_96, %add3A_77 : vector<16xf32>
      %mul3A_98 = arith.mulf %mul3A_97, %mul3A_94 : vector<16xf32>
      %mul3A_99 = arith.mulf %mul3A_98, %mul3A_94 : vector<16xf32>
      %sub3A_100 = arith.constant 1.500000e+00 : f32
      %sub3A_101 = vector.broadcast %sub3A_100 : f32 to vector<16xf32>
      %sub3A_102 = arith.subf %sub3A_101, %mul3A_99 : vector<16xf32>
      %mul3A_103 = arith.mulf %mul3A_94, %sub3A_102 : vector<16xf32>
      %mul3A_104 = arith.constant 5.000000e-01 : f32
      %mul3A_105 = vector.broadcast %mul3A_104 : f32 to vector<16xf32>
      %mul3A_106 = arith.mulf %mul3A_105, %add3A_77 : vector<16xf32>
      %mul3A_107 = arith.mulf %mul3A_106, %mul3A_103 : vector<16xf32>
      %mul3A_108 = arith.mulf %mul3A_107, %mul3A_103 : vector<16xf32>
      %sub3A_109 = arith.constant 1.500000e+00 : f32
      %sub3A_110 = vector.broadcast %sub3A_109 : f32 to vector<16xf32>
      %sub3A_111 = arith.subf %sub3A_110, %mul3A_108 : vector<16xf32>
      %mul3A_112 = arith.mulf %mul3A_103, %sub3A_111 : vector<16xf32>
      %swap3A_113 = arith.constant 16 : index
      %swap3A_114 = tpu.vector_load %arg25[%swap3A_113] {strides = array<i32>} : memref<128xf32, #tpu.memory_space<vmem>>, vector<16xf32>,
      %swap3A_115 = vector.shape_cast %swap3A_114 : vector<16xf32> to vector<16xf32>
      %swap3A_116 = vector.shape_cast %mul3A_112 : vector<16xf32> to vector<16xf32>
      tpu.vector_store %arg25[%swap3A_113], %swap3A_116 {strides = array<i32>} : memref<128xf32, #tpu.memory_space<vmem>>, vector<16xf32>,
      %get3A_117 = arith.constant 32 : index
      %get3A_118 = tpu.vector_load %arg25[%get3A_117] {strides = array<i32>} : memref<128xf32, #tpu.memory_space<vmem>>, vector<16xf32>,
      %get3A_119 = vector.shape_cast %get3A_118 : vector<16xf32> to vector<16xf32>
      %add3A_120 = arith.constant 1.000000e+00 : f32
      %add3A_121 = vector.broadcast %add3A_120 : f32 to vector<16xf32>
      %add3A_122 = arith.addf %get3A_119, %add3A_121 : vector<16xf32>
      %bitcast_convert_type3A_123 = tpu.bitcast %add3A_122 : vector<16xf32> -> vector<16xi32>
      %shift_right_arithmetic3A_124 = arith.constant 1 : i32
      %shift_right_arithmetic3A_125 = vector.broadcast %shift_right_arithmetic3A_124 : i32 to vector<16xi32>
      %shift_right_arithmetic3A_126 = arith.shrsi %bitcast_convert_type3A_123, %shift_right_arithmetic3A_125 : vector<16xi32>
      %sub3A_127 = arith.constant 1597463007 : i32
      %sub3A_128 = vector.broadcast %sub3A_127 : i32 to vector<16xi32>
      %sub3A_129 = arith.subi %sub3A_128, %shift_right_arithmetic3A_126 : vector<16xi32>
      %bitcast_convert_type3A_130 = tpu.bitcast %sub3A_129 : vector<16xi32> -> vector<16xf32>
      %mul3A_131 = arith.constant 5.000000e-01 : f32
      %mul3A_132 = vector.broadcast %mul3A_131 : f32 to vector<16xf32>
      %mul3A_133 = arith.mulf %mul3A_132, %add3A_122 : vector<16xf32>
      %mul3A_134 = arith.mulf %mul3A_133, %bitcast_convert_type3A_130 : vector<16xf32>
      %mul3A_135 = arith.mulf %mul3A_134, %bitcast_convert_type3A_130 : vector<16xf32>
      %sub3A_136 = arith.constant 1.500000e+00 : f32
      %sub3A_137 = vector.broadcast %sub3A_136 : f32 to vector<16xf32>
      %sub3A_138 = arith.subf %sub3A_137, %mul3A_135 : vector<16xf32>
      %mul3A_139 = arith.mulf %bitcast_convert_type3A_130, %sub3A_138 : vector<16xf32>
      %mul3A_140 = arith.constant 5.000000e-01 : f32
      %mul3A_141 = vector.broadcast %mul3A_140 : f32 to vector<16xf32>
      %mul3A_142 = arith.mulf %mul3A_141, %add3A_122 : vector<16xf32>
      %mul3A_143 = arith.mulf %mul3A_142, %mul3A_139 : vector<16xf32>
      %mul3A_144 = arith.mulf %mul3A_143, %mul3A_139 : vector<16xf32>
      %sub3A_145 = arith.constant 1.500000e+00 : f32
      %sub3A_146 = vector.broadcast %sub3A_145 : f32 to vector<16xf32>
      %sub3A_147 = arith.subf %sub3A_146, %mul3A_144 : vector<16xf32>
      %mul3A_148 = arith.mulf %mul3A_139, %sub3A_147 : vector<16xf32>
      %mul3A_149 = arith.constant 5.000000e-01 : f32
      %mul3A_150 = vector.broadcast %mul3A_149 : f32 to vector<16xf32>
      %mul3A_151 = arith.mulf %mul3A_150, %add3A_122 : vector<16xf32>
      %mul3A_152 = arith.mulf %mul3A_151, %mul3A_148 : vector<16xf32>
      %mul3A_153 = arith.mulf %mul3A_152, %mul3A_148 : vector<16xf32>
      %sub3A_154 = arith.constant 1.500000e+00 : f32
      %sub3A_155 = vector.broadcast %sub3A_154 : f32 to vector<16xf32>
      %sub3A_156 = arith.subf %sub3A_155, %mul3A_153 : vector<16xf32>
      %mul3A_157 = arith.mulf %mul3A_148, %sub3A_156 : vector<16xf32>
      %swap3A_158 = arith.constant 32 : index
      %swap3A_159 = tpu.vector_load %arg25[%swap3A_158] {strides = array<i32>} : memref<128xf32, #tpu.memory_space<vmem>>, vector<16xf32>,
      %swap3A_160 = vector.shape_cast %swap3A_159 : vector<16xf32> to vector<16xf32>
      %swap3A_161 = vector.shape_cast %mul3A_157 : vector<16xf32> to vector<16xf32>
      tpu.vector_store %arg25[%swap3A_158], %swap3A_161 {strides = array<i32>} : memref<128xf32, #tpu.memory_space<vmem>>, vector<16xf32>,
      %get3A_162 = arith.constant 48 : index
      %get3A_163 = tpu.vector_load %arg25[%get3A_162] {strides = array<i32>} : memref<128xf32, #tpu.memory_space<vmem>>, vector<16xf32>,
      %get3A_164 = vector.shape_cast %get3A_163 : vector<16xf32> to vector<16xf32>
      %add3A_165 = arith.constant 1.000000e+00 : f32
      %add3A_166 = vector.broadcast %add3A_165 : f32 to vector<16xf32>
      %add3A_167 = arith.addf %get3A_164, %add3A_166 : vector<16xf32>
      %bitcast_convert_type3A_168 = tpu.bitcast %add3A_167 : vector<16xf32> -> vector<16xi32>
      %shift_right_arithmetic3A_169 = arith.constant 1 : i32
      %shift_right_arithmetic3A_170 = vector.broadcast %shift_right_arithmetic3A_169 : i32 to vector<16xi32>
      %shift_right_arithmetic3A_171 = arith.shrsi %bitcast_convert_type3A_168, %shift_right_arithmetic3A_170 : vector<16xi32>
      %sub3A_172 = arith.constant 1597463007 : i32
      %sub3A_173 = vector.broadcast %sub3A_172 : i32 to vector<16xi32>
      %sub3A_174 = arith.subi %sub3A_173, %shift_right_arithmetic3A_171 : vector<16xi32>
      %bitcast_convert_type3A_175 = tpu.bitcast %sub3A_174 : vector<16xi32> -> vector<16xf32>
      %mul3A_176 = arith.constant 5.000000e-01 : f32
      %mul3A_177 = vector.broadcast %mul3A_176 : f32 to vector<16xf32>
      %mul3A_178 = arith.mulf %mul3A_177, %add3A_167 : vector<16xf32>
      %mul3A_179 = arith.mulf %mul3A_178, %bitcast_convert_type3A_175 : vector<16xf32>
      %mul3A_180 = arith.mulf %mul3A_179, %bitcast_convert_type3A_175 : vector<16xf32>
      %sub3A_181 = arith.constant 1.500000e+00 : f32
      %sub3A_182 = vector.broadcast %sub3A_181 : f32 to vector<16xf32>
      %sub3A_183 = arith.subf %sub3A_182, %mul3A_180 : vector<16xf32>
      %mul3A_184 = arith.mulf %bitcast_convert_type3A_175, %sub3A_183 : vector<16xf32>
      %mul3A_185 = arith.constant 5.000000e-01 : f32
      %mul3A_186 = vector.broadcast %mul3A_185 : f32 to vector<16xf32>
      %mul3A_187 = arith.mulf %mul3A_186, %add3A_167 : vector<16xf32>
      %mul3A_188 = arith.mulf %mul3A_187, %mul3A_184 : vector<16xf32>
      %mul3A_189 = arith.mulf %mul3A_188, %mul3A_184 : vector<16xf32>
      %sub3A_190 = arith.constant 1.500000e+00 : f32
      %sub3A_191 = vector.broadcast %sub3A_190 : f32 to vector<16xf32>
      %sub3A_192 = arith.subf %sub3A_191, %mul3A_189 : vector<16xf32>
      %mul3A_193 = arith.mulf %mul3A_184, %sub3A_192 : vector<16xf32>
      %mul3A_194 = arith.constant 5.000000e-01 : f32
      %mul3A_195 = vector.broadcast %mul3A_194 : f32 to vector<16xf32>
      %mul3A_196 = arith.mulf %mul3A_195, %add3A_167 : vector<16xf32>
      %mul3A_197 = arith.mulf %mul3A_196, %mul3A_193 : vector<16xf32>
      %mul3A_198 = arith.mulf %mul3A_197, %mul3A_193 : vector<16xf32>
      %sub3A_199 = arith.constant 1.500000e+00 : f32
      %sub3A_200 = vector.broadcast %sub3A_199 : f32 to vector<16xf32>
      %sub3A_201 = arith.subf %sub3A_200, %mul3A_198 : vector<16xf32>
      %mul3A_202 = arith.mulf %mul3A_193, %sub3A_201 : vector<16xf32>
      %swap3A_203 = arith.constant 48 : index
      %swap3A_204 = tpu.vector_load %arg25[%swap3A_203] {strides = array<i32>} : memref<128xf32, #tpu.memory_space<vmem>>, vector<16xf32>,
      %swap3A_205 = vector.shape_cast %swap3A_204 : vector<16xf32> to vector<16xf32>
      %swap3A_206 = vector.shape_cast %mul3A_202 : vector<16xf32> to vector<16xf32>
      tpu.vector_store %arg25[%swap3A_203], %swap3A_206 {strides = array<i32>} : memref<128xf32, #tpu.memory_space<vmem>>, vector<16xf32>,
      %get3A_207 = arith.constant 64 : index
      %get3A_208 = tpu.vector_load %arg25[%get3A_207] {strides = array<i32>} : memref<128xf32, #tpu.memory_space<vmem>>, vector<16xf32>,
      %get3A_209 = vector.shape_cast %get3A_208 : vector<16xf32> to vector<16xf32>
      %add3A_210 = arith.constant 1.000000e+00 : f32
      %add3A_211 = vector.broadcast %add3A_210 : f32 to vector<16xf32>
      %add3A_212 = arith.addf %get3A_209, %add3A_211 : vector<16xf32>
      %bitcast_convert_type3A_213 = tpu.bitcast %add3A_212 : vector<16xf32> -> vector<16xi32>
      %shift_right_arithmetic3A_214 = arith.constant 1 : i32
      %shift_right_arithmetic3A_215 = vector.broadcast %shift_right_arithmetic3A_214 : i32 to vector<16xi32>
      %shift_right_arithmetic3A_216 = arith.shrsi %bitcast_convert_type3A_213, %shift_right_arithmetic3A_215 : vector<16xi32>
      %sub3A_217 = arith.constant 1597463007 : i32
      %sub3A_218 = vector.broadcast %sub3A_217 : i32 to vector<16xi32>
      %sub3A_219 = arith.subi %sub3A_218, %shift_right_arithmetic3A_216 : vector<16xi32>
      %bitcast_convert_type3A_220 = tpu.bitcast %sub3A_219 : vector<16xi32> -> vector<16xf32>
      %mul3A_221 = arith.constant 5.000000e-01 : f32
      %mul3A_222 = vector.broadcast %mul3A_221 : f32 to vector<16xf32>
      %mul3A_223 = arith.mulf %mul3A_222, %add3A_212 : vector<16xf32>
      %mul3A_224 = arith.mulf %mul3A_223, %bitcast_convert_type3A_220 : vector<16xf32>
      %mul3A_225 = arith.mulf %mul3A_224, %bitcast_convert_type3A_220 : vector<16xf32>
      %sub3A_226 = arith.constant 1.500000e+00 : f32
      %sub3A_227 = vector.broadcast %sub3A_226 : f32 to vector<16xf32>
      %sub3A_228 = arith.subf %sub3A_227, %mul3A_225 : vector<16xf32>
      %mul3A_229 = arith.mulf %bitcast_convert_type3A_220, %sub3A_228 : vector<16xf32>
      %mul3A_230 = arith.constant 5.000000e-01 : f32
      %mul3A_231 = vector.broadcast %mul3A_230 : f32 to vector<16xf32>
      %mul3A_232 = arith.mulf %mul3A_231, %add3A_212 : vector<16xf32>
      %mul3A_233 = arith.mulf %mul3A_232, %mul3A_229 : vector<16xf32>
      %mul3A_234 = arith.mulf %mul3A_233, %mul3A_229 : vector<16xf32>
      %sub3A_235 = arith.constant 1.500000e+00 : f32
      %sub3A_236 = vector.broadcast %sub3A_235 : f32 to vector<16xf32>
      %sub3A_237 = arith.subf %sub3A_236, %mul3A_234 : vector<16xf32>
      %mul3A_238 = arith.mulf %mul3A_229, %sub3A_237 : vector<16xf32>
      %mul3A_239 = arith.constant 5.000000e-01 : f32
      %mul3A_240 = vector.broadcast %mul3A_239 : f32 to vector<16xf32>
      %mul3A_241 = arith.mulf %mul3A_240, %add3A_212 : vector<16xf32>
      %mul3A_242 = arith.mulf %mul3A_241, %mul3A_238 : vector<16xf32>
      %mul3A_243 = arith.mulf %mul3A_242, %mul3A_238 : vector<16xf32>
      %sub3A_244 = arith.constant 1.500000e+00 : f32
      %sub3A_245 = vector.broadcast %sub3A_244 : f32 to vector<16xf32>
      %sub3A_246 = arith.subf %sub3A_245, %mul3A_243 : vector<16xf32>
      %mul3A_247 = arith.mulf %mul3A_238, %sub3A_246 : vector<16xf32>
      %swap3A_248 = arith.constant 64 : index
      %swap3A_249 = tpu.vector_load %arg25[%swap3A_248] {strides = array<i32>} : memref<128xf32, #tpu.memory_space<vmem>>, vector<16xf32>,
      %swap3A_250 = vector.shape_cast %swap3A_249 : vector<16xf32> to vector<16xf32>
      %swap3A_251 = vector.shape_cast %mul3A_247 : vector<16xf32> to vector<16xf32>
      tpu.vector_store %arg25[%swap3A_248], %swap3A_251 {strides = array<i32>} : memref<128xf32, #tpu.memory_space<vmem>>, vector<16xf32>,
      %get3A_252 = arith.constant 80 : index
      %get3A_253 = tpu.vector_load %arg25[%get3A_252] {strides = array<i32>} : memref<128xf32, #tpu.memory_space<vmem>>, vector<16xf32>,
      %get3A_254 = vector.shape_cast %get3A_253 : vector<16xf32> to vector<16xf32>
      %add3A_255 = arith.constant 1.000000e+00 : f32
      %add3A_256 = vector.broadcast %add3A_255 : f32 to vector<16xf32>
      %add3A_257 = arith.addf %get3A_254, %add3A_256 : vector<16xf32>
      %bitcast_convert_type3A_258 = tpu.bitcast %add3A_257 : vector<16xf32> -> vector<16xi32>
      %shift_right_arithmetic3A_259 = arith.constant 1 : i32
      %shift_right_arithmetic3A_260 = vector.broadcast %shift_right_arithmetic3A_259 : i32 to vector<16xi32>
      %shift_right_arithmetic3A_261 = arith.shrsi %bitcast_convert_type3A_258, %shift_right_arithmetic3A_260 : vector<16xi32>
      %sub3A_262 = arith.constant 1597463007 : i32
      %sub3A_263 = vector.broadcast %sub3A_262 : i32 to vector<16xi32>
      %sub3A_264 = arith.subi %sub3A_263, %shift_right_arithmetic3A_261 : vector<16xi32>
      %bitcast_convert_type3A_265 = tpu.bitcast %sub3A_264 : vector<16xi32> -> vector<16xf32>
      %mul3A_266 = arith.constant 5.000000e-01 : f32
      %mul3A_267 = vector.broadcast %mul3A_266 : f32 to vector<16xf32>
      %mul3A_268 = arith.mulf %mul3A_267, %add3A_257 : vector<16xf32>
      %mul3A_269 = arith.mulf %mul3A_268, %bitcast_convert_type3A_265 : vector<16xf32>
      %mul3A_270 = arith.mulf %mul3A_269, %bitcast_convert_type3A_265 : vector<16xf32>
      %sub3A_271 = arith.constant 1.500000e+00 : f32
      %sub3A_272 = vector.broadcast %sub3A_271 : f32 to vector<16xf32>
      %sub3A_273 = arith.subf %sub3A_272, %mul3A_270 : vector<16xf32>
      %mul3A_274 = arith.mulf %bitcast_convert_type3A_265, %sub3A_273 : vector<16xf32>
      %mul3A_275 = arith.constant 5.000000e-01 : f32
      %mul3A_276 = vector.broadcast %mul3A_275 : f32 to vector<16xf32>
      %mul3A_277 = arith.mulf %mul3A_276, %add3A_257 : vector<16xf32>
      %mul3A_278 = arith.mulf %mul3A_277, %mul3A_274 : vector<16xf32>
      %mul3A_279 = arith.mulf %mul3A_278, %mul3A_274 : vector<16xf32>
      %sub3A_280 = arith.constant 1.500000e+00 : f32
      %sub3A_281 = vector.broadcast %sub3A_280 : f32 to vector<16xf32>
      %sub3A_282 = arith.subf %sub3A_281, %mul3A_279 : vector<16xf32>
      %mul3A_283 = arith.mulf %mul3A_274, %sub3A_282 : vector<16xf32>
      %mul3A_284 = arith.constant 5.000000e-01 : f32
      %mul3A_285 = vector.broadcast %mul3A_284 : f32 to vector<16xf32>
      %mul3A_286 = arith.mulf %mul3A_285, %add3A_257 : vector<16xf32>
      %mul3A_287 = arith.mulf %mul3A_286, %mul3A_283 : vector<16xf32>
      %mul3A_288 = arith.mulf %mul3A_287, %mul3A_283 : vector<16xf32>
      %sub3A_289 = arith.constant 1.500000e+00 : f32
      %sub3A_290 = vector.broadcast %sub3A_289 : f32 to vector<16xf32>
      %sub3A_291 = arith.subf %sub3A_290, %mul3A_288 : vector<16xf32>
      %mul3A_292 = arith.mulf %mul3A_283, %sub3A_291 : vector<16xf32>
      %swap3A_293 = arith.constant 80 : index
      %swap3A_294 = tpu.vector_load %arg25[%swap3A_293] {strides = array<i32>} : memref<128xf32, #tpu.memory_space<vmem>>, vector<16xf32>,
      %swap3A_295 = vector.shape_cast %swap3A_294 : vector<16xf32> to vector<16xf32>
      %swap3A_296 = vector.shape_cast %mul3A_292 : vector<16xf32> to vector<16xf32>
      tpu.vector_store %arg25[%swap3A_293], %swap3A_296 {strides = array<i32>} : memref<128xf32, #tpu.memory_space<vmem>>, vector<16xf32>,
      %get3A_297 = arith.constant 96 : index
      %get3A_298 = tpu.vector_load %arg25[%get3A_297] {strides = array<i32>} : memref<128xf32, #tpu.memory_space<vmem>>, vector<16xf32>,
      %get3A_299 = vector.shape_cast %get3A_298 : vector<16xf32> to vector<16xf32>
      %add3A_300 = arith.constant 1.000000e+00 : f32
      %add3A_301 = vector.broadcast %add3A_300 : f32 to vector<16xf32>
      %add3A_302 = arith.addf %get3A_299, %add3A_301 : vector<16xf32>
      %bitcast_convert_type3A_303 = tpu.bitcast %add3A_302 : vector<16xf32> -> vector<16xi32>
      %shift_right_arithmetic3A_304 = arith.constant 1 : i32
      %shift_right_arithmetic3A_305 = vector.broadcast %shift_right_arithmetic3A_304 : i32 to vector<16xi32>
      %shift_right_arithmetic3A_306 = arith.shrsi %bitcast_convert_type3A_303, %shift_right_arithmetic3A_305 : vector<16xi32>
      %sub3A_307 = arith.constant 1597463007 : i32
      %sub3A_308 = vector.broadcast %sub3A_307 : i32 to vector<16xi32>
      %sub3A_309 = arith.subi %sub3A_308, %shift_right_arithmetic3A_306 : vector<16xi32>
      %bitcast_convert_type3A_310 = tpu.bitcast %sub3A_309 : vector<16xi32> -> vector<16xf32>
      %mul3A_311 = arith.constant 5.000000e-01 : f32
      %mul3A_312 = vector.broadcast %mul3A_311 : f32 to vector<16xf32>
      %mul3A_313 = arith.mulf %mul3A_312, %add3A_302 : vector<16xf32>
      %mul3A_314 = arith.mulf %mul3A_313, %bitcast_convert_type3A_310 : vector<16xf32>
      %mul3A_315 = arith.mulf %mul3A_314, %bitcast_convert_type3A_310 : vector<16xf32>
      %sub3A_316 = arith.constant 1.500000e+00 : f32
      %sub3A_317 = vector.broadcast %sub3A_316 : f32 to vector<16xf32>
      %sub3A_318 = arith.subf %sub3A_317, %mul3A_315 : vector<16xf32>
      %mul3A_319 = arith.mulf %bitcast_convert_type3A_310, %sub3A_318 : vector<16xf32>
      %mul3A_320 = arith.constant 5.000000e-01 : f32
      %mul3A_321 = vector.broadcast %mul3A_320 : f32 to vector<16xf32>
      %mul3A_322 = arith.mulf %mul3A_321, %add3A_302 : vector<16xf32>
      %mul3A_323 = arith.mulf %mul3A_322, %mul3A_319 : vector<16xf32>
      %mul3A_324 = arith.mulf %mul3A_323, %mul3A_319 : vector<16xf32>
      %sub3A_325 = arith.constant 1.500000e+00 : f32
      %sub3A_326 = vector.broadcast %sub3A_325 : f32 to vector<16xf32>
      %sub3A_327 = arith.subf %sub3A_326, %mul3A_324 : vector<16xf32>
      %mul3A_328 = arith.mulf %mul3A_319, %sub3A_327 : vector<16xf32>
      %mul3A_329 = arith.constant 5.000000e-01 : f32
      %mul3A_330 = vector.broadcast %mul3A_329 : f32 to vector<16xf32>
      %mul3A_331 = arith.mulf %mul3A_330, %add3A_302 : vector<16xf32>
      %mul3A_332 = arith.mulf %mul3A_331, %mul3A_328 : vector<16xf32>
      %mul3A_333 = arith.mulf %mul3A_332, %mul3A_328 : vector<16xf32>
      %sub3A_334 = arith.constant 1.500000e+00 : f32
      %sub3A_335 = vector.broadcast %sub3A_334 : f32 to vector<16xf32>
      %sub3A_336 = arith.subf %sub3A_335, %mul3A_333 : vector<16xf32>
      %mul3A_337 = arith.mulf %mul3A_328, %sub3A_336 : vector<16xf32>
      %swap3A_338 = arith.constant 96 : index
      %swap3A_339 = tpu.vector_load %arg25[%swap3A_338] {strides = array<i32>} : memref<128xf32, #tpu.memory_space<vmem>>, vector<16xf32>,
      %swap3A_340 = vector.shape_cast %swap3A_339 : vector<16xf32> to vector<16xf32>
      %swap3A_341 = vector.shape_cast %mul3A_337 : vector<16xf32> to vector<16xf32>
      tpu.vector_store %arg25[%swap3A_338], %swap3A_341 {strides = array<i32>} : memref<128xf32, #tpu.memory_space<vmem>>, vector<16xf32>,
      %get3A_342 = arith.constant 112 : index
      %get3A_343 = tpu.vector_load %arg25[%get3A_342] {strides = array<i32>} : memref<128xf32, #tpu.memory_space<vmem>>, vector<16xf32>,
      %get3A_344 = vector.shape_cast %get3A_343 : vector<16xf32> to vector<16xf32>
      %add3A_345 = arith.constant 1.000000e+00 : f32
      %add3A_346 = vector.broadcast %add3A_345 : f32 to vector<16xf32>
      %add3A_347 = arith.addf %get3A_344, %add3A_346 : vector<16xf32>
      %bitcast_convert_type3A_348 = tpu.bitcast %add3A_347 : vector<16xf32> -> vector<16xi32>
      %shift_right_arithmetic3A_349 = arith.constant 1 : i32
      %shift_right_arithmetic3A_350 = vector.broadcast %shift_right_arithmetic3A_349 : i32 to vector<16xi32>
      %shift_right_arithmetic3A_351 = arith.shrsi %bitcast_convert_type3A_348, %shift_right_arithmetic3A_350 : vector<16xi32>
      %sub3A_352 = arith.constant 1597463007 : i32
      %sub3A_353 = vector.broadcast %sub3A_352 : i32 to vector<16xi32>
      %sub3A_354 = arith.subi %sub3A_353, %shift_right_arithmetic3A_351 : vector<16xi32>
      %bitcast_convert_type3A_355 = tpu.bitcast %sub3A_354 : vector<16xi32> -> vector<16xf32>
      %mul3A_356 = arith.constant 5.000000e-01 : f32
      %mul3A_357 = vector.broadcast %mul3A_356 : f32 to vector<16xf32>
      %mul3A_358 = arith.mulf %mul3A_357, %add3A_347 : vector<16xf32>
      %mul3A_359 = arith.mulf %mul3A_358, %bitcast_convert_type3A_355 : vector<16xf32>
      %mul3A_360 = arith.mulf %mul3A_359, %bitcast_convert_type3A_355 : vector<16xf32>
      %sub3A_361 = arith.constant 1.500000e+00 : f32
      %sub3A_362 = vector.broadcast %sub3A_361 : f32 to vector<16xf32>
      %sub3A_363 = arith.subf %sub3A_362, %mul3A_360 : vector<16xf32>
      %mul3A_364 = arith.mulf %bitcast_convert_type3A_355, %sub3A_363 : vector<16xf32>
      %mul3A_365 = arith.constant 5.000000e-01 : f32
      %mul3A_366 = vector.broadcast %mul3A_365 : f32 to vector<16xf32>
      %mul3A_367 = arith.mulf %mul3A_366, %add3A_347 : vector<16xf32>
      %mul3A_368 = arith.mulf %mul3A_367, %mul3A_364 : vector<16xf32>
      %mul3A_369 = arith.mulf %mul3A_368, %mul3A_364 : vector<16xf32>
      %sub3A_370 = arith.constant 1.500000e+00 : f32
      %sub3A_371 = vector.broadcast %sub3A_370 : f32 to vector<16xf32>
      %sub3A_372 = arith.subf %sub3A_371, %mul3A_369 : vector<16xf32>
      %mul3A_373 = arith.mulf %mul3A_364, %sub3A_372 : vector<16xf32>
      %mul3A_374 = arith.constant 5.000000e-01 : f32
      %mul3A_375 = vector.broadcast %mul3A_374 : f32 to vector<16xf32>
      %mul3A_376 = arith.mulf %mul3A_375, %add3A_347 : vector<16xf32>
      %mul3A_377 = arith.mulf %mul3A_376, %mul3A_373 : vector<16xf32>
      %mul3A_378 = arith.mulf %mul3A_377, %mul3A_373 : vector<16xf32>
      %sub3A_379 = arith.constant 1.500000e+00 : f32
      %sub3A_380 = vector.broadcast %sub3A_379 : f32 to vector<16xf32>
      %sub3A_381 = arith.subf %sub3A_380, %mul3A_378 : vector<16xf32>
      %mul3A_382 = arith.mulf %mul3A_373, %sub3A_381 : vector<16xf32>
      %swap3A_383 = arith.constant 112 : index
      %swap3A_384 = tpu.vector_load %arg25[%swap3A_383] {strides = array<i32>} : memref<128xf32, #tpu.memory_space<vmem>>, vector<16xf32>,
      %swap3A_385 = vector.shape_cast %swap3A_384 : vector<16xf32> to vector<16xf32>
      %swap3A_386 = vector.shape_cast %mul3A_382 : vector<16xf32> to vector<16xf32>
      tpu.vector_store %arg25[%swap3A_383], %swap3A_386 {strides = array<i32>} : memref<128xf32, #tpu.memory_space<vmem>>, vector<16xf32>,
      "tpu.region"() ({
        %run_scoped3A = tpu.sem_alloc : memref<!tpu.dma_semaphore, #tpu.memory_space<semaphore_mem>>
        %dma_start3A = tpu.memref_slice %arg11[%arg0, %add3A] : memref<2x102400xf32, #tpu.memory_space<hbm>> -> memref<1x128xf32, #tpu.memory_space<hbm>>
        %dma_start3A_397 = tpu.memref_squeeze %dma_start3A : memref<1x128xf32, #tpu.memory_space<hbm>> -> memref<128xf32, #tpu.memory_space<hbm>>
        %dma_start3A_398 = tpu.memref_slice %arg11[%arg0, %add3A] : memref<2x102400xf32, #tpu.memory_space<hbm>> -> memref<1x128xf32, #tpu.memory_space<hbm>>
        %dma_start3A_399 = tpu.memref_squeeze %dma_start3A_398 : memref<1x128xf32, #tpu.memory_space<hbm>> -> memref<128xf32, #tpu.memory_space<hbm>>
        tpu.enqueue_dma source(%arg25 : memref<128xf32, #tpu.memory_space<vmem>>) target(%dma_start3A_399 : memref<128xf32, #tpu.memory_space<hbm>>) target_semaphore(%run_scoped3A : memref<!tpu.dma_semaphore, #tpu.memory_space<semaphore_mem>>)
        %dma_wait3A = tpu.memref_slice %arg11[%arg0, %add3A] : memref<2x102400xf32, #tpu.memory_space<hbm>> -> memref<1x128xf32, #tpu.memory_space<hbm>>
        %dma_wait3A_400 = tpu.memref_squeeze %dma_wait3A : memref<1x128xf32, #tpu.memory_space<hbm>> -> memref<128xf32, #tpu.memory_space<hbm>>
        %dma_wait3A_401 = tpu.memref_slice %arg11[%arg0, %add3A] : memref<2x102400xf32, #tpu.memory_space<hbm>> -> memref<1x128xf32, #tpu.memory_space<hbm>>
        %dma_wait3A_402 = tpu.memref_squeeze %dma_wait3A_401 : memref<1x128xf32, #tpu.memory_space<hbm>> -> memref<128xf32, #tpu.memory_space<hbm>>
        tpu.wait_dma2 semaphore(%run_scoped3A : memref<!tpu.dma_semaphore, #tpu.memory_space<semaphore_mem>>) src(%arg25 : memref<128xf32, #tpu.memory_space<vmem>>) dst(%dma_wait3A_402 : memref<128xf32, #tpu.memory_space<hbm>>)
        tpu.yield
      }) : () -> ()
      "tpu.region"() ({
        %run_scoped3A = tpu.sem_alloc : memref<!tpu.dma_semaphore, #tpu.memory_space<semaphore_mem>>
        %dma_start3A = arith.constant 0 : i32
        %dma_start3A_397 = tpu.memref_slice %arg4[%arg0, %add3A, %dma_start3A] : memref<2x102400x16xf32, #tpu.memory_space<hbm>> -> memref<1x128x16xf32, #tpu.memory_space<hbm>>
        %dma_start3A_398 = tpu.memref_squeeze %dma_start3A_397 : memref<1x128x16xf32, #tpu.memory_space<hbm>> -> memref<128x16xf32, #tpu.memory_space<hbm>>
        %dma_start3A_399 = arith.constant 0 : i32
        %dma_start3A_400 = tpu.memref_slice %arg4[%arg0, %add3A, %dma_start3A_399] : memref<2x102400x16xf32, #tpu.memory_space<hbm>> -> memref<1x128x16xf32, #tpu.memory_space<hbm>>
        %dma_start3A_401 = tpu.memref_squeeze %dma_start3A_400 : memref<1x128x16xf32, #tpu.memory_space<hbm>> -> memref<128x16xf32, #tpu.memory_space<hbm>>
        tpu.enqueue_dma source(%dma_start3A_401 : memref<128x16xf32, #tpu.memory_space<hbm>>) target(%arg24 : memref<128x16xf32, #tpu.memory_space<vmem>>) target_semaphore(%run_scoped3A : memref<!tpu.dma_semaphore, #tpu.memory_space<semaphore_mem>>)
        %dma_wait3A = arith.constant 0 : i32
        %dma_wait3A_402 = tpu.memref_slice %arg4[%arg0, %add3A, %dma_wait3A] : memref<2x102400x16xf32, #tpu.memory_space<hbm>> -> memref<1x128x16xf32, #tpu.memory_space<hbm>>
        %dma_wait3A_403 = tpu.memref_squeeze %dma_wait3A_402 : memref<1x128x16xf32, #tpu.memory_space<hbm>> -> memref<128x16xf32, #tpu.memory_space<hbm>>
        %dma_wait3A_404 = arith.constant 0 : i32
        %dma_wait3A_405 = tpu.memref_slice %arg4[%arg0, %add3A, %dma_wait3A_404] : memref<2x102400x16xf32, #tpu.memory_space<hbm>> -> memref<1x128x16xf32, #tpu.memory_space<hbm>>
        %dma_wait3A_406 = tpu.memref_squeeze %dma_wait3A_405 : memref<1x128x16xf32, #tpu.memory_space<hbm>> -> memref<128x16xf32, #tpu.memory_space<hbm>>
        tpu.wait_dma2 semaphore(%run_scoped3A : memref<!tpu.dma_semaphore, #tpu.memory_space<semaphore_mem>>) src(%dma_wait3A_406 : memref<128x16xf32, #tpu.memory_space<hbm>>) dst(%arg24 : memref<128x16xf32, #tpu.memory_space<vmem>>)
        tpu.yield
      }) : () -> ()
      %scan3A_387 = arith.constant 0 : i32
      %scan3A_388 = arith.constant 8 : i32
      %scan3A_389 = arith.addi %scan3A_387, %scan3A_388 : i32
      %scan3A_390 = arith.constant 1 : i32
      scf.for %scan3A_397 = %scan3A_387 to %scan3A_389 step %scan3A_390  : i32 {
        %mul3A_398 = arith.constant 16 : i32
        %mul3A_399 = arith.muli %scan3A_397, %mul3A_398 : i32
        %get3A_400 = arith.index_cast %mul3A_399 : i32 to index
        %get3A_401 = tpu.vector_load %arg25[%get3A_400] {strides = array<i32>} : memref<128xf32, #tpu.memory_space<vmem>>, vector<16xf32>,
        %get3A_402 = vector.shape_cast %get3A_401 : vector<16xf32> to vector<16xf32>
        %mul3A_403 = arith.constant 16 : i32
        %mul3A_404 = arith.muli %scan3A_397, %mul3A_403 : i32
        %add3A_405 = arith.constant 0 : i32
        %add3A_406 = arith.addi %mul3A_404, %add3A_405 : i32
        %slice3A = vector.extract_strided_slice %get3A_402 {offsets = [0], sizes = [1], strides = [1]} : vector<16xf32> to vector<1xf32>
        %squeeze3A = vector.extract %slice3A[0] : f32 from vector<1xf32>
        %get3A_407 = arith.index_cast %add3A_406 : i32 to index
        %get3A_408 = arith.constant 0 : index
        %get3A_409 = tpu.vector_load %arg24[%get3A_407, %get3A_408] {strides = array<i32>} : memref<128x16xf32, #tpu.memory_space<vmem>>, vector<1x16xf32>,
        %get3A_410 = vector.shape_cast %get3A_409 : vector<1x16xf32> to vector<16xf32>
        %mul3A_411 = vector.broadcast %squeeze3A : f32 to vector<16xf32>
        %mul3A_412 = arith.mulf %mul3A_411, %get3A_410 : vector<16xf32>
        %swap3A_413 = arith.index_cast %add3A_406 : i32 to index
        %swap3A_414 = arith.constant 0 : index
        %swap3A_415 = tpu.vector_load %arg24[%swap3A_413, %swap3A_414] {strides = array<i32>} : memref<128x16xf32, #tpu.memory_space<vmem>>, vector<1x16xf32>,
        %swap3A_416 = vector.shape_cast %swap3A_415 : vector<1x16xf32> to vector<16xf32>
        %swap3A_417 = vector.shape_cast %mul3A_412 : vector<16xf32> to vector<1x16xf32>
        tpu.vector_store %arg24[%swap3A_413, %swap3A_414], %swap3A_417 {strides = array<i32>} : memref<128x16xf32, #tpu.memory_space<vmem>>, vector<1x16xf32>,
        %mul3A_418 = arith.constant 16 : i32
        %mul3A_419 = arith.muli %scan3A_397, %mul3A_418 : i32
        %add3A_420 = arith.constant 1 : i32
        %add3A_421 = arith.addi %mul3A_419, %add3A_420 : i32
        %slice3A_422 = vector.extract_strided_slice %get3A_402 {offsets = [1], sizes = [1], strides = [1]} : vector<16xf32> to vector<1xf32>
        %squeeze3A_423 = vector.extract %slice3A_422[0] : f32 from vector<1xf32>
        %get3A_424 = arith.index_cast %add3A_421 : i32 to index
        %get3A_425 = arith.constant 0 : index
        %get3A_426 = tpu.vector_load %arg24[%get3A_424, %get3A_425] {strides = array<i32>} : memref<128x16xf32, #tpu.memory_space<vmem>>, vector<1x16xf32>,
        %get3A_427 = vector.shape_cast %get3A_426 : vector<1x16xf32> to vector<16xf32>
        %mul3A_428 = vector.broadcast %squeeze3A_423 : f32 to vector<16xf32>
        %mul3A_429 = arith.mulf %mul3A_428, %get3A_427 : vector<16xf32>
        %swap3A_430 = arith.index_cast %add3A_421 : i32 to index
        %swap3A_431 = arith.constant 0 : index
        %swap3A_432 = tpu.vector_load %arg24[%swap3A_430, %swap3A_431] {strides = array<i32>} : memref<128x16xf32, #tpu.memory_space<vmem>>, vector<1x16xf32>,
        %swap3A_433 = vector.shape_cast %swap3A_432 : vector<1x16xf32> to vector<16xf32>
        %swap3A_434 = vector.shape_cast %mul3A_429 : vector<16xf32> to vector<1x16xf32>
        tpu.vector_store %arg24[%swap3A_430, %swap3A_431], %swap3A_434 {strides = array<i32>} : memref<128x16xf32, #tpu.memory_space<vmem>>, vector<1x16xf32>,
        %mul3A_435 = arith.constant 16 : i32
        %mul3A_436 = arith.muli %scan3A_397, %mul3A_435 : i32
        %add3A_437 = arith.constant 2 : i32
        %add3A_438 = arith.addi %mul3A_436, %add3A_437 : i32
        %slice3A_439 = vector.extract_strided_slice %get3A_402 {offsets = [2], sizes = [1], strides = [1]} : vector<16xf32> to vector<1xf32>
        %squeeze3A_440 = vector.extract %slice3A_439[0] : f32 from vector<1xf32>
        %get3A_441 = arith.index_cast %add3A_438 : i32 to index
        %get3A_442 = arith.constant 0 : index
        %get3A_443 = tpu.vector_load %arg24[%get3A_441, %get3A_442] {strides = array<i32>} : memref<128x16xf32, #tpu.memory_space<vmem>>, vector<1x16xf32>,
        %get3A_444 = vector.shape_cast %get3A_443 : vector<1x16xf32> to vector<16xf32>
        %mul3A_445 = vector.broadcast %squeeze3A_440 : f32 to vector<16xf32>
        %mul3A_446 = arith.mulf %mul3A_445, %get3A_444 : vector<16xf32>
        %swap3A_447 = arith.index_cast %add3A_438 : i32 to index
        %swap3A_448 = arith.constant 0 : index
        %swap3A_449 = tpu.vector_load %arg24[%swap3A_447, %swap3A_448] {strides = array<i32>} : memref<128x16xf32, #tpu.memory_space<vmem>>, vector<1x16xf32>,
        %swap3A_450 = vector.shape_cast %swap3A_449 : vector<1x16xf32> to vector<16xf32>
        %swap3A_451 = vector.shape_cast %mul3A_446 : vector<16xf32> to vector<1x16xf32>
        tpu.vector_store %arg24[%swap3A_447, %swap3A_448], %swap3A_451 {strides = array<i32>} : memref<128x16xf32, #tpu.memory_space<vmem>>, vector<1x16xf32>,
        %mul3A_452 = arith.constant 16 : i32
        %mul3A_453 = arith.muli %scan3A_397, %mul3A_452 : i32
        %add3A_454 = arith.constant 3 : i32
        %add3A_455 = arith.addi %mul3A_453, %add3A_454 : i32
        %slice3A_456 = vector.extract_strided_slice %get3A_402 {offsets = [3], sizes = [1], strides = [1]} : vector<16xf32> to vector<1xf32>
        %squeeze3A_457 = vector.extract %slice3A_456[0] : f32 from vector<1xf32>
        %get3A_458 = arith.index_cast %add3A_455 : i32 to index
        %get3A_459 = arith.constant 0 : index
        %get3A_460 = tpu.vector_load %arg24[%get3A_458, %get3A_459] {strides = array<i32>} : memref<128x16xf32, #tpu.memory_space<vmem>>, vector<1x16xf32>,
        %get3A_461 = vector.shape_cast %get3A_460 : vector<1x16xf32> to vector<16xf32>
        %mul3A_462 = vector.broadcast %squeeze3A_457 : f32 to vector<16xf32>
        %mul3A_463 = arith.mulf %mul3A_462, %get3A_461 : vector<16xf32>
        %swap3A_464 = arith.index_cast %add3A_455 : i32 to index
        %swap3A_465 = arith.constant 0 : index
        %swap3A_466 = tpu.vector_load %arg24[%swap3A_464, %swap3A_465] {strides = array<i32>} : memref<128x16xf32, #tpu.memory_space<vmem>>, vector<1x16xf32>,
        %swap3A_467 = vector.shape_cast %swap3A_466 : vector<1x16xf32> to vector<16xf32>
        %swap3A_468 = vector.shape_cast %mul3A_463 : vector<16xf32> to vector<1x16xf32>
        tpu.vector_store %arg24[%swap3A_464, %swap3A_465], %swap3A_468 {strides = array<i32>} : memref<128x16xf32, #tpu.memory_space<vmem>>, vector<1x16xf32>,
        %mul3A_469 = arith.constant 16 : i32
        %mul3A_470 = arith.muli %scan3A_397, %mul3A_469 : i32
        %add3A_471 = arith.constant 4 : i32
        %add3A_472 = arith.addi %mul3A_470, %add3A_471 : i32
        %slice3A_473 = vector.extract_strided_slice %get3A_402 {offsets = [4], sizes = [1], strides = [1]} : vector<16xf32> to vector<1xf32>
        %squeeze3A_474 = vector.extract %slice3A_473[0] : f32 from vector<1xf32>
        %get3A_475 = arith.index_cast %add3A_472 : i32 to index
        %get3A_476 = arith.constant 0 : index
        %get3A_477 = tpu.vector_load %arg24[%get3A_475, %get3A_476] {strides = array<i32>} : memref<128x16xf32, #tpu.memory_space<vmem>>, vector<1x16xf32>,
        %get3A_478 = vector.shape_cast %get3A_477 : vector<1x16xf32> to vector<16xf32>
        %mul3A_479 = vector.broadcast %squeeze3A_474 : f32 to vector<16xf32>
        %mul3A_480 = arith.mulf %mul3A_479, %get3A_478 : vector<16xf32>
        %swap3A_481 = arith.index_cast %add3A_472 : i32 to index
        %swap3A_482 = arith.constant 0 : index
        %swap3A_483 = tpu.vector_load %arg24[%swap3A_481, %swap3A_482] {strides = array<i32>} : memref<128x16xf32, #tpu.memory_space<vmem>>, vector<1x16xf32>,
        %swap3A_484 = vector.shape_cast %swap3A_483 : vector<1x16xf32> to vector<16xf32>
        %swap3A_485 = vector.shape_cast %mul3A_480 : vector<16xf32> to vector<1x16xf32>
        tpu.vector_store %arg24[%swap3A_481, %swap3A_482], %swap3A_485 {strides = array<i32>} : memref<128x16xf32, #tpu.memory_space<vmem>>, vector<1x16xf32>,
        %mul3A_486 = arith.constant 16 : i32
        %mul3A_487 = arith.muli %scan3A_397, %mul3A_486 : i32
        %add3A_488 = arith.constant 5 : i32
        %add3A_489 = arith.addi %mul3A_487, %add3A_488 : i32
        %slice3A_490 = vector.extract_strided_slice %get3A_402 {offsets = [5], sizes = [1], strides = [1]} : vector<16xf32> to vector<1xf32>
        %squeeze3A_491 = vector.extract %slice3A_490[0] : f32 from vector<1xf32>
        %get3A_492 = arith.index_cast %add3A_489 : i32 to index
        %get3A_493 = arith.constant 0 : index
        %get3A_494 = tpu.vector_load %arg24[%get3A_492, %get3A_493] {strides = array<i32>} : memref<128x16xf32, #tpu.memory_space<vmem>>, vector<1x16xf32>,
        %get3A_495 = vector.shape_cast %get3A_494 : vector<1x16xf32> to vector<16xf32>
        %mul3A_496 = vector.broadcast %squeeze3A_491 : f32 to vector<16xf32>
        %mul3A_497 = arith.mulf %mul3A_496, %get3A_495 : vector<16xf32>
        %swap3A_498 = arith.index_cast %add3A_489 : i32 to index
        %swap3A_499 = arith.constant 0 : index
        %swap3A_500 = tpu.vector_load %arg24[%swap3A_498, %swap3A_499] {strides = array<i32>} : memref<128x16xf32, #tpu.memory_space<vmem>>, vector<1x16xf32>,
        %swap3A_501 = vector.shape_cast %swap3A_500 : vector<1x16xf32> to vector<16xf32>
        %swap3A_502 = vector.shape_cast %mul3A_497 : vector<16xf32> to vector<1x16xf32>
        tpu.vector_store %arg24[%swap3A_498, %swap3A_499], %swap3A_502 {strides = array<i32>} : memref<128x16xf32, #tpu.memory_space<vmem>>, vector<1x16xf32>,
        %mul3A_503 = arith.constant 16 : i32
        %mul3A_504 = arith.muli %scan3A_397, %mul3A_503 : i32
        %add3A_505 = arith.constant 6 : i32
        %add3A_506 = arith.addi %mul3A_504, %add3A_505 : i32
        %slice3A_507 = vector.extract_strided_slice %get3A_402 {offsets = [6], sizes = [1], strides = [1]} : vector<16xf32> to vector<1xf32>
        %squeeze3A_508 = vector.extract %slice3A_507[0] : f32 from vector<1xf32>
        %get3A_509 = arith.index_cast %add3A_506 : i32 to index
        %get3A_510 = arith.constant 0 : index
        %get3A_511 = tpu.vector_load %arg24[%get3A_509, %get3A_510] {strides = array<i32>} : memref<128x16xf32, #tpu.memory_space<vmem>>, vector<1x16xf32>,
        %get3A_512 = vector.shape_cast %get3A_511 : vector<1x16xf32> to vector<16xf32>
        %mul3A_513 = vector.broadcast %squeeze3A_508 : f32 to vector<16xf32>
        %mul3A_514 = arith.mulf %mul3A_513, %get3A_512 : vector<16xf32>
        %swap3A_515 = arith.index_cast %add3A_506 : i32 to index
        %swap3A_516 = arith.constant 0 : index
        %swap3A_517 = tpu.vector_load %arg24[%swap3A_515, %swap3A_516] {strides = array<i32>} : memref<128x16xf32, #tpu.memory_space<vmem>>, vector<1x16xf32>,
        %swap3A_518 = vector.shape_cast %swap3A_517 : vector<1x16xf32> to vector<16xf32>
        %swap3A_519 = vector.shape_cast %mul3A_514 : vector<16xf32> to vector<1x16xf32>
        tpu.vector_store %arg24[%swap3A_515, %swap3A_516], %swap3A_519 {strides = array<i32>} : memref<128x16xf32, #tpu.memory_space<vmem>>, vector<1x16xf32>,
        %mul3A_520 = arith.constant 16 : i32
        %mul3A_521 = arith.muli %scan3A_397, %mul3A_520 : i32
        %add3A_522 = arith.constant 7 : i32
        %add3A_523 = arith.addi %mul3A_521, %add3A_522 : i32
        %slice3A_524 = vector.extract_strided_slice %get3A_402 {offsets = [7], sizes = [1], strides = [1]} : vector<16xf32> to vector<1xf32>
        %squeeze3A_525 = vector.extract %slice3A_524[0] : f32 from vector<1xf32>
        %get3A_526 = arith.index_cast %add3A_523 : i32 to index
        %get3A_527 = arith.constant 0 : index
        %get3A_528 = tpu.vector_load %arg24[%get3A_526, %get3A_527] {strides = array<i32>} : memref<128x16xf32, #tpu.memory_space<vmem>>, vector<1x16xf32>,
        %get3A_529 = vector.shape_cast %get3A_528 : vector<1x16xf32> to vector<16xf32>
        %mul3A_530 = vector.broadcast %squeeze3A_525 : f32 to vector<16xf32>
        %mul3A_531 = arith.mulf %mul3A_530, %get3A_529 : vector<16xf32>
        %swap3A_532 = arith.index_cast %add3A_523 : i32 to index
        %swap3A_533 = arith.constant 0 : index
        %swap3A_534 = tpu.vector_load %arg24[%swap3A_532, %swap3A_533] {strides = array<i32>} : memref<128x16xf32, #tpu.memory_space<vmem>>, vector<1x16xf32>,
        %swap3A_535 = vector.shape_cast %swap3A_534 : vector<1x16xf32> to vector<16xf32>
        %swap3A_536 = vector.shape_cast %mul3A_531 : vector<16xf32> to vector<1x16xf32>
        tpu.vector_store %arg24[%swap3A_532, %swap3A_533], %swap3A_536 {strides = array<i32>} : memref<128x16xf32, #tpu.memory_space<vmem>>, vector<1x16xf32>,
        %mul3A_537 = arith.constant 16 : i32
        %mul3A_538 = arith.muli %scan3A_397, %mul3A_537 : i32
        %add3A_539 = arith.constant 8 : i32
        %add3A_540 = arith.addi %mul3A_538, %add3A_539 : i32
        %slice3A_541 = vector.extract_strided_slice %get3A_402 {offsets = [8], sizes = [1], strides = [1]} : vector<16xf32> to vector<1xf32>
        %squeeze3A_542 = vector.extract %slice3A_541[0] : f32 from vector<1xf32>
        %get3A_543 = arith.index_cast %add3A_540 : i32 to index
        %get3A_544 = arith.constant 0 : index
        %get3A_545 = tpu.vector_load %arg24[%get3A_543, %get3A_544] {strides = array<i32>} : memref<128x16xf32, #tpu.memory_space<vmem>>, vector<1x16xf32>,
        %get3A_546 = vector.shape_cast %get3A_545 : vector<1x16xf32> to vector<16xf32>
        %mul3A_547 = vector.broadcast %squeeze3A_542 : f32 to vector<16xf32>
        %mul3A_548 = arith.mulf %mul3A_547, %get3A_546 : vector<16xf32>
        %swap3A_549 = arith.index_cast %add3A_540 : i32 to index
        %swap3A_550 = arith.constant 0 : index
        %swap3A_551 = tpu.vector_load %arg24[%swap3A_549, %swap3A_550] {strides = array<i32>} : memref<128x16xf32, #tpu.memory_space<vmem>>, vector<1x16xf32>,
        %swap3A_552 = vector.shape_cast %swap3A_551 : vector<1x16xf32> to vector<16xf32>
        %swap3A_553 = vector.shape_cast %mul3A_548 : vector<16xf32> to vector<1x16xf32>
        tpu.vector_store %arg24[%swap3A_549, %swap3A_550], %swap3A_553 {strides = array<i32>} : memref<128x16xf32, #tpu.memory_space<vmem>>, vector<1x16xf32>,
        %mul3A_554 = arith.constant 16 : i32
        %mul3A_555 = arith.muli %scan3A_397, %mul3A_554 : i32
        %add3A_556 = arith.constant 9 : i32
        %add3A_557 = arith.addi %mul3A_555, %add3A_556 : i32
        %slice3A_558 = vector.extract_strided_slice %get3A_402 {offsets = [9], sizes = [1], strides = [1]} : vector<16xf32> to vector<1xf32>
        %squeeze3A_559 = vector.extract %slice3A_558[0] : f32 from vector<1xf32>
        %get3A_560 = arith.index_cast %add3A_557 : i32 to index
        %get3A_561 = arith.constant 0 : index
        %get3A_562 = tpu.vector_load %arg24[%get3A_560, %get3A_561] {strides = array<i32>} : memref<128x16xf32, #tpu.memory_space<vmem>>, vector<1x16xf32>,
        %get3A_563 = vector.shape_cast %get3A_562 : vector<1x16xf32> to vector<16xf32>
        %mul3A_564 = vector.broadcast %squeeze3A_559 : f32 to vector<16xf32>
        %mul3A_565 = arith.mulf %mul3A_564, %get3A_563 : vector<16xf32>
        %swap3A_566 = arith.index_cast %add3A_557 : i32 to index
        %swap3A_567 = arith.constant 0 : index
        %swap3A_568 = tpu.vector_load %arg24[%swap3A_566, %swap3A_567] {strides = array<i32>} : memref<128x16xf32, #tpu.memory_space<vmem>>, vector<1x16xf32>,
        %swap3A_569 = vector.shape_cast %swap3A_568 : vector<1x16xf32> to vector<16xf32>
        %swap3A_570 = vector.shape_cast %mul3A_565 : vector<16xf32> to vector<1x16xf32>
        tpu.vector_store %arg24[%swap3A_566, %swap3A_567], %swap3A_570 {strides = array<i32>} : memref<128x16xf32, #tpu.memory_space<vmem>>, vector<1x16xf32>,
        %mul3A_571 = arith.constant 16 : i32
        %mul3A_572 = arith.muli %scan3A_397, %mul3A_571 : i32
        %add3A_573 = arith.constant 10 : i32
        %add3A_574 = arith.addi %mul3A_572, %add3A_573 : i32
        %slice3A_575 = vector.extract_strided_slice %get3A_402 {offsets = [10], sizes = [1], strides = [1]} : vector<16xf32> to vector<1xf32>
        %squeeze3A_576 = vector.extract %slice3A_575[0] : f32 from vector<1xf32>
        %get3A_577 = arith.index_cast %add3A_574 : i32 to index
        %get3A_578 = arith.constant 0 : index
        %get3A_579 = tpu.vector_load %arg24[%get3A_577, %get3A_578] {strides = array<i32>} : memref<128x16xf32, #tpu.memory_space<vmem>>, vector<1x16xf32>,
        %get3A_580 = vector.shape_cast %get3A_579 : vector<1x16xf32> to vector<16xf32>
        %mul3A_581 = vector.broadcast %squeeze3A_576 : f32 to vector<16xf32>
        %mul3A_582 = arith.mulf %mul3A_581, %get3A_580 : vector<16xf32>
        %swap3A_583 = arith.index_cast %add3A_574 : i32 to index
        %swap3A_584 = arith.constant 0 : index
        %swap3A_585 = tpu.vector_load %arg24[%swap3A_583, %swap3A_584] {strides = array<i32>} : memref<128x16xf32, #tpu.memory_space<vmem>>, vector<1x16xf32>,
        %swap3A_586 = vector.shape_cast %swap3A_585 : vector<1x16xf32> to vector<16xf32>
        %swap3A_587 = vector.shape_cast %mul3A_582 : vector<16xf32> to vector<1x16xf32>
        tpu.vector_store %arg24[%swap3A_583, %swap3A_584], %swap3A_587 {strides = array<i32>} : memref<128x16xf32, #tpu.memory_space<vmem>>, vector<1x16xf32>,
        %mul3A_588 = arith.constant 16 : i32
        %mul3A_589 = arith.muli %scan3A_397, %mul3A_588 : i32
        %add3A_590 = arith.constant 11 : i32
        %add3A_591 = arith.addi %mul3A_589, %add3A_590 : i32
        %slice3A_592 = vector.extract_strided_slice %get3A_402 {offsets = [11], sizes = [1], strides = [1]} : vector<16xf32> to vector<1xf32>
        %squeeze3A_593 = vector.extract %slice3A_592[0] : f32 from vector<1xf32>
        %get3A_594 = arith.index_cast %add3A_591 : i32 to index
        %get3A_595 = arith.constant 0 : index
        %get3A_596 = tpu.vector_load %arg24[%get3A_594, %get3A_595] {strides = array<i32>} : memref<128x16xf32, #tpu.memory_space<vmem>>, vector<1x16xf32>,
        %get3A_597 = vector.shape_cast %get3A_596 : vector<1x16xf32> to vector<16xf32>
        %mul3A_598 = vector.broadcast %squeeze3A_593 : f32 to vector<16xf32>
        %mul3A_599 = arith.mulf %mul3A_598, %get3A_597 : vector<16xf32>
        %swap3A_600 = arith.index_cast %add3A_591 : i32 to index
        %swap3A_601 = arith.constant 0 : index
        %swap3A_602 = tpu.vector_load %arg24[%swap3A_600, %swap3A_601] {strides = array<i32>} : memref<128x16xf32, #tpu.memory_space<vmem>>, vector<1x16xf32>,
        %swap3A_603 = vector.shape_cast %swap3A_602 : vector<1x16xf32> to vector<16xf32>
        %swap3A_604 = vector.shape_cast %mul3A_599 : vector<16xf32> to vector<1x16xf32>
        tpu.vector_store %arg24[%swap3A_600, %swap3A_601], %swap3A_604 {strides = array<i32>} : memref<128x16xf32, #tpu.memory_space<vmem>>, vector<1x16xf32>,
        %mul3A_605 = arith.constant 16 : i32
        %mul3A_606 = arith.muli %scan3A_397, %mul3A_605 : i32
        %add3A_607 = arith.constant 12 : i32
        %add3A_608 = arith.addi %mul3A_606, %add3A_607 : i32
        %slice3A_609 = vector.extract_strided_slice %get3A_402 {offsets = [12], sizes = [1], strides = [1]} : vector<16xf32> to vector<1xf32>
        %squeeze3A_610 = vector.extract %slice3A_609[0] : f32 from vector<1xf32>
        %get3A_611 = arith.index_cast %add3A_608 : i32 to index
        %get3A_612 = arith.constant 0 : index
        %get3A_613 = tpu.vector_load %arg24[%get3A_611, %get3A_612] {strides = array<i32>} : memref<128x16xf32, #tpu.memory_space<vmem>>, vector<1x16xf32>,
        %get3A_614 = vector.shape_cast %get3A_613 : vector<1x16xf32> to vector<16xf32>
        %mul3A_615 = vector.broadcast %squeeze3A_610 : f32 to vector<16xf32>
        %mul3A_616 = arith.mulf %mul3A_615, %get3A_614 : vector<16xf32>
        %swap3A_617 = arith.index_cast %add3A_608 : i32 to index
        %swap3A_618 = arith.constant 0 : index
        %swap3A_619 = tpu.vector_load %arg24[%swap3A_617, %swap3A_618] {strides = array<i32>} : memref<128x16xf32, #tpu.memory_space<vmem>>, vector<1x16xf32>,
        %swap3A_620 = vector.shape_cast %swap3A_619 : vector<1x16xf32> to vector<16xf32>
        %swap3A_621 = vector.shape_cast %mul3A_616 : vector<16xf32> to vector<1x16xf32>
        tpu.vector_store %arg24[%swap3A_617, %swap3A_618], %swap3A_621 {strides = array<i32>} : memref<128x16xf32, #tpu.memory_space<vmem>>, vector<1x16xf32>,
        %mul3A_622 = arith.constant 16 : i32
        %mul3A_623 = arith.muli %scan3A_397, %mul3A_622 : i32
        %add3A_624 = arith.constant 13 : i32
        %add3A_625 = arith.addi %mul3A_623, %add3A_624 : i32
        %slice3A_626 = vector.extract_strided_slice %get3A_402 {offsets = [13], sizes = [1], strides = [1]} : vector<16xf32> to vector<1xf32>
        %squeeze3A_627 = vector.extract %slice3A_626[0] : f32 from vector<1xf32>
        %get3A_628 = arith.index_cast %add3A_625 : i32 to index
        %get3A_629 = arith.constant 0 : index
        %get3A_630 = tpu.vector_load %arg24[%get3A_628, %get3A_629] {strides = array<i32>} : memref<128x16xf32, #tpu.memory_space<vmem>>, vector<1x16xf32>,
        %get3A_631 = vector.shape_cast %get3A_630 : vector<1x16xf32> to vector<16xf32>
        %mul3A_632 = vector.broadcast %squeeze3A_627 : f32 to vector<16xf32>
        %mul3A_633 = arith.mulf %mul3A_632, %get3A_631 : vector<16xf32>
        %swap3A_634 = arith.index_cast %add3A_625 : i32 to index
        %swap3A_635 = arith.constant 0 : index
        %swap3A_636 = tpu.vector_load %arg24[%swap3A_634, %swap3A_635] {strides = array<i32>} : memref<128x16xf32, #tpu.memory_space<vmem>>, vector<1x16xf32>,
        %swap3A_637 = vector.shape_cast %swap3A_636 : vector<1x16xf32> to vector<16xf32>
        %swap3A_638 = vector.shape_cast %mul3A_633 : vector<16xf32> to vector<1x16xf32>
        tpu.vector_store %arg24[%swap3A_634, %swap3A_635], %swap3A_638 {strides = array<i32>} : memref<128x16xf32, #tpu.memory_space<vmem>>, vector<1x16xf32>,
        %mul3A_639 = arith.constant 16 : i32
        %mul3A_640 = arith.muli %scan3A_397, %mul3A_639 : i32
        %add3A_641 = arith.constant 14 : i32
        %add3A_642 = arith.addi %mul3A_640, %add3A_641 : i32
        %slice3A_643 = vector.extract_strided_slice %get3A_402 {offsets = [14], sizes = [1], strides = [1]} : vector<16xf32> to vector<1xf32>
        %squeeze3A_644 = vector.extract %slice3A_643[0] : f32 from vector<1xf32>
        %get3A_645 = arith.index_cast %add3A_642 : i32 to index
        %get3A_646 = arith.constant 0 : index
        %get3A_647 = tpu.vector_load %arg24[%get3A_645, %get3A_646] {strides = array<i32>} : memref<128x16xf32, #tpu.memory_space<vmem>>, vector<1x16xf32>,
        %get3A_648 = vector.shape_cast %get3A_647 : vector<1x16xf32> to vector<16xf32>
        %mul3A_649 = vector.broadcast %squeeze3A_644 : f32 to vector<16xf32>
        %mul3A_650 = arith.mulf %mul3A_649, %get3A_648 : vector<16xf32>
        %swap3A_651 = arith.index_cast %add3A_642 : i32 to index
        %swap3A_652 = arith.constant 0 : index
        %swap3A_653 = tpu.vector_load %arg24[%swap3A_651, %swap3A_652] {strides = array<i32>} : memref<128x16xf32, #tpu.memory_space<vmem>>, vector<1x16xf32>,
        %swap3A_654 = vector.shape_cast %swap3A_653 : vector<1x16xf32> to vector<16xf32>
        %swap3A_655 = vector.shape_cast %mul3A_650 : vector<16xf32> to vector<1x16xf32>
        tpu.vector_store %arg24[%swap3A_651, %swap3A_652], %swap3A_655 {strides = array<i32>} : memref<128x16xf32, #tpu.memory_space<vmem>>, vector<1x16xf32>,
        %mul3A_656 = arith.constant 16 : i32
        %mul3A_657 = arith.muli %scan3A_397, %mul3A_656 : i32
        %add3A_658 = arith.constant 15 : i32
        %add3A_659 = arith.addi %mul3A_657, %add3A_658 : i32
        %slice3A_660 = vector.extract_strided_slice %get3A_402 {offsets = [15], sizes = [1], strides = [1]} : vector<16xf32> to vector<1xf32>
        %squeeze3A_661 = vector.extract %slice3A_660[0] : f32 from vector<1xf32>
        %get3A_662 = arith.index_cast %add3A_659 : i32 to index
        %get3A_663 = arith.constant 0 : index
        %get3A_664 = tpu.vector_load %arg24[%get3A_662, %get3A_663] {strides = array<i32>} : memref<128x16xf32, #tpu.memory_space<vmem>>, vector<1x16xf32>,
        %get3A_665 = vector.shape_cast %get3A_664 : vector<1x16xf32> to vector<16xf32>
        %mul3A_666 = vector.broadcast %squeeze3A_661 : f32 to vector<16xf32>
        %mul3A_667 = arith.mulf %mul3A_666, %get3A_665 : vector<16xf32>
        %swap3A_668 = arith.index_cast %add3A_659 : i32 to index
        %swap3A_669 = arith.constant 0 : index
        %swap3A_670 = tpu.vector_load %arg24[%swap3A_668, %swap3A_669] {strides = array<i32>} : memref<128x16xf32, #tpu.memory_space<vmem>>, vector<1x16xf32>,
        %swap3A_671 = vector.shape_cast %swap3A_670 : vector<1x16xf32> to vector<16xf32>
        %swap3A_672 = vector.shape_cast %mul3A_667 : vector<16xf32> to vector<1x16xf32>
        tpu.vector_store %arg24[%swap3A_668, %swap3A_669], %swap3A_672 {strides = array<i32>} : memref<128x16xf32, #tpu.memory_space<vmem>>, vector<1x16xf32>,
      }
      %scan3A_391 = arith.constant 8 : i32
      "tpu.region"() ({
        %run_scoped3A = tpu.sem_alloc : memref<!tpu.dma_semaphore, #tpu.memory_space<semaphore_mem>>
        %dma_start3A = arith.constant 0 : i32
        %dma_start3A_397 = tpu.memref_slice %arg12[%arg0, %add3A, %dma_start3A] : memref<2x102400x16xf32, #tpu.memory_space<hbm>> -> memref<1x128x16xf32, #tpu.memory_space<hbm>>
        %dma_start3A_398 = tpu.memref_squeeze %dma_start3A_397 : memref<1x128x16xf32, #tpu.memory_space<hbm>> -> memref<128x16xf32, #tpu.memory_space<hbm>>
        %dma_start3A_399 = arith.constant 0 : i32
        %dma_start3A_400 = tpu.memref_slice %arg12[%arg0, %add3A, %dma_start3A_399] : memref<2x102400x16xf32, #tpu.memory_space<hbm>> -> memref<1x128x16xf32, #tpu.memory_space<hbm>>
        %dma_start3A_401 = tpu.memref_squeeze %dma_start3A_400 : memref<1x128x16xf32, #tpu.memory_space<hbm>> -> memref<128x16xf32, #tpu.memory_space<hbm>>
        tpu.enqueue_dma source(%arg24 : memref<128x16xf32, #tpu.memory_space<vmem>>) target(%dma_start3A_401 : memref<128x16xf32, #tpu.memory_space<hbm>>) target_semaphore(%run_scoped3A : memref<!tpu.dma_semaphore, #tpu.memory_space<semaphore_mem>>)
        %dma_wait3A = arith.constant 0 : i32
        %dma_wait3A_402 = tpu.memref_slice %arg12[%arg0, %add3A, %dma_wait3A] : memref<2x102400x16xf32, #tpu.memory_space<hbm>> -> memref<1x128x16xf32, #tpu.memory_space<hbm>>
        %dma_wait3A_403 = tpu.memref_squeeze %dma_wait3A_402 : memref<1x128x16xf32, #tpu.memory_space<hbm>> -> memref<128x16xf32, #tpu.memory_space<hbm>>
        %dma_wait3A_404 = arith.constant 0 : i32
        %dma_wait3A_405 = tpu.memref_slice %arg12[%arg0, %add3A, %dma_wait3A_404] : memref<2x102400x16xf32, #tpu.memory_space<hbm>> -> memref<1x128x16xf32, #tpu.memory_space<hbm>>
        %dma_wait3A_406 = tpu.memref_squeeze %dma_wait3A_405 : memref<1x128x16xf32, #tpu.memory_space<hbm>> -> memref<128x16xf32, #tpu.memory_space<hbm>>
        tpu.wait_dma2 semaphore(%run_scoped3A : memref<!tpu.dma_semaphore, #tpu.memory_space<semaphore_mem>>) src(%arg24 : memref<128x16xf32, #tpu.memory_space<vmem>>) dst(%dma_wait3A_406 : memref<128x16xf32, #tpu.memory_space<hbm>>)
        tpu.yield
      }) : () -> ()
      "tpu.region"() ({
        %run_scoped3A = tpu.sem_alloc : memref<!tpu.dma_semaphore, #tpu.memory_space<semaphore_mem>>
        %dma_start3A = arith.constant 0 : i32
        %dma_start3A_397 = tpu.memref_slice %arg14[%add3A, %dma_start3A] : memref<102400x16xf32, #tpu.memory_space<vmem_shared>> -> memref<128x16xf32, #tpu.memory_space<vmem_shared>>
        %dma_start3A_398 = arith.constant 0 : i32
        %dma_start3A_399 = tpu.memref_slice %arg14[%add3A, %dma_start3A_398] : memref<102400x16xf32, #tpu.memory_space<vmem_shared>> -> memref<128x16xf32, #tpu.memory_space<vmem_shared>>
        tpu.enqueue_dma source(%arg24 : memref<128x16xf32, #tpu.memory_space<vmem>>) target(%dma_start3A_399 : memref<128x16xf32, #tpu.memory_space<vmem_shared>>) target_semaphore(%run_scoped3A : memref<!tpu.dma_semaphore, #tpu.memory_space<semaphore_mem>>)
        %dma_wait3A = arith.constant 0 : i32
        %dma_wait3A_400 = tpu.memref_slice %arg14[%add3A, %dma_wait3A] : memref<102400x16xf32, #tpu.memory_space<vmem_shared>> -> memref<128x16xf32, #tpu.memory_space<vmem_shared>>
        %dma_wait3A_401 = arith.constant 0 : i32
        %dma_wait3A_402 = tpu.memref_slice %arg14[%add3A, %dma_wait3A_401] : memref<102400x16xf32, #tpu.memory_space<vmem_shared>> -> memref<128x16xf32, #tpu.memory_space<vmem_shared>>
        tpu.wait_dma2 semaphore(%run_scoped3A : memref<!tpu.dma_semaphore, #tpu.memory_space<semaphore_mem>>) src(%arg24 : memref<128x16xf32, #tpu.memory_space<vmem>>) dst(%dma_wait3A_402 : memref<128x16xf32, #tpu.memory_space<vmem_shared>>)
        tpu.yield
      }) : () -> ()
      "tpu.region"() ({
        %run_scoped3A = tpu.sem_alloc : memref<!tpu.dma_semaphore, #tpu.memory_space<semaphore_mem>>
        %dma_start3A = arith.constant 0 : i32
        %dma_start3A_397 = tpu.memref_slice %arg5[%arg0, %add3A, %dma_start3A] : memref<2x102400x16xf32, #tpu.memory_space<hbm>> -> memref<1x128x16xf32, #tpu.memory_space<hbm>>
        %dma_start3A_398 = tpu.memref_squeeze %dma_start3A_397 : memref<1x128x16xf32, #tpu.memory_space<hbm>> -> memref<128x16xf32, #tpu.memory_space<hbm>>
        %dma_start3A_399 = arith.constant 0 : i32
        %dma_start3A_400 = tpu.memref_slice %arg5[%arg0, %add3A, %dma_start3A_399] : memref<2x102400x16xf32, #tpu.memory_space<hbm>> -> memref<1x128x16xf32, #tpu.memory_space<hbm>>
        %dma_start3A_401 = tpu.memref_squeeze %dma_start3A_400 : memref<1x128x16xf32, #tpu.memory_space<hbm>> -> memref<128x16xf32, #tpu.memory_space<hbm>>
        tpu.enqueue_dma source(%dma_start3A_401 : memref<128x16xf32, #tpu.memory_space<hbm>>) target(%arg24 : memref<128x16xf32, #tpu.memory_space<vmem>>) target_semaphore(%run_scoped3A : memref<!tpu.dma_semaphore, #tpu.memory_space<semaphore_mem>>)
        %dma_wait3A = arith.constant 0 : i32
        %dma_wait3A_402 = tpu.memref_slice %arg5[%arg0, %add3A, %dma_wait3A] : memref<2x102400x16xf32, #tpu.memory_space<hbm>> -> memref<1x128x16xf32, #tpu.memory_space<hbm>>
        %dma_wait3A_403 = tpu.memref_squeeze %dma_wait3A_402 : memref<1x128x16xf32, #tpu.memory_space<hbm>> -> memref<128x16xf32, #tpu.memory_space<hbm>>
        %dma_wait3A_404 = arith.constant 0 : i32
        %dma_wait3A_405 = tpu.memref_slice %arg5[%arg0, %add3A, %dma_wait3A_404] : memref<2x102400x16xf32, #tpu.memory_space<hbm>> -> memref<1x128x16xf32, #tpu.memory_space<hbm>>
        %dma_wait3A_406 = tpu.memref_squeeze %dma_wait3A_405 : memref<1x128x16xf32, #tpu.memory_space<hbm>> -> memref<128x16xf32, #tpu.memory_space<hbm>>
        tpu.wait_dma2 semaphore(%run_scoped3A : memref<!tpu.dma_semaphore, #tpu.memory_space<semaphore_mem>>) src(%dma_wait3A_406 : memref<128x16xf32, #tpu.memory_space<hbm>>) dst(%arg24 : memref<128x16xf32, #tpu.memory_space<vmem>>)
        tpu.yield
      }) : () -> ()
      %scan3A_392 = arith.constant 0 : i32
      %scan3A_393 = arith.constant 8 : i32
      %scan3A_394 = arith.addi %scan3A_392, %scan3A_393 : i32
      %scan3A_395 = arith.constant 1 : i32
      scf.for %scan3A_397 = %scan3A_392 to %scan3A_394 step %scan3A_395  : i32 {
        %mul3A_398 = arith.constant 16 : i32
        %mul3A_399 = arith.muli %scan3A_397, %mul3A_398 : i32
        %get3A_400 = arith.index_cast %mul3A_399 : i32 to index
        %get3A_401 = tpu.vector_load %arg25[%get3A_400] {strides = array<i32>} : memref<128xf32, #tpu.memory_space<vmem>>, vector<16xf32>,
        %get3A_402 = vector.shape_cast %get3A_401 : vector<16xf32> to vector<16xf32>
        %mul3A_403 = arith.constant 16 : i32
        %mul3A_404 = arith.muli %scan3A_397, %mul3A_403 : i32
        %add3A_405 = arith.constant 0 : i32
        %add3A_406 = arith.addi %mul3A_404, %add3A_405 : i32
        %slice3A = vector.extract_strided_slice %get3A_402 {offsets = [0], sizes = [1], strides = [1]} : vector<16xf32> to vector<1xf32>
        %squeeze3A = vector.extract %slice3A[0] : f32 from vector<1xf32>
        %get3A_407 = arith.index_cast %add3A_406 : i32 to index
        %get3A_408 = arith.constant 0 : index
        %get3A_409 = tpu.vector_load %arg24[%get3A_407, %get3A_408] {strides = array<i32>} : memref<128x16xf32, #tpu.memory_space<vmem>>, vector<1x16xf32>,
        %get3A_410 = vector.shape_cast %get3A_409 : vector<1x16xf32> to vector<16xf32>
        %mul3A_411 = vector.broadcast %squeeze3A : f32 to vector<16xf32>
        %mul3A_412 = arith.mulf %mul3A_411, %get3A_410 : vector<16xf32>
        %swap3A_413 = arith.index_cast %add3A_406 : i32 to index
        %swap3A_414 = arith.constant 0 : index
        %swap3A_415 = tpu.vector_load %arg24[%swap3A_413, %swap3A_414] {strides = array<i32>} : memref<128x16xf32, #tpu.memory_space<vmem>>, vector<1x16xf32>,
        %swap3A_416 = vector.shape_cast %swap3A_415 : vector<1x16xf32> to vector<16xf32>
        %swap3A_417 = vector.shape_cast %mul3A_412 : vector<16xf32> to vector<1x16xf32>
        tpu.vector_store %arg24[%swap3A_413, %swap3A_414], %swap3A_417 {strides = array<i32>} : memref<128x16xf32, #tpu.memory_space<vmem>>, vector<1x16xf32>,
        %mul3A_418 = arith.constant 16 : i32
        %mul3A_419 = arith.muli %scan3A_397, %mul3A_418 : i32
        %add3A_420 = arith.constant 1 : i32
        %add3A_421 = arith.addi %mul3A_419, %add3A_420 : i32
        %slice3A_422 = vector.extract_strided_slice %get3A_402 {offsets = [1], sizes = [1], strides = [1]} : vector<16xf32> to vector<1xf32>
        %squeeze3A_423 = vector.extract %slice3A_422[0] : f32 from vector<1xf32>
        %get3A_424 = arith.index_cast %add3A_421 : i32 to index
        %get3A_425 = arith.constant 0 : index
        %get3A_426 = tpu.vector_load %arg24[%get3A_424, %get3A_425] {strides = array<i32>} : memref<128x16xf32, #tpu.memory_space<vmem>>, vector<1x16xf32>,
        %get3A_427 = vector.shape_cast %get3A_426 : vector<1x16xf32> to vector<16xf32>
        %mul3A_428 = vector.broadcast %squeeze3A_423 : f32 to vector<16xf32>
        %mul3A_429 = arith.mulf %mul3A_428, %get3A_427 : vector<16xf32>
        %swap3A_430 = arith.index_cast %add3A_421 : i32 to index
        %swap3A_431 = arith.constant 0 : index
        %swap3A_432 = tpu.vector_load %arg24[%swap3A_430, %swap3A_431] {strides = array<i32>} : memref<128x16xf32, #tpu.memory_space<vmem>>, vector<1x16xf32>,
        %swap3A_433 = vector.shape_cast %swap3A_432 : vector<1x16xf32> to vector<16xf32>
        %swap3A_434 = vector.shape_cast %mul3A_429 : vector<16xf32> to vector<1x16xf32>
        tpu.vector_store %arg24[%swap3A_430, %swap3A_431], %swap3A_434 {strides = array<i32>} : memref<128x16xf32, #tpu.memory_space<vmem>>, vector<1x16xf32>,
        %mul3A_435 = arith.constant 16 : i32
        %mul3A_436 = arith.muli %scan3A_397, %mul3A_435 : i32
        %add3A_437 = arith.constant 2 : i32
        %add3A_438 = arith.addi %mul3A_436, %add3A_437 : i32
        %slice3A_439 = vector.extract_strided_slice %get3A_402 {offsets = [2], sizes = [1], strides = [1]} : vector<16xf32> to vector<1xf32>
        %squeeze3A_440 = vector.extract %slice3A_439[0] : f32 from vector<1xf32>
        %get3A_441 = arith.index_cast %add3A_438 : i32 to index
        %get3A_442 = arith.constant 0 : index
        %get3A_443 = tpu.vector_load %arg24[%get3A_441, %get3A_442] {strides = array<i32>} : memref<128x16xf32, #tpu.memory_space<vmem>>, vector<1x16xf32>,
        %get3A_444 = vector.shape_cast %get3A_443 : vector<1x16xf32> to vector<16xf32>
        %mul3A_445 = vector.broadcast %squeeze3A_440 : f32 to vector<16xf32>
        %mul3A_446 = arith.mulf %mul3A_445, %get3A_444 : vector<16xf32>
        %swap3A_447 = arith.index_cast %add3A_438 : i32 to index
        %swap3A_448 = arith.constant 0 : index
        %swap3A_449 = tpu.vector_load %arg24[%swap3A_447, %swap3A_448] {strides = array<i32>} : memref<128x16xf32, #tpu.memory_space<vmem>>, vector<1x16xf32>,
        %swap3A_450 = vector.shape_cast %swap3A_449 : vector<1x16xf32> to vector<16xf32>
        %swap3A_451 = vector.shape_cast %mul3A_446 : vector<16xf32> to vector<1x16xf32>
        tpu.vector_store %arg24[%swap3A_447, %swap3A_448], %swap3A_451 {strides = array<i32>} : memref<128x16xf32, #tpu.memory_space<vmem>>, vector<1x16xf32>,
        %mul3A_452 = arith.constant 16 : i32
        %mul3A_453 = arith.muli %scan3A_397, %mul3A_452 : i32
        %add3A_454 = arith.constant 3 : i32
        %add3A_455 = arith.addi %mul3A_453, %add3A_454 : i32
        %slice3A_456 = vector.extract_strided_slice %get3A_402 {offsets = [3], sizes = [1], strides = [1]} : vector<16xf32> to vector<1xf32>
        %squeeze3A_457 = vector.extract %slice3A_456[0] : f32 from vector<1xf32>
        %get3A_458 = arith.index_cast %add3A_455 : i32 to index
        %get3A_459 = arith.constant 0 : index
        %get3A_460 = tpu.vector_load %arg24[%get3A_458, %get3A_459] {strides = array<i32>} : memref<128x16xf32, #tpu.memory_space<vmem>>, vector<1x16xf32>,
        %get3A_461 = vector.shape_cast %get3A_460 : vector<1x16xf32> to vector<16xf32>
        %mul3A_462 = vector.broadcast %squeeze3A_457 : f32 to vector<16xf32>
        %mul3A_463 = arith.mulf %mul3A_462, %get3A_461 : vector<16xf32>
        %swap3A_464 = arith.index_cast %add3A_455 : i32 to index
        %swap3A_465 = arith.constant 0 : index
        %swap3A_466 = tpu.vector_load %arg24[%swap3A_464, %swap3A_465] {strides = array<i32>} : memref<128x16xf32, #tpu.memory_space<vmem>>, vector<1x16xf32>,
        %swap3A_467 = vector.shape_cast %swap3A_466 : vector<1x16xf32> to vector<16xf32>
        %swap3A_468 = vector.shape_cast %mul3A_463 : vector<16xf32> to vector<1x16xf32>
        tpu.vector_store %arg24[%swap3A_464, %swap3A_465], %swap3A_468 {strides = array<i32>} : memref<128x16xf32, #tpu.memory_space<vmem>>, vector<1x16xf32>,
        %mul3A_469 = arith.constant 16 : i32
        %mul3A_470 = arith.muli %scan3A_397, %mul3A_469 : i32
        %add3A_471 = arith.constant 4 : i32
        %add3A_472 = arith.addi %mul3A_470, %add3A_471 : i32
        %slice3A_473 = vector.extract_strided_slice %get3A_402 {offsets = [4], sizes = [1], strides = [1]} : vector<16xf32> to vector<1xf32>
        %squeeze3A_474 = vector.extract %slice3A_473[0] : f32 from vector<1xf32>
        %get3A_475 = arith.index_cast %add3A_472 : i32 to index
        %get3A_476 = arith.constant 0 : index
        %get3A_477 = tpu.vector_load %arg24[%get3A_475, %get3A_476] {strides = array<i32>} : memref<128x16xf32, #tpu.memory_space<vmem>>, vector<1x16xf32>,
        %get3A_478 = vector.shape_cast %get3A_477 : vector<1x16xf32> to vector<16xf32>
        %mul3A_479 = vector.broadcast %squeeze3A_474 : f32 to vector<16xf32>
        %mul3A_480 = arith.mulf %mul3A_479, %get3A_478 : vector<16xf32>
        %swap3A_481 = arith.index_cast %add3A_472 : i32 to index
        %swap3A_482 = arith.constant 0 : index
        %swap3A_483 = tpu.vector_load %arg24[%swap3A_481, %swap3A_482] {strides = array<i32>} : memref<128x16xf32, #tpu.memory_space<vmem>>, vector<1x16xf32>,
        %swap3A_484 = vector.shape_cast %swap3A_483 : vector<1x16xf32> to vector<16xf32>
        %swap3A_485 = vector.shape_cast %mul3A_480 : vector<16xf32> to vector<1x16xf32>
        tpu.vector_store %arg24[%swap3A_481, %swap3A_482], %swap3A_485 {strides = array<i32>} : memref<128x16xf32, #tpu.memory_space<vmem>>, vector<1x16xf32>,
        %mul3A_486 = arith.constant 16 : i32
        %mul3A_487 = arith.muli %scan3A_397, %mul3A_486 : i32
        %add3A_488 = arith.constant 5 : i32
        %add3A_489 = arith.addi %mul3A_487, %add3A_488 : i32
        %slice3A_490 = vector.extract_strided_slice %get3A_402 {offsets = [5], sizes = [1], strides = [1]} : vector<16xf32> to vector<1xf32>
        %squeeze3A_491 = vector.extract %slice3A_490[0] : f32 from vector<1xf32>
        %get3A_492 = arith.index_cast %add3A_489 : i32 to index
        %get3A_493 = arith.constant 0 : index
        %get3A_494 = tpu.vector_load %arg24[%get3A_492, %get3A_493] {strides = array<i32>} : memref<128x16xf32, #tpu.memory_space<vmem>>, vector<1x16xf32>,
        %get3A_495 = vector.shape_cast %get3A_494 : vector<1x16xf32> to vector<16xf32>
        %mul3A_496 = vector.broadcast %squeeze3A_491 : f32 to vector<16xf32>
        %mul3A_497 = arith.mulf %mul3A_496, %get3A_495 : vector<16xf32>
        %swap3A_498 = arith.index_cast %add3A_489 : i32 to index
        %swap3A_499 = arith.constant 0 : index
        %swap3A_500 = tpu.vector_load %arg24[%swap3A_498, %swap3A_499] {strides = array<i32>} : memref<128x16xf32, #tpu.memory_space<vmem>>, vector<1x16xf32>,
        %swap3A_501 = vector.shape_cast %swap3A_500 : vector<1x16xf32> to vector<16xf32>
        %swap3A_502 = vector.shape_cast %mul3A_497 : vector<16xf32> to vector<1x16xf32>
        tpu.vector_store %arg24[%swap3A_498, %swap3A_499], %swap3A_502 {strides = array<i32>} : memref<128x16xf32, #tpu.memory_space<vmem>>, vector<1x16xf32>,
        %mul3A_503 = arith.constant 16 : i32
        %mul3A_504 = arith.muli %scan3A_397, %mul3A_503 : i32
        %add3A_505 = arith.constant 6 : i32
        %add3A_506 = arith.addi %mul3A_504, %add3A_505 : i32
        %slice3A_507 = vector.extract_strided_slice %get3A_402 {offsets = [6], sizes = [1], strides = [1]} : vector<16xf32> to vector<1xf32>
        %squeeze3A_508 = vector.extract %slice3A_507[0] : f32 from vector<1xf32>
        %get3A_509 = arith.index_cast %add3A_506 : i32 to index
        %get3A_510 = arith.constant 0 : index
        %get3A_511 = tpu.vector_load %arg24[%get3A_509, %get3A_510] {strides = array<i32>} : memref<128x16xf32, #tpu.memory_space<vmem>>, vector<1x16xf32>,
        %get3A_512 = vector.shape_cast %get3A_511 : vector<1x16xf32> to vector<16xf32>
        %mul3A_513 = vector.broadcast %squeeze3A_508 : f32 to vector<16xf32>
        %mul3A_514 = arith.mulf %mul3A_513, %get3A_512 : vector<16xf32>
        %swap3A_515 = arith.index_cast %add3A_506 : i32 to index
        %swap3A_516 = arith.constant 0 : index
        %swap3A_517 = tpu.vector_load %arg24[%swap3A_515, %swap3A_516] {strides = array<i32>} : memref<128x16xf32, #tpu.memory_space<vmem>>, vector<1x16xf32>,
        %swap3A_518 = vector.shape_cast %swap3A_517 : vector<1x16xf32> to vector<16xf32>
        %swap3A_519 = vector.shape_cast %mul3A_514 : vector<16xf32> to vector<1x16xf32>
        tpu.vector_store %arg24[%swap3A_515, %swap3A_516], %swap3A_519 {strides = array<i32>} : memref<128x16xf32, #tpu.memory_space<vmem>>, vector<1x16xf32>,
        %mul3A_520 = arith.constant 16 : i32
        %mul3A_521 = arith.muli %scan3A_397, %mul3A_520 : i32
        %add3A_522 = arith.constant 7 : i32
        %add3A_523 = arith.addi %mul3A_521, %add3A_522 : i32
        %slice3A_524 = vector.extract_strided_slice %get3A_402 {offsets = [7], sizes = [1], strides = [1]} : vector<16xf32> to vector<1xf32>
        %squeeze3A_525 = vector.extract %slice3A_524[0] : f32 from vector<1xf32>
        %get3A_526 = arith.index_cast %add3A_523 : i32 to index
        %get3A_527 = arith.constant 0 : index
        %get3A_528 = tpu.vector_load %arg24[%get3A_526, %get3A_527] {strides = array<i32>} : memref<128x16xf32, #tpu.memory_space<vmem>>, vector<1x16xf32>,
        %get3A_529 = vector.shape_cast %get3A_528 : vector<1x16xf32> to vector<16xf32>
        %mul3A_530 = vector.broadcast %squeeze3A_525 : f32 to vector<16xf32>
        %mul3A_531 = arith.mulf %mul3A_530, %get3A_529 : vector<16xf32>
        %swap3A_532 = arith.index_cast %add3A_523 : i32 to index
        %swap3A_533 = arith.constant 0 : index
        %swap3A_534 = tpu.vector_load %arg24[%swap3A_532, %swap3A_533] {strides = array<i32>} : memref<128x16xf32, #tpu.memory_space<vmem>>, vector<1x16xf32>,
        %swap3A_535 = vector.shape_cast %swap3A_534 : vector<1x16xf32> to vector<16xf32>
        %swap3A_536 = vector.shape_cast %mul3A_531 : vector<16xf32> to vector<1x16xf32>
        tpu.vector_store %arg24[%swap3A_532, %swap3A_533], %swap3A_536 {strides = array<i32>} : memref<128x16xf32, #tpu.memory_space<vmem>>, vector<1x16xf32>,
        %mul3A_537 = arith.constant 16 : i32
        %mul3A_538 = arith.muli %scan3A_397, %mul3A_537 : i32
        %add3A_539 = arith.constant 8 : i32
        %add3A_540 = arith.addi %mul3A_538, %add3A_539 : i32
        %slice3A_541 = vector.extract_strided_slice %get3A_402 {offsets = [8], sizes = [1], strides = [1]} : vector<16xf32> to vector<1xf32>
        %squeeze3A_542 = vector.extract %slice3A_541[0] : f32 from vector<1xf32>
        %get3A_543 = arith.index_cast %add3A_540 : i32 to index
        %get3A_544 = arith.constant 0 : index
        %get3A_545 = tpu.vector_load %arg24[%get3A_543, %get3A_544] {strides = array<i32>} : memref<128x16xf32, #tpu.memory_space<vmem>>, vector<1x16xf32>,
        %get3A_546 = vector.shape_cast %get3A_545 : vector<1x16xf32> to vector<16xf32>
        %mul3A_547 = vector.broadcast %squeeze3A_542 : f32 to vector<16xf32>
        %mul3A_548 = arith.mulf %mul3A_547, %get3A_546 : vector<16xf32>
        %swap3A_549 = arith.index_cast %add3A_540 : i32 to index
        %swap3A_550 = arith.constant 0 : index
        %swap3A_551 = tpu.vector_load %arg24[%swap3A_549, %swap3A_550] {strides = array<i32>} : memref<128x16xf32, #tpu.memory_space<vmem>>, vector<1x16xf32>,
        %swap3A_552 = vector.shape_cast %swap3A_551 : vector<1x16xf32> to vector<16xf32>
        %swap3A_553 = vector.shape_cast %mul3A_548 : vector<16xf32> to vector<1x16xf32>
        tpu.vector_store %arg24[%swap3A_549, %swap3A_550], %swap3A_553 {strides = array<i32>} : memref<128x16xf32, #tpu.memory_space<vmem>>, vector<1x16xf32>,
        %mul3A_554 = arith.constant 16 : i32
        %mul3A_555 = arith.muli %scan3A_397, %mul3A_554 : i32
        %add3A_556 = arith.constant 9 : i32
        %add3A_557 = arith.addi %mul3A_555, %add3A_556 : i32
        %slice3A_558 = vector.extract_strided_slice %get3A_402 {offsets = [9], sizes = [1], strides = [1]} : vector<16xf32> to vector<1xf32>
        %squeeze3A_559 = vector.extract %slice3A_558[0] : f32 from vector<1xf32>
        %get3A_560 = arith.index_cast %add3A_557 : i32 to index
        %get3A_561 = arith.constant 0 : index
        %get3A_562 = tpu.vector_load %arg24[%get3A_560, %get3A_561] {strides = array<i32>} : memref<128x16xf32, #tpu.memory_space<vmem>>, vector<1x16xf32>,
        %get3A_563 = vector.shape_cast %get3A_562 : vector<1x16xf32> to vector<16xf32>
        %mul3A_564 = vector.broadcast %squeeze3A_559 : f32 to vector<16xf32>
        %mul3A_565 = arith.mulf %mul3A_564, %get3A_563 : vector<16xf32>
        %swap3A_566 = arith.index_cast %add3A_557 : i32 to index
        %swap3A_567 = arith.constant 0 : index
        %swap3A_568 = tpu.vector_load %arg24[%swap3A_566, %swap3A_567] {strides = array<i32>} : memref<128x16xf32, #tpu.memory_space<vmem>>, vector<1x16xf32>,
        %swap3A_569 = vector.shape_cast %swap3A_568 : vector<1x16xf32> to vector<16xf32>
        %swap3A_570 = vector.shape_cast %mul3A_565 : vector<16xf32> to vector<1x16xf32>
        tpu.vector_store %arg24[%swap3A_566, %swap3A_567], %swap3A_570 {strides = array<i32>} : memref<128x16xf32, #tpu.memory_space<vmem>>, vector<1x16xf32>,
        %mul3A_571 = arith.constant 16 : i32
        %mul3A_572 = arith.muli %scan3A_397, %mul3A_571 : i32
        %add3A_573 = arith.constant 10 : i32
        %add3A_574 = arith.addi %mul3A_572, %add3A_573 : i32
        %slice3A_575 = vector.extract_strided_slice %get3A_402 {offsets = [10], sizes = [1], strides = [1]} : vector<16xf32> to vector<1xf32>
        %squeeze3A_576 = vector.extract %slice3A_575[0] : f32 from vector<1xf32>
        %get3A_577 = arith.index_cast %add3A_574 : i32 to index
        %get3A_578 = arith.constant 0 : index
        %get3A_579 = tpu.vector_load %arg24[%get3A_577, %get3A_578] {strides = array<i32>} : memref<128x16xf32, #tpu.memory_space<vmem>>, vector<1x16xf32>,
        %get3A_580 = vector.shape_cast %get3A_579 : vector<1x16xf32> to vector<16xf32>
        %mul3A_581 = vector.broadcast %squeeze3A_576 : f32 to vector<16xf32>
        %mul3A_582 = arith.mulf %mul3A_581, %get3A_580 : vector<16xf32>
        %swap3A_583 = arith.index_cast %add3A_574 : i32 to index
        %swap3A_584 = arith.constant 0 : index
        %swap3A_585 = tpu.vector_load %arg24[%swap3A_583, %swap3A_584] {strides = array<i32>} : memref<128x16xf32, #tpu.memory_space<vmem>>, vector<1x16xf32>,
        %swap3A_586 = vector.shape_cast %swap3A_585 : vector<1x16xf32> to vector<16xf32>
        %swap3A_587 = vector.shape_cast %mul3A_582 : vector<16xf32> to vector<1x16xf32>
        tpu.vector_store %arg24[%swap3A_583, %swap3A_584], %swap3A_587 {strides = array<i32>} : memref<128x16xf32, #tpu.memory_space<vmem>>, vector<1x16xf32>,
        %mul3A_588 = arith.constant 16 : i32
        %mul3A_589 = arith.muli %scan3A_397, %mul3A_588 : i32
        %add3A_590 = arith.constant 11 : i32
        %add3A_591 = arith.addi %mul3A_589, %add3A_590 : i32
        %slice3A_592 = vector.extract_strided_slice %get3A_402 {offsets = [11], sizes = [1], strides = [1]} : vector<16xf32> to vector<1xf32>
        %squeeze3A_593 = vector.extract %slice3A_592[0] : f32 from vector<1xf32>
        %get3A_594 = arith.index_cast %add3A_591 : i32 to index
        %get3A_595 = arith.constant 0 : index
        %get3A_596 = tpu.vector_load %arg24[%get3A_594, %get3A_595] {strides = array<i32>} : memref<128x16xf32, #tpu.memory_space<vmem>>, vector<1x16xf32>,
        %get3A_597 = vector.shape_cast %get3A_596 : vector<1x16xf32> to vector<16xf32>
        %mul3A_598 = vector.broadcast %squeeze3A_593 : f32 to vector<16xf32>
        %mul3A_599 = arith.mulf %mul3A_598, %get3A_597 : vector<16xf32>
        %swap3A_600 = arith.index_cast %add3A_591 : i32 to index
        %swap3A_601 = arith.constant 0 : index
        %swap3A_602 = tpu.vector_load %arg24[%swap3A_600, %swap3A_601] {strides = array<i32>} : memref<128x16xf32, #tpu.memory_space<vmem>>, vector<1x16xf32>,
        %swap3A_603 = vector.shape_cast %swap3A_602 : vector<1x16xf32> to vector<16xf32>
        %swap3A_604 = vector.shape_cast %mul3A_599 : vector<16xf32> to vector<1x16xf32>
        tpu.vector_store %arg24[%swap3A_600, %swap3A_601], %swap3A_604 {strides = array<i32>} : memref<128x16xf32, #tpu.memory_space<vmem>>, vector<1x16xf32>,
        %mul3A_605 = arith.constant 16 : i32
        %mul3A_606 = arith.muli %scan3A_397, %mul3A_605 : i32
        %add3A_607 = arith.constant 12 : i32
        %add3A_608 = arith.addi %mul3A_606, %add3A_607 : i32
        %slice3A_609 = vector.extract_strided_slice %get3A_402 {offsets = [12], sizes = [1], strides = [1]} : vector<16xf32> to vector<1xf32>
        %squeeze3A_610 = vector.extract %slice3A_609[0] : f32 from vector<1xf32>
        %get3A_611 = arith.index_cast %add3A_608 : i32 to index
        %get3A_612 = arith.constant 0 : index
        %get3A_613 = tpu.vector_load %arg24[%get3A_611, %get3A_612] {strides = array<i32>} : memref<128x16xf32, #tpu.memory_space<vmem>>, vector<1x16xf32>,
        %get3A_614 = vector.shape_cast %get3A_613 : vector<1x16xf32> to vector<16xf32>
        %mul3A_615 = vector.broadcast %squeeze3A_610 : f32 to vector<16xf32>
        %mul3A_616 = arith.mulf %mul3A_615, %get3A_614 : vector<16xf32>
        %swap3A_617 = arith.index_cast %add3A_608 : i32 to index
        %swap3A_618 = arith.constant 0 : index
        %swap3A_619 = tpu.vector_load %arg24[%swap3A_617, %swap3A_618] {strides = array<i32>} : memref<128x16xf32, #tpu.memory_space<vmem>>, vector<1x16xf32>,
        %swap3A_620 = vector.shape_cast %swap3A_619 : vector<1x16xf32> to vector<16xf32>
        %swap3A_621 = vector.shape_cast %mul3A_616 : vector<16xf32> to vector<1x16xf32>
        tpu.vector_store %arg24[%swap3A_617, %swap3A_618], %swap3A_621 {strides = array<i32>} : memref<128x16xf32, #tpu.memory_space<vmem>>, vector<1x16xf32>,
        %mul3A_622 = arith.constant 16 : i32
        %mul3A_623 = arith.muli %scan3A_397, %mul3A_622 : i32
        %add3A_624 = arith.constant 13 : i32
        %add3A_625 = arith.addi %mul3A_623, %add3A_624 : i32
        %slice3A_626 = vector.extract_strided_slice %get3A_402 {offsets = [13], sizes = [1], strides = [1]} : vector<16xf32> to vector<1xf32>
        %squeeze3A_627 = vector.extract %slice3A_626[0] : f32 from vector<1xf32>
        %get3A_628 = arith.index_cast %add3A_625 : i32 to index
        %get3A_629 = arith.constant 0 : index
        %get3A_630 = tpu.vector_load %arg24[%get3A_628, %get3A_629] {strides = array<i32>} : memref<128x16xf32, #tpu.memory_space<vmem>>, vector<1x16xf32>,
        %get3A_631 = vector.shape_cast %get3A_630 : vector<1x16xf32> to vector<16xf32>
        %mul3A_632 = vector.broadcast %squeeze3A_627 : f32 to vector<16xf32>
        %mul3A_633 = arith.mulf %mul3A_632, %get3A_631 : vector<16xf32>
        %swap3A_634 = arith.index_cast %add3A_625 : i32 to index
        %swap3A_635 = arith.constant 0 : index
        %swap3A_636 = tpu.vector_load %arg24[%swap3A_634, %swap3A_635] {strides = array<i32>} : memref<128x16xf32, #tpu.memory_space<vmem>>, vector<1x16xf32>,
        %swap3A_637 = vector.shape_cast %swap3A_636 : vector<1x16xf32> to vector<16xf32>
        %swap3A_638 = vector.shape_cast %mul3A_633 : vector<16xf32> to vector<1x16xf32>
        tpu.vector_store %arg24[%swap3A_634, %swap3A_635], %swap3A_638 {strides = array<i32>} : memref<128x16xf32, #tpu.memory_space<vmem>>, vector<1x16xf32>,
        %mul3A_639 = arith.constant 16 : i32
        %mul3A_640 = arith.muli %scan3A_397, %mul3A_639 : i32
        %add3A_641 = arith.constant 14 : i32
        %add3A_642 = arith.addi %mul3A_640, %add3A_641 : i32
        %slice3A_643 = vector.extract_strided_slice %get3A_402 {offsets = [14], sizes = [1], strides = [1]} : vector<16xf32> to vector<1xf32>
        %squeeze3A_644 = vector.extract %slice3A_643[0] : f32 from vector<1xf32>
        %get3A_645 = arith.index_cast %add3A_642 : i32 to index
        %get3A_646 = arith.constant 0 : index
        %get3A_647 = tpu.vector_load %arg24[%get3A_645, %get3A_646] {strides = array<i32>} : memref<128x16xf32, #tpu.memory_space<vmem>>, vector<1x16xf32>,
        %get3A_648 = vector.shape_cast %get3A_647 : vector<1x16xf32> to vector<16xf32>
        %mul3A_649 = vector.broadcast %squeeze3A_644 : f32 to vector<16xf32>
        %mul3A_650 = arith.mulf %mul3A_649, %get3A_648 : vector<16xf32>
        %swap3A_651 = arith.index_cast %add3A_642 : i32 to index
        %swap3A_652 = arith.constant 0 : index
        %swap3A_653 = tpu.vector_load %arg24[%swap3A_651, %swap3A_652] {strides = array<i32>} : memref<128x16xf32, #tpu.memory_space<vmem>>, vector<1x16xf32>,
        %swap3A_654 = vector.shape_cast %swap3A_653 : vector<1x16xf32> to vector<16xf32>
        %swap3A_655 = vector.shape_cast %mul3A_650 : vector<16xf32> to vector<1x16xf32>
        tpu.vector_store %arg24[%swap3A_651, %swap3A_652], %swap3A_655 {strides = array<i32>} : memref<128x16xf32, #tpu.memory_space<vmem>>, vector<1x16xf32>,
        %mul3A_656 = arith.constant 16 : i32
        %mul3A_657 = arith.muli %scan3A_397, %mul3A_656 : i32
        %add3A_658 = arith.constant 15 : i32
        %add3A_659 = arith.addi %mul3A_657, %add3A_658 : i32
        %slice3A_660 = vector.extract_strided_slice %get3A_402 {offsets = [15], sizes = [1], strides = [1]} : vector<16xf32> to vector<1xf32>
        %squeeze3A_661 = vector.extract %slice3A_660[0] : f32 from vector<1xf32>
        %get3A_662 = arith.index_cast %add3A_659 : i32 to index
        %get3A_663 = arith.constant 0 : index
        %get3A_664 = tpu.vector_load %arg24[%get3A_662, %get3A_663] {strides = array<i32>} : memref<128x16xf32, #tpu.memory_space<vmem>>, vector<1x16xf32>,
        %get3A_665 = vector.shape_cast %get3A_664 : vector<1x16xf32> to vector<16xf32>
        %mul3A_666 = vector.broadcast %squeeze3A_661 : f32 to vector<16xf32>
        %mul3A_667 = arith.mulf %mul3A_666, %get3A_665 : vector<16xf32>
        %swap3A_668 = arith.index_cast %add3A_659 : i32 to index
        %swap3A_669 = arith.constant 0 : index
        %swap3A_670 = tpu.vector_load %arg24[%swap3A_668, %swap3A_669] {strides = array<i32>} : memref<128x16xf32, #tpu.memory_space<vmem>>, vector<1x16xf32>,
        %swap3A_671 = vector.shape_cast %swap3A_670 : vector<1x16xf32> to vector<16xf32>
        %swap3A_672 = vector.shape_cast %mul3A_667 : vector<16xf32> to vector<1x16xf32>
        tpu.vector_store %arg24[%swap3A_668, %swap3A_669], %swap3A_672 {strides = array<i32>} : memref<128x16xf32, #tpu.memory_space<vmem>>, vector<1x16xf32>,
      }
      %scan3A_396 = arith.constant 8 : i32
      "tpu.region"() ({
        %run_scoped3A = tpu.sem_alloc : memref<!tpu.dma_semaphore, #tpu.memory_space<semaphore_mem>>
        %dma_start3A = arith.constant 0 : i32
        %dma_start3A_397 = tpu.memref_slice %arg13[%arg0, %add3A, %dma_start3A] : memref<2x102400x16xf32, #tpu.memory_space<hbm>> -> memref<1x128x16xf32, #tpu.memory_space<hbm>>
        %dma_start3A_398 = tpu.memref_squeeze %dma_start3A_397 : memref<1x128x16xf32, #tpu.memory_space<hbm>> -> memref<128x16xf32, #tpu.memory_space<hbm>>
        %dma_start3A_399 = arith.constant 0 : i32
        %dma_start3A_400 = tpu.memref_slice %arg13[%arg0, %add3A, %dma_start3A_399] : memref<2x102400x16xf32, #tpu.memory_space<hbm>> -> memref<1x128x16xf32, #tpu.memory_space<hbm>>
        %dma_start3A_401 = tpu.memref_squeeze %dma_start3A_400 : memref<1x128x16xf32, #tpu.memory_space<hbm>> -> memref<128x16xf32, #tpu.memory_space<hbm>>
        tpu.enqueue_dma source(%arg24 : memref<128x16xf32, #tpu.memory_space<vmem>>) target(%dma_start3A_401 : memref<128x16xf32, #tpu.memory_space<hbm>>) target_semaphore(%run_scoped3A : memref<!tpu.dma_semaphore, #tpu.memory_space<semaphore_mem>>)
        %dma_wait3A = arith.constant 0 : i32
        %dma_wait3A_402 = tpu.memref_slice %arg13[%arg0, %add3A, %dma_wait3A] : memref<2x102400x16xf32, #tpu.memory_space<hbm>> -> memref<1x128x16xf32, #tpu.memory_space<hbm>>
        %dma_wait3A_403 = tpu.memref_squeeze %dma_wait3A_402 : memref<1x128x16xf32, #tpu.memory_space<hbm>> -> memref<128x16xf32, #tpu.memory_space<hbm>>
        %dma_wait3A_404 = arith.constant 0 : i32
        %dma_wait3A_405 = tpu.memref_slice %arg13[%arg0, %add3A, %dma_wait3A_404] : memref<2x102400x16xf32, #tpu.memory_space<hbm>> -> memref<1x128x16xf32, #tpu.memory_space<hbm>>
        %dma_wait3A_406 = tpu.memref_squeeze %dma_wait3A_405 : memref<1x128x16xf32, #tpu.memory_space<hbm>> -> memref<128x16xf32, #tpu.memory_space<hbm>>
        tpu.wait_dma2 semaphore(%run_scoped3A : memref<!tpu.dma_semaphore, #tpu.memory_space<semaphore_mem>>) src(%arg24 : memref<128x16xf32, #tpu.memory_space<vmem>>) dst(%dma_wait3A_406 : memref<128x16xf32, #tpu.memory_space<hbm>>)
        tpu.yield
      }) : () -> ()
    }
    %scan3A_12 = arith.constant 50 : i32
    "tpu.region"() ({
      %run_scoped3A = tpu.sem_alloc : memref<!tpu.dma_semaphore, #tpu.memory_space<semaphore_mem>>
      %dma_start3A = tpu.memref_slice %arg15[%mul3A_0] : memref<102400xf32, #tpu.memory_space<vmem_shared>> -> memref<6400xf32, #tpu.memory_space<vmem_shared>>
      tpu.enqueue_dma source(%arg6 : memref<6400xf32, #tpu.memory_space<hbm>>) target(%dma_start3A : memref<6400xf32, #tpu.memory_space<vmem_shared>>) target_semaphore(%run_scoped3A : memref<!tpu.dma_semaphore, #tpu.memory_space<semaphore_mem>>)
      %dma_wait3A = tpu.memref_slice %arg15[%mul3A_0] : memref<102400xf32, #tpu.memory_space<vmem_shared>> -> memref<6400xf32, #tpu.memory_space<vmem_shared>>
      tpu.wait_dma2 semaphore(%run_scoped3A : memref<!tpu.dma_semaphore, #tpu.memory_space<semaphore_mem>>) src(%arg6 : memref<6400xf32, #tpu.memory_space<hbm>>) dst(%dma_wait3A : memref<6400xf32, #tpu.memory_space<vmem_shared>>)
      tpu.yield
    }) : () -> ()
    %barrier3A_13 = arith.constant 0 : index
    tpu.barrier barrier_id(%barrier3A_13)
    %scan3A_14 = arith.constant 0 : i32
    %scan3A_15 = arith.constant 196 : i32
    %scan3A_16 = arith.addi %scan3A_14, %scan3A_15 : i32
    %scan3A_17 = arith.constant 1 : i32
    scf.for %scan3A_27 = %scan3A_14 to %scan3A_16 step %scan3A_17  : i32 {
      %mul3A_28 = arith.constant 2 : i32
      %mul3A_29 = arith.muli %mul3A_28, %scan3A_27 : i32
      %mul3A_30 = arith.constant 4 : i32
      %mul3A_31 = arith.muli %mul3A_29, %mul3A_30 : i32
      %add3A = arith.addi %mul3A_2, %mul3A_31 : i32
      %add3A_32 = arith.constant 4 : i32
      %add3A_33 = arith.addi %add3A, %add3A_32 : i32
      "tpu.region"() ({
        %run_scoped3A_487 = tpu.sem_alloc : memref<!tpu.dma_semaphore, #tpu.memory_space<semaphore_mem>>
        %dma_start3A_488 = arith.constant 0 : i32
        %dma_start3A_489 = tpu.memref_slice %arg2[%arg0, %add3A, %dma_start3A_488] : memref<2x25088x128xi32, #tpu.memory_space<hbm>> -> memref<1x4x128xi32, #tpu.memory_space<hbm>>
        %dma_start3A_490 = tpu.memref_squeeze %dma_start3A_489 : memref<1x4x128xi32, #tpu.memory_space<hbm>> -> memref<4x128xi32, #tpu.memory_space<hbm>>
        %dma_start3A_491 = arith.constant 0 : i32
        %dma_start3A_492 = tpu.memref_slice %arg2[%arg0, %add3A, %dma_start3A_491] : memref<2x25088x128xi32, #tpu.memory_space<hbm>> -> memref<1x4x128xi32, #tpu.memory_space<hbm>>
        %dma_start3A_493 = tpu.memref_squeeze %dma_start3A_492 : memref<1x4x128xi32, #tpu.memory_space<hbm>> -> memref<4x128xi32, #tpu.memory_space<hbm>>
        tpu.enqueue_dma source(%dma_start3A_493 : memref<4x128xi32, #tpu.memory_space<hbm>>) target(%arg16 : memref<4x128xi32, #tpu.memory_space<vmem>>) target_semaphore(%run_scoped3A_487 : memref<!tpu.dma_semaphore, #tpu.memory_space<semaphore_mem>>)
        %dma_wait3A_494 = arith.constant 0 : i32
        %dma_wait3A_495 = tpu.memref_slice %arg2[%arg0, %add3A, %dma_wait3A_494] : memref<2x25088x128xi32, #tpu.memory_space<hbm>> -> memref<1x4x128xi32, #tpu.memory_space<hbm>>
        %dma_wait3A_496 = tpu.memref_squeeze %dma_wait3A_495 : memref<1x4x128xi32, #tpu.memory_space<hbm>> -> memref<4x128xi32, #tpu.memory_space<hbm>>
        %dma_wait3A_497 = arith.constant 0 : i32
        %dma_wait3A_498 = tpu.memref_slice %arg2[%arg0, %add3A, %dma_wait3A_497] : memref<2x25088x128xi32, #tpu.memory_space<hbm>> -> memref<1x4x128xi32, #tpu.memory_space<hbm>>
        %dma_wait3A_499 = tpu.memref_squeeze %dma_wait3A_498 : memref<1x4x128xi32, #tpu.memory_space<hbm>> -> memref<4x128xi32, #tpu.memory_space<hbm>>
        tpu.wait_dma2 semaphore(%run_scoped3A_487 : memref<!tpu.dma_semaphore, #tpu.memory_space<semaphore_mem>>) src(%dma_wait3A_499 : memref<4x128xi32, #tpu.memory_space<hbm>>) dst(%arg16 : memref<4x128xi32, #tpu.memory_space<vmem>>)
        tpu.yield
      }) : () -> ()
      "tpu.region"() ({
        %run_scoped3A_487 = tpu.sem_alloc : memref<!tpu.dma_semaphore, #tpu.memory_space<semaphore_mem>>
        %dma_start3A_488 = arith.constant 0 : i32
        %dma_start3A_489 = tpu.memref_slice %arg3[%arg0, %add3A, %dma_start3A_488] : memref<2x25088x128xi32, #tpu.memory_space<hbm>> -> memref<1x4x128xi32, #tpu.memory_space<hbm>>
        %dma_start3A_490 = tpu.memref_squeeze %dma_start3A_489 : memref<1x4x128xi32, #tpu.memory_space<hbm>> -> memref<4x128xi32, #tpu.memory_space<hbm>>
        %dma_start3A_491 = arith.constant 0 : i32
        %dma_start3A_492 = tpu.memref_slice %arg3[%arg0, %add3A, %dma_start3A_491] : memref<2x25088x128xi32, #tpu.memory_space<hbm>> -> memref<1x4x128xi32, #tpu.memory_space<hbm>>
        %dma_start3A_493 = tpu.memref_squeeze %dma_start3A_492 : memref<1x4x128xi32, #tpu.memory_space<hbm>> -> memref<4x128xi32, #tpu.memory_space<hbm>>
        tpu.enqueue_dma source(%dma_start3A_493 : memref<4x128xi32, #tpu.memory_space<hbm>>) target(%arg17 : memref<4x128xi32, #tpu.memory_space<vmem>>) target_semaphore(%run_scoped3A_487 : memref<!tpu.dma_semaphore, #tpu.memory_space<semaphore_mem>>)
        %dma_wait3A_494 = arith.constant 0 : i32
        %dma_wait3A_495 = tpu.memref_slice %arg3[%arg0, %add3A, %dma_wait3A_494] : memref<2x25088x128xi32, #tpu.memory_space<hbm>> -> memref<1x4x128xi32, #tpu.memory_space<hbm>>
        %dma_wait3A_496 = tpu.memref_squeeze %dma_wait3A_495 : memref<1x4x128xi32, #tpu.memory_space<hbm>> -> memref<4x128xi32, #tpu.memory_space<hbm>>
        %dma_wait3A_497 = arith.constant 0 : i32
        %dma_wait3A_498 = tpu.memref_slice %arg3[%arg0, %add3A, %dma_wait3A_497] : memref<2x25088x128xi32, #tpu.memory_space<hbm>> -> memref<1x4x128xi32, #tpu.memory_space<hbm>>
        %dma_wait3A_499 = tpu.memref_squeeze %dma_wait3A_498 : memref<1x4x128xi32, #tpu.memory_space<hbm>> -> memref<4x128xi32, #tpu.memory_space<hbm>>
        tpu.wait_dma2 semaphore(%run_scoped3A_487 : memref<!tpu.dma_semaphore, #tpu.memory_space<semaphore_mem>>) src(%dma_wait3A_499 : memref<4x128xi32, #tpu.memory_space<hbm>>) dst(%arg17 : memref<4x128xi32, #tpu.memory_space<vmem>>)
        tpu.yield
      }) : () -> ()
      %dma_start3A = arith.constant 0 : i32
      %dma_start3A_34 = arith.constant 0 : i32
      %dma_start3A_35 = arith.constant 0 : i32
      %dma_start3A_36 = tpu.memref_slice %arg18[%dma_start3A_34, %dma_start3A_35] : memref<512x16xf32, #tpu.memory_space<vmem>> -> memref<128x16xf32, #tpu.memory_space<vmem>>
      %dma_start3A_37 = arith.constant 0 : i32
      %dma_start3A_38 = tpu.memref_slice %arg16[%dma_start3A, %dma_start3A_37] : memref<4x128xi32, #tpu.memory_space<vmem>> -> memref<1x128xi32, #tpu.memory_space<vmem>>
      %dma_start3A_39 = tpu.memref_squeeze %dma_start3A_38 : memref<1x128xi32, #tpu.memory_space<vmem>> -> memref<128xi32, #tpu.memory_space<vmem>>
      %dma_start3A_40 = arith.constant 0 : i32
      %dma_start3A_41 = arith.constant 0 : i32
      %dma_start3A_42 = tpu.memref_slice %arg12[%arg0, %dma_start3A_40, %dma_start3A_41] : memref<2x102400x16xf32, #tpu.memory_space<hbm>> -> memref<1x102400x16xf32, #tpu.memory_space<hbm>>
      %dma_start3A_43 = tpu.memref_squeeze %dma_start3A_42 : memref<1x102400x16xf32, #tpu.memory_space<hbm>> -> memref<102400x16xf32, #tpu.memory_space<hbm>>
      %dma_start3A_44 = arith.constant 0 : i32
      %dma_start3A_45 = arith.constant 0 : i32
      %dma_start3A_46 = tpu.memref_slice %dma_start3A_43[%dma_start3A_44, %dma_start3A_45] : memref<102400x16xf32, #tpu.memory_space<hbm>> -> memref<102400x16xf32, #tpu.memory_space<hbm>>
      tpu.enqueue_indirect_dma source(%dma_start3A_46 : memref<102400x16xf32, #tpu.memory_space<hbm>>) target(%dma_start3A_36 : memref<128x16xf32, #tpu.memory_space<vmem>>) offsets(%dma_start3A_39 : memref<128xi32, #tpu.memory_space<vmem>>) semaphore(%arg26 : memref<!tpu.dma_semaphore, #tpu.memory_space<semaphore_mem>>)
      %dma_start3A_47 = arith.constant 1 : i32
      %dma_start3A_48 = arith.constant 128 : i32
      %dma_start3A_49 = arith.constant 0 : i32
      %dma_start3A_50 = tpu.memref_slice %arg18[%dma_start3A_48, %dma_start3A_49] : memref<512x16xf32, #tpu.memory_space<vmem>> -> memref<128x16xf32, #tpu.memory_space<vmem>>
      %dma_start3A_51 = arith.constant 0 : i32
      %dma_start3A_52 = tpu.memref_slice %arg16[%dma_start3A_47, %dma_start3A_51] : memref<4x128xi32, #tpu.memory_space<vmem>> -> memref<1x128xi32, #tpu.memory_space<vmem>>
      %dma_start3A_53 = tpu.memref_squeeze %dma_start3A_52 : memref<1x128xi32, #tpu.memory_space<vmem>> -> memref<128xi32, #tpu.memory_space<vmem>>
      %dma_start3A_54 = arith.constant 0 : i32
      %dma_start3A_55 = arith.constant 0 : i32
      %dma_start3A_56 = tpu.memref_slice %arg12[%arg0, %dma_start3A_54, %dma_start3A_55] : memref<2x102400x16xf32, #tpu.memory_space<hbm>> -> memref<1x102400x16xf32, #tpu.memory_space<hbm>>
      %dma_start3A_57 = tpu.memref_squeeze %dma_start3A_56 : memref<1x102400x16xf32, #tpu.memory_space<hbm>> -> memref<102400x16xf32, #tpu.memory_space<hbm>>
      %dma_start3A_58 = arith.constant 0 : i32
      %dma_start3A_59 = arith.constant 0 : i32
      %dma_start3A_60 = tpu.memref_slice %dma_start3A_57[%dma_start3A_58, %dma_start3A_59] : memref<102400x16xf32, #tpu.memory_space<hbm>> -> memref<102400x16xf32, #tpu.memory_space<hbm>>
      tpu.enqueue_indirect_dma source(%dma_start3A_60 : memref<102400x16xf32, #tpu.memory_space<hbm>>) target(%dma_start3A_50 : memref<128x16xf32, #tpu.memory_space<vmem>>) offsets(%dma_start3A_53 : memref<128xi32, #tpu.memory_space<vmem>>) semaphore(%arg26 : memref<!tpu.dma_semaphore, #tpu.memory_space<semaphore_mem>>)
      %dma_start3A_61 = arith.constant 2 : i32
      %dma_start3A_62 = arith.constant 256 : i32
      %dma_start3A_63 = arith.constant 0 : i32
      %dma_start3A_64 = tpu.memref_slice %arg18[%dma_start3A_62, %dma_start3A_63] : memref<512x16xf32, #tpu.memory_space<vmem>> -> memref<128x16xf32, #tpu.memory_space<vmem>>
      %dma_start3A_65 = arith.constant 0 : i32
      %dma_start3A_66 = tpu.memref_slice %arg16[%dma_start3A_61, %dma_start3A_65] : memref<4x128xi32, #tpu.memory_space<vmem>> -> memref<1x128xi32, #tpu.memory_space<vmem>>
      %dma_start3A_67 = tpu.memref_squeeze %dma_start3A_66 : memref<1x128xi32, #tpu.memory_space<vmem>> -> memref<128xi32, #tpu.memory_space<vmem>>
      %dma_start3A_68 = arith.constant 0 : i32
      %dma_start3A_69 = arith.constant 0 : i32
      %dma_start3A_70 = tpu.memref_slice %arg12[%arg0, %dma_start3A_68, %dma_start3A_69] : memref<2x102400x16xf32, #tpu.memory_space<hbm>> -> memref<1x102400x16xf32, #tpu.memory_space<hbm>>
      %dma_start3A_71 = tpu.memref_squeeze %dma_start3A_70 : memref<1x102400x16xf32, #tpu.memory_space<hbm>> -> memref<102400x16xf32, #tpu.memory_space<hbm>>
      %dma_start3A_72 = arith.constant 0 : i32
      %dma_start3A_73 = arith.constant 0 : i32
      %dma_start3A_74 = tpu.memref_slice %dma_start3A_71[%dma_start3A_72, %dma_start3A_73] : memref<102400x16xf32, #tpu.memory_space<hbm>> -> memref<102400x16xf32, #tpu.memory_space<hbm>>
      tpu.enqueue_indirect_dma source(%dma_start3A_74 : memref<102400x16xf32, #tpu.memory_space<hbm>>) target(%dma_start3A_64 : memref<128x16xf32, #tpu.memory_space<vmem>>) offsets(%dma_start3A_67 : memref<128xi32, #tpu.memory_space<vmem>>) semaphore(%arg26 : memref<!tpu.dma_semaphore, #tpu.memory_space<semaphore_mem>>)
      %dma_start3A_75 = arith.constant 3 : i32
      %dma_start3A_76 = arith.constant 384 : i32
      %dma_start3A_77 = arith.constant 0 : i32
      %dma_start3A_78 = tpu.memref_slice %arg18[%dma_start3A_76, %dma_start3A_77] : memref<512x16xf32, #tpu.memory_space<vmem>> -> memref<128x16xf32, #tpu.memory_space<vmem>>
      %dma_start3A_79 = arith.constant 0 : i32
      %dma_start3A_80 = tpu.memref_slice %arg16[%dma_start3A_75, %dma_start3A_79] : memref<4x128xi32, #tpu.memory_space<vmem>> -> memref<1x128xi32, #tpu.memory_space<vmem>>
      %dma_start3A_81 = tpu.memref_squeeze %dma_start3A_80 : memref<1x128xi32, #tpu.memory_space<vmem>> -> memref<128xi32, #tpu.memory_space<vmem>>
      %dma_start3A_82 = arith.constant 0 : i32
      %dma_start3A_83 = arith.constant 0 : i32
      %dma_start3A_84 = tpu.memref_slice %arg12[%arg0, %dma_start3A_82, %dma_start3A_83] : memref<2x102400x16xf32, #tpu.memory_space<hbm>> -> memref<1x102400x16xf32, #tpu.memory_space<hbm>>
      %dma_start3A_85 = tpu.memref_squeeze %dma_start3A_84 : memref<1x102400x16xf32, #tpu.memory_space<hbm>> -> memref<102400x16xf32, #tpu.memory_space<hbm>>
      %dma_start3A_86 = arith.constant 0 : i32
      %dma_start3A_87 = arith.constant 0 : i32
      %dma_start3A_88 = tpu.memref_slice %dma_start3A_85[%dma_start3A_86, %dma_start3A_87] : memref<102400x16xf32, #tpu.memory_space<hbm>> -> memref<102400x16xf32, #tpu.memory_space<hbm>>
      tpu.enqueue_indirect_dma source(%dma_start3A_88 : memref<102400x16xf32, #tpu.memory_space<hbm>>) target(%dma_start3A_78 : memref<128x16xf32, #tpu.memory_space<vmem>>) offsets(%dma_start3A_81 : memref<128xi32, #tpu.memory_space<vmem>>) semaphore(%arg26 : memref<!tpu.dma_semaphore, #tpu.memory_space<semaphore_mem>>)
      %dma_start3A_89 = arith.constant 0 : i32
      %dma_start3A_90 = arith.constant 0 : i32
      %dma_start3A_91 = arith.constant 0 : i32
      %dma_start3A_92 = tpu.memref_slice %arg19[%dma_start3A_90, %dma_start3A_91] : memref<4x128xf32, #tpu.memory_space<vmem>> -> memref<1x128xf32, #tpu.memory_space<vmem>>
      %dma_start3A_93 = tpu.memref_squeeze %dma_start3A_92 : memref<1x128xf32, #tpu.memory_space<vmem>> -> memref<128xf32, #tpu.memory_space<vmem>>
      %dma_start3A_94 = arith.constant 0 : i32
      %dma_start3A_95 = tpu.memref_slice %arg17[%dma_start3A_89, %dma_start3A_94] : memref<4x128xi32, #tpu.memory_space<vmem>> -> memref<1x128xi32, #tpu.memory_space<vmem>>
      %dma_start3A_96 = tpu.memref_squeeze %dma_start3A_95 : memref<1x128xi32, #tpu.memory_space<vmem>> -> memref<128xi32, #tpu.memory_space<vmem>>
      %dma_start3A_97 = arith.constant 0 : i32
      %dma_start3A_98 = tpu.memref_slice %arg11[%arg0, %dma_start3A_97] : memref<2x102400xf32, #tpu.memory_space<hbm>> -> memref<1x102400xf32, #tpu.memory_space<hbm>>
      %dma_start3A_99 = tpu.memref_squeeze %dma_start3A_98 : memref<1x102400xf32, #tpu.memory_space<hbm>> -> memref<102400xf32, #tpu.memory_space<hbm>>
      %dma_start3A_100 = arith.constant 0 : i32
      %dma_start3A_101 = tpu.memref_slice %dma_start3A_99[%dma_start3A_100] : memref<102400xf32, #tpu.memory_space<hbm>> -> memref<102400xf32, #tpu.memory_space<hbm>>
      tpu.enqueue_indirect_dma source(%dma_start3A_101 : memref<102400xf32, #tpu.memory_space<hbm>>) target(%dma_start3A_93 : memref<128xf32, #tpu.memory_space<vmem>>) offsets(%dma_start3A_96 : memref<128xi32, #tpu.memory_space<vmem>>) semaphore(%arg27 : memref<!tpu.dma_semaphore, #tpu.memory_space<semaphore_mem>>)
      %dma_start3A_102 = arith.constant 1 : i32
      %dma_start3A_103 = arith.constant 1 : i32
      %dma_start3A_104 = arith.constant 0 : i32
      %dma_start3A_105 = tpu.memref_slice %arg19[%dma_start3A_103, %dma_start3A_104] : memref<4x128xf32, #tpu.memory_space<vmem>> -> memref<1x128xf32, #tpu.memory_space<vmem>>
      %dma_start3A_106 = tpu.memref_squeeze %dma_start3A_105 : memref<1x128xf32, #tpu.memory_space<vmem>> -> memref<128xf32, #tpu.memory_space<vmem>>
      %dma_start3A_107 = arith.constant 0 : i32
      %dma_start3A_108 = tpu.memref_slice %arg17[%dma_start3A_102, %dma_start3A_107] : memref<4x128xi32, #tpu.memory_space<vmem>> -> memref<1x128xi32, #tpu.memory_space<vmem>>
      %dma_start3A_109 = tpu.memref_squeeze %dma_start3A_108 : memref<1x128xi32, #tpu.memory_space<vmem>> -> memref<128xi32, #tpu.memory_space<vmem>>
      %dma_start3A_110 = arith.constant 0 : i32
      %dma_start3A_111 = tpu.memref_slice %arg11[%arg0, %dma_start3A_110] : memref<2x102400xf32, #tpu.memory_space<hbm>> -> memref<1x102400xf32, #tpu.memory_space<hbm>>
      %dma_start3A_112 = tpu.memref_squeeze %dma_start3A_111 : memref<1x102400xf32, #tpu.memory_space<hbm>> -> memref<102400xf32, #tpu.memory_space<hbm>>
      %dma_start3A_113 = arith.constant 0 : i32
      %dma_start3A_114 = tpu.memref_slice %dma_start3A_112[%dma_start3A_113] : memref<102400xf32, #tpu.memory_space<hbm>> -> memref<102400xf32, #tpu.memory_space<hbm>>
      tpu.enqueue_indirect_dma source(%dma_start3A_114 : memref<102400xf32, #tpu.memory_space<hbm>>) target(%dma_start3A_106 : memref<128xf32, #tpu.memory_space<vmem>>) offsets(%dma_start3A_109 : memref<128xi32, #tpu.memory_space<vmem>>) semaphore(%arg27 : memref<!tpu.dma_semaphore, #tpu.memory_space<semaphore_mem>>)
      %dma_start3A_115 = arith.constant 2 : i32
      %dma_start3A_116 = arith.constant 2 : i32
      %dma_start3A_117 = arith.constant 0 : i32
      %dma_start3A_118 = tpu.memref_slice %arg19[%dma_start3A_116, %dma_start3A_117] : memref<4x128xf32, #tpu.memory_space<vmem>> -> memref<1x128xf32, #tpu.memory_space<vmem>>
      %dma_start3A_119 = tpu.memref_squeeze %dma_start3A_118 : memref<1x128xf32, #tpu.memory_space<vmem>> -> memref<128xf32, #tpu.memory_space<vmem>>
      %dma_start3A_120 = arith.constant 0 : i32
      %dma_start3A_121 = tpu.memref_slice %arg17[%dma_start3A_115, %dma_start3A_120] : memref<4x128xi32, #tpu.memory_space<vmem>> -> memref<1x128xi32, #tpu.memory_space<vmem>>
      %dma_start3A_122 = tpu.memref_squeeze %dma_start3A_121 : memref<1x128xi32, #tpu.memory_space<vmem>> -> memref<128xi32, #tpu.memory_space<vmem>>
      %dma_start3A_123 = arith.constant 0 : i32
      %dma_start3A_124 = tpu.memref_slice %arg11[%arg0, %dma_start3A_123] : memref<2x102400xf32, #tpu.memory_space<hbm>> -> memref<1x102400xf32, #tpu.memory_space<hbm>>
      %dma_start3A_125 = tpu.memref_squeeze %dma_start3A_124 : memref<1x102400xf32, #tpu.memory_space<hbm>> -> memref<102400xf32, #tpu.memory_space<hbm>>
      %dma_start3A_126 = arith.constant 0 : i32
      %dma_start3A_127 = tpu.memref_slice %dma_start3A_125[%dma_start3A_126] : memref<102400xf32, #tpu.memory_space<hbm>> -> memref<102400xf32, #tpu.memory_space<hbm>>
      tpu.enqueue_indirect_dma source(%dma_start3A_127 : memref<102400xf32, #tpu.memory_space<hbm>>) target(%dma_start3A_119 : memref<128xf32, #tpu.memory_space<vmem>>) offsets(%dma_start3A_122 : memref<128xi32, #tpu.memory_space<vmem>>) semaphore(%arg27 : memref<!tpu.dma_semaphore, #tpu.memory_space<semaphore_mem>>)
      %dma_start3A_128 = arith.constant 3 : i32
      %dma_start3A_129 = arith.constant 3 : i32
      %dma_start3A_130 = arith.constant 0 : i32
      %dma_start3A_131 = tpu.memref_slice %arg19[%dma_start3A_129, %dma_start3A_130] : memref<4x128xf32, #tpu.memory_space<vmem>> -> memref<1x128xf32, #tpu.memory_space<vmem>>
      %dma_start3A_132 = tpu.memref_squeeze %dma_start3A_131 : memref<1x128xf32, #tpu.memory_space<vmem>> -> memref<128xf32, #tpu.memory_space<vmem>>
      %dma_start3A_133 = arith.constant 0 : i32
      %dma_start3A_134 = tpu.memref_slice %arg17[%dma_start3A_128, %dma_start3A_133] : memref<4x128xi32, #tpu.memory_space<vmem>> -> memref<1x128xi32, #tpu.memory_space<vmem>>
      %dma_start3A_135 = tpu.memref_squeeze %dma_start3A_134 : memref<1x128xi32, #tpu.memory_space<vmem>> -> memref<128xi32, #tpu.memory_space<vmem>>
      %dma_start3A_136 = arith.constant 0 : i32
      %dma_start3A_137 = tpu.memref_slice %arg11[%arg0, %dma_start3A_136] : memref<2x102400xf32, #tpu.memory_space<hbm>> -> memref<1x102400xf32, #tpu.memory_space<hbm>>
      %dma_start3A_138 = tpu.memref_squeeze %dma_start3A_137 : memref<1x102400xf32, #tpu.memory_space<hbm>> -> memref<102400xf32, #tpu.memory_space<hbm>>
      %dma_start3A_139 = arith.constant 0 : i32
      %dma_start3A_140 = tpu.memref_slice %dma_start3A_138[%dma_start3A_139] : memref<102400xf32, #tpu.memory_space<hbm>> -> memref<102400xf32, #tpu.memory_space<hbm>>
      tpu.enqueue_indirect_dma source(%dma_start3A_140 : memref<102400xf32, #tpu.memory_space<hbm>>) target(%dma_start3A_132 : memref<128xf32, #tpu.memory_space<vmem>>) offsets(%dma_start3A_135 : memref<128xi32, #tpu.memory_space<vmem>>) semaphore(%arg27 : memref<!tpu.dma_semaphore, #tpu.memory_space<semaphore_mem>>)
      "tpu.region"() ({
        %run_scoped3A_487 = tpu.sem_alloc : memref<!tpu.dma_semaphore, #tpu.memory_space<semaphore_mem>>
        %dma_start3A_488 = arith.constant 0 : i32
        %dma_start3A_489 = tpu.memref_slice %arg2[%arg0, %add3A_33, %dma_start3A_488] : memref<2x25088x128xi32, #tpu.memory_space<hbm>> -> memref<1x4x128xi32, #tpu.memory_space<hbm>>
        %dma_start3A_490 = tpu.memref_squeeze %dma_start3A_489 : memref<1x4x128xi32, #tpu.memory_space<hbm>> -> memref<4x128xi32, #tpu.memory_space<hbm>>
        %dma_start3A_491 = arith.constant 0 : i32
        %dma_start3A_492 = tpu.memref_slice %arg2[%arg0, %add3A_33, %dma_start3A_491] : memref<2x25088x128xi32, #tpu.memory_space<hbm>> -> memref<1x4x128xi32, #tpu.memory_space<hbm>>
        %dma_start3A_493 = tpu.memref_squeeze %dma_start3A_492 : memref<1x4x128xi32, #tpu.memory_space<hbm>> -> memref<4x128xi32, #tpu.memory_space<hbm>>
        tpu.enqueue_dma source(%dma_start3A_493 : memref<4x128xi32, #tpu.memory_space<hbm>>) target(%arg20 : memref<4x128xi32, #tpu.memory_space<vmem>>) target_semaphore(%run_scoped3A_487 : memref<!tpu.dma_semaphore, #tpu.memory_space<semaphore_mem>>)
        %dma_wait3A_494 = arith.constant 0 : i32
        %dma_wait3A_495 = tpu.memref_slice %arg2[%arg0, %add3A_33, %dma_wait3A_494] : memref<2x25088x128xi32, #tpu.memory_space<hbm>> -> memref<1x4x128xi32, #tpu.memory_space<hbm>>
        %dma_wait3A_496 = tpu.memref_squeeze %dma_wait3A_495 : memref<1x4x128xi32, #tpu.memory_space<hbm>> -> memref<4x128xi32, #tpu.memory_space<hbm>>
        %dma_wait3A_497 = arith.constant 0 : i32
        %dma_wait3A_498 = tpu.memref_slice %arg2[%arg0, %add3A_33, %dma_wait3A_497] : memref<2x25088x128xi32, #tpu.memory_space<hbm>> -> memref<1x4x128xi32, #tpu.memory_space<hbm>>
        %dma_wait3A_499 = tpu.memref_squeeze %dma_wait3A_498 : memref<1x4x128xi32, #tpu.memory_space<hbm>> -> memref<4x128xi32, #tpu.memory_space<hbm>>
        tpu.wait_dma2 semaphore(%run_scoped3A_487 : memref<!tpu.dma_semaphore, #tpu.memory_space<semaphore_mem>>) src(%dma_wait3A_499 : memref<4x128xi32, #tpu.memory_space<hbm>>) dst(%arg20 : memref<4x128xi32, #tpu.memory_space<vmem>>)
        tpu.yield
      }) : () -> ()
      "tpu.region"() ({
        %run_scoped3A_487 = tpu.sem_alloc : memref<!tpu.dma_semaphore, #tpu.memory_space<semaphore_mem>>
        %dma_start3A_488 = arith.constant 0 : i32
        %dma_start3A_489 = tpu.memref_slice %arg3[%arg0, %add3A_33, %dma_start3A_488] : memref<2x25088x128xi32, #tpu.memory_space<hbm>> -> memref<1x4x128xi32, #tpu.memory_space<hbm>>
        %dma_start3A_490 = tpu.memref_squeeze %dma_start3A_489 : memref<1x4x128xi32, #tpu.memory_space<hbm>> -> memref<4x128xi32, #tpu.memory_space<hbm>>
        %dma_start3A_491 = arith.constant 0 : i32
        %dma_start3A_492 = tpu.memref_slice %arg3[%arg0, %add3A_33, %dma_start3A_491] : memref<2x25088x128xi32, #tpu.memory_space<hbm>> -> memref<1x4x128xi32, #tpu.memory_space<hbm>>
        %dma_start3A_493 = tpu.memref_squeeze %dma_start3A_492 : memref<1x4x128xi32, #tpu.memory_space<hbm>> -> memref<4x128xi32, #tpu.memory_space<hbm>>
        tpu.enqueue_dma source(%dma_start3A_493 : memref<4x128xi32, #tpu.memory_space<hbm>>) target(%arg21 : memref<4x128xi32, #tpu.memory_space<vmem>>) target_semaphore(%run_scoped3A_487 : memref<!tpu.dma_semaphore, #tpu.memory_space<semaphore_mem>>)
        %dma_wait3A_494 = arith.constant 0 : i32
        %dma_wait3A_495 = tpu.memref_slice %arg3[%arg0, %add3A_33, %dma_wait3A_494] : memref<2x25088x128xi32, #tpu.memory_space<hbm>> -> memref<1x4x128xi32, #tpu.memory_space<hbm>>
        %dma_wait3A_496 = tpu.memref_squeeze %dma_wait3A_495 : memref<1x4x128xi32, #tpu.memory_space<hbm>> -> memref<4x128xi32, #tpu.memory_space<hbm>>
        %dma_wait3A_497 = arith.constant 0 : i32
        %dma_wait3A_498 = tpu.memref_slice %arg3[%arg0, %add3A_33, %dma_wait3A_497] : memref<2x25088x128xi32, #tpu.memory_space<hbm>> -> memref<1x4x128xi32, #tpu.memory_space<hbm>>
        %dma_wait3A_499 = tpu.memref_squeeze %dma_wait3A_498 : memref<1x4x128xi32, #tpu.memory_space<hbm>> -> memref<4x128xi32, #tpu.memory_space<hbm>>
        tpu.wait_dma2 semaphore(%run_scoped3A_487 : memref<!tpu.dma_semaphore, #tpu.memory_space<semaphore_mem>>) src(%dma_wait3A_499 : memref<4x128xi32, #tpu.memory_space<hbm>>) dst(%arg21 : memref<4x128xi32, #tpu.memory_space<vmem>>)
        tpu.yield
      }) : () -> ()
      %dma_start3A_141 = arith.constant 0 : i32
      %dma_start3A_142 = arith.constant 0 : i32
      %dma_start3A_143 = arith.constant 0 : i32
      %dma_start3A_144 = tpu.memref_slice %arg22[%dma_start3A_142, %dma_start3A_143] : memref<512x16xf32, #tpu.memory_space<vmem>> -> memref<128x16xf32, #tpu.memory_space<vmem>>
      %dma_start3A_145 = arith.constant 0 : i32
      %dma_start3A_146 = tpu.memref_slice %arg20[%dma_start3A_141, %dma_start3A_145] : memref<4x128xi32, #tpu.memory_space<vmem>> -> memref<1x128xi32, #tpu.memory_space<vmem>>
      %dma_start3A_147 = tpu.memref_squeeze %dma_start3A_146 : memref<1x128xi32, #tpu.memory_space<vmem>> -> memref<128xi32, #tpu.memory_space<vmem>>
      %dma_start3A_148 = arith.constant 0 : i32
      %dma_start3A_149 = arith.constant 0 : i32
      %dma_start3A_150 = tpu.memref_slice %arg12[%arg0, %dma_start3A_148, %dma_start3A_149] : memref<2x102400x16xf32, #tpu.memory_space<hbm>> -> memref<1x102400x16xf32, #tpu.memory_space<hbm>>
      %dma_start3A_151 = tpu.memref_squeeze %dma_start3A_150 : memref<1x102400x16xf32, #tpu.memory_space<hbm>> -> memref<102400x16xf32, #tpu.memory_space<hbm>>
      %dma_start3A_152 = arith.constant 0 : i32
      %dma_start3A_153 = arith.constant 0 : i32
      %dma_start3A_154 = tpu.memref_slice %dma_start3A_151[%dma_start3A_152, %dma_start3A_153] : memref<102400x16xf32, #tpu.memory_space<hbm>> -> memref<102400x16xf32, #tpu.memory_space<hbm>>
      tpu.enqueue_indirect_dma source(%dma_start3A_154 : memref<102400x16xf32, #tpu.memory_space<hbm>>) target(%dma_start3A_144 : memref<128x16xf32, #tpu.memory_space<vmem>>) offsets(%dma_start3A_147 : memref<128xi32, #tpu.memory_space<vmem>>) semaphore(%arg28 : memref<!tpu.dma_semaphore, #tpu.memory_space<semaphore_mem>>)
      %dma_start3A_155 = arith.constant 1 : i32
      %dma_start3A_156 = arith.constant 128 : i32
      %dma_start3A_157 = arith.constant 0 : i32
      %dma_start3A_158 = tpu.memref_slice %arg22[%dma_start3A_156, %dma_start3A_157] : memref<512x16xf32, #tpu.memory_space<vmem>> -> memref<128x16xf32, #tpu.memory_space<vmem>>
      %dma_start3A_159 = arith.constant 0 : i32
      %dma_start3A_160 = tpu.memref_slice %arg20[%dma_start3A_155, %dma_start3A_159] : memref<4x128xi32, #tpu.memory_space<vmem>> -> memref<1x128xi32, #tpu.memory_space<vmem>>
      %dma_start3A_161 = tpu.memref_squeeze %dma_start3A_160 : memref<1x128xi32, #tpu.memory_space<vmem>> -> memref<128xi32, #tpu.memory_space<vmem>>
      %dma_start3A_162 = arith.constant 0 : i32
      %dma_start3A_163 = arith.constant 0 : i32
      %dma_start3A_164 = tpu.memref_slice %arg12[%arg0, %dma_start3A_162, %dma_start3A_163] : memref<2x102400x16xf32, #tpu.memory_space<hbm>> -> memref<1x102400x16xf32, #tpu.memory_space<hbm>>
      %dma_start3A_165 = tpu.memref_squeeze %dma_start3A_164 : memref<1x102400x16xf32, #tpu.memory_space<hbm>> -> memref<102400x16xf32, #tpu.memory_space<hbm>>
      %dma_start3A_166 = arith.constant 0 : i32
      %dma_start3A_167 = arith.constant 0 : i32
      %dma_start3A_168 = tpu.memref_slice %dma_start3A_165[%dma_start3A_166, %dma_start3A_167] : memref<102400x16xf32, #tpu.memory_space<hbm>> -> memref<102400x16xf32, #tpu.memory_space<hbm>>
      tpu.enqueue_indirect_dma source(%dma_start3A_168 : memref<102400x16xf32, #tpu.memory_space<hbm>>) target(%dma_start3A_158 : memref<128x16xf32, #tpu.memory_space<vmem>>) offsets(%dma_start3A_161 : memref<128xi32, #tpu.memory_space<vmem>>) semaphore(%arg28 : memref<!tpu.dma_semaphore, #tpu.memory_space<semaphore_mem>>)
      %dma_start3A_169 = arith.constant 2 : i32
      %dma_start3A_170 = arith.constant 256 : i32
      %dma_start3A_171 = arith.constant 0 : i32
      %dma_start3A_172 = tpu.memref_slice %arg22[%dma_start3A_170, %dma_start3A_171] : memref<512x16xf32, #tpu.memory_space<vmem>> -> memref<128x16xf32, #tpu.memory_space<vmem>>
      %dma_start3A_173 = arith.constant 0 : i32
      %dma_start3A_174 = tpu.memref_slice %arg20[%dma_start3A_169, %dma_start3A_173] : memref<4x128xi32, #tpu.memory_space<vmem>> -> memref<1x128xi32, #tpu.memory_space<vmem>>
      %dma_start3A_175 = tpu.memref_squeeze %dma_start3A_174 : memref<1x128xi32, #tpu.memory_space<vmem>> -> memref<128xi32, #tpu.memory_space<vmem>>
      %dma_start3A_176 = arith.constant 0 : i32
      %dma_start3A_177 = arith.constant 0 : i32
      %dma_start3A_178 = tpu.memref_slice %arg12[%arg0, %dma_start3A_176, %dma_start3A_177] : memref<2x102400x16xf32, #tpu.memory_space<hbm>> -> memref<1x102400x16xf32, #tpu.memory_space<hbm>>
      %dma_start3A_179 = tpu.memref_squeeze %dma_start3A_178 : memref<1x102400x16xf32, #tpu.memory_space<hbm>> -> memref<102400x16xf32, #tpu.memory_space<hbm>>
      %dma_start3A_180 = arith.constant 0 : i32
      %dma_start3A_181 = arith.constant 0 : i32
      %dma_start3A_182 = tpu.memref_slice %dma_start3A_179[%dma_start3A_180, %dma_start3A_181] : memref<102400x16xf32, #tpu.memory_space<hbm>> -> memref<102400x16xf32, #tpu.memory_space<hbm>>
      tpu.enqueue_indirect_dma source(%dma_start3A_182 : memref<102400x16xf32, #tpu.memory_space<hbm>>) target(%dma_start3A_172 : memref<128x16xf32, #tpu.memory_space<vmem>>) offsets(%dma_start3A_175 : memref<128xi32, #tpu.memory_space<vmem>>) semaphore(%arg28 : memref<!tpu.dma_semaphore, #tpu.memory_space<semaphore_mem>>)
      %dma_start3A_183 = arith.constant 3 : i32
      %dma_start3A_184 = arith.constant 384 : i32
      %dma_start3A_185 = arith.constant 0 : i32
      %dma_start3A_186 = tpu.memref_slice %arg22[%dma_start3A_184, %dma_start3A_185] : memref<512x16xf32, #tpu.memory_space<vmem>> -> memref<128x16xf32, #tpu.memory_space<vmem>>
      %dma_start3A_187 = arith.constant 0 : i32
      %dma_start3A_188 = tpu.memref_slice %arg20[%dma_start3A_183, %dma_start3A_187] : memref<4x128xi32, #tpu.memory_space<vmem>> -> memref<1x128xi32, #tpu.memory_space<vmem>>
      %dma_start3A_189 = tpu.memref_squeeze %dma_start3A_188 : memref<1x128xi32, #tpu.memory_space<vmem>> -> memref<128xi32, #tpu.memory_space<vmem>>
      %dma_start3A_190 = arith.constant 0 : i32
      %dma_start3A_191 = arith.constant 0 : i32
      %dma_start3A_192 = tpu.memref_slice %arg12[%arg0, %dma_start3A_190, %dma_start3A_191] : memref<2x102400x16xf32, #tpu.memory_space<hbm>> -> memref<1x102400x16xf32, #tpu.memory_space<hbm>>
      %dma_start3A_193 = tpu.memref_squeeze %dma_start3A_192 : memref<1x102400x16xf32, #tpu.memory_space<hbm>> -> memref<102400x16xf32, #tpu.memory_space<hbm>>
      %dma_start3A_194 = arith.constant 0 : i32
      %dma_start3A_195 = arith.constant 0 : i32
      %dma_start3A_196 = tpu.memref_slice %dma_start3A_193[%dma_start3A_194, %dma_start3A_195] : memref<102400x16xf32, #tpu.memory_space<hbm>> -> memref<102400x16xf32, #tpu.memory_space<hbm>>
      tpu.enqueue_indirect_dma source(%dma_start3A_196 : memref<102400x16xf32, #tpu.memory_space<hbm>>) target(%dma_start3A_186 : memref<128x16xf32, #tpu.memory_space<vmem>>) offsets(%dma_start3A_189 : memref<128xi32, #tpu.memory_space<vmem>>) semaphore(%arg28 : memref<!tpu.dma_semaphore, #tpu.memory_space<semaphore_mem>>)
      %dma_start3A_197 = arith.constant 0 : i32
      %dma_start3A_198 = arith.constant 0 : i32
      %dma_start3A_199 = arith.constant 0 : i32
      %dma_start3A_200 = tpu.memref_slice %arg23[%dma_start3A_198, %dma_start3A_199] : memref<4x128xf32, #tpu.memory_space<vmem>> -> memref<1x128xf32, #tpu.memory_space<vmem>>
      %dma_start3A_201 = tpu.memref_squeeze %dma_start3A_200 : memref<1x128xf32, #tpu.memory_space<vmem>> -> memref<128xf32, #tpu.memory_space<vmem>>
      %dma_start3A_202 = arith.constant 0 : i32
      %dma_start3A_203 = tpu.memref_slice %arg21[%dma_start3A_197, %dma_start3A_202] : memref<4x128xi32, #tpu.memory_space<vmem>> -> memref<1x128xi32, #tpu.memory_space<vmem>>
      %dma_start3A_204 = tpu.memref_squeeze %dma_start3A_203 : memref<1x128xi32, #tpu.memory_space<vmem>> -> memref<128xi32, #tpu.memory_space<vmem>>
      %dma_start3A_205 = arith.constant 0 : i32
      %dma_start3A_206 = tpu.memref_slice %arg11[%arg0, %dma_start3A_205] : memref<2x102400xf32, #tpu.memory_space<hbm>> -> memref<1x102400xf32, #tpu.memory_space<hbm>>
      %dma_start3A_207 = tpu.memref_squeeze %dma_start3A_206 : memref<1x102400xf32, #tpu.memory_space<hbm>> -> memref<102400xf32, #tpu.memory_space<hbm>>
      %dma_start3A_208 = arith.constant 0 : i32
      %dma_start3A_209 = tpu.memref_slice %dma_start3A_207[%dma_start3A_208] : memref<102400xf32, #tpu.memory_space<hbm>> -> memref<102400xf32, #tpu.memory_space<hbm>>
      tpu.enqueue_indirect_dma source(%dma_start3A_209 : memref<102400xf32, #tpu.memory_space<hbm>>) target(%dma_start3A_201 : memref<128xf32, #tpu.memory_space<vmem>>) offsets(%dma_start3A_204 : memref<128xi32, #tpu.memory_space<vmem>>) semaphore(%arg29 : memref<!tpu.dma_semaphore, #tpu.memory_space<semaphore_mem>>)
      %dma_start3A_210 = arith.constant 1 : i32
      %dma_start3A_211 = arith.constant 1 : i32
      %dma_start3A_212 = arith.constant 0 : i32
      %dma_start3A_213 = tpu.memref_slice %arg23[%dma_start3A_211, %dma_start3A_212] : memref<4x128xf32, #tpu.memory_space<vmem>> -> memref<1x128xf32, #tpu.memory_space<vmem>>
      %dma_start3A_214 = tpu.memref_squeeze %dma_start3A_213 : memref<1x128xf32, #tpu.memory_space<vmem>> -> memref<128xf32, #tpu.memory_space<vmem>>
      %dma_start3A_215 = arith.constant 0 : i32
      %dma_start3A_216 = tpu.memref_slice %arg21[%dma_start3A_210, %dma_start3A_215] : memref<4x128xi32, #tpu.memory_space<vmem>> -> memref<1x128xi32, #tpu.memory_space<vmem>>
      %dma_start3A_217 = tpu.memref_squeeze %dma_start3A_216 : memref<1x128xi32, #tpu.memory_space<vmem>> -> memref<128xi32, #tpu.memory_space<vmem>>
      %dma_start3A_218 = arith.constant 0 : i32
      %dma_start3A_219 = tpu.memref_slice %arg11[%arg0, %dma_start3A_218] : memref<2x102400xf32, #tpu.memory_space<hbm>> -> memref<1x102400xf32, #tpu.memory_space<hbm>>
      %dma_start3A_220 = tpu.memref_squeeze %dma_start3A_219 : memref<1x102400xf32, #tpu.memory_space<hbm>> -> memref<102400xf32, #tpu.memory_space<hbm>>
      %dma_start3A_221 = arith.constant 0 : i32
      %dma_start3A_222 = tpu.memref_slice %dma_start3A_220[%dma_start3A_221] : memref<102400xf32, #tpu.memory_space<hbm>> -> memref<102400xf32, #tpu.memory_space<hbm>>
      tpu.enqueue_indirect_dma source(%dma_start3A_222 : memref<102400xf32, #tpu.memory_space<hbm>>) target(%dma_start3A_214 : memref<128xf32, #tpu.memory_space<vmem>>) offsets(%dma_start3A_217 : memref<128xi32, #tpu.memory_space<vmem>>) semaphore(%arg29 : memref<!tpu.dma_semaphore, #tpu.memory_space<semaphore_mem>>)
      %dma_start3A_223 = arith.constant 2 : i32
      %dma_start3A_224 = arith.constant 2 : i32
      %dma_start3A_225 = arith.constant 0 : i32
      %dma_start3A_226 = tpu.memref_slice %arg23[%dma_start3A_224, %dma_start3A_225] : memref<4x128xf32, #tpu.memory_space<vmem>> -> memref<1x128xf32, #tpu.memory_space<vmem>>
      %dma_start3A_227 = tpu.memref_squeeze %dma_start3A_226 : memref<1x128xf32, #tpu.memory_space<vmem>> -> memref<128xf32, #tpu.memory_space<vmem>>
      %dma_start3A_228 = arith.constant 0 : i32
      %dma_start3A_229 = tpu.memref_slice %arg21[%dma_start3A_223, %dma_start3A_228] : memref<4x128xi32, #tpu.memory_space<vmem>> -> memref<1x128xi32, #tpu.memory_space<vmem>>
      %dma_start3A_230 = tpu.memref_squeeze %dma_start3A_229 : memref<1x128xi32, #tpu.memory_space<vmem>> -> memref<128xi32, #tpu.memory_space<vmem>>
      %dma_start3A_231 = arith.constant 0 : i32
      %dma_start3A_232 = tpu.memref_slice %arg11[%arg0, %dma_start3A_231] : memref<2x102400xf32, #tpu.memory_space<hbm>> -> memref<1x102400xf32, #tpu.memory_space<hbm>>
      %dma_start3A_233 = tpu.memref_squeeze %dma_start3A_232 : memref<1x102400xf32, #tpu.memory_space<hbm>> -> memref<102400xf32, #tpu.memory_space<hbm>>
      %dma_start3A_234 = arith.constant 0 : i32
      %dma_start3A_235 = tpu.memref_slice %dma_start3A_233[%dma_start3A_234] : memref<102400xf32, #tpu.memory_space<hbm>> -> memref<102400xf32, #tpu.memory_space<hbm>>
      tpu.enqueue_indirect_dma source(%dma_start3A_235 : memref<102400xf32, #tpu.memory_space<hbm>>) target(%dma_start3A_227 : memref<128xf32, #tpu.memory_space<vmem>>) offsets(%dma_start3A_230 : memref<128xi32, #tpu.memory_space<vmem>>) semaphore(%arg29 : memref<!tpu.dma_semaphore, #tpu.memory_space<semaphore_mem>>)
      %dma_start3A_236 = arith.constant 3 : i32
      %dma_start3A_237 = arith.constant 3 : i32
      %dma_start3A_238 = arith.constant 0 : i32
      %dma_start3A_239 = tpu.memref_slice %arg23[%dma_start3A_237, %dma_start3A_238] : memref<4x128xf32, #tpu.memory_space<vmem>> -> memref<1x128xf32, #tpu.memory_space<vmem>>
      %dma_start3A_240 = tpu.memref_squeeze %dma_start3A_239 : memref<1x128xf32, #tpu.memory_space<vmem>> -> memref<128xf32, #tpu.memory_space<vmem>>
      %dma_start3A_241 = arith.constant 0 : i32
      %dma_start3A_242 = tpu.memref_slice %arg21[%dma_start3A_236, %dma_start3A_241] : memref<4x128xi32, #tpu.memory_space<vmem>> -> memref<1x128xi32, #tpu.memory_space<vmem>>
      %dma_start3A_243 = tpu.memref_squeeze %dma_start3A_242 : memref<1x128xi32, #tpu.memory_space<vmem>> -> memref<128xi32, #tpu.memory_space<vmem>>
      %dma_start3A_244 = arith.constant 0 : i32
      %dma_start3A_245 = tpu.memref_slice %arg11[%arg0, %dma_start3A_244] : memref<2x102400xf32, #tpu.memory_space<hbm>> -> memref<1x102400xf32, #tpu.memory_space<hbm>>
      %dma_start3A_246 = tpu.memref_squeeze %dma_start3A_245 : memref<1x102400xf32, #tpu.memory_space<hbm>> -> memref<102400xf32, #tpu.memory_space<hbm>>
      %dma_start3A_247 = arith.constant 0 : i32
      %dma_start3A_248 = tpu.memref_slice %dma_start3A_246[%dma_start3A_247] : memref<102400xf32, #tpu.memory_space<hbm>> -> memref<102400xf32, #tpu.memory_space<hbm>>
      tpu.enqueue_indirect_dma source(%dma_start3A_248 : memref<102400xf32, #tpu.memory_space<hbm>>) target(%dma_start3A_240 : memref<128xf32, #tpu.memory_space<vmem>>) offsets(%dma_start3A_243 : memref<128xi32, #tpu.memory_space<vmem>>) semaphore(%arg29 : memref<!tpu.dma_semaphore, #tpu.memory_space<semaphore_mem>>)
      %dma_wait3A = arith.constant 0 : i32
      %dma_wait3A_249 = arith.constant 0 : i32
      %dma_wait3A_250 = arith.constant 0 : i32
      %dma_wait3A_251 = tpu.memref_slice %arg18[%dma_wait3A_249, %dma_wait3A_250] : memref<512x16xf32, #tpu.memory_space<vmem>> -> memref<128x16xf32, #tpu.memory_space<vmem>>
      %dma_wait3A_252 = arith.constant 0 : i32
      %dma_wait3A_253 = tpu.memref_slice %arg16[%dma_wait3A, %dma_wait3A_252] : memref<4x128xi32, #tpu.memory_space<vmem>> -> memref<1x128xi32, #tpu.memory_space<vmem>>
      %dma_wait3A_254 = tpu.memref_squeeze %dma_wait3A_253 : memref<1x128xi32, #tpu.memory_space<vmem>> -> memref<128xi32, #tpu.memory_space<vmem>>
      %dma_wait3A_255 = arith.constant 0 : i32
      %dma_wait3A_256 = arith.constant 0 : i32
      %dma_wait3A_257 = tpu.memref_slice %arg12[%arg0, %dma_wait3A_255, %dma_wait3A_256] : memref<2x102400x16xf32, #tpu.memory_space<hbm>> -> memref<1x102400x16xf32, #tpu.memory_space<hbm>>
      %dma_wait3A_258 = tpu.memref_squeeze %dma_wait3A_257 : memref<1x102400x16xf32, #tpu.memory_space<hbm>> -> memref<102400x16xf32, #tpu.memory_space<hbm>>
      %dma_wait3A_259 = arith.constant 0 : i32
      %dma_wait3A_260 = arith.constant 0 : i32
      %dma_wait3A_261 = tpu.memref_slice %dma_wait3A_258[%dma_wait3A_259, %dma_wait3A_260] : memref<102400x16xf32, #tpu.memory_space<hbm>> -> memref<102400x16xf32, #tpu.memory_space<hbm>>
      tpu.wait_indirect_dma semaphore(%arg26 : memref<!tpu.dma_semaphore, #tpu.memory_space<semaphore_mem>>) src(%dma_wait3A_261 : memref<102400x16xf32, #tpu.memory_space<hbm>>) dst(%dma_wait3A_251 : memref<128x16xf32, #tpu.memory_space<vmem>>)
      %dma_wait3A_262 = arith.constant 1 : i32
      %dma_wait3A_263 = arith.constant 128 : i32
      %dma_wait3A_264 = arith.constant 0 : i32
      %dma_wait3A_265 = tpu.memref_slice %arg18[%dma_wait3A_263, %dma_wait3A_264] : memref<512x16xf32, #tpu.memory_space<vmem>> -> memref<128x16xf32, #tpu.memory_space<vmem>>
      %dma_wait3A_266 = arith.constant 0 : i32
      %dma_wait3A_267 = tpu.memref_slice %arg16[%dma_wait3A_262, %dma_wait3A_266] : memref<4x128xi32, #tpu.memory_space<vmem>> -> memref<1x128xi32, #tpu.memory_space<vmem>>
      %dma_wait3A_268 = tpu.memref_squeeze %dma_wait3A_267 : memref<1x128xi32, #tpu.memory_space<vmem>> -> memref<128xi32, #tpu.memory_space<vmem>>
      %dma_wait3A_269 = arith.constant 0 : i32
      %dma_wait3A_270 = arith.constant 0 : i32
      %dma_wait3A_271 = tpu.memref_slice %arg12[%arg0, %dma_wait3A_269, %dma_wait3A_270] : memref<2x102400x16xf32, #tpu.memory_space<hbm>> -> memref<1x102400x16xf32, #tpu.memory_space<hbm>>
      %dma_wait3A_272 = tpu.memref_squeeze %dma_wait3A_271 : memref<1x102400x16xf32, #tpu.memory_space<hbm>> -> memref<102400x16xf32, #tpu.memory_space<hbm>>
      %dma_wait3A_273 = arith.constant 0 : i32
      %dma_wait3A_274 = arith.constant 0 : i32
      %dma_wait3A_275 = tpu.memref_slice %dma_wait3A_272[%dma_wait3A_273, %dma_wait3A_274] : memref<102400x16xf32, #tpu.memory_space<hbm>> -> memref<102400x16xf32, #tpu.memory_space<hbm>>
      tpu.wait_indirect_dma semaphore(%arg26 : memref<!tpu.dma_semaphore, #tpu.memory_space<semaphore_mem>>) src(%dma_wait3A_275 : memref<102400x16xf32, #tpu.memory_space<hbm>>) dst(%dma_wait3A_265 : memref<128x16xf32, #tpu.memory_space<vmem>>)
      %dma_wait3A_276 = arith.constant 2 : i32
      %dma_wait3A_277 = arith.constant 256 : i32
      %dma_wait3A_278 = arith.constant 0 : i32
      %dma_wait3A_279 = tpu.memref_slice %arg18[%dma_wait3A_277, %dma_wait3A_278] : memref<512x16xf32, #tpu.memory_space<vmem>> -> memref<128x16xf32, #tpu.memory_space<vmem>>
      %dma_wait3A_280 = arith.constant 0 : i32
      %dma_wait3A_281 = tpu.memref_slice %arg16[%dma_wait3A_276, %dma_wait3A_280] : memref<4x128xi32, #tpu.memory_space<vmem>> -> memref<1x128xi32, #tpu.memory_space<vmem>>
      %dma_wait3A_282 = tpu.memref_squeeze %dma_wait3A_281 : memref<1x128xi32, #tpu.memory_space<vmem>> -> memref<128xi32, #tpu.memory_space<vmem>>
      %dma_wait3A_283 = arith.constant 0 : i32
      %dma_wait3A_284 = arith.constant 0 : i32
      %dma_wait3A_285 = tpu.memref_slice %arg12[%arg0, %dma_wait3A_283, %dma_wait3A_284] : memref<2x102400x16xf32, #tpu.memory_space<hbm>> -> memref<1x102400x16xf32, #tpu.memory_space<hbm>>
      %dma_wait3A_286 = tpu.memref_squeeze %dma_wait3A_285 : memref<1x102400x16xf32, #tpu.memory_space<hbm>> -> memref<102400x16xf32, #tpu.memory_space<hbm>>
      %dma_wait3A_287 = arith.constant 0 : i32
      %dma_wait3A_288 = arith.constant 0 : i32
      %dma_wait3A_289 = tpu.memref_slice %dma_wait3A_286[%dma_wait3A_287, %dma_wait3A_288] : memref<102400x16xf32, #tpu.memory_space<hbm>> -> memref<102400x16xf32, #tpu.memory_space<hbm>>
      tpu.wait_indirect_dma semaphore(%arg26 : memref<!tpu.dma_semaphore, #tpu.memory_space<semaphore_mem>>) src(%dma_wait3A_289 : memref<102400x16xf32, #tpu.memory_space<hbm>>) dst(%dma_wait3A_279 : memref<128x16xf32, #tpu.memory_space<vmem>>)
      %dma_wait3A_290 = arith.constant 3 : i32
      %dma_wait3A_291 = arith.constant 384 : i32
      %dma_wait3A_292 = arith.constant 0 : i32
      %dma_wait3A_293 = tpu.memref_slice %arg18[%dma_wait3A_291, %dma_wait3A_292] : memref<512x16xf32, #tpu.memory_space<vmem>> -> memref<128x16xf32, #tpu.memory_space<vmem>>
      %dma_wait3A_294 = arith.constant 0 : i32
      %dma_wait3A_295 = tpu.memref_slice %arg16[%dma_wait3A_290, %dma_wait3A_294] : memref<4x128xi32, #tpu.memory_space<vmem>> -> memref<1x128xi32, #tpu.memory_space<vmem>>
      %dma_wait3A_296 = tpu.memref_squeeze %dma_wait3A_295 : memref<1x128xi32, #tpu.memory_space<vmem>> -> memref<128xi32, #tpu.memory_space<vmem>>
      %dma_wait3A_297 = arith.constant 0 : i32
      %dma_wait3A_298 = arith.constant 0 : i32
      %dma_wait3A_299 = tpu.memref_slice %arg12[%arg0, %dma_wait3A_297, %dma_wait3A_298] : memref<2x102400x16xf32, #tpu.memory_space<hbm>> -> memref<1x102400x16xf32, #tpu.memory_space<hbm>>
      %dma_wait3A_300 = tpu.memref_squeeze %dma_wait3A_299 : memref<1x102400x16xf32, #tpu.memory_space<hbm>> -> memref<102400x16xf32, #tpu.memory_space<hbm>>
      %dma_wait3A_301 = arith.constant 0 : i32
      %dma_wait3A_302 = arith.constant 0 : i32
      %dma_wait3A_303 = tpu.memref_slice %dma_wait3A_300[%dma_wait3A_301, %dma_wait3A_302] : memref<102400x16xf32, #tpu.memory_space<hbm>> -> memref<102400x16xf32, #tpu.memory_space<hbm>>
      tpu.wait_indirect_dma semaphore(%arg26 : memref<!tpu.dma_semaphore, #tpu.memory_space<semaphore_mem>>) src(%dma_wait3A_303 : memref<102400x16xf32, #tpu.memory_space<hbm>>) dst(%dma_wait3A_293 : memref<128x16xf32, #tpu.memory_space<vmem>>)
      %dma_wait3A_304 = arith.constant 0 : i32
      %dma_wait3A_305 = arith.constant 0 : i32
      %dma_wait3A_306 = arith.constant 0 : i32
      %dma_wait3A_307 = tpu.memref_slice %arg19[%dma_wait3A_305, %dma_wait3A_306] : memref<4x128xf32, #tpu.memory_space<vmem>> -> memref<1x128xf32, #tpu.memory_space<vmem>>
      %dma_wait3A_308 = tpu.memref_squeeze %dma_wait3A_307 : memref<1x128xf32, #tpu.memory_space<vmem>> -> memref<128xf32, #tpu.memory_space<vmem>>
      %dma_wait3A_309 = arith.constant 0 : i32
      %dma_wait3A_310 = tpu.memref_slice %arg17[%dma_wait3A_304, %dma_wait3A_309] : memref<4x128xi32, #tpu.memory_space<vmem>> -> memref<1x128xi32, #tpu.memory_space<vmem>>
      %dma_wait3A_311 = tpu.memref_squeeze %dma_wait3A_310 : memref<1x128xi32, #tpu.memory_space<vmem>> -> memref<128xi32, #tpu.memory_space<vmem>>
      %dma_wait3A_312 = arith.constant 0 : i32
      %dma_wait3A_313 = tpu.memref_slice %arg11[%arg0, %dma_wait3A_312] : memref<2x102400xf32, #tpu.memory_space<hbm>> -> memref<1x102400xf32, #tpu.memory_space<hbm>>
      %dma_wait3A_314 = tpu.memref_squeeze %dma_wait3A_313 : memref<1x102400xf32, #tpu.memory_space<hbm>> -> memref<102400xf32, #tpu.memory_space<hbm>>
      %dma_wait3A_315 = arith.constant 0 : i32
      %dma_wait3A_316 = tpu.memref_slice %dma_wait3A_314[%dma_wait3A_315] : memref<102400xf32, #tpu.memory_space<hbm>> -> memref<102400xf32, #tpu.memory_space<hbm>>
      tpu.wait_indirect_dma semaphore(%arg27 : memref<!tpu.dma_semaphore, #tpu.memory_space<semaphore_mem>>) src(%dma_wait3A_316 : memref<102400xf32, #tpu.memory_space<hbm>>) dst(%dma_wait3A_308 : memref<128xf32, #tpu.memory_space<vmem>>)
      %dma_wait3A_317 = arith.constant 1 : i32
      %dma_wait3A_318 = arith.constant 1 : i32
      %dma_wait3A_319 = arith.constant 0 : i32
      %dma_wait3A_320 = tpu.memref_slice %arg19[%dma_wait3A_318, %dma_wait3A_319] : memref<4x128xf32, #tpu.memory_space<vmem>> -> memref<1x128xf32, #tpu.memory_space<vmem>>
      %dma_wait3A_321 = tpu.memref_squeeze %dma_wait3A_320 : memref<1x128xf32, #tpu.memory_space<vmem>> -> memref<128xf32, #tpu.memory_space<vmem>>
      %dma_wait3A_322 = arith.constant 0 : i32
      %dma_wait3A_323 = tpu.memref_slice %arg17[%dma_wait3A_317, %dma_wait3A_322] : memref<4x128xi32, #tpu.memory_space<vmem>> -> memref<1x128xi32, #tpu.memory_space<vmem>>
      %dma_wait3A_324 = tpu.memref_squeeze %dma_wait3A_323 : memref<1x128xi32, #tpu.memory_space<vmem>> -> memref<128xi32, #tpu.memory_space<vmem>>
      %dma_wait3A_325 = arith.constant 0 : i32
      %dma_wait3A_326 = tpu.memref_slice %arg11[%arg0, %dma_wait3A_325] : memref<2x102400xf32, #tpu.memory_space<hbm>> -> memref<1x102400xf32, #tpu.memory_space<hbm>>
      %dma_wait3A_327 = tpu.memref_squeeze %dma_wait3A_326 : memref<1x102400xf32, #tpu.memory_space<hbm>> -> memref<102400xf32, #tpu.memory_space<hbm>>
      %dma_wait3A_328 = arith.constant 0 : i32
      %dma_wait3A_329 = tpu.memref_slice %dma_wait3A_327[%dma_wait3A_328] : memref<102400xf32, #tpu.memory_space<hbm>> -> memref<102400xf32, #tpu.memory_space<hbm>>
      tpu.wait_indirect_dma semaphore(%arg27 : memref<!tpu.dma_semaphore, #tpu.memory_space<semaphore_mem>>) src(%dma_wait3A_329 : memref<102400xf32, #tpu.memory_space<hbm>>) dst(%dma_wait3A_321 : memref<128xf32, #tpu.memory_space<vmem>>)
      %dma_wait3A_330 = arith.constant 2 : i32
      %dma_wait3A_331 = arith.constant 2 : i32
      %dma_wait3A_332 = arith.constant 0 : i32
      %dma_wait3A_333 = tpu.memref_slice %arg19[%dma_wait3A_331, %dma_wait3A_332] : memref<4x128xf32, #tpu.memory_space<vmem>> -> memref<1x128xf32, #tpu.memory_space<vmem>>
      %dma_wait3A_334 = tpu.memref_squeeze %dma_wait3A_333 : memref<1x128xf32, #tpu.memory_space<vmem>> -> memref<128xf32, #tpu.memory_space<vmem>>
      %dma_wait3A_335 = arith.constant 0 : i32
      %dma_wait3A_336 = tpu.memref_slice %arg17[%dma_wait3A_330, %dma_wait3A_335] : memref<4x128xi32, #tpu.memory_space<vmem>> -> memref<1x128xi32, #tpu.memory_space<vmem>>
      %dma_wait3A_337 = tpu.memref_squeeze %dma_wait3A_336 : memref<1x128xi32, #tpu.memory_space<vmem>> -> memref<128xi32, #tpu.memory_space<vmem>>
      %dma_wait3A_338 = arith.constant 0 : i32
      %dma_wait3A_339 = tpu.memref_slice %arg11[%arg0, %dma_wait3A_338] : memref<2x102400xf32, #tpu.memory_space<hbm>> -> memref<1x102400xf32, #tpu.memory_space<hbm>>
      %dma_wait3A_340 = tpu.memref_squeeze %dma_wait3A_339 : memref<1x102400xf32, #tpu.memory_space<hbm>> -> memref<102400xf32, #tpu.memory_space<hbm>>
      %dma_wait3A_341 = arith.constant 0 : i32
      %dma_wait3A_342 = tpu.memref_slice %dma_wait3A_340[%dma_wait3A_341] : memref<102400xf32, #tpu.memory_space<hbm>> -> memref<102400xf32, #tpu.memory_space<hbm>>
      tpu.wait_indirect_dma semaphore(%arg27 : memref<!tpu.dma_semaphore, #tpu.memory_space<semaphore_mem>>) src(%dma_wait3A_342 : memref<102400xf32, #tpu.memory_space<hbm>>) dst(%dma_wait3A_334 : memref<128xf32, #tpu.memory_space<vmem>>)
      %dma_wait3A_343 = arith.constant 3 : i32
      %dma_wait3A_344 = arith.constant 3 : i32
      %dma_wait3A_345 = arith.constant 0 : i32
      %dma_wait3A_346 = tpu.memref_slice %arg19[%dma_wait3A_344, %dma_wait3A_345] : memref<4x128xf32, #tpu.memory_space<vmem>> -> memref<1x128xf32, #tpu.memory_space<vmem>>
      %dma_wait3A_347 = tpu.memref_squeeze %dma_wait3A_346 : memref<1x128xf32, #tpu.memory_space<vmem>> -> memref<128xf32, #tpu.memory_space<vmem>>
      %dma_wait3A_348 = arith.constant 0 : i32
      %dma_wait3A_349 = tpu.memref_slice %arg17[%dma_wait3A_343, %dma_wait3A_348] : memref<4x128xi32, #tpu.memory_space<vmem>> -> memref<1x128xi32, #tpu.memory_space<vmem>>
      %dma_wait3A_350 = tpu.memref_squeeze %dma_wait3A_349 : memref<1x128xi32, #tpu.memory_space<vmem>> -> memref<128xi32, #tpu.memory_space<vmem>>
      %dma_wait3A_351 = arith.constant 0 : i32
      %dma_wait3A_352 = tpu.memref_slice %arg11[%arg0, %dma_wait3A_351] : memref<2x102400xf32, #tpu.memory_space<hbm>> -> memref<1x102400xf32, #tpu.memory_space<hbm>>
      %dma_wait3A_353 = tpu.memref_squeeze %dma_wait3A_352 : memref<1x102400xf32, #tpu.memory_space<hbm>> -> memref<102400xf32, #tpu.memory_space<hbm>>
      %dma_wait3A_354 = arith.constant 0 : i32
      %dma_wait3A_355 = tpu.memref_slice %dma_wait3A_353[%dma_wait3A_354] : memref<102400xf32, #tpu.memory_space<hbm>> -> memref<102400xf32, #tpu.memory_space<hbm>>
      tpu.wait_indirect_dma semaphore(%arg27 : memref<!tpu.dma_semaphore, #tpu.memory_space<semaphore_mem>>) src(%dma_wait3A_355 : memref<102400xf32, #tpu.memory_space<hbm>>) dst(%dma_wait3A_347 : memref<128xf32, #tpu.memory_space<vmem>>)
      %run_scoped3A = arith.constant 0 : i32
      "tpu.region"() ({
        %run_scoped3A_487 = tpu.sem_alloc : memref<!tpu.dma_semaphore, #tpu.memory_space<semaphore_mem>>
        %dma_start3A_488 = arith.constant 0 : i32
        %dma_start3A_489 = arith.constant 0 : i32
        %dma_start3A_490 = tpu.memref_slice %arg18[%dma_start3A_488, %dma_start3A_489] : memref<512x16xf32, #tpu.memory_space<vmem>> -> memref<128x16xf32, #tpu.memory_space<vmem>>
        %dma_start3A_491 = arith.constant 0 : i32
        %dma_start3A_492 = tpu.memref_slice %arg17[%run_scoped3A, %dma_start3A_491] : memref<4x128xi32, #tpu.memory_space<vmem>> -> memref<1x128xi32, #tpu.memory_space<vmem>>
        %dma_start3A_493 = tpu.memref_squeeze %dma_start3A_492 : memref<1x128xi32, #tpu.memory_space<vmem>> -> memref<128xi32, #tpu.memory_space<vmem>>
        %dma_start3A_494 = arith.constant 0 : i32
        %dma_start3A_495 = arith.constant 0 : i32
        %dma_start3A_496 = tpu.memref_slice %arg14[%dma_start3A_494, %dma_start3A_495] : memref<102400x16xf32, #tpu.memory_space<vmem_shared>> -> memref<102400x16xf32, #tpu.memory_space<vmem_shared>>
        tpu.enqueue_indirect_dma source(%dma_start3A_490 : memref<128x16xf32, #tpu.memory_space<vmem>>) target(%dma_start3A_496 : memref<102400x16xf32, #tpu.memory_space<vmem_shared>>) offsets(%dma_start3A_493 : memref<128xi32, #tpu.memory_space<vmem>>) semaphore(%run_scoped3A_487 : memref<!tpu.dma_semaphore, #tpu.memory_space<semaphore_mem>>) {add = true}
        %dma_wait3A_497 = arith.constant 0 : i32
        %dma_wait3A_498 = arith.constant 0 : i32
        %dma_wait3A_499 = tpu.memref_slice %arg18[%dma_wait3A_497, %dma_wait3A_498] : memref<512x16xf32, #tpu.memory_space<vmem>> -> memref<128x16xf32, #tpu.memory_space<vmem>>
        %dma_wait3A_500 = arith.constant 0 : i32
        %dma_wait3A_501 = tpu.memref_slice %arg17[%run_scoped3A, %dma_wait3A_500] : memref<4x128xi32, #tpu.memory_space<vmem>> -> memref<1x128xi32, #tpu.memory_space<vmem>>
        %dma_wait3A_502 = tpu.memref_squeeze %dma_wait3A_501 : memref<1x128xi32, #tpu.memory_space<vmem>> -> memref<128xi32, #tpu.memory_space<vmem>>
        %dma_wait3A_503 = arith.constant 0 : i32
        %dma_wait3A_504 = arith.constant 0 : i32
        %dma_wait3A_505 = tpu.memref_slice %arg14[%dma_wait3A_503, %dma_wait3A_504] : memref<102400x16xf32, #tpu.memory_space<vmem_shared>> -> memref<102400x16xf32, #tpu.memory_space<vmem_shared>>
        tpu.wait_indirect_dma semaphore(%run_scoped3A_487 : memref<!tpu.dma_semaphore, #tpu.memory_space<semaphore_mem>>) src(%dma_wait3A_499 : memref<128x16xf32, #tpu.memory_space<vmem>>) dst(%dma_wait3A_505 : memref<102400x16xf32, #tpu.memory_space<vmem_shared>>)
        tpu.yield
      }) : () -> ()
      %run_scoped3A_356 = arith.constant 0 : i32
      %run_scoped3A_357 = arith.constant 0 : i32
      "tpu.region"() ({
        %run_scoped3A_487 = tpu.sem_alloc : memref<!tpu.dma_semaphore, #tpu.memory_space<semaphore_mem>>
        %dma_start3A_488 = arith.constant 0 : i32
        %dma_start3A_489 = tpu.memref_slice %arg19[%run_scoped3A_356, %dma_start3A_488] : memref<4x128xf32, #tpu.memory_space<vmem>> -> memref<1x128xf32, #tpu.memory_space<vmem>>
        %dma_start3A_490 = tpu.memref_squeeze %dma_start3A_489 : memref<1x128xf32, #tpu.memory_space<vmem>> -> memref<128xf32, #tpu.memory_space<vmem>>
        %dma_start3A_491 = arith.constant 0 : i32
        %dma_start3A_492 = tpu.memref_slice %arg16[%run_scoped3A_357, %dma_start3A_491] : memref<4x128xi32, #tpu.memory_space<vmem>> -> memref<1x128xi32, #tpu.memory_space<vmem>>
        %dma_start3A_493 = tpu.memref_squeeze %dma_start3A_492 : memref<1x128xi32, #tpu.memory_space<vmem>> -> memref<128xi32, #tpu.memory_space<vmem>>
        %dma_start3A_494 = arith.constant 0 : i32
        %dma_start3A_495 = tpu.memref_slice %arg15[%dma_start3A_494] : memref<102400xf32, #tpu.memory_space<vmem_shared>> -> memref<102400xf32, #tpu.memory_space<vmem_shared>>
        tpu.enqueue_indirect_dma source(%dma_start3A_490 : memref<128xf32, #tpu.memory_space<vmem>>) target(%dma_start3A_495 : memref<102400xf32, #tpu.memory_space<vmem_shared>>) offsets(%dma_start3A_493 : memref<128xi32, #tpu.memory_space<vmem>>) semaphore(%run_scoped3A_487 : memref<!tpu.dma_semaphore, #tpu.memory_space<semaphore_mem>>) {add = true}
        %dma_wait3A_496 = arith.constant 0 : i32
        %dma_wait3A_497 = tpu.memref_slice %arg19[%run_scoped3A_356, %dma_wait3A_496] : memref<4x128xf32, #tpu.memory_space<vmem>> -> memref<1x128xf32, #tpu.memory_space<vmem>>
        %dma_wait3A_498 = tpu.memref_squeeze %dma_wait3A_497 : memref<1x128xf32, #tpu.memory_space<vmem>> -> memref<128xf32, #tpu.memory_space<vmem>>
        %dma_wait3A_499 = arith.constant 0 : i32
        %dma_wait3A_500 = tpu.memref_slice %arg16[%run_scoped3A_357, %dma_wait3A_499] : memref<4x128xi32, #tpu.memory_space<vmem>> -> memref<1x128xi32, #tpu.memory_space<vmem>>
        %dma_wait3A_501 = tpu.memref_squeeze %dma_wait3A_500 : memref<1x128xi32, #tpu.memory_space<vmem>> -> memref<128xi32, #tpu.memory_space<vmem>>
        %dma_wait3A_502 = arith.constant 0 : i32
        %dma_wait3A_503 = tpu.memref_slice %arg15[%dma_wait3A_502] : memref<102400xf32, #tpu.memory_space<vmem_shared>> -> memref<102400xf32, #tpu.memory_space<vmem_shared>>
        tpu.wait_indirect_dma semaphore(%run_scoped3A_487 : memref<!tpu.dma_semaphore, #tpu.memory_space<semaphore_mem>>) src(%dma_wait3A_498 : memref<128xf32, #tpu.memory_space<vmem>>) dst(%dma_wait3A_503 : memref<102400xf32, #tpu.memory_space<vmem_shared>>)
        tpu.yield
      }) : () -> ()
      %run_scoped3A_358 = arith.constant 1 : i32
      "tpu.region"() ({
        %run_scoped3A_487 = tpu.sem_alloc : memref<!tpu.dma_semaphore, #tpu.memory_space<semaphore_mem>>
        %dma_start3A_488 = arith.constant 128 : i32
        %dma_start3A_489 = arith.constant 0 : i32
        %dma_start3A_490 = tpu.memref_slice %arg18[%dma_start3A_488, %dma_start3A_489] : memref<512x16xf32, #tpu.memory_space<vmem>> -> memref<128x16xf32, #tpu.memory_space<vmem>>
        %dma_start3A_491 = arith.constant 0 : i32
        %dma_start3A_492 = tpu.memref_slice %arg17[%run_scoped3A_358, %dma_start3A_491] : memref<4x128xi32, #tpu.memory_space<vmem>> -> memref<1x128xi32, #tpu.memory_space<vmem>>
        %dma_start3A_493 = tpu.memref_squeeze %dma_start3A_492 : memref<1x128xi32, #tpu.memory_space<vmem>> -> memref<128xi32, #tpu.memory_space<vmem>>
        %dma_start3A_494 = arith.constant 0 : i32
        %dma_start3A_495 = arith.constant 0 : i32
        %dma_start3A_496 = tpu.memref_slice %arg14[%dma_start3A_494, %dma_start3A_495] : memref<102400x16xf32, #tpu.memory_space<vmem_shared>> -> memref<102400x16xf32, #tpu.memory_space<vmem_shared>>
        tpu.enqueue_indirect_dma source(%dma_start3A_490 : memref<128x16xf32, #tpu.memory_space<vmem>>) target(%dma_start3A_496 : memref<102400x16xf32, #tpu.memory_space<vmem_shared>>) offsets(%dma_start3A_493 : memref<128xi32, #tpu.memory_space<vmem>>) semaphore(%run_scoped3A_487 : memref<!tpu.dma_semaphore, #tpu.memory_space<semaphore_mem>>) {add = true}
        %dma_wait3A_497 = arith.constant 128 : i32
        %dma_wait3A_498 = arith.constant 0 : i32
        %dma_wait3A_499 = tpu.memref_slice %arg18[%dma_wait3A_497, %dma_wait3A_498] : memref<512x16xf32, #tpu.memory_space<vmem>> -> memref<128x16xf32, #tpu.memory_space<vmem>>
        %dma_wait3A_500 = arith.constant 0 : i32
        %dma_wait3A_501 = tpu.memref_slice %arg17[%run_scoped3A_358, %dma_wait3A_500] : memref<4x128xi32, #tpu.memory_space<vmem>> -> memref<1x128xi32, #tpu.memory_space<vmem>>
        %dma_wait3A_502 = tpu.memref_squeeze %dma_wait3A_501 : memref<1x128xi32, #tpu.memory_space<vmem>> -> memref<128xi32, #tpu.memory_space<vmem>>
        %dma_wait3A_503 = arith.constant 0 : i32
        %dma_wait3A_504 = arith.constant 0 : i32
        %dma_wait3A_505 = tpu.memref_slice %arg14[%dma_wait3A_503, %dma_wait3A_504] : memref<102400x16xf32, #tpu.memory_space<vmem_shared>> -> memref<102400x16xf32, #tpu.memory_space<vmem_shared>>
        tpu.wait_indirect_dma semaphore(%run_scoped3A_487 : memref<!tpu.dma_semaphore, #tpu.memory_space<semaphore_mem>>) src(%dma_wait3A_499 : memref<128x16xf32, #tpu.memory_space<vmem>>) dst(%dma_wait3A_505 : memref<102400x16xf32, #tpu.memory_space<vmem_shared>>)
        tpu.yield
      }) : () -> ()
      %run_scoped3A_359 = arith.constant 1 : i32
      %run_scoped3A_360 = arith.constant 1 : i32
      "tpu.region"() ({
        %run_scoped3A_487 = tpu.sem_alloc : memref<!tpu.dma_semaphore, #tpu.memory_space<semaphore_mem>>
        %dma_start3A_488 = arith.constant 0 : i32
        %dma_start3A_489 = tpu.memref_slice %arg19[%run_scoped3A_359, %dma_start3A_488] : memref<4x128xf32, #tpu.memory_space<vmem>> -> memref<1x128xf32, #tpu.memory_space<vmem>>
        %dma_start3A_490 = tpu.memref_squeeze %dma_start3A_489 : memref<1x128xf32, #tpu.memory_space<vmem>> -> memref<128xf32, #tpu.memory_space<vmem>>
        %dma_start3A_491 = arith.constant 0 : i32
        %dma_start3A_492 = tpu.memref_slice %arg16[%run_scoped3A_360, %dma_start3A_491] : memref<4x128xi32, #tpu.memory_space<vmem>> -> memref<1x128xi32, #tpu.memory_space<vmem>>
        %dma_start3A_493 = tpu.memref_squeeze %dma_start3A_492 : memref<1x128xi32, #tpu.memory_space<vmem>> -> memref<128xi32, #tpu.memory_space<vmem>>
        %dma_start3A_494 = arith.constant 0 : i32
        %dma_start3A_495 = tpu.memref_slice %arg15[%dma_start3A_494] : memref<102400xf32, #tpu.memory_space<vmem_shared>> -> memref<102400xf32, #tpu.memory_space<vmem_shared>>
        tpu.enqueue_indirect_dma source(%dma_start3A_490 : memref<128xf32, #tpu.memory_space<vmem>>) target(%dma_start3A_495 : memref<102400xf32, #tpu.memory_space<vmem_shared>>) offsets(%dma_start3A_493 : memref<128xi32, #tpu.memory_space<vmem>>) semaphore(%run_scoped3A_487 : memref<!tpu.dma_semaphore, #tpu.memory_space<semaphore_mem>>) {add = true}
        %dma_wait3A_496 = arith.constant 0 : i32
        %dma_wait3A_497 = tpu.memref_slice %arg19[%run_scoped3A_359, %dma_wait3A_496] : memref<4x128xf32, #tpu.memory_space<vmem>> -> memref<1x128xf32, #tpu.memory_space<vmem>>
        %dma_wait3A_498 = tpu.memref_squeeze %dma_wait3A_497 : memref<1x128xf32, #tpu.memory_space<vmem>> -> memref<128xf32, #tpu.memory_space<vmem>>
        %dma_wait3A_499 = arith.constant 0 : i32
        %dma_wait3A_500 = tpu.memref_slice %arg16[%run_scoped3A_360, %dma_wait3A_499] : memref<4x128xi32, #tpu.memory_space<vmem>> -> memref<1x128xi32, #tpu.memory_space<vmem>>
        %dma_wait3A_501 = tpu.memref_squeeze %dma_wait3A_500 : memref<1x128xi32, #tpu.memory_space<vmem>> -> memref<128xi32, #tpu.memory_space<vmem>>
        %dma_wait3A_502 = arith.constant 0 : i32
        %dma_wait3A_503 = tpu.memref_slice %arg15[%dma_wait3A_502] : memref<102400xf32, #tpu.memory_space<vmem_shared>> -> memref<102400xf32, #tpu.memory_space<vmem_shared>>
        tpu.wait_indirect_dma semaphore(%run_scoped3A_487 : memref<!tpu.dma_semaphore, #tpu.memory_space<semaphore_mem>>) src(%dma_wait3A_498 : memref<128xf32, #tpu.memory_space<vmem>>) dst(%dma_wait3A_503 : memref<102400xf32, #tpu.memory_space<vmem_shared>>)
        tpu.yield
      }) : () -> ()
      %run_scoped3A_361 = arith.constant 2 : i32
      "tpu.region"() ({
        %run_scoped3A_487 = tpu.sem_alloc : memref<!tpu.dma_semaphore, #tpu.memory_space<semaphore_mem>>
        %dma_start3A_488 = arith.constant 256 : i32
        %dma_start3A_489 = arith.constant 0 : i32
        %dma_start3A_490 = tpu.memref_slice %arg18[%dma_start3A_488, %dma_start3A_489] : memref<512x16xf32, #tpu.memory_space<vmem>> -> memref<128x16xf32, #tpu.memory_space<vmem>>
        %dma_start3A_491 = arith.constant 0 : i32
        %dma_start3A_492 = tpu.memref_slice %arg17[%run_scoped3A_361, %dma_start3A_491] : memref<4x128xi32, #tpu.memory_space<vmem>> -> memref<1x128xi32, #tpu.memory_space<vmem>>
        %dma_start3A_493 = tpu.memref_squeeze %dma_start3A_492 : memref<1x128xi32, #tpu.memory_space<vmem>> -> memref<128xi32, #tpu.memory_space<vmem>>
        %dma_start3A_494 = arith.constant 0 : i32
        %dma_start3A_495 = arith.constant 0 : i32
        %dma_start3A_496 = tpu.memref_slice %arg14[%dma_start3A_494, %dma_start3A_495] : memref<102400x16xf32, #tpu.memory_space<vmem_shared>> -> memref<102400x16xf32, #tpu.memory_space<vmem_shared>>
        tpu.enqueue_indirect_dma source(%dma_start3A_490 : memref<128x16xf32, #tpu.memory_space<vmem>>) target(%dma_start3A_496 : memref<102400x16xf32, #tpu.memory_space<vmem_shared>>) offsets(%dma_start3A_493 : memref<128xi32, #tpu.memory_space<vmem>>) semaphore(%run_scoped3A_487 : memref<!tpu.dma_semaphore, #tpu.memory_space<semaphore_mem>>) {add = true}
        %dma_wait3A_497 = arith.constant 256 : i32
        %dma_wait3A_498 = arith.constant 0 : i32
        %dma_wait3A_499 = tpu.memref_slice %arg18[%dma_wait3A_497, %dma_wait3A_498] : memref<512x16xf32, #tpu.memory_space<vmem>> -> memref<128x16xf32, #tpu.memory_space<vmem>>
        %dma_wait3A_500 = arith.constant 0 : i32
        %dma_wait3A_501 = tpu.memref_slice %arg17[%run_scoped3A_361, %dma_wait3A_500] : memref<4x128xi32, #tpu.memory_space<vmem>> -> memref<1x128xi32, #tpu.memory_space<vmem>>
        %dma_wait3A_502 = tpu.memref_squeeze %dma_wait3A_501 : memref<1x128xi32, #tpu.memory_space<vmem>> -> memref<128xi32, #tpu.memory_space<vmem>>
        %dma_wait3A_503 = arith.constant 0 : i32
        %dma_wait3A_504 = arith.constant 0 : i32
        %dma_wait3A_505 = tpu.memref_slice %arg14[%dma_wait3A_503, %dma_wait3A_504] : memref<102400x16xf32, #tpu.memory_space<vmem_shared>> -> memref<102400x16xf32, #tpu.memory_space<vmem_shared>>
        tpu.wait_indirect_dma semaphore(%run_scoped3A_487 : memref<!tpu.dma_semaphore, #tpu.memory_space<semaphore_mem>>) src(%dma_wait3A_499 : memref<128x16xf32, #tpu.memory_space<vmem>>) dst(%dma_wait3A_505 : memref<102400x16xf32, #tpu.memory_space<vmem_shared>>)
        tpu.yield
      }) : () -> ()
      %run_scoped3A_362 = arith.constant 2 : i32
      %run_scoped3A_363 = arith.constant 2 : i32
      "tpu.region"() ({
        %run_scoped3A_487 = tpu.sem_alloc : memref<!tpu.dma_semaphore, #tpu.memory_space<semaphore_mem>>
        %dma_start3A_488 = arith.constant 0 : i32
        %dma_start3A_489 = tpu.memref_slice %arg19[%run_scoped3A_362, %dma_start3A_488] : memref<4x128xf32, #tpu.memory_space<vmem>> -> memref<1x128xf32, #tpu.memory_space<vmem>>
        %dma_start3A_490 = tpu.memref_squeeze %dma_start3A_489 : memref<1x128xf32, #tpu.memory_space<vmem>> -> memref<128xf32, #tpu.memory_space<vmem>>
        %dma_start3A_491 = arith.constant 0 : i32
        %dma_start3A_492 = tpu.memref_slice %arg16[%run_scoped3A_363, %dma_start3A_491] : memref<4x128xi32, #tpu.memory_space<vmem>> -> memref<1x128xi32, #tpu.memory_space<vmem>>
        %dma_start3A_493 = tpu.memref_squeeze %dma_start3A_492 : memref<1x128xi32, #tpu.memory_space<vmem>> -> memref<128xi32, #tpu.memory_space<vmem>>
        %dma_start3A_494 = arith.constant 0 : i32
        %dma_start3A_495 = tpu.memref_slice %arg15[%dma_start3A_494] : memref<102400xf32, #tpu.memory_space<vmem_shared>> -> memref<102400xf32, #tpu.memory_space<vmem_shared>>
        tpu.enqueue_indirect_dma source(%dma_start3A_490 : memref<128xf32, #tpu.memory_space<vmem>>) target(%dma_start3A_495 : memref<102400xf32, #tpu.memory_space<vmem_shared>>) offsets(%dma_start3A_493 : memref<128xi32, #tpu.memory_space<vmem>>) semaphore(%run_scoped3A_487 : memref<!tpu.dma_semaphore, #tpu.memory_space<semaphore_mem>>) {add = true}
        %dma_wait3A_496 = arith.constant 0 : i32
        %dma_wait3A_497 = tpu.memref_slice %arg19[%run_scoped3A_362, %dma_wait3A_496] : memref<4x128xf32, #tpu.memory_space<vmem>> -> memref<1x128xf32, #tpu.memory_space<vmem>>
        %dma_wait3A_498 = tpu.memref_squeeze %dma_wait3A_497 : memref<1x128xf32, #tpu.memory_space<vmem>> -> memref<128xf32, #tpu.memory_space<vmem>>
        %dma_wait3A_499 = arith.constant 0 : i32
        %dma_wait3A_500 = tpu.memref_slice %arg16[%run_scoped3A_363, %dma_wait3A_499] : memref<4x128xi32, #tpu.memory_space<vmem>> -> memref<1x128xi32, #tpu.memory_space<vmem>>
        %dma_wait3A_501 = tpu.memref_squeeze %dma_wait3A_500 : memref<1x128xi32, #tpu.memory_space<vmem>> -> memref<128xi32, #tpu.memory_space<vmem>>
        %dma_wait3A_502 = arith.constant 0 : i32
        %dma_wait3A_503 = tpu.memref_slice %arg15[%dma_wait3A_502] : memref<102400xf32, #tpu.memory_space<vmem_shared>> -> memref<102400xf32, #tpu.memory_space<vmem_shared>>
        tpu.wait_indirect_dma semaphore(%run_scoped3A_487 : memref<!tpu.dma_semaphore, #tpu.memory_space<semaphore_mem>>) src(%dma_wait3A_498 : memref<128xf32, #tpu.memory_space<vmem>>) dst(%dma_wait3A_503 : memref<102400xf32, #tpu.memory_space<vmem_shared>>)
        tpu.yield
      }) : () -> ()
      %run_scoped3A_364 = arith.constant 3 : i32
      "tpu.region"() ({
        %run_scoped3A_487 = tpu.sem_alloc : memref<!tpu.dma_semaphore, #tpu.memory_space<semaphore_mem>>
        %dma_start3A_488 = arith.constant 384 : i32
        %dma_start3A_489 = arith.constant 0 : i32
        %dma_start3A_490 = tpu.memref_slice %arg18[%dma_start3A_488, %dma_start3A_489] : memref<512x16xf32, #tpu.memory_space<vmem>> -> memref<128x16xf32, #tpu.memory_space<vmem>>
        %dma_start3A_491 = arith.constant 0 : i32
        %dma_start3A_492 = tpu.memref_slice %arg17[%run_scoped3A_364, %dma_start3A_491] : memref<4x128xi32, #tpu.memory_space<vmem>> -> memref<1x128xi32, #tpu.memory_space<vmem>>
        %dma_start3A_493 = tpu.memref_squeeze %dma_start3A_492 : memref<1x128xi32, #tpu.memory_space<vmem>> -> memref<128xi32, #tpu.memory_space<vmem>>
        %dma_start3A_494 = arith.constant 0 : i32
        %dma_start3A_495 = arith.constant 0 : i32
        %dma_start3A_496 = tpu.memref_slice %arg14[%dma_start3A_494, %dma_start3A_495] : memref<102400x16xf32, #tpu.memory_space<vmem_shared>> -> memref<102400x16xf32, #tpu.memory_space<vmem_shared>>
        tpu.enqueue_indirect_dma source(%dma_start3A_490 : memref<128x16xf32, #tpu.memory_space<vmem>>) target(%dma_start3A_496 : memref<102400x16xf32, #tpu.memory_space<vmem_shared>>) offsets(%dma_start3A_493 : memref<128xi32, #tpu.memory_space<vmem>>) semaphore(%run_scoped3A_487 : memref<!tpu.dma_semaphore, #tpu.memory_space<semaphore_mem>>) {add = true}
        %dma_wait3A_497 = arith.constant 384 : i32
        %dma_wait3A_498 = arith.constant 0 : i32
        %dma_wait3A_499 = tpu.memref_slice %arg18[%dma_wait3A_497, %dma_wait3A_498] : memref<512x16xf32, #tpu.memory_space<vmem>> -> memref<128x16xf32, #tpu.memory_space<vmem>>
        %dma_wait3A_500 = arith.constant 0 : i32
        %dma_wait3A_501 = tpu.memref_slice %arg17[%run_scoped3A_364, %dma_wait3A_500] : memref<4x128xi32, #tpu.memory_space<vmem>> -> memref<1x128xi32, #tpu.memory_space<vmem>>
        %dma_wait3A_502 = tpu.memref_squeeze %dma_wait3A_501 : memref<1x128xi32, #tpu.memory_space<vmem>> -> memref<128xi32, #tpu.memory_space<vmem>>
        %dma_wait3A_503 = arith.constant 0 : i32
        %dma_wait3A_504 = arith.constant 0 : i32
        %dma_wait3A_505 = tpu.memref_slice %arg14[%dma_wait3A_503, %dma_wait3A_504] : memref<102400x16xf32, #tpu.memory_space<vmem_shared>> -> memref<102400x16xf32, #tpu.memory_space<vmem_shared>>
        tpu.wait_indirect_dma semaphore(%run_scoped3A_487 : memref<!tpu.dma_semaphore, #tpu.memory_space<semaphore_mem>>) src(%dma_wait3A_499 : memref<128x16xf32, #tpu.memory_space<vmem>>) dst(%dma_wait3A_505 : memref<102400x16xf32, #tpu.memory_space<vmem_shared>>)
        tpu.yield
      }) : () -> ()
      %run_scoped3A_365 = arith.constant 3 : i32
      %run_scoped3A_366 = arith.constant 3 : i32
      "tpu.region"() ({
        %run_scoped3A_487 = tpu.sem_alloc : memref<!tpu.dma_semaphore, #tpu.memory_space<semaphore_mem>>
        %dma_start3A_488 = arith.constant 0 : i32
        %dma_start3A_489 = tpu.memref_slice %arg19[%run_scoped3A_365, %dma_start3A_488] : memref<4x128xf32, #tpu.memory_space<vmem>> -> memref<1x128xf32, #tpu.memory_space<vmem>>
        %dma_start3A_490 = tpu.memref_squeeze %dma_start3A_489 : memref<1x128xf32, #tpu.memory_space<vmem>> -> memref<128xf32, #tpu.memory_space<vmem>>
        %dma_start3A_491 = arith.constant 0 : i32
        %dma_start3A_492 = tpu.memref_slice %arg16[%run_scoped3A_366, %dma_start3A_491] : memref<4x128xi32, #tpu.memory_space<vmem>> -> memref<1x128xi32, #tpu.memory_space<vmem>>
        %dma_start3A_493 = tpu.memref_squeeze %dma_start3A_492 : memref<1x128xi32, #tpu.memory_space<vmem>> -> memref<128xi32, #tpu.memory_space<vmem>>
        %dma_start3A_494 = arith.constant 0 : i32
        %dma_start3A_495 = tpu.memref_slice %arg15[%dma_start3A_494] : memref<102400xf32, #tpu.memory_space<vmem_shared>> -> memref<102400xf32, #tpu.memory_space<vmem_shared>>
        tpu.enqueue_indirect_dma source(%dma_start3A_490 : memref<128xf32, #tpu.memory_space<vmem>>) target(%dma_start3A_495 : memref<102400xf32, #tpu.memory_space<vmem_shared>>) offsets(%dma_start3A_493 : memref<128xi32, #tpu.memory_space<vmem>>) semaphore(%run_scoped3A_487 : memref<!tpu.dma_semaphore, #tpu.memory_space<semaphore_mem>>) {add = true}
        %dma_wait3A_496 = arith.constant 0 : i32
        %dma_wait3A_497 = tpu.memref_slice %arg19[%run_scoped3A_365, %dma_wait3A_496] : memref<4x128xf32, #tpu.memory_space<vmem>> -> memref<1x128xf32, #tpu.memory_space<vmem>>
        %dma_wait3A_498 = tpu.memref_squeeze %dma_wait3A_497 : memref<1x128xf32, #tpu.memory_space<vmem>> -> memref<128xf32, #tpu.memory_space<vmem>>
        %dma_wait3A_499 = arith.constant 0 : i32
        %dma_wait3A_500 = tpu.memref_slice %arg16[%run_scoped3A_366, %dma_wait3A_499] : memref<4x128xi32, #tpu.memory_space<vmem>> -> memref<1x128xi32, #tpu.memory_space<vmem>>
        %dma_wait3A_501 = tpu.memref_squeeze %dma_wait3A_500 : memref<1x128xi32, #tpu.memory_space<vmem>> -> memref<128xi32, #tpu.memory_space<vmem>>
        %dma_wait3A_502 = arith.constant 0 : i32
        %dma_wait3A_503 = tpu.memref_slice %arg15[%dma_wait3A_502] : memref<102400xf32, #tpu.memory_space<vmem_shared>> -> memref<102400xf32, #tpu.memory_space<vmem_shared>>
        tpu.wait_indirect_dma semaphore(%run_scoped3A_487 : memref<!tpu.dma_semaphore, #tpu.memory_space<semaphore_mem>>) src(%dma_wait3A_498 : memref<128xf32, #tpu.memory_space<vmem>>) dst(%dma_wait3A_503 : memref<102400xf32, #tpu.memory_space<vmem_shared>>)
        tpu.yield
      }) : () -> ()
      %dma_wait3A_367 = arith.constant 0 : i32
      %dma_wait3A_368 = arith.constant 0 : i32
      %dma_wait3A_369 = arith.constant 0 : i32
      %dma_wait3A_370 = tpu.memref_slice %arg22[%dma_wait3A_368, %dma_wait3A_369] : memref<512x16xf32, #tpu.memory_space<vmem>> -> memref<128x16xf32, #tpu.memory_space<vmem>>
      %dma_wait3A_371 = arith.constant 0 : i32
      %dma_wait3A_372 = tpu.memref_slice %arg20[%dma_wait3A_367, %dma_wait3A_371] : memref<4x128xi32, #tpu.memory_space<vmem>> -> memref<1x128xi32, #tpu.memory_space<vmem>>
      %dma_wait3A_373 = tpu.memref_squeeze %dma_wait3A_372 : memref<1x128xi32, #tpu.memory_space<vmem>> -> memref<128xi32, #tpu.memory_space<vmem>>
      %dma_wait3A_374 = arith.constant 0 : i32
      %dma_wait3A_375 = arith.constant 0 : i32
      %dma_wait3A_376 = tpu.memref_slice %arg12[%arg0, %dma_wait3A_374, %dma_wait3A_375] : memref<2x102400x16xf32, #tpu.memory_space<hbm>> -> memref<1x102400x16xf32, #tpu.memory_space<hbm>>
      %dma_wait3A_377 = tpu.memref_squeeze %dma_wait3A_376 : memref<1x102400x16xf32, #tpu.memory_space<hbm>> -> memref<102400x16xf32, #tpu.memory_space<hbm>>
      %dma_wait3A_378 = arith.constant 0 : i32
      %dma_wait3A_379 = arith.constant 0 : i32
      %dma_wait3A_380 = tpu.memref_slice %dma_wait3A_377[%dma_wait3A_378, %dma_wait3A_379] : memref<102400x16xf32, #tpu.memory_space<hbm>> -> memref<102400x16xf32, #tpu.memory_space<hbm>>
      tpu.wait_indirect_dma semaphore(%arg28 : memref<!tpu.dma_semaphore, #tpu.memory_space<semaphore_mem>>) src(%dma_wait3A_380 : memref<102400x16xf32, #tpu.memory_space<hbm>>) dst(%dma_wait3A_370 : memref<128x16xf32, #tpu.memory_space<vmem>>)
      %dma_wait3A_381 = arith.constant 1 : i32
      %dma_wait3A_382 = arith.constant 128 : i32
      %dma_wait3A_383 = arith.constant 0 : i32
      %dma_wait3A_384 = tpu.memref_slice %arg22[%dma_wait3A_382, %dma_wait3A_383] : memref<512x16xf32, #tpu.memory_space<vmem>> -> memref<128x16xf32, #tpu.memory_space<vmem>>
      %dma_wait3A_385 = arith.constant 0 : i32
      %dma_wait3A_386 = tpu.memref_slice %arg20[%dma_wait3A_381, %dma_wait3A_385] : memref<4x128xi32, #tpu.memory_space<vmem>> -> memref<1x128xi32, #tpu.memory_space<vmem>>
      %dma_wait3A_387 = tpu.memref_squeeze %dma_wait3A_386 : memref<1x128xi32, #tpu.memory_space<vmem>> -> memref<128xi32, #tpu.memory_space<vmem>>
      %dma_wait3A_388 = arith.constant 0 : i32
      %dma_wait3A_389 = arith.constant 0 : i32
      %dma_wait3A_390 = tpu.memref_slice %arg12[%arg0, %dma_wait3A_388, %dma_wait3A_389] : memref<2x102400x16xf32, #tpu.memory_space<hbm>> -> memref<1x102400x16xf32, #tpu.memory_space<hbm>>
      %dma_wait3A_391 = tpu.memref_squeeze %dma_wait3A_390 : memref<1x102400x16xf32, #tpu.memory_space<hbm>> -> memref<102400x16xf32, #tpu.memory_space<hbm>>
      %dma_wait3A_392 = arith.constant 0 : i32
      %dma_wait3A_393 = arith.constant 0 : i32
      %dma_wait3A_394 = tpu.memref_slice %dma_wait3A_391[%dma_wait3A_392, %dma_wait3A_393] : memref<102400x16xf32, #tpu.memory_space<hbm>> -> memref<102400x16xf32, #tpu.memory_space<hbm>>
      tpu.wait_indirect_dma semaphore(%arg28 : memref<!tpu.dma_semaphore, #tpu.memory_space<semaphore_mem>>) src(%dma_wait3A_394 : memref<102400x16xf32, #tpu.memory_space<hbm>>) dst(%dma_wait3A_384 : memref<128x16xf32, #tpu.memory_space<vmem>>)
      %dma_wait3A_395 = arith.constant 2 : i32
      %dma_wait3A_396 = arith.constant 256 : i32
      %dma_wait3A_397 = arith.constant 0 : i32
      %dma_wait3A_398 = tpu.memref_slice %arg22[%dma_wait3A_396, %dma_wait3A_397] : memref<512x16xf32, #tpu.memory_space<vmem>> -> memref<128x16xf32, #tpu.memory_space<vmem>>
      %dma_wait3A_399 = arith.constant 0 : i32
      %dma_wait3A_400 = tpu.memref_slice %arg20[%dma_wait3A_395, %dma_wait3A_399] : memref<4x128xi32, #tpu.memory_space<vmem>> -> memref<1x128xi32, #tpu.memory_space<vmem>>
      %dma_wait3A_401 = tpu.memref_squeeze %dma_wait3A_400 : memref<1x128xi32, #tpu.memory_space<vmem>> -> memref<128xi32, #tpu.memory_space<vmem>>
      %dma_wait3A_402 = arith.constant 0 : i32
      %dma_wait3A_403 = arith.constant 0 : i32
      %dma_wait3A_404 = tpu.memref_slice %arg12[%arg0, %dma_wait3A_402, %dma_wait3A_403] : memref<2x102400x16xf32, #tpu.memory_space<hbm>> -> memref<1x102400x16xf32, #tpu.memory_space<hbm>>
      %dma_wait3A_405 = tpu.memref_squeeze %dma_wait3A_404 : memref<1x102400x16xf32, #tpu.memory_space<hbm>> -> memref<102400x16xf32, #tpu.memory_space<hbm>>
      %dma_wait3A_406 = arith.constant 0 : i32
      %dma_wait3A_407 = arith.constant 0 : i32
      %dma_wait3A_408 = tpu.memref_slice %dma_wait3A_405[%dma_wait3A_406, %dma_wait3A_407] : memref<102400x16xf32, #tpu.memory_space<hbm>> -> memref<102400x16xf32, #tpu.memory_space<hbm>>
      tpu.wait_indirect_dma semaphore(%arg28 : memref<!tpu.dma_semaphore, #tpu.memory_space<semaphore_mem>>) src(%dma_wait3A_408 : memref<102400x16xf32, #tpu.memory_space<hbm>>) dst(%dma_wait3A_398 : memref<128x16xf32, #tpu.memory_space<vmem>>)
      %dma_wait3A_409 = arith.constant 3 : i32
      %dma_wait3A_410 = arith.constant 384 : i32
      %dma_wait3A_411 = arith.constant 0 : i32
      %dma_wait3A_412 = tpu.memref_slice %arg22[%dma_wait3A_410, %dma_wait3A_411] : memref<512x16xf32, #tpu.memory_space<vmem>> -> memref<128x16xf32, #tpu.memory_space<vmem>>
      %dma_wait3A_413 = arith.constant 0 : i32
      %dma_wait3A_414 = tpu.memref_slice %arg20[%dma_wait3A_409, %dma_wait3A_413] : memref<4x128xi32, #tpu.memory_space<vmem>> -> memref<1x128xi32, #tpu.memory_space<vmem>>
      %dma_wait3A_415 = tpu.memref_squeeze %dma_wait3A_414 : memref<1x128xi32, #tpu.memory_space<vmem>> -> memref<128xi32, #tpu.memory_space<vmem>>
      %dma_wait3A_416 = arith.constant 0 : i32
      %dma_wait3A_417 = arith.constant 0 : i32
      %dma_wait3A_418 = tpu.memref_slice %arg12[%arg0, %dma_wait3A_416, %dma_wait3A_417] : memref<2x102400x16xf32, #tpu.memory_space<hbm>> -> memref<1x102400x16xf32, #tpu.memory_space<hbm>>
      %dma_wait3A_419 = tpu.memref_squeeze %dma_wait3A_418 : memref<1x102400x16xf32, #tpu.memory_space<hbm>> -> memref<102400x16xf32, #tpu.memory_space<hbm>>
      %dma_wait3A_420 = arith.constant 0 : i32
      %dma_wait3A_421 = arith.constant 0 : i32
      %dma_wait3A_422 = tpu.memref_slice %dma_wait3A_419[%dma_wait3A_420, %dma_wait3A_421] : memref<102400x16xf32, #tpu.memory_space<hbm>> -> memref<102400x16xf32, #tpu.memory_space<hbm>>
      tpu.wait_indirect_dma semaphore(%arg28 : memref<!tpu.dma_semaphore, #tpu.memory_space<semaphore_mem>>) src(%dma_wait3A_422 : memref<102400x16xf32, #tpu.memory_space<hbm>>) dst(%dma_wait3A_412 : memref<128x16xf32, #tpu.memory_space<vmem>>)
      %dma_wait3A_423 = arith.constant 0 : i32
      %dma_wait3A_424 = arith.constant 0 : i32
      %dma_wait3A_425 = arith.constant 0 : i32
      %dma_wait3A_426 = tpu.memref_slice %arg23[%dma_wait3A_424, %dma_wait3A_425] : memref<4x128xf32, #tpu.memory_space<vmem>> -> memref<1x128xf32, #tpu.memory_space<vmem>>
      %dma_wait3A_427 = tpu.memref_squeeze %dma_wait3A_426 : memref<1x128xf32, #tpu.memory_space<vmem>> -> memref<128xf32, #tpu.memory_space<vmem>>
      %dma_wait3A_428 = arith.constant 0 : i32
      %dma_wait3A_429 = tpu.memref_slice %arg21[%dma_wait3A_423, %dma_wait3A_428] : memref<4x128xi32, #tpu.memory_space<vmem>> -> memref<1x128xi32, #tpu.memory_space<vmem>>
      %dma_wait3A_430 = tpu.memref_squeeze %dma_wait3A_429 : memref<1x128xi32, #tpu.memory_space<vmem>> -> memref<128xi32, #tpu.memory_space<vmem>>
      %dma_wait3A_431 = arith.constant 0 : i32
      %dma_wait3A_432 = tpu.memref_slice %arg11[%arg0, %dma_wait3A_431] : memref<2x102400xf32, #tpu.memory_space<hbm>> -> memref<1x102400xf32, #tpu.memory_space<hbm>>
      %dma_wait3A_433 = tpu.memref_squeeze %dma_wait3A_432 : memref<1x102400xf32, #tpu.memory_space<hbm>> -> memref<102400xf32, #tpu.memory_space<hbm>>
      %dma_wait3A_434 = arith.constant 0 : i32
      %dma_wait3A_435 = tpu.memref_slice %dma_wait3A_433[%dma_wait3A_434] : memref<102400xf32, #tpu.memory_space<hbm>> -> memref<102400xf32, #tpu.memory_space<hbm>>
      tpu.wait_indirect_dma semaphore(%arg29 : memref<!tpu.dma_semaphore, #tpu.memory_space<semaphore_mem>>) src(%dma_wait3A_435 : memref<102400xf32, #tpu.memory_space<hbm>>) dst(%dma_wait3A_427 : memref<128xf32, #tpu.memory_space<vmem>>)
      %dma_wait3A_436 = arith.constant 1 : i32
      %dma_wait3A_437 = arith.constant 1 : i32
      %dma_wait3A_438 = arith.constant 0 : i32
      %dma_wait3A_439 = tpu.memref_slice %arg23[%dma_wait3A_437, %dma_wait3A_438] : memref<4x128xf32, #tpu.memory_space<vmem>> -> memref<1x128xf32, #tpu.memory_space<vmem>>
      %dma_wait3A_440 = tpu.memref_squeeze %dma_wait3A_439 : memref<1x128xf32, #tpu.memory_space<vmem>> -> memref<128xf32, #tpu.memory_space<vmem>>
      %dma_wait3A_441 = arith.constant 0 : i32
      %dma_wait3A_442 = tpu.memref_slice %arg21[%dma_wait3A_436, %dma_wait3A_441] : memref<4x128xi32, #tpu.memory_space<vmem>> -> memref<1x128xi32, #tpu.memory_space<vmem>>
      %dma_wait3A_443 = tpu.memref_squeeze %dma_wait3A_442 : memref<1x128xi32, #tpu.memory_space<vmem>> -> memref<128xi32, #tpu.memory_space<vmem>>
      %dma_wait3A_444 = arith.constant 0 : i32
      %dma_wait3A_445 = tpu.memref_slice %arg11[%arg0, %dma_wait3A_444] : memref<2x102400xf32, #tpu.memory_space<hbm>> -> memref<1x102400xf32, #tpu.memory_space<hbm>>
      %dma_wait3A_446 = tpu.memref_squeeze %dma_wait3A_445 : memref<1x102400xf32, #tpu.memory_space<hbm>> -> memref<102400xf32, #tpu.memory_space<hbm>>
      %dma_wait3A_447 = arith.constant 0 : i32
      %dma_wait3A_448 = tpu.memref_slice %dma_wait3A_446[%dma_wait3A_447] : memref<102400xf32, #tpu.memory_space<hbm>> -> memref<102400xf32, #tpu.memory_space<hbm>>
      tpu.wait_indirect_dma semaphore(%arg29 : memref<!tpu.dma_semaphore, #tpu.memory_space<semaphore_mem>>) src(%dma_wait3A_448 : memref<102400xf32, #tpu.memory_space<hbm>>) dst(%dma_wait3A_440 : memref<128xf32, #tpu.memory_space<vmem>>)
      %dma_wait3A_449 = arith.constant 2 : i32
      %dma_wait3A_450 = arith.constant 2 : i32
      %dma_wait3A_451 = arith.constant 0 : i32
      %dma_wait3A_452 = tpu.memref_slice %arg23[%dma_wait3A_450, %dma_wait3A_451] : memref<4x128xf32, #tpu.memory_space<vmem>> -> memref<1x128xf32, #tpu.memory_space<vmem>>
      %dma_wait3A_453 = tpu.memref_squeeze %dma_wait3A_452 : memref<1x128xf32, #tpu.memory_space<vmem>> -> memref<128xf32, #tpu.memory_space<vmem>>
      %dma_wait3A_454 = arith.constant 0 : i32
      %dma_wait3A_455 = tpu.memref_slice %arg21[%dma_wait3A_449, %dma_wait3A_454] : memref<4x128xi32, #tpu.memory_space<vmem>> -> memref<1x128xi32, #tpu.memory_space<vmem>>
      %dma_wait3A_456 = tpu.memref_squeeze %dma_wait3A_455 : memref<1x128xi32, #tpu.memory_space<vmem>> -> memref<128xi32, #tpu.memory_space<vmem>>
      %dma_wait3A_457 = arith.constant 0 : i32
      %dma_wait3A_458 = tpu.memref_slice %arg11[%arg0, %dma_wait3A_457] : memref<2x102400xf32, #tpu.memory_space<hbm>> -> memref<1x102400xf32, #tpu.memory_space<hbm>>
      %dma_wait3A_459 = tpu.memref_squeeze %dma_wait3A_458 : memref<1x102400xf32, #tpu.memory_space<hbm>> -> memref<102400xf32, #tpu.memory_space<hbm>>
      %dma_wait3A_460 = arith.constant 0 : i32
      %dma_wait3A_461 = tpu.memref_slice %dma_wait3A_459[%dma_wait3A_460] : memref<102400xf32, #tpu.memory_space<hbm>> -> memref<102400xf32, #tpu.memory_space<hbm>>
      tpu.wait_indirect_dma semaphore(%arg29 : memref<!tpu.dma_semaphore, #tpu.memory_space<semaphore_mem>>) src(%dma_wait3A_461 : memref<102400xf32, #tpu.memory_space<hbm>>) dst(%dma_wait3A_453 : memref<128xf32, #tpu.memory_space<vmem>>)
      %dma_wait3A_462 = arith.constant 3 : i32
      %dma_wait3A_463 = arith.constant 3 : i32
      %dma_wait3A_464 = arith.constant 0 : i32
      %dma_wait3A_465 = tpu.memref_slice %arg23[%dma_wait3A_463, %dma_wait3A_464] : memref<4x128xf32, #tpu.memory_space<vmem>> -> memref<1x128xf32, #tpu.memory_space<vmem>>
      %dma_wait3A_466 = tpu.memref_squeeze %dma_wait3A_465 : memref<1x128xf32, #tpu.memory_space<vmem>> -> memref<128xf32, #tpu.memory_space<vmem>>
      %dma_wait3A_467 = arith.constant 0 : i32
      %dma_wait3A_468 = tpu.memref_slice %arg21[%dma_wait3A_462, %dma_wait3A_467] : memref<4x128xi32, #tpu.memory_space<vmem>> -> memref<1x128xi32, #tpu.memory_space<vmem>>
      %dma_wait3A_469 = tpu.memref_squeeze %dma_wait3A_468 : memref<1x128xi32, #tpu.memory_space<vmem>> -> memref<128xi32, #tpu.memory_space<vmem>>
      %dma_wait3A_470 = arith.constant 0 : i32
      %dma_wait3A_471 = tpu.memref_slice %arg11[%arg0, %dma_wait3A_470] : memref<2x102400xf32, #tpu.memory_space<hbm>> -> memref<1x102400xf32, #tpu.memory_space<hbm>>
      %dma_wait3A_472 = tpu.memref_squeeze %dma_wait3A_471 : memref<1x102400xf32, #tpu.memory_space<hbm>> -> memref<102400xf32, #tpu.memory_space<hbm>>
      %dma_wait3A_473 = arith.constant 0 : i32
      %dma_wait3A_474 = tpu.memref_slice %dma_wait3A_472[%dma_wait3A_473] : memref<102400xf32, #tpu.memory_space<hbm>> -> memref<102400xf32, #tpu.memory_space<hbm>>
      tpu.wait_indirect_dma semaphore(%arg29 : memref<!tpu.dma_semaphore, #tpu.memory_space<semaphore_mem>>) src(%dma_wait3A_474 : memref<102400xf32, #tpu.memory_space<hbm>>) dst(%dma_wait3A_466 : memref<128xf32, #tpu.memory_space<vmem>>)
      %run_scoped3A_475 = arith.constant 0 : i32
      "tpu.region"() ({
        %run_scoped3A_487 = tpu.sem_alloc : memref<!tpu.dma_semaphore, #tpu.memory_space<semaphore_mem>>
        %dma_start3A_488 = arith.constant 0 : i32
        %dma_start3A_489 = arith.constant 0 : i32
        %dma_start3A_490 = tpu.memref_slice %arg22[%dma_start3A_488, %dma_start3A_489] : memref<512x16xf32, #tpu.memory_space<vmem>> -> memref<128x16xf32, #tpu.memory_space<vmem>>
        %dma_start3A_491 = arith.constant 0 : i32
        %dma_start3A_492 = tpu.memref_slice %arg21[%run_scoped3A_475, %dma_start3A_491] : memref<4x128xi32, #tpu.memory_space<vmem>> -> memref<1x128xi32, #tpu.memory_space<vmem>>
        %dma_start3A_493 = tpu.memref_squeeze %dma_start3A_492 : memref<1x128xi32, #tpu.memory_space<vmem>> -> memref<128xi32, #tpu.memory_space<vmem>>
        %dma_start3A_494 = arith.constant 0 : i32
        %dma_start3A_495 = arith.constant 0 : i32
        %dma_start3A_496 = tpu.memref_slice %arg14[%dma_start3A_494, %dma_start3A_495] : memref<102400x16xf32, #tpu.memory_space<vmem_shared>> -> memref<102400x16xf32, #tpu.memory_space<vmem_shared>>
        tpu.enqueue_indirect_dma source(%dma_start3A_490 : memref<128x16xf32, #tpu.memory_space<vmem>>) target(%dma_start3A_496 : memref<102400x16xf32, #tpu.memory_space<vmem_shared>>) offsets(%dma_start3A_493 : memref<128xi32, #tpu.memory_space<vmem>>) semaphore(%run_scoped3A_487 : memref<!tpu.dma_semaphore, #tpu.memory_space<semaphore_mem>>) {add = true}
        %dma_wait3A_497 = arith.constant 0 : i32
        %dma_wait3A_498 = arith.constant 0 : i32
        %dma_wait3A_499 = tpu.memref_slice %arg22[%dma_wait3A_497, %dma_wait3A_498] : memref<512x16xf32, #tpu.memory_space<vmem>> -> memref<128x16xf32, #tpu.memory_space<vmem>>
        %dma_wait3A_500 = arith.constant 0 : i32
        %dma_wait3A_501 = tpu.memref_slice %arg21[%run_scoped3A_475, %dma_wait3A_500] : memref<4x128xi32, #tpu.memory_space<vmem>> -> memref<1x128xi32, #tpu.memory_space<vmem>>
        %dma_wait3A_502 = tpu.memref_squeeze %dma_wait3A_501 : memref<1x128xi32, #tpu.memory_space<vmem>> -> memref<128xi32, #tpu.memory_space<vmem>>
        %dma_wait3A_503 = arith.constant 0 : i32
        %dma_wait3A_504 = arith.constant 0 : i32
        %dma_wait3A_505 = tpu.memref_slice %arg14[%dma_wait3A_503, %dma_wait3A_504] : memref<102400x16xf32, #tpu.memory_space<vmem_shared>> -> memref<102400x16xf32, #tpu.memory_space<vmem_shared>>
        tpu.wait_indirect_dma semaphore(%run_scoped3A_487 : memref<!tpu.dma_semaphore, #tpu.memory_space<semaphore_mem>>) src(%dma_wait3A_499 : memref<128x16xf32, #tpu.memory_space<vmem>>) dst(%dma_wait3A_505 : memref<102400x16xf32, #tpu.memory_space<vmem_shared>>)
        tpu.yield
      }) : () -> ()
      %run_scoped3A_476 = arith.constant 0 : i32
      %run_scoped3A_477 = arith.constant 0 : i32
      "tpu.region"() ({
        %run_scoped3A_487 = tpu.sem_alloc : memref<!tpu.dma_semaphore, #tpu.memory_space<semaphore_mem>>
        %dma_start3A_488 = arith.constant 0 : i32
        %dma_start3A_489 = tpu.memref_slice %arg23[%run_scoped3A_476, %dma_start3A_488] : memref<4x128xf32, #tpu.memory_space<vmem>> -> memref<1x128xf32, #tpu.memory_space<vmem>>
        %dma_start3A_490 = tpu.memref_squeeze %dma_start3A_489 : memref<1x128xf32, #tpu.memory_space<vmem>> -> memref<128xf32, #tpu.memory_space<vmem>>
        %dma_start3A_491 = arith.constant 0 : i32
        %dma_start3A_492 = tpu.memref_slice %arg20[%run_scoped3A_477, %dma_start3A_491] : memref<4x128xi32, #tpu.memory_space<vmem>> -> memref<1x128xi32, #tpu.memory_space<vmem>>
        %dma_start3A_493 = tpu.memref_squeeze %dma_start3A_492 : memref<1x128xi32, #tpu.memory_space<vmem>> -> memref<128xi32, #tpu.memory_space<vmem>>
        %dma_start3A_494 = arith.constant 0 : i32
        %dma_start3A_495 = tpu.memref_slice %arg15[%dma_start3A_494] : memref<102400xf32, #tpu.memory_space<vmem_shared>> -> memref<102400xf32, #tpu.memory_space<vmem_shared>>
        tpu.enqueue_indirect_dma source(%dma_start3A_490 : memref<128xf32, #tpu.memory_space<vmem>>) target(%dma_start3A_495 : memref<102400xf32, #tpu.memory_space<vmem_shared>>) offsets(%dma_start3A_493 : memref<128xi32, #tpu.memory_space<vmem>>) semaphore(%run_scoped3A_487 : memref<!tpu.dma_semaphore, #tpu.memory_space<semaphore_mem>>) {add = true}
        %dma_wait3A_496 = arith.constant 0 : i32
        %dma_wait3A_497 = tpu.memref_slice %arg23[%run_scoped3A_476, %dma_wait3A_496] : memref<4x128xf32, #tpu.memory_space<vmem>> -> memref<1x128xf32, #tpu.memory_space<vmem>>
        %dma_wait3A_498 = tpu.memref_squeeze %dma_wait3A_497 : memref<1x128xf32, #tpu.memory_space<vmem>> -> memref<128xf32, #tpu.memory_space<vmem>>
        %dma_wait3A_499 = arith.constant 0 : i32
        %dma_wait3A_500 = tpu.memref_slice %arg20[%run_scoped3A_477, %dma_wait3A_499] : memref<4x128xi32, #tpu.memory_space<vmem>> -> memref<1x128xi32, #tpu.memory_space<vmem>>
        %dma_wait3A_501 = tpu.memref_squeeze %dma_wait3A_500 : memref<1x128xi32, #tpu.memory_space<vmem>> -> memref<128xi32, #tpu.memory_space<vmem>>
        %dma_wait3A_502 = arith.constant 0 : i32
        %dma_wait3A_503 = tpu.memref_slice %arg15[%dma_wait3A_502] : memref<102400xf32, #tpu.memory_space<vmem_shared>> -> memref<102400xf32, #tpu.memory_space<vmem_shared>>
        tpu.wait_indirect_dma semaphore(%run_scoped3A_487 : memref<!tpu.dma_semaphore, #tpu.memory_space<semaphore_mem>>) src(%dma_wait3A_498 : memref<128xf32, #tpu.memory_space<vmem>>) dst(%dma_wait3A_503 : memref<102400xf32, #tpu.memory_space<vmem_shared>>)
        tpu.yield
      }) : () -> ()
      %run_scoped3A_478 = arith.constant 1 : i32
      "tpu.region"() ({
        %run_scoped3A_487 = tpu.sem_alloc : memref<!tpu.dma_semaphore, #tpu.memory_space<semaphore_mem>>
        %dma_start3A_488 = arith.constant 128 : i32
        %dma_start3A_489 = arith.constant 0 : i32
        %dma_start3A_490 = tpu.memref_slice %arg22[%dma_start3A_488, %dma_start3A_489] : memref<512x16xf32, #tpu.memory_space<vmem>> -> memref<128x16xf32, #tpu.memory_space<vmem>>
        %dma_start3A_491 = arith.constant 0 : i32
        %dma_start3A_492 = tpu.memref_slice %arg21[%run_scoped3A_478, %dma_start3A_491] : memref<4x128xi32, #tpu.memory_space<vmem>> -> memref<1x128xi32, #tpu.memory_space<vmem>>
        %dma_start3A_493 = tpu.memref_squeeze %dma_start3A_492 : memref<1x128xi32, #tpu.memory_space<vmem>> -> memref<128xi32, #tpu.memory_space<vmem>>
        %dma_start3A_494 = arith.constant 0 : i32
        %dma_start3A_495 = arith.constant 0 : i32
        %dma_start3A_496 = tpu.memref_slice %arg14[%dma_start3A_494, %dma_start3A_495] : memref<102400x16xf32, #tpu.memory_space<vmem_shared>> -> memref<102400x16xf32, #tpu.memory_space<vmem_shared>>
        tpu.enqueue_indirect_dma source(%dma_start3A_490 : memref<128x16xf32, #tpu.memory_space<vmem>>) target(%dma_start3A_496 : memref<102400x16xf32, #tpu.memory_space<vmem_shared>>) offsets(%dma_start3A_493 : memref<128xi32, #tpu.memory_space<vmem>>) semaphore(%run_scoped3A_487 : memref<!tpu.dma_semaphore, #tpu.memory_space<semaphore_mem>>) {add = true}
        %dma_wait3A_497 = arith.constant 128 : i32
        %dma_wait3A_498 = arith.constant 0 : i32
        %dma_wait3A_499 = tpu.memref_slice %arg22[%dma_wait3A_497, %dma_wait3A_498] : memref<512x16xf32, #tpu.memory_space<vmem>> -> memref<128x16xf32, #tpu.memory_space<vmem>>
        %dma_wait3A_500 = arith.constant 0 : i32
        %dma_wait3A_501 = tpu.memref_slice %arg21[%run_scoped3A_478, %dma_wait3A_500] : memref<4x128xi32, #tpu.memory_space<vmem>> -> memref<1x128xi32, #tpu.memory_space<vmem>>
        %dma_wait3A_502 = tpu.memref_squeeze %dma_wait3A_501 : memref<1x128xi32, #tpu.memory_space<vmem>> -> memref<128xi32, #tpu.memory_space<vmem>>
        %dma_wait3A_503 = arith.constant 0 : i32
        %dma_wait3A_504 = arith.constant 0 : i32
        %dma_wait3A_505 = tpu.memref_slice %arg14[%dma_wait3A_503, %dma_wait3A_504] : memref<102400x16xf32, #tpu.memory_space<vmem_shared>> -> memref<102400x16xf32, #tpu.memory_space<vmem_shared>>
        tpu.wait_indirect_dma semaphore(%run_scoped3A_487 : memref<!tpu.dma_semaphore, #tpu.memory_space<semaphore_mem>>) src(%dma_wait3A_499 : memref<128x16xf32, #tpu.memory_space<vmem>>) dst(%dma_wait3A_505 : memref<102400x16xf32, #tpu.memory_space<vmem_shared>>)
        tpu.yield
      }) : () -> ()
      %run_scoped3A_479 = arith.constant 1 : i32
      %run_scoped3A_480 = arith.constant 1 : i32
      "tpu.region"() ({
        %run_scoped3A_487 = tpu.sem_alloc : memref<!tpu.dma_semaphore, #tpu.memory_space<semaphore_mem>>
        %dma_start3A_488 = arith.constant 0 : i32
        %dma_start3A_489 = tpu.memref_slice %arg23[%run_scoped3A_479, %dma_start3A_488] : memref<4x128xf32, #tpu.memory_space<vmem>> -> memref<1x128xf32, #tpu.memory_space<vmem>>
        %dma_start3A_490 = tpu.memref_squeeze %dma_start3A_489 : memref<1x128xf32, #tpu.memory_space<vmem>> -> memref<128xf32, #tpu.memory_space<vmem>>
        %dma_start3A_491 = arith.constant 0 : i32
        %dma_start3A_492 = tpu.memref_slice %arg20[%run_scoped3A_480, %dma_start3A_491] : memref<4x128xi32, #tpu.memory_space<vmem>> -> memref<1x128xi32, #tpu.memory_space<vmem>>
        %dma_start3A_493 = tpu.memref_squeeze %dma_start3A_492 : memref<1x128xi32, #tpu.memory_space<vmem>> -> memref<128xi32, #tpu.memory_space<vmem>>
        %dma_start3A_494 = arith.constant 0 : i32
        %dma_start3A_495 = tpu.memref_slice %arg15[%dma_start3A_494] : memref<102400xf32, #tpu.memory_space<vmem_shared>> -> memref<102400xf32, #tpu.memory_space<vmem_shared>>
        tpu.enqueue_indirect_dma source(%dma_start3A_490 : memref<128xf32, #tpu.memory_space<vmem>>) target(%dma_start3A_495 : memref<102400xf32, #tpu.memory_space<vmem_shared>>) offsets(%dma_start3A_493 : memref<128xi32, #tpu.memory_space<vmem>>) semaphore(%run_scoped3A_487 : memref<!tpu.dma_semaphore, #tpu.memory_space<semaphore_mem>>) {add = true}
        %dma_wait3A_496 = arith.constant 0 : i32
        %dma_wait3A_497 = tpu.memref_slice %arg23[%run_scoped3A_479, %dma_wait3A_496] : memref<4x128xf32, #tpu.memory_space<vmem>> -> memref<1x128xf32, #tpu.memory_space<vmem>>
        %dma_wait3A_498 = tpu.memref_squeeze %dma_wait3A_497 : memref<1x128xf32, #tpu.memory_space<vmem>> -> memref<128xf32, #tpu.memory_space<vmem>>
        %dma_wait3A_499 = arith.constant 0 : i32
        %dma_wait3A_500 = tpu.memref_slice %arg20[%run_scoped3A_480, %dma_wait3A_499] : memref<4x128xi32, #tpu.memory_space<vmem>> -> memref<1x128xi32, #tpu.memory_space<vmem>>
        %dma_wait3A_501 = tpu.memref_squeeze %dma_wait3A_500 : memref<1x128xi32, #tpu.memory_space<vmem>> -> memref<128xi32, #tpu.memory_space<vmem>>
        %dma_wait3A_502 = arith.constant 0 : i32
        %dma_wait3A_503 = tpu.memref_slice %arg15[%dma_wait3A_502] : memref<102400xf32, #tpu.memory_space<vmem_shared>> -> memref<102400xf32, #tpu.memory_space<vmem_shared>>
        tpu.wait_indirect_dma semaphore(%run_scoped3A_487 : memref<!tpu.dma_semaphore, #tpu.memory_space<semaphore_mem>>) src(%dma_wait3A_498 : memref<128xf32, #tpu.memory_space<vmem>>) dst(%dma_wait3A_503 : memref<102400xf32, #tpu.memory_space<vmem_shared>>)
        tpu.yield
      }) : () -> ()
      %run_scoped3A_481 = arith.constant 2 : i32
      "tpu.region"() ({
        %run_scoped3A_487 = tpu.sem_alloc : memref<!tpu.dma_semaphore, #tpu.memory_space<semaphore_mem>>
        %dma_start3A_488 = arith.constant 256 : i32
        %dma_start3A_489 = arith.constant 0 : i32
        %dma_start3A_490 = tpu.memref_slice %arg22[%dma_start3A_488, %dma_start3A_489] : memref<512x16xf32, #tpu.memory_space<vmem>> -> memref<128x16xf32, #tpu.memory_space<vmem>>
        %dma_start3A_491 = arith.constant 0 : i32
        %dma_start3A_492 = tpu.memref_slice %arg21[%run_scoped3A_481, %dma_start3A_491] : memref<4x128xi32, #tpu.memory_space<vmem>> -> memref<1x128xi32, #tpu.memory_space<vmem>>
        %dma_start3A_493 = tpu.memref_squeeze %dma_start3A_492 : memref<1x128xi32, #tpu.memory_space<vmem>> -> memref<128xi32, #tpu.memory_space<vmem>>
        %dma_start3A_494 = arith.constant 0 : i32
        %dma_start3A_495 = arith.constant 0 : i32
        %dma_start3A_496 = tpu.memref_slice %arg14[%dma_start3A_494, %dma_start3A_495] : memref<102400x16xf32, #tpu.memory_space<vmem_shared>> -> memref<102400x16xf32, #tpu.memory_space<vmem_shared>>
        tpu.enqueue_indirect_dma source(%dma_start3A_490 : memref<128x16xf32, #tpu.memory_space<vmem>>) target(%dma_start3A_496 : memref<102400x16xf32, #tpu.memory_space<vmem_shared>>) offsets(%dma_start3A_493 : memref<128xi32, #tpu.memory_space<vmem>>) semaphore(%run_scoped3A_487 : memref<!tpu.dma_semaphore, #tpu.memory_space<semaphore_mem>>) {add = true}
        %dma_wait3A_497 = arith.constant 256 : i32
        %dma_wait3A_498 = arith.constant 0 : i32
        %dma_wait3A_499 = tpu.memref_slice %arg22[%dma_wait3A_497, %dma_wait3A_498] : memref<512x16xf32, #tpu.memory_space<vmem>> -> memref<128x16xf32, #tpu.memory_space<vmem>>
        %dma_wait3A_500 = arith.constant 0 : i32
        %dma_wait3A_501 = tpu.memref_slice %arg21[%run_scoped3A_481, %dma_wait3A_500] : memref<4x128xi32, #tpu.memory_space<vmem>> -> memref<1x128xi32, #tpu.memory_space<vmem>>
        %dma_wait3A_502 = tpu.memref_squeeze %dma_wait3A_501 : memref<1x128xi32, #tpu.memory_space<vmem>> -> memref<128xi32, #tpu.memory_space<vmem>>
        %dma_wait3A_503 = arith.constant 0 : i32
        %dma_wait3A_504 = arith.constant 0 : i32
        %dma_wait3A_505 = tpu.memref_slice %arg14[%dma_wait3A_503, %dma_wait3A_504] : memref<102400x16xf32, #tpu.memory_space<vmem_shared>> -> memref<102400x16xf32, #tpu.memory_space<vmem_shared>>
        tpu.wait_indirect_dma semaphore(%run_scoped3A_487 : memref<!tpu.dma_semaphore, #tpu.memory_space<semaphore_mem>>) src(%dma_wait3A_499 : memref<128x16xf32, #tpu.memory_space<vmem>>) dst(%dma_wait3A_505 : memref<102400x16xf32, #tpu.memory_space<vmem_shared>>)
        tpu.yield
      }) : () -> ()
      %run_scoped3A_482 = arith.constant 2 : i32
      %run_scoped3A_483 = arith.constant 2 : i32
      "tpu.region"() ({
        %run_scoped3A_487 = tpu.sem_alloc : memref<!tpu.dma_semaphore, #tpu.memory_space<semaphore_mem>>
        %dma_start3A_488 = arith.constant 0 : i32
        %dma_start3A_489 = tpu.memref_slice %arg23[%run_scoped3A_482, %dma_start3A_488] : memref<4x128xf32, #tpu.memory_space<vmem>> -> memref<1x128xf32, #tpu.memory_space<vmem>>
        %dma_start3A_490 = tpu.memref_squeeze %dma_start3A_489 : memref<1x128xf32, #tpu.memory_space<vmem>> -> memref<128xf32, #tpu.memory_space<vmem>>
        %dma_start3A_491 = arith.constant 0 : i32
        %dma_start3A_492 = tpu.memref_slice %arg20[%run_scoped3A_483, %dma_start3A_491] : memref<4x128xi32, #tpu.memory_space<vmem>> -> memref<1x128xi32, #tpu.memory_space<vmem>>
        %dma_start3A_493 = tpu.memref_squeeze %dma_start3A_492 : memref<1x128xi32, #tpu.memory_space<vmem>> -> memref<128xi32, #tpu.memory_space<vmem>>
        %dma_start3A_494 = arith.constant 0 : i32
        %dma_start3A_495 = tpu.memref_slice %arg15[%dma_start3A_494] : memref<102400xf32, #tpu.memory_space<vmem_shared>> -> memref<102400xf32, #tpu.memory_space<vmem_shared>>
        tpu.enqueue_indirect_dma source(%dma_start3A_490 : memref<128xf32, #tpu.memory_space<vmem>>) target(%dma_start3A_495 : memref<102400xf32, #tpu.memory_space<vmem_shared>>) offsets(%dma_start3A_493 : memref<128xi32, #tpu.memory_space<vmem>>) semaphore(%run_scoped3A_487 : memref<!tpu.dma_semaphore, #tpu.memory_space<semaphore_mem>>) {add = true}
        %dma_wait3A_496 = arith.constant 0 : i32
        %dma_wait3A_497 = tpu.memref_slice %arg23[%run_scoped3A_482, %dma_wait3A_496] : memref<4x128xf32, #tpu.memory_space<vmem>> -> memref<1x128xf32, #tpu.memory_space<vmem>>
        %dma_wait3A_498 = tpu.memref_squeeze %dma_wait3A_497 : memref<1x128xf32, #tpu.memory_space<vmem>> -> memref<128xf32, #tpu.memory_space<vmem>>
        %dma_wait3A_499 = arith.constant 0 : i32
        %dma_wait3A_500 = tpu.memref_slice %arg20[%run_scoped3A_483, %dma_wait3A_499] : memref<4x128xi32, #tpu.memory_space<vmem>> -> memref<1x128xi32, #tpu.memory_space<vmem>>
        %dma_wait3A_501 = tpu.memref_squeeze %dma_wait3A_500 : memref<1x128xi32, #tpu.memory_space<vmem>> -> memref<128xi32, #tpu.memory_space<vmem>>
        %dma_wait3A_502 = arith.constant 0 : i32
        %dma_wait3A_503 = tpu.memref_slice %arg15[%dma_wait3A_502] : memref<102400xf32, #tpu.memory_space<vmem_shared>> -> memref<102400xf32, #tpu.memory_space<vmem_shared>>
        tpu.wait_indirect_dma semaphore(%run_scoped3A_487 : memref<!tpu.dma_semaphore, #tpu.memory_space<semaphore_mem>>) src(%dma_wait3A_498 : memref<128xf32, #tpu.memory_space<vmem>>) dst(%dma_wait3A_503 : memref<102400xf32, #tpu.memory_space<vmem_shared>>)
        tpu.yield
      }) : () -> ()
      %run_scoped3A_484 = arith.constant 3 : i32
      "tpu.region"() ({
        %run_scoped3A_487 = tpu.sem_alloc : memref<!tpu.dma_semaphore, #tpu.memory_space<semaphore_mem>>
        %dma_start3A_488 = arith.constant 384 : i32
        %dma_start3A_489 = arith.constant 0 : i32
        %dma_start3A_490 = tpu.memref_slice %arg22[%dma_start3A_488, %dma_start3A_489] : memref<512x16xf32, #tpu.memory_space<vmem>> -> memref<128x16xf32, #tpu.memory_space<vmem>>
        %dma_start3A_491 = arith.constant 0 : i32
        %dma_start3A_492 = tpu.memref_slice %arg21[%run_scoped3A_484, %dma_start3A_491] : memref<4x128xi32, #tpu.memory_space<vmem>> -> memref<1x128xi32, #tpu.memory_space<vmem>>
        %dma_start3A_493 = tpu.memref_squeeze %dma_start3A_492 : memref<1x128xi32, #tpu.memory_space<vmem>> -> memref<128xi32, #tpu.memory_space<vmem>>
        %dma_start3A_494 = arith.constant 0 : i32
        %dma_start3A_495 = arith.constant 0 : i32
        %dma_start3A_496 = tpu.memref_slice %arg14[%dma_start3A_494, %dma_start3A_495] : memref<102400x16xf32, #tpu.memory_space<vmem_shared>> -> memref<102400x16xf32, #tpu.memory_space<vmem_shared>>
        tpu.enqueue_indirect_dma source(%dma_start3A_490 : memref<128x16xf32, #tpu.memory_space<vmem>>) target(%dma_start3A_496 : memref<102400x16xf32, #tpu.memory_space<vmem_shared>>) offsets(%dma_start3A_493 : memref<128xi32, #tpu.memory_space<vmem>>) semaphore(%run_scoped3A_487 : memref<!tpu.dma_semaphore, #tpu.memory_space<semaphore_mem>>) {add = true}
        %dma_wait3A_497 = arith.constant 384 : i32
        %dma_wait3A_498 = arith.constant 0 : i32
        %dma_wait3A_499 = tpu.memref_slice %arg22[%dma_wait3A_497, %dma_wait3A_498] : memref<512x16xf32, #tpu.memory_space<vmem>> -> memref<128x16xf32, #tpu.memory_space<vmem>>
        %dma_wait3A_500 = arith.constant 0 : i32
        %dma_wait3A_501 = tpu.memref_slice %arg21[%run_scoped3A_484, %dma_wait3A_500] : memref<4x128xi32, #tpu.memory_space<vmem>> -> memref<1x128xi32, #tpu.memory_space<vmem>>
        %dma_wait3A_502 = tpu.memref_squeeze %dma_wait3A_501 : memref<1x128xi32, #tpu.memory_space<vmem>> -> memref<128xi32, #tpu.memory_space<vmem>>
        %dma_wait3A_503 = arith.constant 0 : i32
        %dma_wait3A_504 = arith.constant 0 : i32
        %dma_wait3A_505 = tpu.memref_slice %arg14[%dma_wait3A_503, %dma_wait3A_504] : memref<102400x16xf32, #tpu.memory_space<vmem_shared>> -> memref<102400x16xf32, #tpu.memory_space<vmem_shared>>
        tpu.wait_indirect_dma semaphore(%run_scoped3A_487 : memref<!tpu.dma_semaphore, #tpu.memory_space<semaphore_mem>>) src(%dma_wait3A_499 : memref<128x16xf32, #tpu.memory_space<vmem>>) dst(%dma_wait3A_505 : memref<102400x16xf32, #tpu.memory_space<vmem_shared>>)
        tpu.yield
      }) : () -> ()
      %run_scoped3A_485 = arith.constant 3 : i32
      %run_scoped3A_486 = arith.constant 3 : i32
      "tpu.region"() ({
        %run_scoped3A_487 = tpu.sem_alloc : memref<!tpu.dma_semaphore, #tpu.memory_space<semaphore_mem>>
        %dma_start3A_488 = arith.constant 0 : i32
        %dma_start3A_489 = tpu.memref_slice %arg23[%run_scoped3A_485, %dma_start3A_488] : memref<4x128xf32, #tpu.memory_space<vmem>> -> memref<1x128xf32, #tpu.memory_space<vmem>>
        %dma_start3A_490 = tpu.memref_squeeze %dma_start3A_489 : memref<1x128xf32, #tpu.memory_space<vmem>> -> memref<128xf32, #tpu.memory_space<vmem>>
        %dma_start3A_491 = arith.constant 0 : i32
        %dma_start3A_492 = tpu.memref_slice %arg20[%run_scoped3A_486, %dma_start3A_491] : memref<4x128xi32, #tpu.memory_space<vmem>> -> memref<1x128xi32, #tpu.memory_space<vmem>>
        %dma_start3A_493 = tpu.memref_squeeze %dma_start3A_492 : memref<1x128xi32, #tpu.memory_space<vmem>> -> memref<128xi32, #tpu.memory_space<vmem>>
        %dma_start3A_494 = arith.constant 0 : i32
        %dma_start3A_495 = tpu.memref_slice %arg15[%dma_start3A_494] : memref<102400xf32, #tpu.memory_space<vmem_shared>> -> memref<102400xf32, #tpu.memory_space<vmem_shared>>
        tpu.enqueue_indirect_dma source(%dma_start3A_490 : memref<128xf32, #tpu.memory_space<vmem>>) target(%dma_start3A_495 : memref<102400xf32, #tpu.memory_space<vmem_shared>>) offsets(%dma_start3A_493 : memref<128xi32, #tpu.memory_space<vmem>>) semaphore(%run_scoped3A_487 : memref<!tpu.dma_semaphore, #tpu.memory_space<semaphore_mem>>) {add = true}
        %dma_wait3A_496 = arith.constant 0 : i32
        %dma_wait3A_497 = tpu.memref_slice %arg23[%run_scoped3A_485, %dma_wait3A_496] : memref<4x128xf32, #tpu.memory_space<vmem>> -> memref<1x128xf32, #tpu.memory_space<vmem>>
        %dma_wait3A_498 = tpu.memref_squeeze %dma_wait3A_497 : memref<1x128xf32, #tpu.memory_space<vmem>> -> memref<128xf32, #tpu.memory_space<vmem>>
        %dma_wait3A_499 = arith.constant 0 : i32
        %dma_wait3A_500 = tpu.memref_slice %arg20[%run_scoped3A_486, %dma_wait3A_499] : memref<4x128xi32, #tpu.memory_space<vmem>> -> memref<1x128xi32, #tpu.memory_space<vmem>>
        %dma_wait3A_501 = tpu.memref_squeeze %dma_wait3A_500 : memref<1x128xi32, #tpu.memory_space<vmem>> -> memref<128xi32, #tpu.memory_space<vmem>>
        %dma_wait3A_502 = arith.constant 0 : i32
        %dma_wait3A_503 = tpu.memref_slice %arg15[%dma_wait3A_502] : memref<102400xf32, #tpu.memory_space<vmem_shared>> -> memref<102400xf32, #tpu.memory_space<vmem_shared>>
        tpu.wait_indirect_dma semaphore(%run_scoped3A_487 : memref<!tpu.dma_semaphore, #tpu.memory_space<semaphore_mem>>) src(%dma_wait3A_498 : memref<128xf32, #tpu.memory_space<vmem>>) dst(%dma_wait3A_503 : memref<102400xf32, #tpu.memory_space<vmem_shared>>)
        tpu.yield
      }) : () -> ()
    }
    %scan3A_18 = arith.constant 196 : i32
    %barrier3A_19 = arith.constant 0 : index
    tpu.barrier barrier_id(%barrier3A_19)
    "tpu.region"() ({
      %run_scoped3A = tpu.sem_alloc : memref<!tpu.dma_semaphore, #tpu.memory_space<semaphore_mem>>
      %dma_start3A = arith.constant 0 : i32
      %dma_start3A_27 = tpu.memref_slice %arg8[%arg0, %mul3A_0, %dma_start3A] : memref<2x102400x16xf32, #tpu.memory_space<hbm>> -> memref<1x6400x16xf32, #tpu.memory_space<hbm>>
      %dma_start3A_28 = tpu.memref_squeeze %dma_start3A_27 : memref<1x6400x16xf32, #tpu.memory_space<hbm>> -> memref<6400x16xf32, #tpu.memory_space<hbm>>
      %dma_start3A_29 = arith.constant 0 : i32
      %dma_start3A_30 = tpu.memref_slice %arg14[%mul3A_0, %dma_start3A_29] : memref<102400x16xf32, #tpu.memory_space<vmem_shared>> -> memref<6400x16xf32, #tpu.memory_space<vmem_shared>>
      tpu.enqueue_dma source(%dma_start3A_30 : memref<6400x16xf32, #tpu.memory_space<vmem_shared>>) target(%dma_start3A_28 : memref<6400x16xf32, #tpu.memory_space<hbm>>) target_semaphore(%run_scoped3A : memref<!tpu.dma_semaphore, #tpu.memory_space<semaphore_mem>>)
      %dma_wait3A = arith.constant 0 : i32
      %dma_wait3A_31 = tpu.memref_slice %arg8[%arg0, %mul3A_0, %dma_wait3A] : memref<2x102400x16xf32, #tpu.memory_space<hbm>> -> memref<1x6400x16xf32, #tpu.memory_space<hbm>>
      %dma_wait3A_32 = tpu.memref_squeeze %dma_wait3A_31 : memref<1x6400x16xf32, #tpu.memory_space<hbm>> -> memref<6400x16xf32, #tpu.memory_space<hbm>>
      %dma_wait3A_33 = arith.constant 0 : i32
      %dma_wait3A_34 = tpu.memref_slice %arg14[%mul3A_0, %dma_wait3A_33] : memref<102400x16xf32, #tpu.memory_space<vmem_shared>> -> memref<6400x16xf32, #tpu.memory_space<vmem_shared>>
      tpu.wait_dma2 semaphore(%run_scoped3A : memref<!tpu.dma_semaphore, #tpu.memory_space<semaphore_mem>>) src(%dma_wait3A_34 : memref<6400x16xf32, #tpu.memory_space<vmem_shared>>) dst(%dma_wait3A_32 : memref<6400x16xf32, #tpu.memory_space<hbm>>)
      tpu.yield
    }) : () -> ()
    "tpu.region"() ({
      %run_scoped3A = tpu.sem_alloc : memref<!tpu.dma_semaphore, #tpu.memory_space<semaphore_mem>>
      %dma_start3A = tpu.memref_slice %arg10[%arg0, %mul3A_0] : memref<2x102400xf32, #tpu.memory_space<hbm>> -> memref<1x6400xf32, #tpu.memory_space<hbm>>
      %dma_start3A_27 = tpu.memref_squeeze %dma_start3A : memref<1x6400xf32, #tpu.memory_space<hbm>> -> memref<6400xf32, #tpu.memory_space<hbm>>
      %dma_start3A_28 = tpu.memref_slice %arg15[%mul3A_0] : memref<102400xf32, #tpu.memory_space<vmem_shared>> -> memref<6400xf32, #tpu.memory_space<vmem_shared>>
      tpu.enqueue_dma source(%dma_start3A_28 : memref<6400xf32, #tpu.memory_space<vmem_shared>>) target(%dma_start3A_27 : memref<6400xf32, #tpu.memory_space<hbm>>) target_semaphore(%run_scoped3A : memref<!tpu.dma_semaphore, #tpu.memory_space<semaphore_mem>>)
      %dma_wait3A = tpu.memref_slice %arg10[%arg0, %mul3A_0] : memref<2x102400xf32, #tpu.memory_space<hbm>> -> memref<1x6400xf32, #tpu.memory_space<hbm>>
      %dma_wait3A_29 = tpu.memref_squeeze %dma_wait3A : memref<1x6400xf32, #tpu.memory_space<hbm>> -> memref<6400xf32, #tpu.memory_space<hbm>>
      %dma_wait3A_30 = tpu.memref_slice %arg15[%mul3A_0] : memref<102400xf32, #tpu.memory_space<vmem_shared>> -> memref<6400xf32, #tpu.memory_space<vmem_shared>>
      tpu.wait_dma2 semaphore(%run_scoped3A : memref<!tpu.dma_semaphore, #tpu.memory_space<semaphore_mem>>) src(%dma_wait3A_30 : memref<6400xf32, #tpu.memory_space<vmem_shared>>) dst(%dma_wait3A_29 : memref<6400xf32, #tpu.memory_space<hbm>>)
      tpu.yield
    }) : () -> ()
    "tpu.region"() ({
      %run_scoped3A = tpu.sem_alloc : memref<!tpu.dma_semaphore, #tpu.memory_space<semaphore_mem>>
      %dma_start3A = arith.constant 0 : i32
      %dma_start3A_27 = tpu.memref_slice %arg14[%mul3A_0, %dma_start3A] : memref<102400x16xf32, #tpu.memory_space<vmem_shared>> -> memref<6400x16xf32, #tpu.memory_space<vmem_shared>>
      %dma_start3A_28 = arith.constant 0 : i32
      %dma_start3A_29 = tpu.memref_slice %arg13[%arg0, %mul3A_0, %dma_start3A_28] : memref<2x102400x16xf32, #tpu.memory_space<hbm>> -> memref<1x6400x16xf32, #tpu.memory_space<hbm>>
      %dma_start3A_30 = tpu.memref_squeeze %dma_start3A_29 : memref<1x6400x16xf32, #tpu.memory_space<hbm>> -> memref<6400x16xf32, #tpu.memory_space<hbm>>
      tpu.enqueue_dma source(%dma_start3A_30 : memref<6400x16xf32, #tpu.memory_space<hbm>>) target(%dma_start3A_27 : memref<6400x16xf32, #tpu.memory_space<vmem_shared>>) target_semaphore(%run_scoped3A : memref<!tpu.dma_semaphore, #tpu.memory_space<semaphore_mem>>)
      %dma_wait3A = arith.constant 0 : i32
      %dma_wait3A_31 = tpu.memref_slice %arg14[%mul3A_0, %dma_wait3A] : memref<102400x16xf32, #tpu.memory_space<vmem_shared>> -> memref<6400x16xf32, #tpu.memory_space<vmem_shared>>
      %dma_wait3A_32 = arith.constant 0 : i32
      %dma_wait3A_33 = tpu.memref_slice %arg13[%arg0, %mul3A_0, %dma_wait3A_32] : memref<2x102400x16xf32, #tpu.memory_space<hbm>> -> memref<1x6400x16xf32, #tpu.memory_space<hbm>>
      %dma_wait3A_34 = tpu.memref_squeeze %dma_wait3A_33 : memref<1x6400x16xf32, #tpu.memory_space<hbm>> -> memref<6400x16xf32, #tpu.memory_space<hbm>>
      tpu.wait_dma2 semaphore(%run_scoped3A : memref<!tpu.dma_semaphore, #tpu.memory_space<semaphore_mem>>) src(%dma_wait3A_34 : memref<6400x16xf32, #tpu.memory_space<hbm>>) dst(%dma_wait3A_31 : memref<6400x16xf32, #tpu.memory_space<vmem_shared>>)
      tpu.yield
    }) : () -> ()
    %barrier3A_20 = arith.constant 0 : index
    tpu.barrier barrier_id(%barrier3A_20)
    %scan3A_21 = arith.constant 0 : i32
    %scan3A_22 = arith.constant 196 : i32
    %scan3A_23 = arith.addi %scan3A_21, %scan3A_22 : i32
    %scan3A_24 = arith.constant 1 : i32
    scf.for %scan3A_27 = %scan3A_21 to %scan3A_23 step %scan3A_24  : i32 {
      %mul3A_28 = arith.constant 2 : i32
      %mul3A_29 = arith.muli %mul3A_28, %scan3A_27 : i32
      %mul3A_30 = arith.constant 4 : i32
      %mul3A_31 = arith.muli %mul3A_29, %mul3A_30 : i32
      %add3A = arith.addi %mul3A_2, %mul3A_31 : i32
      %add3A_32 = arith.constant 4 : i32
      %add3A_33 = arith.addi %add3A, %add3A_32 : i32
      "tpu.region"() ({
        %run_scoped3A_263 = tpu.sem_alloc : memref<!tpu.dma_semaphore, #tpu.memory_space<semaphore_mem>>
        %dma_start3A_264 = arith.constant 0 : i32
        %dma_start3A_265 = tpu.memref_slice %arg2[%arg0, %add3A, %dma_start3A_264] : memref<2x25088x128xi32, #tpu.memory_space<hbm>> -> memref<1x4x128xi32, #tpu.memory_space<hbm>>
        %dma_start3A_266 = tpu.memref_squeeze %dma_start3A_265 : memref<1x4x128xi32, #tpu.memory_space<hbm>> -> memref<4x128xi32, #tpu.memory_space<hbm>>
        %dma_start3A_267 = arith.constant 0 : i32
        %dma_start3A_268 = tpu.memref_slice %arg2[%arg0, %add3A, %dma_start3A_267] : memref<2x25088x128xi32, #tpu.memory_space<hbm>> -> memref<1x4x128xi32, #tpu.memory_space<hbm>>
        %dma_start3A_269 = tpu.memref_squeeze %dma_start3A_268 : memref<1x4x128xi32, #tpu.memory_space<hbm>> -> memref<4x128xi32, #tpu.memory_space<hbm>>
        tpu.enqueue_dma source(%dma_start3A_269 : memref<4x128xi32, #tpu.memory_space<hbm>>) target(%arg16 : memref<4x128xi32, #tpu.memory_space<vmem>>) target_semaphore(%run_scoped3A_263 : memref<!tpu.dma_semaphore, #tpu.memory_space<semaphore_mem>>)
        %dma_wait3A_270 = arith.constant 0 : i32
        %dma_wait3A_271 = tpu.memref_slice %arg2[%arg0, %add3A, %dma_wait3A_270] : memref<2x25088x128xi32, #tpu.memory_space<hbm>> -> memref<1x4x128xi32, #tpu.memory_space<hbm>>
        %dma_wait3A_272 = tpu.memref_squeeze %dma_wait3A_271 : memref<1x4x128xi32, #tpu.memory_space<hbm>> -> memref<4x128xi32, #tpu.memory_space<hbm>>
        %dma_wait3A_273 = arith.constant 0 : i32
        %dma_wait3A_274 = tpu.memref_slice %arg2[%arg0, %add3A, %dma_wait3A_273] : memref<2x25088x128xi32, #tpu.memory_space<hbm>> -> memref<1x4x128xi32, #tpu.memory_space<hbm>>
        %dma_wait3A_275 = tpu.memref_squeeze %dma_wait3A_274 : memref<1x4x128xi32, #tpu.memory_space<hbm>> -> memref<4x128xi32, #tpu.memory_space<hbm>>
        tpu.wait_dma2 semaphore(%run_scoped3A_263 : memref<!tpu.dma_semaphore, #tpu.memory_space<semaphore_mem>>) src(%dma_wait3A_275 : memref<4x128xi32, #tpu.memory_space<hbm>>) dst(%arg16 : memref<4x128xi32, #tpu.memory_space<vmem>>)
        tpu.yield
      }) : () -> ()
      "tpu.region"() ({
        %run_scoped3A_263 = tpu.sem_alloc : memref<!tpu.dma_semaphore, #tpu.memory_space<semaphore_mem>>
        %dma_start3A_264 = arith.constant 0 : i32
        %dma_start3A_265 = tpu.memref_slice %arg3[%arg0, %add3A, %dma_start3A_264] : memref<2x25088x128xi32, #tpu.memory_space<hbm>> -> memref<1x4x128xi32, #tpu.memory_space<hbm>>
        %dma_start3A_266 = tpu.memref_squeeze %dma_start3A_265 : memref<1x4x128xi32, #tpu.memory_space<hbm>> -> memref<4x128xi32, #tpu.memory_space<hbm>>
        %dma_start3A_267 = arith.constant 0 : i32
        %dma_start3A_268 = tpu.memref_slice %arg3[%arg0, %add3A, %dma_start3A_267] : memref<2x25088x128xi32, #tpu.memory_space<hbm>> -> memref<1x4x128xi32, #tpu.memory_space<hbm>>
        %dma_start3A_269 = tpu.memref_squeeze %dma_start3A_268 : memref<1x4x128xi32, #tpu.memory_space<hbm>> -> memref<4x128xi32, #tpu.memory_space<hbm>>
        tpu.enqueue_dma source(%dma_start3A_269 : memref<4x128xi32, #tpu.memory_space<hbm>>) target(%arg17 : memref<4x128xi32, #tpu.memory_space<vmem>>) target_semaphore(%run_scoped3A_263 : memref<!tpu.dma_semaphore, #tpu.memory_space<semaphore_mem>>)
        %dma_wait3A_270 = arith.constant 0 : i32
        %dma_wait3A_271 = tpu.memref_slice %arg3[%arg0, %add3A, %dma_wait3A_270] : memref<2x25088x128xi32, #tpu.memory_space<hbm>> -> memref<1x4x128xi32, #tpu.memory_space<hbm>>
        %dma_wait3A_272 = tpu.memref_squeeze %dma_wait3A_271 : memref<1x4x128xi32, #tpu.memory_space<hbm>> -> memref<4x128xi32, #tpu.memory_space<hbm>>
        %dma_wait3A_273 = arith.constant 0 : i32
        %dma_wait3A_274 = tpu.memref_slice %arg3[%arg0, %add3A, %dma_wait3A_273] : memref<2x25088x128xi32, #tpu.memory_space<hbm>> -> memref<1x4x128xi32, #tpu.memory_space<hbm>>
        %dma_wait3A_275 = tpu.memref_squeeze %dma_wait3A_274 : memref<1x4x128xi32, #tpu.memory_space<hbm>> -> memref<4x128xi32, #tpu.memory_space<hbm>>
        tpu.wait_dma2 semaphore(%run_scoped3A_263 : memref<!tpu.dma_semaphore, #tpu.memory_space<semaphore_mem>>) src(%dma_wait3A_275 : memref<4x128xi32, #tpu.memory_space<hbm>>) dst(%arg17 : memref<4x128xi32, #tpu.memory_space<vmem>>)
        tpu.yield
      }) : () -> ()
      %dma_start3A = arith.constant 0 : i32
      %dma_start3A_34 = arith.constant 0 : i32
      %dma_start3A_35 = arith.constant 0 : i32
      %dma_start3A_36 = tpu.memref_slice %arg18[%dma_start3A_34, %dma_start3A_35] : memref<512x16xf32, #tpu.memory_space<vmem>> -> memref<128x16xf32, #tpu.memory_space<vmem>>
      %dma_start3A_37 = arith.constant 0 : i32
      %dma_start3A_38 = tpu.memref_slice %arg16[%dma_start3A, %dma_start3A_37] : memref<4x128xi32, #tpu.memory_space<vmem>> -> memref<1x128xi32, #tpu.memory_space<vmem>>
      %dma_start3A_39 = tpu.memref_squeeze %dma_start3A_38 : memref<1x128xi32, #tpu.memory_space<vmem>> -> memref<128xi32, #tpu.memory_space<vmem>>
      %dma_start3A_40 = arith.constant 0 : i32
      %dma_start3A_41 = arith.constant 0 : i32
      %dma_start3A_42 = tpu.memref_slice %arg13[%arg0, %dma_start3A_40, %dma_start3A_41] : memref<2x102400x16xf32, #tpu.memory_space<hbm>> -> memref<1x102400x16xf32, #tpu.memory_space<hbm>>
      %dma_start3A_43 = tpu.memref_squeeze %dma_start3A_42 : memref<1x102400x16xf32, #tpu.memory_space<hbm>> -> memref<102400x16xf32, #tpu.memory_space<hbm>>
      %dma_start3A_44 = arith.constant 0 : i32
      %dma_start3A_45 = arith.constant 0 : i32
      %dma_start3A_46 = tpu.memref_slice %dma_start3A_43[%dma_start3A_44, %dma_start3A_45] : memref<102400x16xf32, #tpu.memory_space<hbm>> -> memref<102400x16xf32, #tpu.memory_space<hbm>>
      tpu.enqueue_indirect_dma source(%dma_start3A_46 : memref<102400x16xf32, #tpu.memory_space<hbm>>) target(%dma_start3A_36 : memref<128x16xf32, #tpu.memory_space<vmem>>) offsets(%dma_start3A_39 : memref<128xi32, #tpu.memory_space<vmem>>) semaphore(%arg26 : memref<!tpu.dma_semaphore, #tpu.memory_space<semaphore_mem>>)
      %dma_start3A_47 = arith.constant 1 : i32
      %dma_start3A_48 = arith.constant 128 : i32
      %dma_start3A_49 = arith.constant 0 : i32
      %dma_start3A_50 = tpu.memref_slice %arg18[%dma_start3A_48, %dma_start3A_49] : memref<512x16xf32, #tpu.memory_space<vmem>> -> memref<128x16xf32, #tpu.memory_space<vmem>>
      %dma_start3A_51 = arith.constant 0 : i32
      %dma_start3A_52 = tpu.memref_slice %arg16[%dma_start3A_47, %dma_start3A_51] : memref<4x128xi32, #tpu.memory_space<vmem>> -> memref<1x128xi32, #tpu.memory_space<vmem>>
      %dma_start3A_53 = tpu.memref_squeeze %dma_start3A_52 : memref<1x128xi32, #tpu.memory_space<vmem>> -> memref<128xi32, #tpu.memory_space<vmem>>
      %dma_start3A_54 = arith.constant 0 : i32
      %dma_start3A_55 = arith.constant 0 : i32
      %dma_start3A_56 = tpu.memref_slice %arg13[%arg0, %dma_start3A_54, %dma_start3A_55] : memref<2x102400x16xf32, #tpu.memory_space<hbm>> -> memref<1x102400x16xf32, #tpu.memory_space<hbm>>
      %dma_start3A_57 = tpu.memref_squeeze %dma_start3A_56 : memref<1x102400x16xf32, #tpu.memory_space<hbm>> -> memref<102400x16xf32, #tpu.memory_space<hbm>>
      %dma_start3A_58 = arith.constant 0 : i32
      %dma_start3A_59 = arith.constant 0 : i32
      %dma_start3A_60 = tpu.memref_slice %dma_start3A_57[%dma_start3A_58, %dma_start3A_59] : memref<102400x16xf32, #tpu.memory_space<hbm>> -> memref<102400x16xf32, #tpu.memory_space<hbm>>
      tpu.enqueue_indirect_dma source(%dma_start3A_60 : memref<102400x16xf32, #tpu.memory_space<hbm>>) target(%dma_start3A_50 : memref<128x16xf32, #tpu.memory_space<vmem>>) offsets(%dma_start3A_53 : memref<128xi32, #tpu.memory_space<vmem>>) semaphore(%arg26 : memref<!tpu.dma_semaphore, #tpu.memory_space<semaphore_mem>>)
      %dma_start3A_61 = arith.constant 2 : i32
      %dma_start3A_62 = arith.constant 256 : i32
      %dma_start3A_63 = arith.constant 0 : i32
      %dma_start3A_64 = tpu.memref_slice %arg18[%dma_start3A_62, %dma_start3A_63] : memref<512x16xf32, #tpu.memory_space<vmem>> -> memref<128x16xf32, #tpu.memory_space<vmem>>
      %dma_start3A_65 = arith.constant 0 : i32
      %dma_start3A_66 = tpu.memref_slice %arg16[%dma_start3A_61, %dma_start3A_65] : memref<4x128xi32, #tpu.memory_space<vmem>> -> memref<1x128xi32, #tpu.memory_space<vmem>>
      %dma_start3A_67 = tpu.memref_squeeze %dma_start3A_66 : memref<1x128xi32, #tpu.memory_space<vmem>> -> memref<128xi32, #tpu.memory_space<vmem>>
      %dma_start3A_68 = arith.constant 0 : i32
      %dma_start3A_69 = arith.constant 0 : i32
      %dma_start3A_70 = tpu.memref_slice %arg13[%arg0, %dma_start3A_68, %dma_start3A_69] : memref<2x102400x16xf32, #tpu.memory_space<hbm>> -> memref<1x102400x16xf32, #tpu.memory_space<hbm>>
      %dma_start3A_71 = tpu.memref_squeeze %dma_start3A_70 : memref<1x102400x16xf32, #tpu.memory_space<hbm>> -> memref<102400x16xf32, #tpu.memory_space<hbm>>
      %dma_start3A_72 = arith.constant 0 : i32
      %dma_start3A_73 = arith.constant 0 : i32
      %dma_start3A_74 = tpu.memref_slice %dma_start3A_71[%dma_start3A_72, %dma_start3A_73] : memref<102400x16xf32, #tpu.memory_space<hbm>> -> memref<102400x16xf32, #tpu.memory_space<hbm>>
      tpu.enqueue_indirect_dma source(%dma_start3A_74 : memref<102400x16xf32, #tpu.memory_space<hbm>>) target(%dma_start3A_64 : memref<128x16xf32, #tpu.memory_space<vmem>>) offsets(%dma_start3A_67 : memref<128xi32, #tpu.memory_space<vmem>>) semaphore(%arg26 : memref<!tpu.dma_semaphore, #tpu.memory_space<semaphore_mem>>)
      %dma_start3A_75 = arith.constant 3 : i32
      %dma_start3A_76 = arith.constant 384 : i32
      %dma_start3A_77 = arith.constant 0 : i32
      %dma_start3A_78 = tpu.memref_slice %arg18[%dma_start3A_76, %dma_start3A_77] : memref<512x16xf32, #tpu.memory_space<vmem>> -> memref<128x16xf32, #tpu.memory_space<vmem>>
      %dma_start3A_79 = arith.constant 0 : i32
      %dma_start3A_80 = tpu.memref_slice %arg16[%dma_start3A_75, %dma_start3A_79] : memref<4x128xi32, #tpu.memory_space<vmem>> -> memref<1x128xi32, #tpu.memory_space<vmem>>
      %dma_start3A_81 = tpu.memref_squeeze %dma_start3A_80 : memref<1x128xi32, #tpu.memory_space<vmem>> -> memref<128xi32, #tpu.memory_space<vmem>>
      %dma_start3A_82 = arith.constant 0 : i32
      %dma_start3A_83 = arith.constant 0 : i32
      %dma_start3A_84 = tpu.memref_slice %arg13[%arg0, %dma_start3A_82, %dma_start3A_83] : memref<2x102400x16xf32, #tpu.memory_space<hbm>> -> memref<1x102400x16xf32, #tpu.memory_space<hbm>>
      %dma_start3A_85 = tpu.memref_squeeze %dma_start3A_84 : memref<1x102400x16xf32, #tpu.memory_space<hbm>> -> memref<102400x16xf32, #tpu.memory_space<hbm>>
      %dma_start3A_86 = arith.constant 0 : i32
      %dma_start3A_87 = arith.constant 0 : i32
      %dma_start3A_88 = tpu.memref_slice %dma_start3A_85[%dma_start3A_86, %dma_start3A_87] : memref<102400x16xf32, #tpu.memory_space<hbm>> -> memref<102400x16xf32, #tpu.memory_space<hbm>>
      tpu.enqueue_indirect_dma source(%dma_start3A_88 : memref<102400x16xf32, #tpu.memory_space<hbm>>) target(%dma_start3A_78 : memref<128x16xf32, #tpu.memory_space<vmem>>) offsets(%dma_start3A_81 : memref<128xi32, #tpu.memory_space<vmem>>) semaphore(%arg26 : memref<!tpu.dma_semaphore, #tpu.memory_space<semaphore_mem>>)
      "tpu.region"() ({
        %run_scoped3A_263 = tpu.sem_alloc : memref<!tpu.dma_semaphore, #tpu.memory_space<semaphore_mem>>
        %dma_start3A_264 = arith.constant 0 : i32
        %dma_start3A_265 = tpu.memref_slice %arg2[%arg0, %add3A_33, %dma_start3A_264] : memref<2x25088x128xi32, #tpu.memory_space<hbm>> -> memref<1x4x128xi32, #tpu.memory_space<hbm>>
        %dma_start3A_266 = tpu.memref_squeeze %dma_start3A_265 : memref<1x4x128xi32, #tpu.memory_space<hbm>> -> memref<4x128xi32, #tpu.memory_space<hbm>>
        %dma_start3A_267 = arith.constant 0 : i32
        %dma_start3A_268 = tpu.memref_slice %arg2[%arg0, %add3A_33, %dma_start3A_267] : memref<2x25088x128xi32, #tpu.memory_space<hbm>> -> memref<1x4x128xi32, #tpu.memory_space<hbm>>
        %dma_start3A_269 = tpu.memref_squeeze %dma_start3A_268 : memref<1x4x128xi32, #tpu.memory_space<hbm>> -> memref<4x128xi32, #tpu.memory_space<hbm>>
        tpu.enqueue_dma source(%dma_start3A_269 : memref<4x128xi32, #tpu.memory_space<hbm>>) target(%arg20 : memref<4x128xi32, #tpu.memory_space<vmem>>) target_semaphore(%run_scoped3A_263 : memref<!tpu.dma_semaphore, #tpu.memory_space<semaphore_mem>>)
        %dma_wait3A_270 = arith.constant 0 : i32
        %dma_wait3A_271 = tpu.memref_slice %arg2[%arg0, %add3A_33, %dma_wait3A_270] : memref<2x25088x128xi32, #tpu.memory_space<hbm>> -> memref<1x4x128xi32, #tpu.memory_space<hbm>>
        %dma_wait3A_272 = tpu.memref_squeeze %dma_wait3A_271 : memref<1x4x128xi32, #tpu.memory_space<hbm>> -> memref<4x128xi32, #tpu.memory_space<hbm>>
        %dma_wait3A_273 = arith.constant 0 : i32
        %dma_wait3A_274 = tpu.memref_slice %arg2[%arg0, %add3A_33, %dma_wait3A_273] : memref<2x25088x128xi32, #tpu.memory_space<hbm>> -> memref<1x4x128xi32, #tpu.memory_space<hbm>>
        %dma_wait3A_275 = tpu.memref_squeeze %dma_wait3A_274 : memref<1x4x128xi32, #tpu.memory_space<hbm>> -> memref<4x128xi32, #tpu.memory_space<hbm>>
        tpu.wait_dma2 semaphore(%run_scoped3A_263 : memref<!tpu.dma_semaphore, #tpu.memory_space<semaphore_mem>>) src(%dma_wait3A_275 : memref<4x128xi32, #tpu.memory_space<hbm>>) dst(%arg20 : memref<4x128xi32, #tpu.memory_space<vmem>>)
        tpu.yield
      }) : () -> ()
      "tpu.region"() ({
        %run_scoped3A_263 = tpu.sem_alloc : memref<!tpu.dma_semaphore, #tpu.memory_space<semaphore_mem>>
        %dma_start3A_264 = arith.constant 0 : i32
        %dma_start3A_265 = tpu.memref_slice %arg3[%arg0, %add3A_33, %dma_start3A_264] : memref<2x25088x128xi32, #tpu.memory_space<hbm>> -> memref<1x4x128xi32, #tpu.memory_space<hbm>>
        %dma_start3A_266 = tpu.memref_squeeze %dma_start3A_265 : memref<1x4x128xi32, #tpu.memory_space<hbm>> -> memref<4x128xi32, #tpu.memory_space<hbm>>
        %dma_start3A_267 = arith.constant 0 : i32
        %dma_start3A_268 = tpu.memref_slice %arg3[%arg0, %add3A_33, %dma_start3A_267] : memref<2x25088x128xi32, #tpu.memory_space<hbm>> -> memref<1x4x128xi32, #tpu.memory_space<hbm>>
        %dma_start3A_269 = tpu.memref_squeeze %dma_start3A_268 : memref<1x4x128xi32, #tpu.memory_space<hbm>> -> memref<4x128xi32, #tpu.memory_space<hbm>>
        tpu.enqueue_dma source(%dma_start3A_269 : memref<4x128xi32, #tpu.memory_space<hbm>>) target(%arg21 : memref<4x128xi32, #tpu.memory_space<vmem>>) target_semaphore(%run_scoped3A_263 : memref<!tpu.dma_semaphore, #tpu.memory_space<semaphore_mem>>)
        %dma_wait3A_270 = arith.constant 0 : i32
        %dma_wait3A_271 = tpu.memref_slice %arg3[%arg0, %add3A_33, %dma_wait3A_270] : memref<2x25088x128xi32, #tpu.memory_space<hbm>> -> memref<1x4x128xi32, #tpu.memory_space<hbm>>
        %dma_wait3A_272 = tpu.memref_squeeze %dma_wait3A_271 : memref<1x4x128xi32, #tpu.memory_space<hbm>> -> memref<4x128xi32, #tpu.memory_space<hbm>>
        %dma_wait3A_273 = arith.constant 0 : i32
        %dma_wait3A_274 = tpu.memref_slice %arg3[%arg0, %add3A_33, %dma_wait3A_273] : memref<2x25088x128xi32, #tpu.memory_space<hbm>> -> memref<1x4x128xi32, #tpu.memory_space<hbm>>
        %dma_wait3A_275 = tpu.memref_squeeze %dma_wait3A_274 : memref<1x4x128xi32, #tpu.memory_space<hbm>> -> memref<4x128xi32, #tpu.memory_space<hbm>>
        tpu.wait_dma2 semaphore(%run_scoped3A_263 : memref<!tpu.dma_semaphore, #tpu.memory_space<semaphore_mem>>) src(%dma_wait3A_275 : memref<4x128xi32, #tpu.memory_space<hbm>>) dst(%arg21 : memref<4x128xi32, #tpu.memory_space<vmem>>)
        tpu.yield
      }) : () -> ()
      %dma_start3A_89 = arith.constant 0 : i32
      %dma_start3A_90 = arith.constant 0 : i32
      %dma_start3A_91 = arith.constant 0 : i32
      %dma_start3A_92 = tpu.memref_slice %arg22[%dma_start3A_90, %dma_start3A_91] : memref<512x16xf32, #tpu.memory_space<vmem>> -> memref<128x16xf32, #tpu.memory_space<vmem>>
      %dma_start3A_93 = arith.constant 0 : i32
      %dma_start3A_94 = tpu.memref_slice %arg20[%dma_start3A_89, %dma_start3A_93] : memref<4x128xi32, #tpu.memory_space<vmem>> -> memref<1x128xi32, #tpu.memory_space<vmem>>
      %dma_start3A_95 = tpu.memref_squeeze %dma_start3A_94 : memref<1x128xi32, #tpu.memory_space<vmem>> -> memref<128xi32, #tpu.memory_space<vmem>>
      %dma_start3A_96 = arith.constant 0 : i32
      %dma_start3A_97 = arith.constant 0 : i32
      %dma_start3A_98 = tpu.memref_slice %arg13[%arg0, %dma_start3A_96, %dma_start3A_97] : memref<2x102400x16xf32, #tpu.memory_space<hbm>> -> memref<1x102400x16xf32, #tpu.memory_space<hbm>>
      %dma_start3A_99 = tpu.memref_squeeze %dma_start3A_98 : memref<1x102400x16xf32, #tpu.memory_space<hbm>> -> memref<102400x16xf32, #tpu.memory_space<hbm>>
      %dma_start3A_100 = arith.constant 0 : i32
      %dma_start3A_101 = arith.constant 0 : i32
      %dma_start3A_102 = tpu.memref_slice %dma_start3A_99[%dma_start3A_100, %dma_start3A_101] : memref<102400x16xf32, #tpu.memory_space<hbm>> -> memref<102400x16xf32, #tpu.memory_space<hbm>>
      tpu.enqueue_indirect_dma source(%dma_start3A_102 : memref<102400x16xf32, #tpu.memory_space<hbm>>) target(%dma_start3A_92 : memref<128x16xf32, #tpu.memory_space<vmem>>) offsets(%dma_start3A_95 : memref<128xi32, #tpu.memory_space<vmem>>) semaphore(%arg28 : memref<!tpu.dma_semaphore, #tpu.memory_space<semaphore_mem>>)
      %dma_start3A_103 = arith.constant 1 : i32
      %dma_start3A_104 = arith.constant 128 : i32
      %dma_start3A_105 = arith.constant 0 : i32
      %dma_start3A_106 = tpu.memref_slice %arg22[%dma_start3A_104, %dma_start3A_105] : memref<512x16xf32, #tpu.memory_space<vmem>> -> memref<128x16xf32, #tpu.memory_space<vmem>>
      %dma_start3A_107 = arith.constant 0 : i32
      %dma_start3A_108 = tpu.memref_slice %arg20[%dma_start3A_103, %dma_start3A_107] : memref<4x128xi32, #tpu.memory_space<vmem>> -> memref<1x128xi32, #tpu.memory_space<vmem>>
      %dma_start3A_109 = tpu.memref_squeeze %dma_start3A_108 : memref<1x128xi32, #tpu.memory_space<vmem>> -> memref<128xi32, #tpu.memory_space<vmem>>
      %dma_start3A_110 = arith.constant 0 : i32
      %dma_start3A_111 = arith.constant 0 : i32
      %dma_start3A_112 = tpu.memref_slice %arg13[%arg0, %dma_start3A_110, %dma_start3A_111] : memref<2x102400x16xf32, #tpu.memory_space<hbm>> -> memref<1x102400x16xf32, #tpu.memory_space<hbm>>
      %dma_start3A_113 = tpu.memref_squeeze %dma_start3A_112 : memref<1x102400x16xf32, #tpu.memory_space<hbm>> -> memref<102400x16xf32, #tpu.memory_space<hbm>>
      %dma_start3A_114 = arith.constant 0 : i32
      %dma_start3A_115 = arith.constant 0 : i32
      %dma_start3A_116 = tpu.memref_slice %dma_start3A_113[%dma_start3A_114, %dma_start3A_115] : memref<102400x16xf32, #tpu.memory_space<hbm>> -> memref<102400x16xf32, #tpu.memory_space<hbm>>
      tpu.enqueue_indirect_dma source(%dma_start3A_116 : memref<102400x16xf32, #tpu.memory_space<hbm>>) target(%dma_start3A_106 : memref<128x16xf32, #tpu.memory_space<vmem>>) offsets(%dma_start3A_109 : memref<128xi32, #tpu.memory_space<vmem>>) semaphore(%arg28 : memref<!tpu.dma_semaphore, #tpu.memory_space<semaphore_mem>>)
      %dma_start3A_117 = arith.constant 2 : i32
      %dma_start3A_118 = arith.constant 256 : i32
      %dma_start3A_119 = arith.constant 0 : i32
      %dma_start3A_120 = tpu.memref_slice %arg22[%dma_start3A_118, %dma_start3A_119] : memref<512x16xf32, #tpu.memory_space<vmem>> -> memref<128x16xf32, #tpu.memory_space<vmem>>
      %dma_start3A_121 = arith.constant 0 : i32
      %dma_start3A_122 = tpu.memref_slice %arg20[%dma_start3A_117, %dma_start3A_121] : memref<4x128xi32, #tpu.memory_space<vmem>> -> memref<1x128xi32, #tpu.memory_space<vmem>>
      %dma_start3A_123 = tpu.memref_squeeze %dma_start3A_122 : memref<1x128xi32, #tpu.memory_space<vmem>> -> memref<128xi32, #tpu.memory_space<vmem>>
      %dma_start3A_124 = arith.constant 0 : i32
      %dma_start3A_125 = arith.constant 0 : i32
      %dma_start3A_126 = tpu.memref_slice %arg13[%arg0, %dma_start3A_124, %dma_start3A_125] : memref<2x102400x16xf32, #tpu.memory_space<hbm>> -> memref<1x102400x16xf32, #tpu.memory_space<hbm>>
      %dma_start3A_127 = tpu.memref_squeeze %dma_start3A_126 : memref<1x102400x16xf32, #tpu.memory_space<hbm>> -> memref<102400x16xf32, #tpu.memory_space<hbm>>
      %dma_start3A_128 = arith.constant 0 : i32
      %dma_start3A_129 = arith.constant 0 : i32
      %dma_start3A_130 = tpu.memref_slice %dma_start3A_127[%dma_start3A_128, %dma_start3A_129] : memref<102400x16xf32, #tpu.memory_space<hbm>> -> memref<102400x16xf32, #tpu.memory_space<hbm>>
      tpu.enqueue_indirect_dma source(%dma_start3A_130 : memref<102400x16xf32, #tpu.memory_space<hbm>>) target(%dma_start3A_120 : memref<128x16xf32, #tpu.memory_space<vmem>>) offsets(%dma_start3A_123 : memref<128xi32, #tpu.memory_space<vmem>>) semaphore(%arg28 : memref<!tpu.dma_semaphore, #tpu.memory_space<semaphore_mem>>)
      %dma_start3A_131 = arith.constant 3 : i32
      %dma_start3A_132 = arith.constant 384 : i32
      %dma_start3A_133 = arith.constant 0 : i32
      %dma_start3A_134 = tpu.memref_slice %arg22[%dma_start3A_132, %dma_start3A_133] : memref<512x16xf32, #tpu.memory_space<vmem>> -> memref<128x16xf32, #tpu.memory_space<vmem>>
      %dma_start3A_135 = arith.constant 0 : i32
      %dma_start3A_136 = tpu.memref_slice %arg20[%dma_start3A_131, %dma_start3A_135] : memref<4x128xi32, #tpu.memory_space<vmem>> -> memref<1x128xi32, #tpu.memory_space<vmem>>
      %dma_start3A_137 = tpu.memref_squeeze %dma_start3A_136 : memref<1x128xi32, #tpu.memory_space<vmem>> -> memref<128xi32, #tpu.memory_space<vmem>>
      %dma_start3A_138 = arith.constant 0 : i32
      %dma_start3A_139 = arith.constant 0 : i32
      %dma_start3A_140 = tpu.memref_slice %arg13[%arg0, %dma_start3A_138, %dma_start3A_139] : memref<2x102400x16xf32, #tpu.memory_space<hbm>> -> memref<1x102400x16xf32, #tpu.memory_space<hbm>>
      %dma_start3A_141 = tpu.memref_squeeze %dma_start3A_140 : memref<1x102400x16xf32, #tpu.memory_space<hbm>> -> memref<102400x16xf32, #tpu.memory_space<hbm>>
      %dma_start3A_142 = arith.constant 0 : i32
      %dma_start3A_143 = arith.constant 0 : i32
      %dma_start3A_144 = tpu.memref_slice %dma_start3A_141[%dma_start3A_142, %dma_start3A_143] : memref<102400x16xf32, #tpu.memory_space<hbm>> -> memref<102400x16xf32, #tpu.memory_space<hbm>>
      tpu.enqueue_indirect_dma source(%dma_start3A_144 : memref<102400x16xf32, #tpu.memory_space<hbm>>) target(%dma_start3A_134 : memref<128x16xf32, #tpu.memory_space<vmem>>) offsets(%dma_start3A_137 : memref<128xi32, #tpu.memory_space<vmem>>) semaphore(%arg28 : memref<!tpu.dma_semaphore, #tpu.memory_space<semaphore_mem>>)
      %dma_wait3A = arith.constant 0 : i32
      %dma_wait3A_145 = arith.constant 0 : i32
      %dma_wait3A_146 = arith.constant 0 : i32
      %dma_wait3A_147 = tpu.memref_slice %arg18[%dma_wait3A_145, %dma_wait3A_146] : memref<512x16xf32, #tpu.memory_space<vmem>> -> memref<128x16xf32, #tpu.memory_space<vmem>>
      %dma_wait3A_148 = arith.constant 0 : i32
      %dma_wait3A_149 = tpu.memref_slice %arg16[%dma_wait3A, %dma_wait3A_148] : memref<4x128xi32, #tpu.memory_space<vmem>> -> memref<1x128xi32, #tpu.memory_space<vmem>>
      %dma_wait3A_150 = tpu.memref_squeeze %dma_wait3A_149 : memref<1x128xi32, #tpu.memory_space<vmem>> -> memref<128xi32, #tpu.memory_space<vmem>>
      %dma_wait3A_151 = arith.constant 0 : i32
      %dma_wait3A_152 = arith.constant 0 : i32
      %dma_wait3A_153 = tpu.memref_slice %arg13[%arg0, %dma_wait3A_151, %dma_wait3A_152] : memref<2x102400x16xf32, #tpu.memory_space<hbm>> -> memref<1x102400x16xf32, #tpu.memory_space<hbm>>
      %dma_wait3A_154 = tpu.memref_squeeze %dma_wait3A_153 : memref<1x102400x16xf32, #tpu.memory_space<hbm>> -> memref<102400x16xf32, #tpu.memory_space<hbm>>
      %dma_wait3A_155 = arith.constant 0 : i32
      %dma_wait3A_156 = arith.constant 0 : i32
      %dma_wait3A_157 = tpu.memref_slice %dma_wait3A_154[%dma_wait3A_155, %dma_wait3A_156] : memref<102400x16xf32, #tpu.memory_space<hbm>> -> memref<102400x16xf32, #tpu.memory_space<hbm>>
      tpu.wait_indirect_dma semaphore(%arg26 : memref<!tpu.dma_semaphore, #tpu.memory_space<semaphore_mem>>) src(%dma_wait3A_157 : memref<102400x16xf32, #tpu.memory_space<hbm>>) dst(%dma_wait3A_147 : memref<128x16xf32, #tpu.memory_space<vmem>>)
      %dma_wait3A_158 = arith.constant 1 : i32
      %dma_wait3A_159 = arith.constant 128 : i32
      %dma_wait3A_160 = arith.constant 0 : i32
      %dma_wait3A_161 = tpu.memref_slice %arg18[%dma_wait3A_159, %dma_wait3A_160] : memref<512x16xf32, #tpu.memory_space<vmem>> -> memref<128x16xf32, #tpu.memory_space<vmem>>
      %dma_wait3A_162 = arith.constant 0 : i32
      %dma_wait3A_163 = tpu.memref_slice %arg16[%dma_wait3A_158, %dma_wait3A_162] : memref<4x128xi32, #tpu.memory_space<vmem>> -> memref<1x128xi32, #tpu.memory_space<vmem>>
      %dma_wait3A_164 = tpu.memref_squeeze %dma_wait3A_163 : memref<1x128xi32, #tpu.memory_space<vmem>> -> memref<128xi32, #tpu.memory_space<vmem>>
      %dma_wait3A_165 = arith.constant 0 : i32
      %dma_wait3A_166 = arith.constant 0 : i32
      %dma_wait3A_167 = tpu.memref_slice %arg13[%arg0, %dma_wait3A_165, %dma_wait3A_166] : memref<2x102400x16xf32, #tpu.memory_space<hbm>> -> memref<1x102400x16xf32, #tpu.memory_space<hbm>>
      %dma_wait3A_168 = tpu.memref_squeeze %dma_wait3A_167 : memref<1x102400x16xf32, #tpu.memory_space<hbm>> -> memref<102400x16xf32, #tpu.memory_space<hbm>>
      %dma_wait3A_169 = arith.constant 0 : i32
      %dma_wait3A_170 = arith.constant 0 : i32
      %dma_wait3A_171 = tpu.memref_slice %dma_wait3A_168[%dma_wait3A_169, %dma_wait3A_170] : memref<102400x16xf32, #tpu.memory_space<hbm>> -> memref<102400x16xf32, #tpu.memory_space<hbm>>
      tpu.wait_indirect_dma semaphore(%arg26 : memref<!tpu.dma_semaphore, #tpu.memory_space<semaphore_mem>>) src(%dma_wait3A_171 : memref<102400x16xf32, #tpu.memory_space<hbm>>) dst(%dma_wait3A_161 : memref<128x16xf32, #tpu.memory_space<vmem>>)
      %dma_wait3A_172 = arith.constant 2 : i32
      %dma_wait3A_173 = arith.constant 256 : i32
      %dma_wait3A_174 = arith.constant 0 : i32
      %dma_wait3A_175 = tpu.memref_slice %arg18[%dma_wait3A_173, %dma_wait3A_174] : memref<512x16xf32, #tpu.memory_space<vmem>> -> memref<128x16xf32, #tpu.memory_space<vmem>>
      %dma_wait3A_176 = arith.constant 0 : i32
      %dma_wait3A_177 = tpu.memref_slice %arg16[%dma_wait3A_172, %dma_wait3A_176] : memref<4x128xi32, #tpu.memory_space<vmem>> -> memref<1x128xi32, #tpu.memory_space<vmem>>
      %dma_wait3A_178 = tpu.memref_squeeze %dma_wait3A_177 : memref<1x128xi32, #tpu.memory_space<vmem>> -> memref<128xi32, #tpu.memory_space<vmem>>
      %dma_wait3A_179 = arith.constant 0 : i32
      %dma_wait3A_180 = arith.constant 0 : i32
      %dma_wait3A_181 = tpu.memref_slice %arg13[%arg0, %dma_wait3A_179, %dma_wait3A_180] : memref<2x102400x16xf32, #tpu.memory_space<hbm>> -> memref<1x102400x16xf32, #tpu.memory_space<hbm>>
      %dma_wait3A_182 = tpu.memref_squeeze %dma_wait3A_181 : memref<1x102400x16xf32, #tpu.memory_space<hbm>> -> memref<102400x16xf32, #tpu.memory_space<hbm>>
      %dma_wait3A_183 = arith.constant 0 : i32
      %dma_wait3A_184 = arith.constant 0 : i32
      %dma_wait3A_185 = tpu.memref_slice %dma_wait3A_182[%dma_wait3A_183, %dma_wait3A_184] : memref<102400x16xf32, #tpu.memory_space<hbm>> -> memref<102400x16xf32, #tpu.memory_space<hbm>>
      tpu.wait_indirect_dma semaphore(%arg26 : memref<!tpu.dma_semaphore, #tpu.memory_space<semaphore_mem>>) src(%dma_wait3A_185 : memref<102400x16xf32, #tpu.memory_space<hbm>>) dst(%dma_wait3A_175 : memref<128x16xf32, #tpu.memory_space<vmem>>)
      %dma_wait3A_186 = arith.constant 3 : i32
      %dma_wait3A_187 = arith.constant 384 : i32
      %dma_wait3A_188 = arith.constant 0 : i32
      %dma_wait3A_189 = tpu.memref_slice %arg18[%dma_wait3A_187, %dma_wait3A_188] : memref<512x16xf32, #tpu.memory_space<vmem>> -> memref<128x16xf32, #tpu.memory_space<vmem>>
      %dma_wait3A_190 = arith.constant 0 : i32
      %dma_wait3A_191 = tpu.memref_slice %arg16[%dma_wait3A_186, %dma_wait3A_190] : memref<4x128xi32, #tpu.memory_space<vmem>> -> memref<1x128xi32, #tpu.memory_space<vmem>>
      %dma_wait3A_192 = tpu.memref_squeeze %dma_wait3A_191 : memref<1x128xi32, #tpu.memory_space<vmem>> -> memref<128xi32, #tpu.memory_space<vmem>>
      %dma_wait3A_193 = arith.constant 0 : i32
      %dma_wait3A_194 = arith.constant 0 : i32
      %dma_wait3A_195 = tpu.memref_slice %arg13[%arg0, %dma_wait3A_193, %dma_wait3A_194] : memref<2x102400x16xf32, #tpu.memory_space<hbm>> -> memref<1x102400x16xf32, #tpu.memory_space<hbm>>
      %dma_wait3A_196 = tpu.memref_squeeze %dma_wait3A_195 : memref<1x102400x16xf32, #tpu.memory_space<hbm>> -> memref<102400x16xf32, #tpu.memory_space<hbm>>
      %dma_wait3A_197 = arith.constant 0 : i32
      %dma_wait3A_198 = arith.constant 0 : i32
      %dma_wait3A_199 = tpu.memref_slice %dma_wait3A_196[%dma_wait3A_197, %dma_wait3A_198] : memref<102400x16xf32, #tpu.memory_space<hbm>> -> memref<102400x16xf32, #tpu.memory_space<hbm>>
      tpu.wait_indirect_dma semaphore(%arg26 : memref<!tpu.dma_semaphore, #tpu.memory_space<semaphore_mem>>) src(%dma_wait3A_199 : memref<102400x16xf32, #tpu.memory_space<hbm>>) dst(%dma_wait3A_189 : memref<128x16xf32, #tpu.memory_space<vmem>>)
      %run_scoped3A = arith.constant 0 : i32
      "tpu.region"() ({
        %run_scoped3A_263 = tpu.sem_alloc : memref<!tpu.dma_semaphore, #tpu.memory_space<semaphore_mem>>
        %dma_start3A_264 = arith.constant 0 : i32
        %dma_start3A_265 = arith.constant 0 : i32
        %dma_start3A_266 = tpu.memref_slice %arg18[%dma_start3A_264, %dma_start3A_265] : memref<512x16xf32, #tpu.memory_space<vmem>> -> memref<128x16xf32, #tpu.memory_space<vmem>>
        %dma_start3A_267 = arith.constant 0 : i32
        %dma_start3A_268 = tpu.memref_slice %arg17[%run_scoped3A, %dma_start3A_267] : memref<4x128xi32, #tpu.memory_space<vmem>> -> memref<1x128xi32, #tpu.memory_space<vmem>>
        %dma_start3A_269 = tpu.memref_squeeze %dma_start3A_268 : memref<1x128xi32, #tpu.memory_space<vmem>> -> memref<128xi32, #tpu.memory_space<vmem>>
        %dma_start3A_270 = arith.constant 0 : i32
        %dma_start3A_271 = arith.constant 0 : i32
        %dma_start3A_272 = tpu.memref_slice %arg14[%dma_start3A_270, %dma_start3A_271] : memref<102400x16xf32, #tpu.memory_space<vmem_shared>> -> memref<102400x16xf32, #tpu.memory_space<vmem_shared>>
        tpu.enqueue_indirect_dma source(%dma_start3A_266 : memref<128x16xf32, #tpu.memory_space<vmem>>) target(%dma_start3A_272 : memref<102400x16xf32, #tpu.memory_space<vmem_shared>>) offsets(%dma_start3A_269 : memref<128xi32, #tpu.memory_space<vmem>>) semaphore(%run_scoped3A_263 : memref<!tpu.dma_semaphore, #tpu.memory_space<semaphore_mem>>) {add = true}
        %dma_wait3A_273 = arith.constant 0 : i32
        %dma_wait3A_274 = arith.constant 0 : i32
        %dma_wait3A_275 = tpu.memref_slice %arg18[%dma_wait3A_273, %dma_wait3A_274] : memref<512x16xf32, #tpu.memory_space<vmem>> -> memref<128x16xf32, #tpu.memory_space<vmem>>
        %dma_wait3A_276 = arith.constant 0 : i32
        %dma_wait3A_277 = tpu.memref_slice %arg17[%run_scoped3A, %dma_wait3A_276] : memref<4x128xi32, #tpu.memory_space<vmem>> -> memref<1x128xi32, #tpu.memory_space<vmem>>
        %dma_wait3A_278 = tpu.memref_squeeze %dma_wait3A_277 : memref<1x128xi32, #tpu.memory_space<vmem>> -> memref<128xi32, #tpu.memory_space<vmem>>
        %dma_wait3A_279 = arith.constant 0 : i32
        %dma_wait3A_280 = arith.constant 0 : i32
        %dma_wait3A_281 = tpu.memref_slice %arg14[%dma_wait3A_279, %dma_wait3A_280] : memref<102400x16xf32, #tpu.memory_space<vmem_shared>> -> memref<102400x16xf32, #tpu.memory_space<vmem_shared>>
        tpu.wait_indirect_dma semaphore(%run_scoped3A_263 : memref<!tpu.dma_semaphore, #tpu.memory_space<semaphore_mem>>) src(%dma_wait3A_275 : memref<128x16xf32, #tpu.memory_space<vmem>>) dst(%dma_wait3A_281 : memref<102400x16xf32, #tpu.memory_space<vmem_shared>>)
        tpu.yield
      }) : () -> ()
      %run_scoped3A_200 = arith.constant 1 : i32
      "tpu.region"() ({
        %run_scoped3A_263 = tpu.sem_alloc : memref<!tpu.dma_semaphore, #tpu.memory_space<semaphore_mem>>
        %dma_start3A_264 = arith.constant 128 : i32
        %dma_start3A_265 = arith.constant 0 : i32
        %dma_start3A_266 = tpu.memref_slice %arg18[%dma_start3A_264, %dma_start3A_265] : memref<512x16xf32, #tpu.memory_space<vmem>> -> memref<128x16xf32, #tpu.memory_space<vmem>>
        %dma_start3A_267 = arith.constant 0 : i32
        %dma_start3A_268 = tpu.memref_slice %arg17[%run_scoped3A_200, %dma_start3A_267] : memref<4x128xi32, #tpu.memory_space<vmem>> -> memref<1x128xi32, #tpu.memory_space<vmem>>
        %dma_start3A_269 = tpu.memref_squeeze %dma_start3A_268 : memref<1x128xi32, #tpu.memory_space<vmem>> -> memref<128xi32, #tpu.memory_space<vmem>>
        %dma_start3A_270 = arith.constant 0 : i32
        %dma_start3A_271 = arith.constant 0 : i32
        %dma_start3A_272 = tpu.memref_slice %arg14[%dma_start3A_270, %dma_start3A_271] : memref<102400x16xf32, #tpu.memory_space<vmem_shared>> -> memref<102400x16xf32, #tpu.memory_space<vmem_shared>>
        tpu.enqueue_indirect_dma source(%dma_start3A_266 : memref<128x16xf32, #tpu.memory_space<vmem>>) target(%dma_start3A_272 : memref<102400x16xf32, #tpu.memory_space<vmem_shared>>) offsets(%dma_start3A_269 : memref<128xi32, #tpu.memory_space<vmem>>) semaphore(%run_scoped3A_263 : memref<!tpu.dma_semaphore, #tpu.memory_space<semaphore_mem>>) {add = true}
        %dma_wait3A_273 = arith.constant 128 : i32
        %dma_wait3A_274 = arith.constant 0 : i32
        %dma_wait3A_275 = tpu.memref_slice %arg18[%dma_wait3A_273, %dma_wait3A_274] : memref<512x16xf32, #tpu.memory_space<vmem>> -> memref<128x16xf32, #tpu.memory_space<vmem>>
        %dma_wait3A_276 = arith.constant 0 : i32
        %dma_wait3A_277 = tpu.memref_slice %arg17[%run_scoped3A_200, %dma_wait3A_276] : memref<4x128xi32, #tpu.memory_space<vmem>> -> memref<1x128xi32, #tpu.memory_space<vmem>>
        %dma_wait3A_278 = tpu.memref_squeeze %dma_wait3A_277 : memref<1x128xi32, #tpu.memory_space<vmem>> -> memref<128xi32, #tpu.memory_space<vmem>>
        %dma_wait3A_279 = arith.constant 0 : i32
        %dma_wait3A_280 = arith.constant 0 : i32
        %dma_wait3A_281 = tpu.memref_slice %arg14[%dma_wait3A_279, %dma_wait3A_280] : memref<102400x16xf32, #tpu.memory_space<vmem_shared>> -> memref<102400x16xf32, #tpu.memory_space<vmem_shared>>
        tpu.wait_indirect_dma semaphore(%run_scoped3A_263 : memref<!tpu.dma_semaphore, #tpu.memory_space<semaphore_mem>>) src(%dma_wait3A_275 : memref<128x16xf32, #tpu.memory_space<vmem>>) dst(%dma_wait3A_281 : memref<102400x16xf32, #tpu.memory_space<vmem_shared>>)
        tpu.yield
      }) : () -> ()
      %run_scoped3A_201 = arith.constant 2 : i32
      "tpu.region"() ({
        %run_scoped3A_263 = tpu.sem_alloc : memref<!tpu.dma_semaphore, #tpu.memory_space<semaphore_mem>>
        %dma_start3A_264 = arith.constant 256 : i32
        %dma_start3A_265 = arith.constant 0 : i32
        %dma_start3A_266 = tpu.memref_slice %arg18[%dma_start3A_264, %dma_start3A_265] : memref<512x16xf32, #tpu.memory_space<vmem>> -> memref<128x16xf32, #tpu.memory_space<vmem>>
        %dma_start3A_267 = arith.constant 0 : i32
        %dma_start3A_268 = tpu.memref_slice %arg17[%run_scoped3A_201, %dma_start3A_267] : memref<4x128xi32, #tpu.memory_space<vmem>> -> memref<1x128xi32, #tpu.memory_space<vmem>>
        %dma_start3A_269 = tpu.memref_squeeze %dma_start3A_268 : memref<1x128xi32, #tpu.memory_space<vmem>> -> memref<128xi32, #tpu.memory_space<vmem>>
        %dma_start3A_270 = arith.constant 0 : i32
        %dma_start3A_271 = arith.constant 0 : i32
        %dma_start3A_272 = tpu.memref_slice %arg14[%dma_start3A_270, %dma_start3A_271] : memref<102400x16xf32, #tpu.memory_space<vmem_shared>> -> memref<102400x16xf32, #tpu.memory_space<vmem_shared>>
        tpu.enqueue_indirect_dma source(%dma_start3A_266 : memref<128x16xf32, #tpu.memory_space<vmem>>) target(%dma_start3A_272 : memref<102400x16xf32, #tpu.memory_space<vmem_shared>>) offsets(%dma_start3A_269 : memref<128xi32, #tpu.memory_space<vmem>>) semaphore(%run_scoped3A_263 : memref<!tpu.dma_semaphore, #tpu.memory_space<semaphore_mem>>) {add = true}
        %dma_wait3A_273 = arith.constant 256 : i32
        %dma_wait3A_274 = arith.constant 0 : i32
        %dma_wait3A_275 = tpu.memref_slice %arg18[%dma_wait3A_273, %dma_wait3A_274] : memref<512x16xf32, #tpu.memory_space<vmem>> -> memref<128x16xf32, #tpu.memory_space<vmem>>
        %dma_wait3A_276 = arith.constant 0 : i32
        %dma_wait3A_277 = tpu.memref_slice %arg17[%run_scoped3A_201, %dma_wait3A_276] : memref<4x128xi32, #tpu.memory_space<vmem>> -> memref<1x128xi32, #tpu.memory_space<vmem>>
        %dma_wait3A_278 = tpu.memref_squeeze %dma_wait3A_277 : memref<1x128xi32, #tpu.memory_space<vmem>> -> memref<128xi32, #tpu.memory_space<vmem>>
        %dma_wait3A_279 = arith.constant 0 : i32
        %dma_wait3A_280 = arith.constant 0 : i32
        %dma_wait3A_281 = tpu.memref_slice %arg14[%dma_wait3A_279, %dma_wait3A_280] : memref<102400x16xf32, #tpu.memory_space<vmem_shared>> -> memref<102400x16xf32, #tpu.memory_space<vmem_shared>>
        tpu.wait_indirect_dma semaphore(%run_scoped3A_263 : memref<!tpu.dma_semaphore, #tpu.memory_space<semaphore_mem>>) src(%dma_wait3A_275 : memref<128x16xf32, #tpu.memory_space<vmem>>) dst(%dma_wait3A_281 : memref<102400x16xf32, #tpu.memory_space<vmem_shared>>)
        tpu.yield
      }) : () -> ()
      %run_scoped3A_202 = arith.constant 3 : i32
      "tpu.region"() ({
        %run_scoped3A_263 = tpu.sem_alloc : memref<!tpu.dma_semaphore, #tpu.memory_space<semaphore_mem>>
        %dma_start3A_264 = arith.constant 384 : i32
        %dma_start3A_265 = arith.constant 0 : i32
        %dma_start3A_266 = tpu.memref_slice %arg18[%dma_start3A_264, %dma_start3A_265] : memref<512x16xf32, #tpu.memory_space<vmem>> -> memref<128x16xf32, #tpu.memory_space<vmem>>
        %dma_start3A_267 = arith.constant 0 : i32
        %dma_start3A_268 = tpu.memref_slice %arg17[%run_scoped3A_202, %dma_start3A_267] : memref<4x128xi32, #tpu.memory_space<vmem>> -> memref<1x128xi32, #tpu.memory_space<vmem>>
        %dma_start3A_269 = tpu.memref_squeeze %dma_start3A_268 : memref<1x128xi32, #tpu.memory_space<vmem>> -> memref<128xi32, #tpu.memory_space<vmem>>
        %dma_start3A_270 = arith.constant 0 : i32
        %dma_start3A_271 = arith.constant 0 : i32
        %dma_start3A_272 = tpu.memref_slice %arg14[%dma_start3A_270, %dma_start3A_271] : memref<102400x16xf32, #tpu.memory_space<vmem_shared>> -> memref<102400x16xf32, #tpu.memory_space<vmem_shared>>
        tpu.enqueue_indirect_dma source(%dma_start3A_266 : memref<128x16xf32, #tpu.memory_space<vmem>>) target(%dma_start3A_272 : memref<102400x16xf32, #tpu.memory_space<vmem_shared>>) offsets(%dma_start3A_269 : memref<128xi32, #tpu.memory_space<vmem>>) semaphore(%run_scoped3A_263 : memref<!tpu.dma_semaphore, #tpu.memory_space<semaphore_mem>>) {add = true}
        %dma_wait3A_273 = arith.constant 384 : i32
        %dma_wait3A_274 = arith.constant 0 : i32
        %dma_wait3A_275 = tpu.memref_slice %arg18[%dma_wait3A_273, %dma_wait3A_274] : memref<512x16xf32, #tpu.memory_space<vmem>> -> memref<128x16xf32, #tpu.memory_space<vmem>>
        %dma_wait3A_276 = arith.constant 0 : i32
        %dma_wait3A_277 = tpu.memref_slice %arg17[%run_scoped3A_202, %dma_wait3A_276] : memref<4x128xi32, #tpu.memory_space<vmem>> -> memref<1x128xi32, #tpu.memory_space<vmem>>
        %dma_wait3A_278 = tpu.memref_squeeze %dma_wait3A_277 : memref<1x128xi32, #tpu.memory_space<vmem>> -> memref<128xi32, #tpu.memory_space<vmem>>
        %dma_wait3A_279 = arith.constant 0 : i32
        %dma_wait3A_280 = arith.constant 0 : i32
        %dma_wait3A_281 = tpu.memref_slice %arg14[%dma_wait3A_279, %dma_wait3A_280] : memref<102400x16xf32, #tpu.memory_space<vmem_shared>> -> memref<102400x16xf32, #tpu.memory_space<vmem_shared>>
        tpu.wait_indirect_dma semaphore(%run_scoped3A_263 : memref<!tpu.dma_semaphore, #tpu.memory_space<semaphore_mem>>) src(%dma_wait3A_275 : memref<128x16xf32, #tpu.memory_space<vmem>>) dst(%dma_wait3A_281 : memref<102400x16xf32, #tpu.memory_space<vmem_shared>>)
        tpu.yield
      }) : () -> ()
      %dma_wait3A_203 = arith.constant 0 : i32
      %dma_wait3A_204 = arith.constant 0 : i32
      %dma_wait3A_205 = arith.constant 0 : i32
      %dma_wait3A_206 = tpu.memref_slice %arg22[%dma_wait3A_204, %dma_wait3A_205] : memref<512x16xf32, #tpu.memory_space<vmem>> -> memref<128x16xf32, #tpu.memory_space<vmem>>
      %dma_wait3A_207 = arith.constant 0 : i32
      %dma_wait3A_208 = tpu.memref_slice %arg20[%dma_wait3A_203, %dma_wait3A_207] : memref<4x128xi32, #tpu.memory_space<vmem>> -> memref<1x128xi32, #tpu.memory_space<vmem>>
      %dma_wait3A_209 = tpu.memref_squeeze %dma_wait3A_208 : memref<1x128xi32, #tpu.memory_space<vmem>> -> memref<128xi32, #tpu.memory_space<vmem>>
      %dma_wait3A_210 = arith.constant 0 : i32
      %dma_wait3A_211 = arith.constant 0 : i32
      %dma_wait3A_212 = tpu.memref_slice %arg13[%arg0, %dma_wait3A_210, %dma_wait3A_211] : memref<2x102400x16xf32, #tpu.memory_space<hbm>> -> memref<1x102400x16xf32, #tpu.memory_space<hbm>>
      %dma_wait3A_213 = tpu.memref_squeeze %dma_wait3A_212 : memref<1x102400x16xf32, #tpu.memory_space<hbm>> -> memref<102400x16xf32, #tpu.memory_space<hbm>>
      %dma_wait3A_214 = arith.constant 0 : i32
      %dma_wait3A_215 = arith.constant 0 : i32
      %dma_wait3A_216 = tpu.memref_slice %dma_wait3A_213[%dma_wait3A_214, %dma_wait3A_215] : memref<102400x16xf32, #tpu.memory_space<hbm>> -> memref<102400x16xf32, #tpu.memory_space<hbm>>
      tpu.wait_indirect_dma semaphore(%arg28 : memref<!tpu.dma_semaphore, #tpu.memory_space<semaphore_mem>>) src(%dma_wait3A_216 : memref<102400x16xf32, #tpu.memory_space<hbm>>) dst(%dma_wait3A_206 : memref<128x16xf32, #tpu.memory_space<vmem>>)
      %dma_wait3A_217 = arith.constant 1 : i32
      %dma_wait3A_218 = arith.constant 128 : i32
      %dma_wait3A_219 = arith.constant 0 : i32
      %dma_wait3A_220 = tpu.memref_slice %arg22[%dma_wait3A_218, %dma_wait3A_219] : memref<512x16xf32, #tpu.memory_space<vmem>> -> memref<128x16xf32, #tpu.memory_space<vmem>>
      %dma_wait3A_221 = arith.constant 0 : i32
      %dma_wait3A_222 = tpu.memref_slice %arg20[%dma_wait3A_217, %dma_wait3A_221] : memref<4x128xi32, #tpu.memory_space<vmem>> -> memref<1x128xi32, #tpu.memory_space<vmem>>
      %dma_wait3A_223 = tpu.memref_squeeze %dma_wait3A_222 : memref<1x128xi32, #tpu.memory_space<vmem>> -> memref<128xi32, #tpu.memory_space<vmem>>
      %dma_wait3A_224 = arith.constant 0 : i32
      %dma_wait3A_225 = arith.constant 0 : i32
      %dma_wait3A_226 = tpu.memref_slice %arg13[%arg0, %dma_wait3A_224, %dma_wait3A_225] : memref<2x102400x16xf32, #tpu.memory_space<hbm>> -> memref<1x102400x16xf32, #tpu.memory_space<hbm>>
      %dma_wait3A_227 = tpu.memref_squeeze %dma_wait3A_226 : memref<1x102400x16xf32, #tpu.memory_space<hbm>> -> memref<102400x16xf32, #tpu.memory_space<hbm>>
      %dma_wait3A_228 = arith.constant 0 : i32
      %dma_wait3A_229 = arith.constant 0 : i32
      %dma_wait3A_230 = tpu.memref_slice %dma_wait3A_227[%dma_wait3A_228, %dma_wait3A_229] : memref<102400x16xf32, #tpu.memory_space<hbm>> -> memref<102400x16xf32, #tpu.memory_space<hbm>>
      tpu.wait_indirect_dma semaphore(%arg28 : memref<!tpu.dma_semaphore, #tpu.memory_space<semaphore_mem>>) src(%dma_wait3A_230 : memref<102400x16xf32, #tpu.memory_space<hbm>>) dst(%dma_wait3A_220 : memref<128x16xf32, #tpu.memory_space<vmem>>)
      %dma_wait3A_231 = arith.constant 2 : i32
      %dma_wait3A_232 = arith.constant 256 : i32
      %dma_wait3A_233 = arith.constant 0 : i32
      %dma_wait3A_234 = tpu.memref_slice %arg22[%dma_wait3A_232, %dma_wait3A_233] : memref<512x16xf32, #tpu.memory_space<vmem>> -> memref<128x16xf32, #tpu.memory_space<vmem>>
      %dma_wait3A_235 = arith.constant 0 : i32
      %dma_wait3A_236 = tpu.memref_slice %arg20[%dma_wait3A_231, %dma_wait3A_235] : memref<4x128xi32, #tpu.memory_space<vmem>> -> memref<1x128xi32, #tpu.memory_space<vmem>>
      %dma_wait3A_237 = tpu.memref_squeeze %dma_wait3A_236 : memref<1x128xi32, #tpu.memory_space<vmem>> -> memref<128xi32, #tpu.memory_space<vmem>>
      %dma_wait3A_238 = arith.constant 0 : i32
      %dma_wait3A_239 = arith.constant 0 : i32
      %dma_wait3A_240 = tpu.memref_slice %arg13[%arg0, %dma_wait3A_238, %dma_wait3A_239] : memref<2x102400x16xf32, #tpu.memory_space<hbm>> -> memref<1x102400x16xf32, #tpu.memory_space<hbm>>
      %dma_wait3A_241 = tpu.memref_squeeze %dma_wait3A_240 : memref<1x102400x16xf32, #tpu.memory_space<hbm>> -> memref<102400x16xf32, #tpu.memory_space<hbm>>
      %dma_wait3A_242 = arith.constant 0 : i32
      %dma_wait3A_243 = arith.constant 0 : i32
      %dma_wait3A_244 = tpu.memref_slice %dma_wait3A_241[%dma_wait3A_242, %dma_wait3A_243] : memref<102400x16xf32, #tpu.memory_space<hbm>> -> memref<102400x16xf32, #tpu.memory_space<hbm>>
      tpu.wait_indirect_dma semaphore(%arg28 : memref<!tpu.dma_semaphore, #tpu.memory_space<semaphore_mem>>) src(%dma_wait3A_244 : memref<102400x16xf32, #tpu.memory_space<hbm>>) dst(%dma_wait3A_234 : memref<128x16xf32, #tpu.memory_space<vmem>>)
      %dma_wait3A_245 = arith.constant 3 : i32
      %dma_wait3A_246 = arith.constant 384 : i32
      %dma_wait3A_247 = arith.constant 0 : i32
      %dma_wait3A_248 = tpu.memref_slice %arg22[%dma_wait3A_246, %dma_wait3A_247] : memref<512x16xf32, #tpu.memory_space<vmem>> -> memref<128x16xf32, #tpu.memory_space<vmem>>
      %dma_wait3A_249 = arith.constant 0 : i32
      %dma_wait3A_250 = tpu.memref_slice %arg20[%dma_wait3A_245, %dma_wait3A_249] : memref<4x128xi32, #tpu.memory_space<vmem>> -> memref<1x128xi32, #tpu.memory_space<vmem>>
      %dma_wait3A_251 = tpu.memref_squeeze %dma_wait3A_250 : memref<1x128xi32, #tpu.memory_space<vmem>> -> memref<128xi32, #tpu.memory_space<vmem>>
      %dma_wait3A_252 = arith.constant 0 : i32
      %dma_wait3A_253 = arith.constant 0 : i32
      %dma_wait3A_254 = tpu.memref_slice %arg13[%arg0, %dma_wait3A_252, %dma_wait3A_253] : memref<2x102400x16xf32, #tpu.memory_space<hbm>> -> memref<1x102400x16xf32, #tpu.memory_space<hbm>>
      %dma_wait3A_255 = tpu.memref_squeeze %dma_wait3A_254 : memref<1x102400x16xf32, #tpu.memory_space<hbm>> -> memref<102400x16xf32, #tpu.memory_space<hbm>>
      %dma_wait3A_256 = arith.constant 0 : i32
      %dma_wait3A_257 = arith.constant 0 : i32
      %dma_wait3A_258 = tpu.memref_slice %dma_wait3A_255[%dma_wait3A_256, %dma_wait3A_257] : memref<102400x16xf32, #tpu.memory_space<hbm>> -> memref<102400x16xf32, #tpu.memory_space<hbm>>
      tpu.wait_indirect_dma semaphore(%arg28 : memref<!tpu.dma_semaphore, #tpu.memory_space<semaphore_mem>>) src(%dma_wait3A_258 : memref<102400x16xf32, #tpu.memory_space<hbm>>) dst(%dma_wait3A_248 : memref<128x16xf32, #tpu.memory_space<vmem>>)
      %run_scoped3A_259 = arith.constant 0 : i32
      "tpu.region"() ({
        %run_scoped3A_263 = tpu.sem_alloc : memref<!tpu.dma_semaphore, #tpu.memory_space<semaphore_mem>>
        %dma_start3A_264 = arith.constant 0 : i32
        %dma_start3A_265 = arith.constant 0 : i32
        %dma_start3A_266 = tpu.memref_slice %arg22[%dma_start3A_264, %dma_start3A_265] : memref<512x16xf32, #tpu.memory_space<vmem>> -> memref<128x16xf32, #tpu.memory_space<vmem>>
        %dma_start3A_267 = arith.constant 0 : i32
        %dma_start3A_268 = tpu.memref_slice %arg21[%run_scoped3A_259, %dma_start3A_267] : memref<4x128xi32, #tpu.memory_space<vmem>> -> memref<1x128xi32, #tpu.memory_space<vmem>>
        %dma_start3A_269 = tpu.memref_squeeze %dma_start3A_268 : memref<1x128xi32, #tpu.memory_space<vmem>> -> memref<128xi32, #tpu.memory_space<vmem>>
        %dma_start3A_270 = arith.constant 0 : i32
        %dma_start3A_271 = arith.constant 0 : i32
        %dma_start3A_272 = tpu.memref_slice %arg14[%dma_start3A_270, %dma_start3A_271] : memref<102400x16xf32, #tpu.memory_space<vmem_shared>> -> memref<102400x16xf32, #tpu.memory_space<vmem_shared>>
        tpu.enqueue_indirect_dma source(%dma_start3A_266 : memref<128x16xf32, #tpu.memory_space<vmem>>) target(%dma_start3A_272 : memref<102400x16xf32, #tpu.memory_space<vmem_shared>>) offsets(%dma_start3A_269 : memref<128xi32, #tpu.memory_space<vmem>>) semaphore(%run_scoped3A_263 : memref<!tpu.dma_semaphore, #tpu.memory_space<semaphore_mem>>) {add = true}
        %dma_wait3A_273 = arith.constant 0 : i32
        %dma_wait3A_274 = arith.constant 0 : i32
        %dma_wait3A_275 = tpu.memref_slice %arg22[%dma_wait3A_273, %dma_wait3A_274] : memref<512x16xf32, #tpu.memory_space<vmem>> -> memref<128x16xf32, #tpu.memory_space<vmem>>
        %dma_wait3A_276 = arith.constant 0 : i32
        %dma_wait3A_277 = tpu.memref_slice %arg21[%run_scoped3A_259, %dma_wait3A_276] : memref<4x128xi32, #tpu.memory_space<vmem>> -> memref<1x128xi32, #tpu.memory_space<vmem>>
        %dma_wait3A_278 = tpu.memref_squeeze %dma_wait3A_277 : memref<1x128xi32, #tpu.memory_space<vmem>> -> memref<128xi32, #tpu.memory_space<vmem>>
        %dma_wait3A_279 = arith.constant 0 : i32
        %dma_wait3A_280 = arith.constant 0 : i32
        %dma_wait3A_281 = tpu.memref_slice %arg14[%dma_wait3A_279, %dma_wait3A_280] : memref<102400x16xf32, #tpu.memory_space<vmem_shared>> -> memref<102400x16xf32, #tpu.memory_space<vmem_shared>>
        tpu.wait_indirect_dma semaphore(%run_scoped3A_263 : memref<!tpu.dma_semaphore, #tpu.memory_space<semaphore_mem>>) src(%dma_wait3A_275 : memref<128x16xf32, #tpu.memory_space<vmem>>) dst(%dma_wait3A_281 : memref<102400x16xf32, #tpu.memory_space<vmem_shared>>)
        tpu.yield
      }) : () -> ()
      %run_scoped3A_260 = arith.constant 1 : i32
      "tpu.region"() ({
        %run_scoped3A_263 = tpu.sem_alloc : memref<!tpu.dma_semaphore, #tpu.memory_space<semaphore_mem>>
        %dma_start3A_264 = arith.constant 128 : i32
        %dma_start3A_265 = arith.constant 0 : i32
        %dma_start3A_266 = tpu.memref_slice %arg22[%dma_start3A_264, %dma_start3A_265] : memref<512x16xf32, #tpu.memory_space<vmem>> -> memref<128x16xf32, #tpu.memory_space<vmem>>
        %dma_start3A_267 = arith.constant 0 : i32
        %dma_start3A_268 = tpu.memref_slice %arg21[%run_scoped3A_260, %dma_start3A_267] : memref<4x128xi32, #tpu.memory_space<vmem>> -> memref<1x128xi32, #tpu.memory_space<vmem>>
        %dma_start3A_269 = tpu.memref_squeeze %dma_start3A_268 : memref<1x128xi32, #tpu.memory_space<vmem>> -> memref<128xi32, #tpu.memory_space<vmem>>
        %dma_start3A_270 = arith.constant 0 : i32
        %dma_start3A_271 = arith.constant 0 : i32
        %dma_start3A_272 = tpu.memref_slice %arg14[%dma_start3A_270, %dma_start3A_271] : memref<102400x16xf32, #tpu.memory_space<vmem_shared>> -> memref<102400x16xf32, #tpu.memory_space<vmem_shared>>
        tpu.enqueue_indirect_dma source(%dma_start3A_266 : memref<128x16xf32, #tpu.memory_space<vmem>>) target(%dma_start3A_272 : memref<102400x16xf32, #tpu.memory_space<vmem_shared>>) offsets(%dma_start3A_269 : memref<128xi32, #tpu.memory_space<vmem>>) semaphore(%run_scoped3A_263 : memref<!tpu.dma_semaphore, #tpu.memory_space<semaphore_mem>>) {add = true}
        %dma_wait3A_273 = arith.constant 128 : i32
        %dma_wait3A_274 = arith.constant 0 : i32
        %dma_wait3A_275 = tpu.memref_slice %arg22[%dma_wait3A_273, %dma_wait3A_274] : memref<512x16xf32, #tpu.memory_space<vmem>> -> memref<128x16xf32, #tpu.memory_space<vmem>>
        %dma_wait3A_276 = arith.constant 0 : i32
        %dma_wait3A_277 = tpu.memref_slice %arg21[%run_scoped3A_260, %dma_wait3A_276] : memref<4x128xi32, #tpu.memory_space<vmem>> -> memref<1x128xi32, #tpu.memory_space<vmem>>
        %dma_wait3A_278 = tpu.memref_squeeze %dma_wait3A_277 : memref<1x128xi32, #tpu.memory_space<vmem>> -> memref<128xi32, #tpu.memory_space<vmem>>
        %dma_wait3A_279 = arith.constant 0 : i32
        %dma_wait3A_280 = arith.constant 0 : i32
        %dma_wait3A_281 = tpu.memref_slice %arg14[%dma_wait3A_279, %dma_wait3A_280] : memref<102400x16xf32, #tpu.memory_space<vmem_shared>> -> memref<102400x16xf32, #tpu.memory_space<vmem_shared>>
        tpu.wait_indirect_dma semaphore(%run_scoped3A_263 : memref<!tpu.dma_semaphore, #tpu.memory_space<semaphore_mem>>) src(%dma_wait3A_275 : memref<128x16xf32, #tpu.memory_space<vmem>>) dst(%dma_wait3A_281 : memref<102400x16xf32, #tpu.memory_space<vmem_shared>>)
        tpu.yield
      }) : () -> ()
      %run_scoped3A_261 = arith.constant 2 : i32
      "tpu.region"() ({
        %run_scoped3A_263 = tpu.sem_alloc : memref<!tpu.dma_semaphore, #tpu.memory_space<semaphore_mem>>
        %dma_start3A_264 = arith.constant 256 : i32
        %dma_start3A_265 = arith.constant 0 : i32
        %dma_start3A_266 = tpu.memref_slice %arg22[%dma_start3A_264, %dma_start3A_265] : memref<512x16xf32, #tpu.memory_space<vmem>> -> memref<128x16xf32, #tpu.memory_space<vmem>>
        %dma_start3A_267 = arith.constant 0 : i32
        %dma_start3A_268 = tpu.memref_slice %arg21[%run_scoped3A_261, %dma_start3A_267] : memref<4x128xi32, #tpu.memory_space<vmem>> -> memref<1x128xi32, #tpu.memory_space<vmem>>
        %dma_start3A_269 = tpu.memref_squeeze %dma_start3A_268 : memref<1x128xi32, #tpu.memory_space<vmem>> -> memref<128xi32, #tpu.memory_space<vmem>>
        %dma_start3A_270 = arith.constant 0 : i32
        %dma_start3A_271 = arith.constant 0 : i32
        %dma_start3A_272 = tpu.memref_slice %arg14[%dma_start3A_270, %dma_start3A_271] : memref<102400x16xf32, #tpu.memory_space<vmem_shared>> -> memref<102400x16xf32, #tpu.memory_space<vmem_shared>>
        tpu.enqueue_indirect_dma source(%dma_start3A_266 : memref<128x16xf32, #tpu.memory_space<vmem>>) target(%dma_start3A_272 : memref<102400x16xf32, #tpu.memory_space<vmem_shared>>) offsets(%dma_start3A_269 : memref<128xi32, #tpu.memory_space<vmem>>) semaphore(%run_scoped3A_263 : memref<!tpu.dma_semaphore, #tpu.memory_space<semaphore_mem>>) {add = true}
        %dma_wait3A_273 = arith.constant 256 : i32
        %dma_wait3A_274 = arith.constant 0 : i32
        %dma_wait3A_275 = tpu.memref_slice %arg22[%dma_wait3A_273, %dma_wait3A_274] : memref<512x16xf32, #tpu.memory_space<vmem>> -> memref<128x16xf32, #tpu.memory_space<vmem>>
        %dma_wait3A_276 = arith.constant 0 : i32
        %dma_wait3A_277 = tpu.memref_slice %arg21[%run_scoped3A_261, %dma_wait3A_276] : memref<4x128xi32, #tpu.memory_space<vmem>> -> memref<1x128xi32, #tpu.memory_space<vmem>>
        %dma_wait3A_278 = tpu.memref_squeeze %dma_wait3A_277 : memref<1x128xi32, #tpu.memory_space<vmem>> -> memref<128xi32, #tpu.memory_space<vmem>>
        %dma_wait3A_279 = arith.constant 0 : i32
        %dma_wait3A_280 = arith.constant 0 : i32
        %dma_wait3A_281 = tpu.memref_slice %arg14[%dma_wait3A_279, %dma_wait3A_280] : memref<102400x16xf32, #tpu.memory_space<vmem_shared>> -> memref<102400x16xf32, #tpu.memory_space<vmem_shared>>
        tpu.wait_indirect_dma semaphore(%run_scoped3A_263 : memref<!tpu.dma_semaphore, #tpu.memory_space<semaphore_mem>>) src(%dma_wait3A_275 : memref<128x16xf32, #tpu.memory_space<vmem>>) dst(%dma_wait3A_281 : memref<102400x16xf32, #tpu.memory_space<vmem_shared>>)
        tpu.yield
      }) : () -> ()
      %run_scoped3A_262 = arith.constant 3 : i32
      "tpu.region"() ({
        %run_scoped3A_263 = tpu.sem_alloc : memref<!tpu.dma_semaphore, #tpu.memory_space<semaphore_mem>>
        %dma_start3A_264 = arith.constant 384 : i32
        %dma_start3A_265 = arith.constant 0 : i32
        %dma_start3A_266 = tpu.memref_slice %arg22[%dma_start3A_264, %dma_start3A_265] : memref<512x16xf32, #tpu.memory_space<vmem>> -> memref<128x16xf32, #tpu.memory_space<vmem>>
        %dma_start3A_267 = arith.constant 0 : i32
        %dma_start3A_268 = tpu.memref_slice %arg21[%run_scoped3A_262, %dma_start3A_267] : memref<4x128xi32, #tpu.memory_space<vmem>> -> memref<1x128xi32, #tpu.memory_space<vmem>>
        %dma_start3A_269 = tpu.memref_squeeze %dma_start3A_268 : memref<1x128xi32, #tpu.memory_space<vmem>> -> memref<128xi32, #tpu.memory_space<vmem>>
        %dma_start3A_270 = arith.constant 0 : i32
        %dma_start3A_271 = arith.constant 0 : i32
        %dma_start3A_272 = tpu.memref_slice %arg14[%dma_start3A_270, %dma_start3A_271] : memref<102400x16xf32, #tpu.memory_space<vmem_shared>> -> memref<102400x16xf32, #tpu.memory_space<vmem_shared>>
        tpu.enqueue_indirect_dma source(%dma_start3A_266 : memref<128x16xf32, #tpu.memory_space<vmem>>) target(%dma_start3A_272 : memref<102400x16xf32, #tpu.memory_space<vmem_shared>>) offsets(%dma_start3A_269 : memref<128xi32, #tpu.memory_space<vmem>>) semaphore(%run_scoped3A_263 : memref<!tpu.dma_semaphore, #tpu.memory_space<semaphore_mem>>) {add = true}
        %dma_wait3A_273 = arith.constant 384 : i32
        %dma_wait3A_274 = arith.constant 0 : i32
        %dma_wait3A_275 = tpu.memref_slice %arg22[%dma_wait3A_273, %dma_wait3A_274] : memref<512x16xf32, #tpu.memory_space<vmem>> -> memref<128x16xf32, #tpu.memory_space<vmem>>
        %dma_wait3A_276 = arith.constant 0 : i32
        %dma_wait3A_277 = tpu.memref_slice %arg21[%run_scoped3A_262, %dma_wait3A_276] : memref<4x128xi32, #tpu.memory_space<vmem>> -> memref<1x128xi32, #tpu.memory_space<vmem>>
        %dma_wait3A_278 = tpu.memref_squeeze %dma_wait3A_277 : memref<1x128xi32, #tpu.memory_space<vmem>> -> memref<128xi32, #tpu.memory_space<vmem>>
        %dma_wait3A_279 = arith.constant 0 : i32
        %dma_wait3A_280 = arith.constant 0 : i32
        %dma_wait3A_281 = tpu.memref_slice %arg14[%dma_wait3A_279, %dma_wait3A_280] : memref<102400x16xf32, #tpu.memory_space<vmem_shared>> -> memref<102400x16xf32, #tpu.memory_space<vmem_shared>>
        tpu.wait_indirect_dma semaphore(%run_scoped3A_263 : memref<!tpu.dma_semaphore, #tpu.memory_space<semaphore_mem>>) src(%dma_wait3A_275 : memref<128x16xf32, #tpu.memory_space<vmem>>) dst(%dma_wait3A_281 : memref<102400x16xf32, #tpu.memory_space<vmem_shared>>)
        tpu.yield
      }) : () -> ()
    }
    %scan3A_25 = arith.constant 196 : i32
    %barrier3A_26 = arith.constant 0 : index
    tpu.barrier barrier_id(%barrier3A_26)
    "tpu.region"() ({
      %run_scoped3A = tpu.sem_alloc : memref<!tpu.dma_semaphore, #tpu.memory_space<semaphore_mem>>
      %dma_start3A = arith.constant 0 : i32
      %dma_start3A_27 = tpu.memref_slice %arg9[%arg0, %mul3A_0, %dma_start3A] : memref<2x102400x16xf32, #tpu.memory_space<hbm>> -> memref<1x6400x16xf32, #tpu.memory_space<hbm>>
      %dma_start3A_28 = tpu.memref_squeeze %dma_start3A_27 : memref<1x6400x16xf32, #tpu.memory_space<hbm>> -> memref<6400x16xf32, #tpu.memory_space<hbm>>
      %dma_start3A_29 = arith.constant 0 : i32
      %dma_start3A_30 = tpu.memref_slice %arg14[%mul3A_0, %dma_start3A_29] : memref<102400x16xf32, #tpu.memory_space<vmem_shared>> -> memref<6400x16xf32, #tpu.memory_space<vmem_shared>>
      tpu.enqueue_dma source(%dma_start3A_30 : memref<6400x16xf32, #tpu.memory_space<vmem_shared>>) target(%dma_start3A_28 : memref<6400x16xf32, #tpu.memory_space<hbm>>) target_semaphore(%run_scoped3A : memref<!tpu.dma_semaphore, #tpu.memory_space<semaphore_mem>>)
      %dma_wait3A = arith.constant 0 : i32
      %dma_wait3A_31 = tpu.memref_slice %arg9[%arg0, %mul3A_0, %dma_wait3A] : memref<2x102400x16xf32, #tpu.memory_space<hbm>> -> memref<1x6400x16xf32, #tpu.memory_space<hbm>>
      %dma_wait3A_32 = tpu.memref_squeeze %dma_wait3A_31 : memref<1x6400x16xf32, #tpu.memory_space<hbm>> -> memref<6400x16xf32, #tpu.memory_space<hbm>>
      %dma_wait3A_33 = arith.constant 0 : i32
      %dma_wait3A_34 = tpu.memref_slice %arg14[%mul3A_0, %dma_wait3A_33] : memref<102400x16xf32, #tpu.memory_space<vmem_shared>> -> memref<6400x16xf32, #tpu.memory_space<vmem_shared>>
      tpu.wait_dma2 semaphore(%run_scoped3A : memref<!tpu.dma_semaphore, #tpu.memory_space<semaphore_mem>>) src(%dma_wait3A_34 : memref<6400x16xf32, #tpu.memory_space<vmem_shared>>) dst(%dma_wait3A_32 : memref<6400x16xf32, #tpu.memory_space<hbm>>)
      tpu.yield
    }) : () -> ()
    return
  }
}

module attributes {stable_mosaic.version = 14 : i64} {
  func.func @_tc_final_body(%arg0: i32, %arg1: i32, %arg2: memref<1x2048x16xf32, #tpu.memory_space<vmem>>, %arg3: memref<1x2048x16xf32, #tpu.memory_space<vmem>>, %arg4: memref<1x2048x1xf32, #tpu.memory_space<vmem>>, %arg5: memref<1x2048x1xf32, #tpu.memory_space<vmem>>, %arg6: memref<16x64xf32, #tpu.memory_space<vmem>>, %arg7: memref<16x64xf32, #tpu.memory_space<vmem>>, %arg8: memref<1x64xf32, #tpu.memory_space<vmem>>, %arg9: memref<64x32xf32, #tpu.memory_space<vmem>>, %arg10: memref<1x32xf32, #tpu.memory_space<vmem>>, %arg11: memref<1x1x32xf32, #tpu.memory_space<vmem>>, %arg12: memref<1x64xf32, #tpu.memory_space<vmem>>) attributes {dimension_semantics = [#tpu.dimension_semantics<arbitrary>, #tpu.dimension_semantics<arbitrary>], iteration_bounds = array<i64: 2, 50>, scalar_prefetch = 0 : i64, scratch_operands = 1 : i64, tpu.core_type = #tpu.core_type<tc>, window_params = [{transform_indices = @transform_0, window_bounds = array<i64: 1, 2048, 16>}, {transform_indices = @transform_1, window_bounds = array<i64: 1, 2048, 16>}, {transform_indices = @transform_2, window_bounds = array<i64: 1, 2048, 1>}, {transform_indices = @transform_3, window_bounds = array<i64: 1, 2048, 1>}, {pipeline_mode = #tpu.pipeline_mode<synchronous>, transform_indices = @transform_4, window_bounds = array<i64: 16, 64>}, {pipeline_mode = #tpu.pipeline_mode<synchronous>, transform_indices = @transform_5, window_bounds = array<i64: 16, 64>}, {pipeline_mode = #tpu.pipeline_mode<synchronous>, transform_indices = @transform_6, window_bounds = array<i64: 1, 64>}, {pipeline_mode = #tpu.pipeline_mode<synchronous>, transform_indices = @transform_7, window_bounds = array<i64: 64, 32>}, {pipeline_mode = #tpu.pipeline_mode<synchronous>, transform_indices = @transform_8, window_bounds = array<i64: 1, 32>}, {transform_indices = @transform_9, window_bounds = array<i64: 1, 1, 32>}]} {
    %eq3A = arith.constant 0 : i32
    %eq3A_0 = arith.cmpi eq, %arg1, %eq3A : i32
    %convert_element_type3A = arith.extui %eq3A_0 : i1 to i32
    %cond3A = arith.constant 0 : i32
    %cond3A_1 = arith.cmpi ne, %convert_element_type3A, %cond3A : i32
    scf.if %cond3A_1 {
      %broadcast_in_dim3A_66 = arith.constant 0.000000e+00 : f32
      %broadcast_in_dim3A_67 = vector.broadcast %broadcast_in_dim3A_66 : f32 to vector<1x64xf32>
      %swap3A_68 = arith.constant 0 : index
      %swap3A_69 = arith.constant 0 : index
      %swap3A_70 = vector.load %arg12[%swap3A_68, %swap3A_69] : memref<1x64xf32, #tpu.memory_space<vmem>>, vector<1x64xf32>
      tpu.vector_store %arg12[%swap3A_68, %swap3A_69], %broadcast_in_dim3A_67 {strides = array<i32>} : memref<1x64xf32, #tpu.memory_space<vmem>>, vector<1x64xf32>,
    } else {
    }
    %get3A = arith.constant 0 : index
    %get3A_2 = arith.constant 0 : index
    %get3A_3 = arith.constant 0 : index
    %get3A_4 = vector.load %arg4[%get3A, %get3A_2, %get3A_3] : memref<1x2048x1xf32, #tpu.memory_space<vmem>>, vector<1x2048x1xf32>
    %get3A_5 = vector.shape_cast %get3A_4 : vector<1x2048x1xf32> to vector<2048x1xf32>
    %get3A_6 = arith.constant 0 : index
    %get3A_7 = arith.constant 0 : index
    %get3A_8 = arith.constant 0 : index
    %get3A_9 = vector.load %arg2[%get3A_6, %get3A_7, %get3A_8] : memref<1x2048x16xf32, #tpu.memory_space<vmem>>, vector<1x2048x16xf32>
    %get3A_10 = vector.shape_cast %get3A_9 : vector<1x2048x16xf32> to vector<2048x16xf32>
    %mul3A = vector.broadcast %get3A_5 : vector<2048x1xf32> to vector<2048x16xf32>
    %mul3A_11 = arith.mulf %mul3A, %get3A_10 : vector<2048x16xf32>
    %get3A_12 = arith.constant 0 : index
    %get3A_13 = arith.constant 0 : index
    %get3A_14 = arith.constant 0 : index
    %get3A_15 = vector.load %arg3[%get3A_12, %get3A_13, %get3A_14] : memref<1x2048x16xf32, #tpu.memory_space<vmem>>, vector<1x2048x16xf32>
    %get3A_16 = vector.shape_cast %get3A_15 : vector<1x2048x16xf32> to vector<2048x16xf32>
    %mul3A_17 = vector.broadcast %get3A_5 : vector<2048x1xf32> to vector<2048x16xf32>
    %mul3A_18 = arith.mulf %mul3A_17, %get3A_16 : vector<2048x16xf32>
    %get3A_19 = arith.constant 0 : index
    %get3A_20 = arith.constant 0 : index
    %get3A_21 = vector.load %arg6[%get3A_19, %get3A_20] : memref<16x64xf32, #tpu.memory_space<vmem>>, vector<16x64xf32>
    %dot_general3A = arith.constant dense<0.000000e+00> : vector<2048x64xf32>
    %dot_general3A_22 = tpu.matmul %mul3A_11, %get3A_21, %dot_general3A {dimension_numbers = #tpu.dot_dimension_numbers<[1], [0], [0], [1], [0, 0, 1, 1], [], []>, transpose_lhs_hint = false} : vector<2048x16xf32>, vector<16x64xf32>, vector<2048x64xf32> -> vector<2048x64xf32>
    %get3A_23 = arith.constant 0 : index
    %get3A_24 = arith.constant 0 : index
    %get3A_25 = vector.load %arg7[%get3A_23, %get3A_24] : memref<16x64xf32, #tpu.memory_space<vmem>>, vector<16x64xf32>
    %dot_general3A_26 = arith.constant dense<0.000000e+00> : vector<2048x64xf32>
    %dot_general3A_27 = tpu.matmul %mul3A_18, %get3A_25, %dot_general3A_26 {dimension_numbers = #tpu.dot_dimension_numbers<[1], [0], [0], [1], [0, 0, 1, 1], [], []>, transpose_lhs_hint = false} : vector<2048x16xf32>, vector<16x64xf32>, vector<2048x64xf32> -> vector<2048x64xf32>
    %add3A = arith.addf %dot_general3A_22, %dot_general3A_27 : vector<2048x64xf32>
    %get3A_28 = arith.constant 0 : index
    %get3A_29 = arith.constant 0 : index
    %get3A_30 = vector.load %arg8[%get3A_28, %get3A_29] : memref<1x64xf32, #tpu.memory_space<vmem>>, vector<1x64xf32>
    %add3A_31 = vector.broadcast %get3A_30 : vector<1x64xf32> to vector<2048x64xf32>
    %add3A_32 = arith.addf %add3A, %add3A_31 : vector<2048x64xf32>
    %max3A = arith.constant 0.000000e+00 : f32
    %max3A_33 = vector.broadcast %max3A : f32 to vector<2048x64xf32>
    %max3A_34 = arith.maximumf %add3A_32, %max3A_33 : vector<2048x64xf32>
    %mul3A_35 = arith.constant 2048 : i32
    %mul3A_36 = arith.muli %arg1, %mul3A_35 : i32
    %iota3A = tpu.iota {dimensions = array<i32: 0>} : vector<2048x1xi32>
    %add3A_37 = vector.broadcast %mul3A_36 : i32 to vector<2048x1xi32>
    %add3A_38 = arith.addi %add3A_37, %iota3A : vector<2048x1xi32>
    %lt3A = arith.constant 100000 : i32
    %lt3A_39 = vector.broadcast %lt3A : i32 to vector<2048x1xi32>
    %lt3A_40 = arith.cmpi slt, %add3A_38, %lt3A_39 : vector<2048x1xi32>
    %jit3A = arith.constant 1.000000e+00 : f32
    %jit3A_41 = arith.constant 0.000000e+00 : f32
    %broadcast_in_dim3A = vector.broadcast %jit3A : f32 to vector<2048x1xf32>
    %broadcast_in_dim3A_42 = vector.broadcast %jit3A_41 : f32 to vector<2048x1xf32>
    %select_n3A = arith.select %lt3A_40, %broadcast_in_dim3A, %broadcast_in_dim3A_42 : vector<2048x1xi1>, vector<2048x1xf32>
    %mul3A_43 = arith.mulf %select_n3A, %get3A_5 : vector<2048x1xf32>
    %get3A_44 = arith.constant 0 : index
    %get3A_45 = arith.constant 0 : index
    %get3A_46 = arith.constant 0 : index
    %get3A_47 = vector.load %arg5[%get3A_44, %get3A_45, %get3A_46] : memref<1x2048x1xf32, #tpu.memory_space<vmem>>, vector<1x2048x1xf32>
    %get3A_48 = vector.shape_cast %get3A_47 : vector<1x2048x1xf32> to vector<2048x1xf32>
    %add3A_49 = arith.addf %get3A_48, %get3A_5 : vector<2048x1xf32>
    %mul3A_50 = arith.mulf %mul3A_43, %add3A_49 : vector<2048x1xf32>
    %get3A_51 = arith.constant 0 : index
    %get3A_52 = arith.constant 0 : index
    %get3A_53 = vector.load %arg12[%get3A_51, %get3A_52] : memref<1x64xf32, #tpu.memory_space<vmem>>, vector<1x64xf32>
    %mul3A_54 = vector.broadcast %mul3A_50 : vector<2048x1xf32> to vector<2048x64xf32>
    %mul3A_55 = arith.mulf %mul3A_54, %max3A_34 : vector<2048x64xf32>
    %reduce_sum3A = arith.constant dense<0.000000e+00> : vector<64xf32>
    %reduce_sum3A_56 = vector.multi_reduction <add>, %mul3A_55, %reduce_sum3A [0] : vector<2048x64xf32> to vector<64xf32>
    %broadcast_in_dim3A_57 = vector.shape_cast %reduce_sum3A_56 : vector<64xf32> to vector<1x64xf32>
    %add3A_58 = arith.addf %get3A_53, %broadcast_in_dim3A_57 : vector<1x64xf32>
    %swap3A = arith.constant 0 : index
    %swap3A_59 = arith.constant 0 : index
    %swap3A_60 = vector.load %arg12[%swap3A, %swap3A_59] : memref<1x64xf32, #tpu.memory_space<vmem>>, vector<1x64xf32>
    tpu.vector_store %arg12[%swap3A, %swap3A_59], %add3A_58 {strides = array<i32>} : memref<1x64xf32, #tpu.memory_space<vmem>>, vector<1x64xf32>,
    %eq3A_61 = arith.constant 49 : i32
    %eq3A_62 = arith.cmpi eq, %arg1, %eq3A_61 : i32
    %convert_element_type3A_63 = arith.extui %eq3A_62 : i1 to i32
    %cond3A_64 = arith.constant 0 : i32
    %cond3A_65 = arith.cmpi ne, %convert_element_type3A_63, %cond3A_64 : i32
    scf.if %cond3A_65 {
      %get3A_66 = arith.constant 0 : index
      %get3A_67 = arith.constant 0 : index
      %get3A_68 = vector.load %arg12[%get3A_66, %get3A_67] : memref<1x64xf32, #tpu.memory_space<vmem>>, vector<1x64xf32>
      %get3A_69 = arith.constant 0 : index
      %get3A_70 = arith.constant 0 : index
      %get3A_71 = vector.load %arg9[%get3A_69, %get3A_70] : memref<64x32xf32, #tpu.memory_space<vmem>>, vector<64x32xf32>
      %dot_general3A_72 = arith.constant dense<0.000000e+00> : vector<1x32xf32>
      %dot_general3A_73 = tpu.matmul %get3A_68, %get3A_71, %dot_general3A_72 {dimension_numbers = #tpu.dot_dimension_numbers<[1], [0], [0], [1], [0, 0, 1, 1], [], []>, transpose_lhs_hint = false} : vector<1x64xf32>, vector<64x32xf32>, vector<1x32xf32> -> vector<1x32xf32>
      %mul3A_74 = arith.constant 9.99999974E-6 : f32
      %mul3A_75 = vector.broadcast %mul3A_74 : f32 to vector<1x32xf32>
      %mul3A_76 = arith.mulf %dot_general3A_73, %mul3A_75 : vector<1x32xf32>
      %get3A_77 = arith.constant 0 : index
      %get3A_78 = arith.constant 0 : index
      %get3A_79 = vector.load %arg10[%get3A_77, %get3A_78] : memref<1x32xf32, #tpu.memory_space<vmem>>, vector<1x32xf32>
      %add3A_80 = arith.addf %mul3A_76, %get3A_79 : vector<1x32xf32>
      %swap3A_81 = arith.constant 0 : index
      %swap3A_82 = arith.constant 0 : index
      %swap3A_83 = arith.constant 0 : index
      %swap3A_84 = vector.load %arg11[%swap3A_81, %swap3A_82, %swap3A_83] : memref<1x1x32xf32, #tpu.memory_space<vmem>>, vector<1x1x32xf32>
      %swap3A_85 = vector.shape_cast %swap3A_84 : vector<1x1x32xf32> to vector<1x32xf32>
      %swap3A_86 = vector.shape_cast %add3A_80 : vector<1x32xf32> to vector<1x1x32xf32>
      tpu.vector_store %arg11[%swap3A_81, %swap3A_82, %swap3A_83], %swap3A_86 {strides = array<i32>} : memref<1x1x32xf32, #tpu.memory_space<vmem>>, vector<1x1x32xf32>,
    } else {
    }
    return
  }
  func.func @transform_0(%arg0: i32, %arg1: i32) -> (i32, i32, i32) {
    %c0_i32 = arith.constant 0 : i32
    %c0_i32_0 = arith.constant 0 : i32
    return %arg0, %arg1, %c0_i32 : i32, i32, i32
  }
  func.func @transform_1(%arg0: i32, %arg1: i32) -> (i32, i32, i32) {
    %c0_i32 = arith.constant 0 : i32
    %c0_i32_0 = arith.constant 0 : i32
    return %arg0, %arg1, %c0_i32 : i32, i32, i32
  }
  func.func @transform_2(%arg0: i32, %arg1: i32) -> (i32, i32, i32) {
    %c0_i32 = arith.constant 0 : i32
    %c0_i32_0 = arith.constant 0 : i32
    return %arg0, %arg1, %c0_i32 : i32, i32, i32
  }
  func.func @transform_3(%arg0: i32, %arg1: i32) -> (i32, i32, i32) {
    %c0_i32 = arith.constant 0 : i32
    %c0_i32_0 = arith.constant 0 : i32
    return %arg0, %arg1, %c0_i32 : i32, i32, i32
  }
  func.func @transform_4(%arg0: i32, %arg1: i32) -> (i32, i32) {
    %c0_i32 = arith.constant 0 : i32
    %c0_i32_0 = arith.constant 0 : i32
    %c0_i32_1 = arith.constant 0 : i32
    return %c0_i32, %c0_i32_0 : i32, i32
  }
  func.func @transform_5(%arg0: i32, %arg1: i32) -> (i32, i32) {
    %c0_i32 = arith.constant 0 : i32
    %c0_i32_0 = arith.constant 0 : i32
    %c0_i32_1 = arith.constant 0 : i32
    return %c0_i32, %c0_i32_0 : i32, i32
  }
  func.func @transform_6(%arg0: i32, %arg1: i32) -> (i32, i32) {
    %c0_i32 = arith.constant 0 : i32
    %c0_i32_0 = arith.constant 0 : i32
    %c0_i32_1 = arith.constant 0 : i32
    return %c0_i32, %c0_i32_0 : i32, i32
  }
  func.func @transform_7(%arg0: i32, %arg1: i32) -> (i32, i32) {
    %c0_i32 = arith.constant 0 : i32
    %c0_i32_0 = arith.constant 0 : i32
    %c0_i32_1 = arith.constant 0 : i32
    return %c0_i32, %c0_i32_0 : i32, i32
  }
  func.func @transform_8(%arg0: i32, %arg1: i32) -> (i32, i32) {
    %c0_i32 = arith.constant 0 : i32
    %c0_i32_0 = arith.constant 0 : i32
    %c0_i32_1 = arith.constant 0 : i32
    return %c0_i32, %c0_i32_0 : i32, i32
  }
  func.func @transform_9(%arg0: i32, %arg1: i32) -> (i32, i32, i32) {
    %c0_i32 = arith.constant 0 : i32
    %c0_i32_0 = arith.constant 0 : i32
    %c0_i32_1 = arith.constant 0 : i32
    return %arg0, %c0_i32, %c0_i32_0 : i32, i32, i32
  }
}

</mosaic_0001>

<sc_bundles>
// kernel: kernel.4.cloned.1.call-start
scs
__scs_entry_jumppad:
0x0: {  	(pc) =	sbr.rel $0x88, $3  }
0x1: {  	(tag) =	ssettag $0x0;
	lr =	simm.s32 $0x1  }
0x2: {  	[smem:$0x3F99] =	sst lr;
	_ =	strace $0xD0000000  }
0x3: {  	_ = 	snop  }
0x4: {  	_ = 	snop  }
0x5: {  	_ = 	snop  }
0x6: {  	_ = 	snop  }
0x7: {  	_ = 	snop  }
__scs_overlays_trampoline_lowered:
0x8: {  	[smem:$0x3FA8] =	sst s0  }
0x9: {  	[smem:$0x3FA9] =	sst s1  }
0xa: {  	[smem:$0x3FAA] =	sst s2  }
0xb: {  	[smem:$0x3FAB] =	sst s3  }
0xc: {  	[smem:$0x3FAC] =	sst s4  }
0xd: {  	[smem:$0x3FAD] =	sst s5  }
0xe: {  	[smem:$0x3FAE] =	sst s6  }
0xf: {  	[smem:$0x3FAF] =	sst s7  }
0x10: {  	[smem:$0x3FB0] =	sst s8  }
0x11: {  	[smem:$0x3FB1] =	sst s9;
	s0 =	simm.s32 @!p0 $0x0  }
0x12: {  	s1 =	sld [smem:$0x3F97];
	s0 =	simm.s32 @p0 $0x1  }
0x13: {  	[smem:$0x3FB2] =	sst s0;
	s0 =	simm.s32 @!p1 $0x0  }
0x14: {  	s2 =	sld [smem:$0x3F96];
	s0 =	simm.s32 @p1 $0x1  }
0x15: {  	[smem:$0x3FB3] =	sst s0;
	s0 =	simm.s32 @!p2 $0x0  }
0x16: {  	s3 =	sld [smem:$0x3FDB];
	s0 =	simm.s32 @p2 $0x1  }
0x17: {  	s4 =	simm.s32 $0x1BF5;
	[smem:$0x3FB5] =	sst s0  }
0x18: {  	s0 =	sld [smem:$0x3F98];
	_ =	swait.ge [sflag:s4], $0x0  }
0x19: {  	s7 =	sld [smem:$0x3F99]  }
0x1a: {  	s8 =	sadd.s32 $0xFFFFE003, lr  }
0x1b: {  	s9 =	sadd.s32 $0xFFFFFEF7, lr;
	s5 =	simm.s32 $0xFFFFFFFF;
	p2 =	slt.u32 s8, $0xFFFFF086  }
0x1c: {  	p1 =	slt.u32 s9, $0xF7A;
	s5 =	simm.s32 @!p2 $0x0  }
0x1d: {  	s5 =	simm.s32 @p1 $0x1;
	p0 =	seq.s32 s7, s2  }
0x1e: {  	s7 =	smul.u32 @!p0 $0xF7A, s2;
	p2 =	seq.s32 @!p0 s5, $0x0  }
0x1f: {  	s9 =	smul.u32 $0xF7A, s1;
	s8 =	simm.s32 @!p0 $0x1BF5;
	p2 =	por !p2, p0  }
0x20: {  	[sflag:s8] =	ssyncset.s32 @!p0 $0xFFFFF086;
	s6 =	sadd.s32 @!p0 s3, s7;
	s7 =	simm.s32 @!p0 $0x108  }
0x21: {  	s3 =	sadd.s32 s3, s9;
	s6 =	sadd.s32 @!p0 $0x88, s6;
	s7 =	simm.s32 @p2 $0x1082  }
0x22: {  	[simem:s7], [sflag:s8] =	dma.local @!p0 [hbm:s6], $0xF7A  }
0x23: {  	s9 =	sor.u32 $0xD0000000, s2;
	s6 =	simm.s32 $0x108;
	_ =	swait.ge @!p0 [sflag:s8], $0x0  }
0x24: {  	s3 =	sadd.s32 $0x88, s3;
	s6 =	simm.s32 @!p1 $0x1082;
	[sflag:s4] =	ssyncset.s32 $0xFFFFF086  }
0x25: {  	[simem:s6], [sflag:s4] =	dma.local [hbm:s3], $0xF7A  }
0x26: {  	[smem:$0x3F99] =	sst s1;
	(tag) =	ssettag s2;
	_ =	strace s9  }
0x27: {  	s1 =	sld [smem:$0x3FA9]  }
0x28: {  	s2 =	sld [smem:$0x3FAA]  }
0x29: {  	s4 =	sld [smem:$0x3FAC]  }
0x2a: {  	p0 =	seq.s32 s5, $0x0;
	s5 =	sld [smem:$0x3FAD]  }
0x2b: {  	s6 =	sld [smem:$0x3FAE]  }
0x2c: {  	s7 =	sld [smem:$0x3FAF]  }
0x2d: {  	s3 =	simm.s32 $0x108;
	s8 =	sld [smem:$0x3FB0]  }
0x2e: {  	s3 =	simm.s32 @!p0 $0x1082;
	s9 =	sld [smem:$0x3FB1]  }
0x2f: {  	lr =	sadd.s32 s0, s3;
	s0 =	sld [smem:$0x3FA8]  }
0x30: {  	s3 =	sld [smem:$0x3FAB]  }
0x31: {  	[smem:$0x3FB4] =	sst s10  }
0x32: {  	s10 =	sld [smem:$0x3FB2];
	_ =	sdelay $0x3  }
0x33: {  	p0 =	seq.s32 s10, $0x1;
	s10 =	sld [smem:$0x3FB4];
	_ =	sdelay $0x3  }
0x34: {  	[smem:$0x3FB4] =	sst s10  }
0x35: {  	s10 =	sld [smem:$0x3FB3];
	_ =	sdelay $0x3  }
0x36: {  	p1 =	seq.s32 s10, $0x1;
	s10 =	sld [smem:$0x3FB4];
	_ =	sdelay $0x3  }
0x37: {  	[smem:$0x3FB4] =	sst s10  }
0x38: {  	s10 =	sld [smem:$0x3FB5]  }
0x39: {  	_ = 	snop;
	(pc) =	sbr.ind lr, $3  }
0x3a: {  	_ = 	snop  }
0x3b: {  	_ = 	snop  }
0x3c: {  	p2 =	seq.s32 s10, $0x1;
	s10 =	sld [smem:$0x3FB4]  }
0x3d: {  	_ =	shalt  }
0x3e: {  	_ =	shalt  }
0x3f: {  	_ =	shalt  }
0x40: {  	_ =	shalt  }
0x41: {  	_ =	shalt  }
0x42: {  	_ =	shalt  }
0x43: {  	_ =	shalt  }
0x44: {  	_ =	shalt  }
0x45: {  	_ =	shalt  }
0x46: {  	_ =	shalt  }
0x47: {  	_ =	shalt  }
0x48: {  	_ =	shalt  }
0x49: {  	_ =	shalt  }
0x4a: {  	_ =	shalt  }
0x4b: {  	_ =	shalt  }
0x4c: {  	_ =	shalt  }
0x4d: {  	_ =	shalt  }
0x4e: {  	_ =	shalt  }
0x4f: {  	_ =	shalt  }
0x50: {  	_ =	shalt  }
0x51: {  	_ =	shalt  }
0x52: {  	_ =	shalt  }
0x53: {  	_ =	shalt  }
0x54: {  	_ =	shalt  }
0x55: {  	_ =	shalt  }
0x56: {  	_ =	shalt  }
0x57: {  	_ =	shalt  }
0x58: {  	_ =	shalt  }
0x59: {  	_ =	shalt  }
0x5a: {  	_ =	shalt  }
0x5b: {  	_ =	shalt  }
0x5c: {  	_ =	shalt  }
0x5d: {  	_ =	shalt  }
0x5e: {  	_ =	shalt  }
0x5f: {  	_ =	shalt  }
0x60: {  	_ =	shalt  }
0x61: {  	_ =	shalt  }
0x62: {  	_ =	shalt  }
0x63: {  	_ =	shalt  }
0x64: {  	_ =	shalt  }
0x65: {  	_ =	shalt  }
0x66: {  	_ =	shalt  }
0x67: {  	_ =	shalt  }
0x68: {  	_ =	shalt  }
0x69: {  	_ =	shalt  }
0x6a: {  	_ =	shalt  }
0x6b: {  	_ =	shalt  }
0x6c: {  	_ =	shalt  }
0x6d: {  	_ =	shalt  }
0x6e: {  	_ =	shalt  }
0x6f: {  	_ =	shalt  }
0x70: {  	_ =	shalt  }
0x71: {  	_ =	shalt  }
0x72: {  	_ =	shalt  }
0x73: {  	_ =	shalt  }
0x74: {  	_ =	shalt  }
0x75: {  	_ =	shalt  }
0x76: {  	_ =	shalt  }
0x77: {  	_ =	shalt  }
0x78: {  	_ =	shalt  }
0x79: {  	_ =	shalt  }
0x7a: {  	_ =	shalt  }
0x7b: {  	_ =	shalt  }
0x7c: {  	_ =	shalt  }
0x7d: {  	_ =	shalt  }
0x7e: {  	_ =	shalt  }
0x7f: {  	_ =	shalt  }
0x80: {  	_ =	shalt  }
0x81: {  	_ =	shalt  }
0x82: {  	_ =	shalt  }
0x83: {  	_ =	shalt  }
0x84: {  	_ =	shalt  }
0x85: {  	_ =	shalt  }
0x86: {  	_ =	shalt  }
0x87: {  	_ =	shalt  }
.Lfunc_end0:
.L_simem_size_0:
called_computation_lowered:
.L_overlay_start_0:
0x88: {  	s2 =	sld [smem:$0x3FD9]  }
0x89: {  	s3 =	sld [smem:$0x3FFE];
	_ =	sdelay $0x1  }
0x8a: {  	s1 =	srdreg.scid  }
0x8b: {  	s0 =	sand.u32 $0x1, s1  }
0x8c: {  	s16 =	sshll.u32 s0, $0xA;
	s2 =	sadd.s32 s3, s2  }
0x8d: {  	s2 =	sadd.s32 s2, s16  }
0x8e: {  	[smem:$0x3FC0] =	sst s2  }
0x8f: {  	_ = 	snop  }
0x90: {  	(tm) =	ssettm $0x1  }
0x91: {  	s17 =	sld [smem:$0x3FFB];
	_ =	sdelay $0x3  }
0x92: {  	_ =	strace s17  }
0x93: {  	s2 =	sld [smem:$0x3FFC];
	_ =	sdelay $0x3  }
0x94: {  	_ =	strace s2  }
0x95: {  	s2 =	sld [smem:$0x3FFD];
	_ =	sdelay $0x3  }
0x96: {  	_ =	strace s2  }
0x97: {  	_ =	strace $0x8FFFFFFF  }
0x98: {  	s18 =	sld [smem:$0x3FDB];
	_ =	sdelay $0x1  }
0x99: {  	s19 =	simm.s32 $_scs_section_size  }
0x9a: {  	s4 =	simm.s32 $_size__tile_overlayer_lowered;
	s5 =	simm.s32 $_tile_overlayer_lowered  }
0x9b: {  	s22 =	simm.s32 $0x1BFF;
	s21 =	sshll.u32 s5, $0x1;
	s2 =	sadd.s32 s19, s18  }
0x9c: {  	s6 =	simm.s32 $0x0;
	s20 =	sshll.u32 s4, $0x1;
	s4 =	sadd.s32 s21, s2  }
0x9d: {  	[timem:s6], [sflag:s22] =	dma.local [hbm:s4], s20  }
0x9e: {  	_ =	swait.ge [sflag:s22], s20  }
0x9f: {  	s3 =	ssub.s32 $0x0, s20;
	[sflag:s22] =	ssyncset.done $0x0  }
0xa0: {  	[sflag:s22] =	ssyncadd.s32 s3;
	_ =	sdelay $0x1  }
0xa1: {  	s23 =	simm.s32 $0x1B8B  }
0xa2: {  	_ =	swait.ge [sflag:s23], $0x1  }
0xa3: {  	[sflag:s23] =	ssyncset.done $0x0  }
0xa4: {  	s25 =	simm.s32 $0x1B8E;
	s24 =	sld [smem:$0x3FFE];
	[sflag:s23] =	ssyncadd.s32 $0xFFFFFFFF  }
0xa5: {  	s26 =	simm.s32 $execute0_lowered;
	[smem:$0x3FD2] =	sst s25  }
0xa6: {  	s4 =	sshll.u32 s26, $0x1;
	_ =	strace $0x80000046;
	[dreg:$0x1] =	wrdreg $0xFFFFFFFF  }
0xa7: {  	s28 =	simm.s32 $_size_execute0_lowered;
	s2 =	sadd.s32 s2, s4;
	[dreg:$0x0] =	wrdreg $0x0  }
0xa8: {  	s4 =	sshll.u32 s28, $0x1;
	[dreg:$0x2] =	wrdreg s2  }
0xa9: {  	[dreg:$0x3] =	wrdreg s4  }
0xaa: {  	[dreg:$0x4] =	wrdreg $0xC0  }
0xab: {  	_ =	task [dreg:s6], $0x5FFFF  }
0xac: {  	[dreg:$0x1] =	wrdreg $0xFFFFFFFF  }
0xad: {  	[dreg:$0x0] =	wrdreg $0x60  }
0xae: {  	[dreg:$0x2] =	wrdreg s24  }
0xaf: {  	[dreg:$0x3] =	wrdreg $0x190000  }
0xb0: {  	[dreg:$0x4] =	wrdreg $0x0  }
0xb1: {  	[dreg:$0x5] =	wrdreg $0x9  }
0xb2: {  	_ =	task.clear_ibuf [dreg:s6], $0x6FFFF;
	_ =	strace $0x90000046  }
0xb3: {  	s29 =	simm.s32 $0x9;
	_ =	strace $0x80000048  }
0xb4: {  	_ =	swait.ge [sflag:s29], $0x1  }
0xb5: {  	[sflag:s29] =	ssyncadd.s32 $0xFFFFFFFF  }
0xb6: {  	_ =	strace $0x90000048  }
0xb7: {  	_ =	sfence  }
0xb8: {  	s30 =	sld [smem:$0x0];
	_ =	sdelay $0x2  }
0xb9: {  	s31 =	sshll.u32 s1, $0xD;
	s1 =	sshrl.u32 s1, $0x2  }
0xba: {  	s3 =	sand.u32 $0x4000, s31;
	s1 =	sadd.s32 s1, s30  }
0xbb: {  	s0 =	sor.u32 s3, s0;
	s1 =	sshll.u32 s1, $0x11  }
0xbc: {  	s0 =	sor.u32 s1, s0  }
0xbd: {  	s0 =	sadd.s32 $0x8F2B, s0  }
0xbe: {  	[sflag:s0] =	ssyncadd.remote.s32 $0x1  }
0xbf: {  	_ =	sfence.sel $0xFFFF  }
0xc0: {  	[dreg:$0x0] =	wrdreg $0xFFFFFFFF;
	(pc) =	sbr.abs _section_cstart, $3  }
0xc1: {  	[dreg:$0x1] =	wrdreg $0xFFFFFFFF  }
0xc2: {  	_ =	task.clear_ibuf [dreg:s6], $0x2FFFF;
	_ =	strace $0x9FFFFFFF  }
0xc3: {  	(tm) =	ssettm $0x7FFFFFFF  }
tec
execute0_lowered:
.L_overlay_start_1:
0x0: {  	(tag) =	ssettag $0x1  }
0x1: {  	s0 =	rddreg [dreg:$0x0]  }
0x2: {  	s1 =	rddreg [dreg:$0x1]  }
0x3: {  	s2 =	rddreg [dreg:$0x2];
	s3 =	simm.s32 $0x0  }
0x4: {  	s4 =	srdreg.scid;
	s17 =	stileid.u32;
	s31 =	simm.s32 $0x6  }
0x5: {  	s30 =	simm.s32 $0x1D200;
	s28 =	simm.s32 $0x1D280;
	[smem:$0x7FF] =	sst s3  }
0x6: {  	s4 =	sand.u32 $0x1, s4;
	s5 =	sadd.s32 $0x18B600, s0;
	s6 =	smul.u32 $0x19000, s17  }
0x7: {  	s7 =	sadd.s32 $0x4AB600, s0;
	s19 =	smul.u32 $0x1900, s17;
	s20 =	sadd.s32 $0x4600, s0  }
0x8: {  	s8 =	sadd.s32 $0x50F600, s0;
	_ =	strace $0x80000047;
	[dreg:$0xa] =	wrdreg s7  }
0x9: {  	s22 =	sadd.s32 $0xC8600, s0;
	s11 =	smul.u32 $0x31000, s17;
	[dreg:$0xc] =	wrdreg s8  }
0xa: {  	s12 =	sadd.s32 $0xC8A00, s0;
	s18 =	smul.u32 $0x190000, s4;
	[dreg:$0xe] =	wrdreg s22  }
0xb: {  	s3 =	sadd.s32 $0xC8C00, s0;
	s10 =	smul.u32 $0x19000, s4;
	[dreg:$0xf] =	wrdreg s12  }
0xc: {  	s21 =	sadd.s32 $0x12CC00, s0;
	s9 =	smul.u32 $0x310000, s4;
	[dreg:$0x11] =	wrdreg s3  }
0xd: {  	s13 =	ssub.s32 $0x2, s4;
	s15 =	smul.u32 $0x32000, s4;
	[dreg:$0x10] =	wrdreg s21  }
0xe: {  	s4 =	smul.u32 $0x3200, s4;
	s25 =	sshrl.u32 s13, $0x1;
	[dreg:$0xb] =	wrdreg s19  }
0xf: {  	s23 =	sadd.s32 s6, s18;
	[dreg:$0xd] =	wrdreg s10;
	s10 =	sadd.s32 s19, s10  }
0x10: {  	s9 =	sadd.s32 s11, s9;
	s11 =	ssub.s32 s13, s25;
	s13 =	sshll.u32 s17, $0x6  }
0x11: {  	s21 =	sadd.s32 s21, s4;
	[dreg:$0x9] =	wrdreg s18;
	s17 =	sshrl.u32 s18, $0x3  }
0x12: {  	s4 =	simm.s32 $0x1AB00;
	s8 =	sshrl.u32 s23, $0x3;
	s10 =	sshrl.u32 s10, $0x3  }
0x13: {  	s14 =	sor.u32 $0x200, s9;
	s9 =	sshrl.u32 s9, $0x3;
	[dreg:$0x1e] =	wrdreg s21  }
0x14: {  	s24 =	sadd.s32 s8, s0;
	s16 =	sshrl.u32 s14, $0x3;
	s7 =	sadd.s32 s9, s20  }
0x15: {  	s10 =	sadd.s32 s10, s0;
	s26 =	sadd.s32 s16, s20;
	[dreg:$0x7] =	wrdreg s7  }
0x16: {  	s14 =	simm.s32 $0x0;
	s29 =	sadd.s32 s16, s5;
	[dreg:$0x6] =	wrdreg s26  }
0x17: {  	s20 =	sadd.s32 s3, s15;
	s15 =	sadd.s32 s6, s2;
	[dreg:$0x4] =	wrdreg s29  }
0x18: {  	s5 =	sadd.s32 s9, s5;
	s16 =	sadd.s32 $0x133000, s10;
	[dreg:$0x14] =	wrdreg s15  }
0x19: {  	s9 =	sadd.s32 $0x24F600, s0;
	s0 =	sor.u32 $0x1C06, s13;
	[dreg:$0x15] =	wrdreg s16  }
0x1a: {  	s22 =	sadd.s32 $0x2B3600, s24;
	s23 =	sadd.s32 $0x317600, s24;
	[dreg:$0x12] =	wrdreg s9  }
0x1b: {  	s7 =	simm.s32 $0x1CD00;
	s10 =	simm.s32 $0x1CD80;
	[dreg:$0x17] =	wrdreg s22  }
0x1c: {  	s13 =	simm.s32 $0x0;
	s6 =	smov.u32 s0;
	[dreg:$0x18] =	wrdreg s23  }
0x1d: {  	s18 =	sadd.s32 s9, s8;
	s25 =	sadd.s32 s9, s17;
	[dreg:$0x1d] =	wrdreg s20  }
0x1e: {  	s24 =	smov.u32 s5;
	s26 =	smax.u32 s11, $0x1;
	[dreg:$0x16] =	wrdreg s18  }
0x1f: {  	s29 =	sadd.s32 s19, s1;
	s11 =	simm.s32 $0x1D100;
	[dreg:$0x19] =	wrdreg s26  }
0x20: {  	s19 =	simm.s32 $0x5;
	s23 =	simm.s32 $0x80;
	[dreg:$0x1a] =	wrdreg s29  }
0x21: {  	s8 =	simm.s32 $0x1AB80;
	s15 =	simm.s32 $0x1AC00;
	[dreg:$0x13] =	wrdreg s6  }
0x22: {  	s0 =	simm.s32 $0x1CE00;
	s16 =	simm.s32 $0x1AC80;
	[dreg:$0x5] =	wrdreg s24  }
0x23: {  	s18 =	simm.s32 $0x1CE80;
	s26 =	simm.s32 $0x1D180;
	[dreg:$0x1f] =	wrdreg s25  }
.LBB2_1:
0x24: {  	[dreg:$0x1b] =	wrdreg s13  }
0x25: {  	s5 =	rddreg [dreg:$0x1a]  }
0x26: {  	s22 =	rddreg [dreg:$0xe];
	s12 =	sshrl.u32 s5, $0x3  }
0x27: {  	[dreg:$0x1c] =	wrdreg s12  }
0x28: {  	[spmem:s12], [sflag:s6] =	dma.local [hbm:s22], $0x320  }
0x29: {  	_ =	swait.ge [sflag:s31], $0x320  }
0x2a: {  	[sflag:s31] =	ssyncset.done $0x0  }
0x2b: {  	s24 =	rddreg [dreg:$0xf];
	[sflag:s31] =	ssyncadd.s32 $0xFFFFFCE0  }
0x2c: {  	[tilespmem:s7], [sflag:$0x6] =	stream.linear.gather [hbm4b:s24+s14], $0x200, $0x38;
	[tilespmem:$0x1FD80] =	vst v63  }
0x2d: {  	_ =	swait.ge [sflag:s31], $0x200  }
0x2e: {  	[sflag:s31] =	ssyncset.done $0x0  }
0x2f: {  	[sflag:s31] =	ssyncadd.s32 $0xFFFFFE00  }
0x30: {  	[bflag:$0x0] =	sbarrier.arrive $0xFFFF  }
0x31: {  	s14 =	rddreg [dreg:$0x7]  }
0x32: {  	s3 =	simm.s32 $0x0;
	s13 =	rddreg [dreg:$0x6];
	s25 =	sadd.s32 $0x0, s14  }
0x33: {  	[tilespmem:s4], [sflag:$0x5] =	stream.linear.gather [hbm4b:s25+s3], $0x200, $0x38;
	[tilespmem:$0x1FD80] =	vst v63  }
0x34: {  	s29 =	sadd.s32 $0x0, s13  }
0x35: {  	[tilespmem:s11], [sflag:$0x5] =	stream.linear.gather [hbm4b:s29+s3], $0x200, $0x38;
	[tilespmem:$0x1FD80] =	vst v63  }
0x36: {  	_ =	swait.ge [sflag:s19], $0x200  }
0x37: {  	[sflag:s19] =	ssyncset.done $0x0  }
0x38: {  	[sflag:s19] =	ssyncadd.s32 $0xFFFFFE00  }
0x39: {  	[spmem:s1] =	stream.indirect.scatter.add.f32 [tilespmem:s7], [sflag:$0x6], $0x1, s4, s23, $0xb8;
	[tilespmem:$0x1FD80] =	vst v63  }
0x3a: {  	_ =	swait.ge [sflag:s31], $0x80  }
0x3b: {  	[sflag:s31] =	ssyncset.done $0x0  }
0x3c: {  	[sflag:s31] =	ssyncadd.s32 $0xFFFFFF80  }
0x3d: {  	[spmem:s1] =	stream.indirect.scatter.add.f32 [tilespmem:s10], [sflag:$0x6], $0x1, s8, s23, $0xb8;
	[tilespmem:$0x1FD80] =	vst v63  }
0x3e: {  	_ =	swait.ge [sflag:s31], $0x80  }
0x3f: {  	[sflag:s31] =	ssyncset.done $0x0  }
0x40: {  	[sflag:s31] =	ssyncadd.s32 $0xFFFFFF80  }
0x41: {  	[spmem:s1] =	stream.indirect.scatter.add.f32 [tilespmem:s0], [sflag:$0x6], $0x1, s15, s23, $0xb8;
	[tilespmem:$0x1FD80] =	vst v63  }
0x42: {  	_ =	swait.ge [sflag:s31], $0x80  }
0x43: {  	[sflag:s31] =	ssyncset.done $0x0  }
0x44: {  	[sflag:s31] =	ssyncadd.s32 $0xFFFFFF80  }
0x45: {  	[spmem:s1] =	stream.indirect.scatter.add.f32 [tilespmem:s18], [sflag:$0x6], $0x1, s16, s23, $0xb8;
	[tilespmem:$0x1FD80] =	vst v63  }
0x46: {  	_ =	swait.ge [sflag:s31], $0x80  }
0x47: {  	[sflag:s31] =	ssyncset.done $0x0  }
0x48: {  	[sflag:s31] =	ssyncadd.s32 $0xFFFFFF80  }
0x49: {  	_ =	swait.ge [sflag:s19], $0x200  }
0x4a: {  	[sflag:s19] =	ssyncset.done $0x0  }
0x4b: {  	[sflag:s19] =	ssyncadd.s32 $0xFFFFFE00  }
0x4c: {  	[spmem:s1] =	stream.indirect.scatter.add.f32 [tilespmem:s7], [sflag:$0x6], $0x1, s11, s23, $0xb8;
	[tilespmem:$0x1FD80] =	vst v63  }
0x4d: {  	_ =	swait.ge [sflag:s31], $0x80  }
0x4e: {  	[sflag:s31] =	ssyncset.done $0x0  }
0x4f: {  	[sflag:s31] =	ssyncadd.s32 $0xFFFFFF80  }
0x50: {  	[spmem:s1] =	stream.indirect.scatter.add.f32 [tilespmem:s10], [sflag:$0x6], $0x1, s26, s23, $0xb8;
	[tilespmem:$0x1FD80] =	vst v63  }
0x51: {  	_ =	swait.ge [sflag:s31], $0x80  }
0x52: {  	[sflag:s31] =	ssyncset.done $0x0  }
0x53: {  	[sflag:s31] =	ssyncadd.s32 $0xFFFFFF80  }
0x54: {  	[spmem:s1] =	stream.indirect.scatter.add.f32 [tilespmem:s0], [sflag:$0x6], $0x1, s30, s23, $0xb8;
	[tilespmem:$0x1FD80] =	vst v63  }
0x55: {  	_ =	swait.ge [sflag:s31], $0x80  }
0x56: {  	s17 =	simm.s32 $0x1D200;
	[sflag:s31] =	ssyncset.done $0x0  }
0x57: {  	s5 =	simm.s32 $0x100;
	s6 =	simm.s32 $0x80;
	[sflag:s31] =	ssyncadd.s32 $0xFFFFFF80  }
0x58: {  	[spmem:s1] =	stream.indirect.scatter.add.f32 [tilespmem:s18], [sflag:$0x6], $0x1, s28, s23, $0xb8;
	[tilespmem:$0x1FD80] =	vst v63  }
0x59: {  	s22 =	simm.s32 $0x1D280;
	s24 =	simm.s32 $0x1AC80;
	_ =	swait.ge [sflag:s31], $0x80  }
0x5a: {  	s16 =	simm.s32 $0x1AC00;
	s26 =	simm.s32 $0x1D180;
	[sflag:s31] =	ssyncset.done $0x0  }
.LBB2_2:
0x5b: {  	s19 =	sadd.s32 s6, s14;
	[sflag:s31] =	ssyncadd.s32 $0xFFFFFF80;
	s12 =	smov.u32 s5  }
0x5c: {  	s10 =	sadd.s32 $0x80, s5;
	s18 =	simm.s32 $0x1CE80;
	s0 =	simm.s32 $0x1CE00  }
0x5d: {  	[tilespmem:s4], [sflag:$0x5] =	stream.linear.gather [hbm4b:s19+s3], $0x200, $0x38;
	[tilespmem:$0x1FD80] =	vst v63  }
0x5e: {  	s15 =	simm.s32 $0x1CD80;
	s7 =	simm.s32 $0x1CD00;
	s19 =	simm.s32 $0x5  }
0x5f: {  	p0 =	sne.s32 s5, $0x6180;
	s5 =	sadd.s32 s6, s13;
	s6 =	smov.u32 s12  }
0x60: {  	[tilespmem:s11], [sflag:$0x5] =	stream.linear.gather [hbm4b:s5+s3], $0x200, $0x38;
	[tilespmem:$0x1FD80] =	vst v63  }
0x61: {  	_ =	swait.ge [sflag:s19], $0x200  }
0x62: {  	[sflag:s19] =	ssyncset.done $0x0  }
0x63: {  	[sflag:s19] =	ssyncadd.s32 $0xFFFFFE00  }
0x64: {  	[spmem:s1] =	stream.indirect.scatter.add.f32 [tilespmem:s7], [sflag:$0x6], $0x1, s4, s23, $0xb8;
	[tilespmem:$0x1FD80] =	vst v63  }
0x65: {  	_ =	swait.ge [sflag:s31], $0x80  }
0x66: {  	[sflag:s31] =	ssyncset.done $0x0  }
0x67: {  	[sflag:s31] =	ssyncadd.s32 $0xFFFFFF80  }
0x68: {  	[spmem:s1] =	stream.indirect.scatter.add.f32 [tilespmem:s15], [sflag:$0x6], $0x1, s8, s23, $0xb8;
	[tilespmem:$0x1FD80] =	vst v63  }
0x69: {  	_ =	swait.ge [sflag:s31], $0x80  }
0x6a: {  	[sflag:s31] =	ssyncset.done $0x0  }
0x6b: {  	[sflag:s31] =	ssyncadd.s32 $0xFFFFFF80  }
0x6c: {  	[spmem:s1] =	stream.indirect.scatter.add.f32 [tilespmem:s0], [sflag:$0x6], $0x1, s16, s23, $0xb8;
	[tilespmem:$0x1FD80] =	vst v63  }
0x6d: {  	_ =	swait.ge [sflag:s31], $0x80  }
0x6e: {  	[sflag:s31] =	ssyncset.done $0x0  }
0x6f: {  	[sflag:s31] =	ssyncadd.s32 $0xFFFFFF80  }
0x70: {  	[spmem:s1] =	stream.indirect.scatter.add.f32 [tilespmem:s18], [sflag:$0x6], $0x1, s24, s23, $0xb8;
	[tilespmem:$0x1FD80] =	vst v63  }
0x71: {  	_ =	swait.ge [sflag:s31], $0x80  }
0x72: {  	[sflag:s31] =	ssyncset.done $0x0  }
0x73: {  	[sflag:s31] =	ssyncadd.s32 $0xFFFFFF80  }
0x74: {  	_ =	swait.ge [sflag:s19], $0x200  }
0x75: {  	[sflag:s19] =	ssyncset.done $0x0  }
0x76: {  	[sflag:s19] =	ssyncadd.s32 $0xFFFFFE00  }
0x77: {  	[spmem:s1] =	stream.indirect.scatter.add.f32 [tilespmem:s7], [sflag:$0x6], $0x1, s11, s23, $0xb8;
	[tilespmem:$0x1FD80] =	vst v63  }
0x78: {  	_ =	swait.ge [sflag:s31], $0x80  }
0x79: {  	[sflag:s31] =	ssyncset.done $0x0  }
0x7a: {  	[sflag:s31] =	ssyncadd.s32 $0xFFFFFF80  }
0x7b: {  	[spmem:s1] =	stream.indirect.scatter.add.f32 [tilespmem:s15], [sflag:$0x6], $0x1, s26, s23, $0xb8;
	[tilespmem:$0x1FD80] =	vst v63  }
0x7c: {  	_ =	swait.ge [sflag:s31], $0x80  }
0x7d: {  	[sflag:s31] =	ssyncset.done $0x0  }
0x7e: {  	[sflag:s31] =	ssyncadd.s32 $0xFFFFFF80  }
0x7f: {  	[spmem:s1] =	stream.indirect.scatter.add.f32 [tilespmem:s0], [sflag:$0x6], $0x1, s17, s23, $0xb8;
	[tilespmem:$0x1FD80] =	vst v63  }
0x80: {  	_ =	swait.ge [sflag:s31], $0x80  }
.Ltmp0:
0x81: {  	[sflag:s31] =	ssyncset.done $0x0;
	(pc) =	sbr.rel @p0 .LBB2_2-.Ltmp0, $4  }
0x82: {  	[sflag:s31] =	ssyncadd.s32 $0xFFFFFF80  }
0x83: {  	[spmem:s1] =	stream.indirect.scatter.add.f32 [tilespmem:s18], [sflag:$0x6], $0x1, s22, s23, $0xb8;
	[tilespmem:$0x1FD80] =	vst v63  }
0x84: {  	_ =	swait.ge [sflag:s31], $0x80  }
0x85: {  	s5 =	smov.u32 s10;
	[sflag:s31] =	ssyncset.done $0x0  }
0x86: {  	s5 =	sadd.s32 s6, s14;
	[sflag:s31] =	ssyncadd.s32 $0xFFFFFF80  }
0x87: {  	[tilespmem:s4], [sflag:$0x5] =	stream.linear.gather [hbm4b:s5+s3], $0x200, $0x38;
	[tilespmem:$0x1FD80] =	vst v63  }
0x88: {  	s30 =	sadd.s32 s6, s13  }
0x89: {  	[tilespmem:s11], [sflag:$0x5] =	stream.linear.gather [hbm4b:s30+s3], $0x200, $0x38;
	[tilespmem:$0x1FD80] =	vst v63  }
0x8a: {  	_ =	swait.ge [sflag:s19], $0x200  }
0x8b: {  	[sflag:s19] =	ssyncset.done $0x0  }
0x8c: {  	[sflag:s19] =	ssyncadd.s32 $0xFFFFFE00  }
0x8d: {  	[spmem:s1] =	stream.indirect.scatter.add.f32 [tilespmem:s7], [sflag:$0x6], $0x1, s4, s23, $0xb8;
	[tilespmem:$0x1FD80] =	vst v63  }
0x8e: {  	_ =	swait.ge [sflag:s31], $0x80  }
0x8f: {  	[sflag:s31] =	ssyncset.done $0x0  }
0x90: {  	[sflag:s31] =	ssyncadd.s32 $0xFFFFFF80  }
0x91: {  	[spmem:s1] =	stream.indirect.scatter.add.f32 [tilespmem:s15], [sflag:$0x6], $0x1, s8, s23, $0xb8;
	[tilespmem:$0x1FD80] =	vst v63  }
0x92: {  	_ =	swait.ge [sflag:s31], $0x80  }
0x93: {  	[sflag:s31] =	ssyncset.done $0x0  }
0x94: {  	[sflag:s31] =	ssyncadd.s32 $0xFFFFFF80  }
0x95: {  	[spmem:s1] =	stream.indirect.scatter.add.f32 [tilespmem:s0], [sflag:$0x6], $0x1, s16, s23, $0xb8;
	[tilespmem:$0x1FD80] =	vst v63  }
0x96: {  	_ =	swait.ge [sflag:s31], $0x80  }
0x97: {  	[sflag:s31] =	ssyncset.done $0x0  }
0x98: {  	[sflag:s31] =	ssyncadd.s32 $0xFFFFFF80  }
0x99: {  	[spmem:s1] =	stream.indirect.scatter.add.f32 [tilespmem:s18], [sflag:$0x6], $0x1, s24, s23, $0xb8;
	[tilespmem:$0x1FD80] =	vst v63  }
0x9a: {  	_ =	swait.ge [sflag:s31], $0x80  }
0x9b: {  	[sflag:s31] =	ssyncset.done $0x0  }
0x9c: {  	[sflag:s31] =	ssyncadd.s32 $0xFFFFFF80  }
0x9d: {  	_ =	swait.ge [sflag:s19], $0x200  }
0x9e: {  	[sflag:s19] =	ssyncset.done $0x0  }
0x9f: {  	[sflag:s19] =	ssyncadd.s32 $0xFFFFFE00  }
0xa0: {  	[spmem:s1] =	stream.indirect.scatter.add.f32 [tilespmem:s7], [sflag:$0x6], $0x1, s11, s23, $0xb8;
	[tilespmem:$0x1FD80] =	vst v63  }
0xa1: {  	_ =	swait.ge [sflag:s31], $0x80  }
0xa2: {  	[sflag:s31] =	ssyncset.done $0x0  }
0xa3: {  	[sflag:s31] =	ssyncadd.s32 $0xFFFFFF80  }
0xa4: {  	[spmem:s1] =	stream.indirect.scatter.add.f32 [tilespmem:s15], [sflag:$0x6], $0x1, s26, s23, $0xb8;
	[tilespmem:$0x1FD80] =	vst v63  }
0xa5: {  	_ =	swait.ge [sflag:s31], $0x80  }
0xa6: {  	[sflag:s31] =	ssyncset.done $0x0  }
0xa7: {  	[sflag:s31] =	ssyncadd.s32 $0xFFFFFF80  }
0xa8: {  	[spmem:s1] =	stream.indirect.scatter.add.f32 [tilespmem:s0], [sflag:$0x6], $0x1, s17, s23, $0xb8;
	[tilespmem:$0x1FD80] =	vst v63  }
0xa9: {  	_ =	swait.ge [sflag:s31], $0x80  }
0xaa: {  	[sflag:s31] =	ssyncset.done $0x0  }
0xab: {  	[sflag:s31] =	ssyncadd.s32 $0xFFFFFF80  }
0xac: {  	[spmem:s1] =	stream.indirect.scatter.add.f32 [tilespmem:s18], [sflag:$0x6], $0x1, s22, s23, $0xb8;
	[tilespmem:$0x1FD80] =	vst v63  }
0xad: {  	s13 =	simm.s32 $0x0;
	_ =	swait.ge [sflag:s31], $0x80  }
0xae: {  	s9 =	simm.s32 $0x0;
	s14 =	simm.s32 $0x1A900;
	[sflag:s31] =	ssyncset.done $0x0  }
0xaf: {  	s3 =	simm.s32 $0x1B500;
	s8 =	simm.s32 $0x1A980;
	[sflag:s31] =	ssyncadd.s32 $0xFFFFFF80  }
0xb0: {  	s16 =	simm.s32 $0x0;
	s7 =	simm.s32 $0x1F500;
	[bflag:$0x0] =	sbarrier.arrive $0xFFFF  }
0xb1: {  	s0 =	simm.s32 $0x1FD00;
	s18 =	simm.s32 $0x1AA80;
	s12 =	rddreg [dreg:$0x9]  }
.LBB2_4:
0xb2: {  	s5 =	sshll.u32 s16, $0x7;
	s6 =	rddreg [dreg:$0xb]  }
0xb3: {  	s10 =	sadd.s32 s6, s5  }
0xb4: {  	s5 =	sadd.s32 s10, s1  }
0xb5: {  	[tilespmem:s0], [sflag:$0x6] =	stream.linear.gather [spmem:s5], $0x80, $0x38;
	[tilespmem:$0x1FD80] =	vst v63  }
0xb6: {  	_ =	swait.ge [sflag:s31], $0x80  }
0xb7: {  	[sflag:s31] =	ssyncset.done $0x0  }
0xb8: {  	[sflag:s31] =	ssyncadd.s32 $0xFFFFFF80  }
0xb9: {  	v0 =	vld [tilespmem:$0x1FD00]  }
0xba: {  	v1 =	vld [tilespmem:$0x1FD10];
	_ =	sdelay $0x3  }
0xbb: {  	v0 =	vadd.f32 $1.000000000e+00, v0  }
0xbc: {  	v1 =	vadd.f32 $1.000000000e+00, v1  }
0xbd: {  	v2 =	vshra.s32 v0, $0x1  }
0xbe: {  	v0 =	vmul.f32 $5.000000000e-01, v0;
	v3 =	vshra.s32 v1, $0x1;
	v1 =	vmul.f32 $5.000000000e-01, v1  }
0xbf: {  	v2 =	vsub.s32 $0x5F3759DF, v2;
	v3 =	vsub.s32 $0x5F3759DF, v3  }
0xc0: {  	v4 =	vmul.f32 v2, v0;
	v5 =	vmul.f32 v3, v1  }
0xc1: {  	v6 =	vld [tilespmem:$0x1FD20]  }
0xc2: {  	v7 =	vld [tilespmem:$0x1FD30];
	v4 =	vmul.f32 v2, v4;
	v5 =	vmul.f32 v3, v5  }
0xc3: {  	v8 =	vld [tilespmem:$0x1FD40]  }
0xc4: {  	v11 =	vld [tilespmem:$0x1FD50];
	v4 =	vsub.f32 $1.500000000e+00, v4;
	v5 =	vsub.f32 $1.500000000e+00, v5  }
0xc5: {  	v12 =	vld [tilespmem:$0x1FD60]  }
0xc6: {  	v13 =	vld [tilespmem:$0x1FD70];
	v2 =	vmul.f32 v2, v4;
	v3 =	vmul.f32 v3, v5;
	_ =	sdelay $0x1  }
0xc7: {  	v42 =	vadd.f32 $1.000000000e+00, v6;
	v4 =	vmul.f32 v2, v0;
	v5 =	vmul.f32 v3, v1  }
0xc8: {  	v43 =	vadd.f32 $1.000000000e+00, v7;
	v8 =	vadd.f32 $1.000000000e+00, v8  }
0xc9: {  	v45 =	vadd.f32 $1.000000000e+00, v11;
	v4 =	vmul.f32 v4, v2;
	v5 =	vmul.f32 v5, v3  }
0xca: {  	v48 =	vadd.f32 $1.000000000e+00, v12;
	v50 =	vadd.f32 $1.000000000e+00, v13  }
0xcb: {  	v6 =	vshra.s32 v42, $0x1;
	v4 =	vsub.f32 $1.500000000e+00, v4;
	v5 =	vsub.f32 $1.500000000e+00, v5  }
0xcc: {  	v7 =	vshra.s32 v43, $0x1;
	v46 =	vmul.f32 $5.000000000e-01, v8;
	v12 =	vmul.f32 $5.000000000e-01, v50  }
0xcd: {  	v44 =	vshra.s32 v8, $0x1;
	v2 =	vmul.f32 v4, v2;
	v3 =	vmul.f32 v5, v3  }
0xce: {  	v6 =	vsub.s32 $0x5F3759DF, v6;
	v4 =	vmul.f32 $5.000000000e-01, v42;
	v5 =	vmul.f32 $5.000000000e-01, v43  }
0xcf: {  	v7 =	vsub.s32 $0x5F3759DF, v7;
	v0 =	vmul.f32 v2, v0;
	v1 =	vmul.f32 v3, v1  }
0xd0: {  	v15 =	vshra.s32 v50, $0x1;
	v9 =	vmul.f32 v6, v4;
	v10 =	vmul.f32 v7, v5  }
0xd1: {  	v15 =	vsub.s32 $0x5F3759DF, v15;
	v0 =	vmul.f32 v0, v2;
	v1 =	vmul.f32 v1, v3  }
0xd2: {  	v47 =	vshra.s32 v45, $0x1;
	v17 =	vmul.f32 v15, v12;
	v9 =	vmul.f32 v6, v9  }
0xd3: {  	v10 =	vmul.f32 v7, v10;
	v0 =	vsub.f32 $1.500000000e+00, v0;
	v1 =	vsub.f32 $1.500000000e+00, v1  }
0xd4: {  	v14 =	vshra.s32 v48, $0x1;
	v17 =	vmul.f32 v15, v17;
	v9 =	vsub.f32 $1.500000000e+00, v9  }
0xd5: {  	v0 =	vmul.f32 v0, v2;
	v1 =	vmul.f32 v1, v3;
	v2 =	vsub.f32 $1.500000000e+00, v10  }
0xd6: {  	v3 =	vmul.f32 v6, v9;
	v6 =	vsub.s32 $0x5F3759DF, v44;
	v9 =	vmul.f32 $5.000000000e-01, v45  }
0xd7: {  	v8 =	vsub.s32 $0x5F3759DF, v47;
	v10 =	vmul.f32 $5.000000000e-01, v48;
	v49 =	vmul.f32 v6, v46  }
0xd8: {  	v14 =	vsub.s32 $0x5F3759DF, v14;
	v2 =	vmul.f32 v7, v2;
	v51 =	vmul.f32 v8, v9  }
0xd9: {  	v16 =	vmul.f32 v14, v10;
	v18 =	vmul.f32 v3, v4  }
0xda: {  	v11 =	vmul.f32 v6, v49;
	v13 =	vmul.f32 v8, v51  }
0xdb: {  	v16 =	vmul.f32 v14, v16;
	v19 =	vmul.f32 v2, v5  }
0xdc: {  	v18 =	vmul.f32 v18, v3;
	v11 =	vsub.f32 $1.500000000e+00, v11;
	v13 =	vsub.f32 $1.500000000e+00, v13  }
0xdd: {  	v54 =	vsub.f32 $1.500000000e+00, v17;
	v52 =	vsub.f32 $1.500000000e+00, v16;
	v53 =	vmul.f32 v19, v2  }
0xde: {  	v18 =	vsub.f32 $1.500000000e+00, v18;
	v6 =	vmul.f32 v6, v11;
	v8 =	vmul.f32 v8, v13  }
0xdf: {  	v11 =	vmul.f32 v14, v52;
	v13 =	vmul.f32 v15, v54  }
0xe0: {  	v3 =	vmul.f32 v18, v3;
	v55 =	vmul.f32 v6, v46  }
0xe1: {  	v16 =	vsub.f32 $1.500000000e+00, v53;
	v56 =	vmul.f32 v8, v9;
	v58 =	vmul.f32 v11, v10  }
0xe2: {  	v59 =	vmul.f32 v13, v12;
	v57 =	vmul.f32 v55, v6  }
0xe3: {  	v2 =	vmul.f32 v16, v2;
	v14 =	vmul.f32 v56, v8  }
0xe4: {  	v4 =	vmul.f32 v3, v4;
	v17 =	vmul.f32 v58, v11;
	v15 =	vsub.f32 $1.500000000e+00, v57  }
0xe5: {  	v19 =	vmul.f32 v59, v13;
	v5 =	vmul.f32 v2, v5;
	v14 =	vsub.f32 $1.500000000e+00, v14  }
0xe6: {  	v4 =	vmul.f32 v4, v3;
	v60 =	vsub.f32 $1.500000000e+00, v17;
	v6 =	vmul.f32 v15, v6  }
0xe7: {  	v61 =	vsub.f32 $1.500000000e+00, v19;
	v5 =	vmul.f32 v5, v2;
	v8 =	vmul.f32 v14, v8  }
0xe8: {  	v11 =	vmul.f32 v60, v11;
	v7 =	vmul.f32 v6, v46  }
0xe9: {  	v13 =	vmul.f32 v61, v13;
	v9 =	vmul.f32 v8, v9  }
0xea: {  	v4 =	vsub.f32 $1.500000000e+00, v4;
	v10 =	vmul.f32 v11, v10;
	v7 =	vmul.f32 v7, v6  }
0xeb: {  	v5 =	vsub.f32 $1.500000000e+00, v5;
	v12 =	vmul.f32 v13, v12;
	v9 =	vmul.f32 v9, v8  }
0xec: {  	[tilespmem:$0x1FD00] =	vst v0;
	v0 =	vmul.f32 v4, v3;
	v62 =	vmul.f32 v10, v11;
	v3 =	vsub.f32 $1.500000000e+00, v7  }
0xed: {  	[tilespmem:$0x1FD10] =	vst v1;
	v1 =	vmul.f32 v5, v2;
	v63 =	vmul.f32 v12, v13;
	v2 =	vsub.f32 $1.500000000e+00, v9  }
0xee: {  	[tilespmem:$0x1FD20] =	vst v0;
	v0 =	vmul.f32 v3, v6;
	v3 =	vsub.f32 $1.500000000e+00, v62  }
0xef: {  	[tilespmem:$0x1FD30] =	vst v1;
	v1 =	vmul.f32 v2, v8;
	v2 =	vsub.f32 $1.500000000e+00, v63  }
0xf0: {  	s26 =	rddreg [dreg:$0xd];
	[tilespmem:$0x1FD40] =	vst v0;
	v0 =	vmul.f32 v3, v11  }
0xf1: {  	s5 =	sadd.s32 s26, s10;
	[tilespmem:$0x1FD50] =	vst v1;
	v1 =	vmul.f32 v2, v13  }
0xf2: {  	s28 =	rddreg [dreg:$0x10];
	s5 =	sshrl.u32 s5, $0x3;
	[tilespmem:$0x1FD60] =	vst v0  }
0xf3: {  	s17 =	sshll.u32 s10, $0x4;
	s5 =	sadd.s32 s28, s5;
	[tilespmem:$0x1FD70] =	vst v1  }
0xf4: {  	[hbm4b:s5+s9] =	stream.linear.scatter [tilespmem:s0], [sflag:$0x6], $0x80, $0x38;
	[tilespmem:$0x1FD80] =	vst v63  }
0xf5: {  	s29 =	sadd.s32 s12, s17;
	_ =	swait.ge [sflag:s31], $0x80  }
0xf6: {  	s15 =	sshrl.u32 s29, $0x3;
	[sflag:s31] =	ssyncset.done $0x0;
	s30 =	rddreg [dreg:$0xa]  }
0xf7: {  	[sflag:s31] =	ssyncadd.s32 $0xFFFFFF80;
	s5 =	sadd.s32 s30, s15  }
0xf8: {  	[tilespmem:s7], [sflag:$0x6] =	stream.linear.gather [hbm4b:s5+s9], $0x800, $0x38;
	[tilespmem:$0x1FD80] =	vst v63  }
0xf9: {  	_ =	swait.ge [sflag:s31], $0x800  }
0xfa: {  	[sflag:s31] =	ssyncset.done $0x0  }
0xfb: {  	s19 =	simm.s32 $0x1F580;
	[sflag:s31] =	ssyncadd.s32 $0xFFFFF800  }
0xfc: {  	s6 =	simm.s32 $0x40;
	s10 =	simm.s32 $0x1F580;
	s5 =	simm.s32 $0x0;
	v0 =	vld [tilespmem:s19+$0xFFFFFFB0]  }
.LBB2_5:
0xfd: {  	p0 =	sne.s32 s6, $0x1C0;
	v1 =	vld [tilespmem:s5+$0x1FD00]  }
0xfe: {  	v2 =	vld [tilespmem:s19+$0xFFFFFF90]  }
0xff: {  	v3 =	vld [tilespmem:s19+$0xFFFFFF80]  }
0x100: {  	v4 =	vld [tilespmem:s19+$0xFFFFFFA0]  }
0x101: {  	v5 =	vld [tilespmem:s19+$0xFFFFFFF0]  }
0x102: {  	v6 =	vbroadcast v1, $0x0;
	v7 =	vbroadcast v1, $0x1;
	v8 =	vld [tilespmem:s19+$0xFFFFFFD0]  }
0x103: {  	v9 =	vbroadcast v1, $0x2;
	v10 =	vbroadcast v1, $0x3;
	v11 =	vld [tilespmem:s19+$0xFFFFFFC0]  }
0x104: {  	v3 =	vmul.f32 v3, v6;
	v2 =	vmul.f32 v2, v7;
	v6 =	vld [tilespmem:s19+$0xFFFFFFE0]  }
0x105: {  	v0 =	vmul.f32 v0, v10;
	v4 =	vmul.f32 v4, v9;
	v7 =	vld [tilespmem:s19+$0x30]  }
0x106: {  	v9 =	vbroadcast v1, $0x5;
	[tilespmem:s19+$0xFFFFFF80] =	vst v3;
	v3 =	vbroadcast v1, $0x4;
	v10 =	vld [tilespmem:s19+$0x10]  }
0x107: {  	v12 =	vbroadcast v1, $0x7;
	[tilespmem:s19+$0xFFFFFF90] =	vst v2;
	v2 =	vbroadcast v1, $0x6;
	v13 =	vld [tilespmem:s19+$0x0]  }
0x108: {  	[tilespmem:s19+$0xFFFFFFA0] =	vst v4;
	v3 =	vmul.f32 v11, v3;
	v4 =	vmul.f32 v8, v9;
	v8 =	vld [tilespmem:s19+$0x20]  }
0x109: {  	[tilespmem:s19+$0xFFFFFFB0] =	vst v0;
	v0 =	vmul.f32 v6, v2;
	v2 =	vmul.f32 v5, v12;
	v5 =	vld [tilespmem:s19+$0x70]  }
0x10a: {  	v6 =	vbroadcast v1, $0x9;
	[tilespmem:s19+$0xFFFFFFC0] =	vst v3;
	v3 =	vbroadcast v1, $0x8;
	v9 =	vld [tilespmem:s19+$0x50]  }
0x10b: {  	v11 =	vbroadcast v1, $0xB;
	[tilespmem:s19+$0xFFFFFFD0] =	vst v4;
	v4 =	vbroadcast v1, $0xA;
	v12 =	vld [tilespmem:s19+$0x40]  }
0x10c: {  	[tilespmem:s19+$0xFFFFFFE0] =	vst v0;
	v0 =	vmul.f32 v13, v3;
	v3 =	vmul.f32 v10, v6;
	v6 =	vld [tilespmem:s19+$0x60]  }
0x10d: {  	[tilespmem:s19+$0xFFFFFFF0] =	vst v2;
	v2 =	vmul.f32 v8, v4;
	v4 =	vmul.f32 v7, v11  }
0x10e: {  	v7 =	vbroadcast v1, $0xD;
	[tilespmem:s19+$0x0] =	vst v0;
	v0 =	vbroadcast v1, $0xC  }
0x10f: {  	[tilespmem:s19+$0x10] =	vst v3;
	v3 =	vbroadcast v1, $0xE;
	v1 =	vbroadcast v1, $0xF  }
0x110: {  	[tilespmem:s19+$0x20] =	vst v2;
	v0 =	vmul.f32 v12, v0;
	v2 =	vmul.f32 v9, v7  }
.Ltmp1:
0x111: {  	[tilespmem:s19+$0x30] =	vst v4;
	v3 =	vmul.f32 v6, v3;
	v1 =	vmul.f32 v5, v1;
	(pc) =	sbr.rel @p0 .LBB2_5-.Ltmp1, $4  }
0x112: {  	[tilespmem:s19+$0x40] =	vst v0  }
0x113: {  	[tilespmem:s19+$0x50] =	vst v2  }
0x114: {  	s19 =	sadd.s32 $0x100, s19;
	[tilespmem:s10+$0x60] =	vst v3  }
0x115: {  	s5 =	sshra.s32 s6, $0x2;
	s6 =	sadd.s32 $0x40, s6;
	v0 =	vld [tilespmem:s19+$0xFFFFFFB0];
	[tilespmem:s10+$0x70] =	vst v1;
	s10 =	smov.u32 s19  }
0x116: {  	v1 =	vld [tilespmem:s5+$0x1FD00];
	_ =	sdelay $0x1  }
0x117: {  	v2 =	vld [tilespmem:s19+$0xFFFFFF80]  }
0x118: {  	v3 =	vld [tilespmem:s19+$0xFFFFFF90]  }
0x119: {  	v4 =	vld [tilespmem:s19+$0xFFFFFFA0]  }
0x11a: {  	v5 =	vbroadcast v1, $0x0  }
0x11b: {  	v7 =	vld [tilespmem:s19+$0xFFFFFFC0];
	v6 =	vbroadcast v1, $0x1  }
0x11c: {  	v8 =	vld [tilespmem:s19+$0xFFFFFFD0];
	v9 =	vbroadcast v1, $0x2;
	v2 =	vmul.f32 v2, v5  }
0x11d: {  	v51 =	vld [tilespmem:s19+$0xFFFFFFE0];
	v50 =	vbroadcast v1, $0x3;
	v3 =	vmul.f32 v3, v6  }
0x11e: {  	v53 =	vld [tilespmem:s19+$0x10];
	v4 =	vmul.f32 v4, v9;
	[tilespmem:s19+$0xFFFFFF80] =	vst v2;
	v2 =	vbroadcast v1, $0x4  }
0x11f: {  	v52 =	vbroadcast v1, $0x5;
	v0 =	vmul.f32 v0, v50;
	[tilespmem:s19+$0xFFFFFF90] =	vst v3;
	v3 =	vld [tilespmem:s19+$0x0]  }
0x120: {  	v10 =	vld [tilespmem:s19+$0xFFFFFFF0];
	v11 =	vbroadcast v1, $0x6;
	[tilespmem:s19+$0xFFFFFFA0] =	vst v4;
	v2 =	vmul.f32 v7, v2  }
0x121: {  	v55 =	vld [tilespmem:s19+$0x20];
	v56 =	vbroadcast v1, $0x9;
	v5 =	vmul.f32 v8, v52;
	[tilespmem:s19+$0xFFFFFFB0] =	vst v0  }
0x122: {  	v6 =	vmul.f32 v51, v11;
	v0 =	vld [tilespmem:s19+$0x30];
	[tilespmem:s19+$0xFFFFFFC0] =	vst v2;
	v2 =	vbroadcast v1, $0x8  }
0x123: {  	v57 =	vld [tilespmem:s19+$0x40];
	v54 =	vbroadcast v1, $0x7;
	v60 =	vmul.f32 v53, v56;
	[tilespmem:s19+$0xFFFFFFD0] =	vst v5  }
0x124: {  	v58 =	vld [tilespmem:s19+$0x50];
	v59 =	vbroadcast v1, $0xA;
	[tilespmem:s19+$0xFFFFFFE0] =	vst v6;
	v2 =	vmul.f32 v3, v2  }
0x125: {  	v61 =	vld [tilespmem:s19+$0x60];
	v4 =	vmul.f32 v10, v54;
	[tilespmem:s19+$0x10] =	vst v60;
	v3 =	vbroadcast v1, $0xB  }
0x126: {  	v62 =	vld [tilespmem:s19+$0x70];
	v7 =	vmul.f32 v55, v59;
	[tilespmem:s19+$0x0] =	vst v2;
	v2 =	vbroadcast v1, $0xC  }
0x127: {  	[tilespmem:s19+$0xFFFFFFF0] =	vst v4;
	v0 =	vmul.f32 v0, v3;
	v3 =	vbroadcast v1, $0xD  }
0x128: {  	v63 =	vbroadcast v1, $0xE;
	[tilespmem:s19+$0x20] =	vst v7;
	v2 =	vmul.f32 v57, v2  }
0x129: {  	v1 =	vbroadcast v1, $0xF;
	v3 =	vmul.f32 v58, v3;
	[tilespmem:s19+$0x30] =	vst v0  }
0x12a: {  	v0 =	vmul.f32 v61, v63;
	[tilespmem:s19+$0x40] =	vst v2  }
0x12b: {  	v1 =	vmul.f32 v62, v1;
	[tilespmem:s19+$0x50] =	vst v3  }
0x12c: {  	s28 =	rddreg [dreg:$0x11];
	[tilespmem:s10+$0x60] =	vst v0  }
0x12d: {  	s6 =	simm.s32 $0x0;
	s5 =	sadd.s32 s28, s15;
	[tilespmem:s10+$0x70] =	vst v1  }
0x12e: {  	[hbm4b:s5+s6] =	stream.linear.scatter [tilespmem:s7], [sflag:$0x6], $0x800, $0x38;
	[tilespmem:$0x1FD80] =	vst v63  }
0x12f: {  	_ =	swait.ge [sflag:s31], $0x800  }
0x130: {  	[sflag:s31] =	ssyncset.done $0x0  }
0x131: {  	s29 =	sadd.s32 s17, s2;
	[sflag:s31] =	ssyncadd.s32 $0xFFFFF800  }
0x132: {  	[spmem:s29] =	stream.linear.scatter [tilespmem:s7], [sflag:$0x6], $0x800, $0x38;
	[tilespmem:$0x1FD80] =	vst v63  }
0x133: {  	_ =	swait.ge [sflag:s31], $0x800  }
0x134: {  	[sflag:s31] =	ssyncset.done $0x0;
	s30 =	rddreg [dreg:$0xc]  }
0x135: {  	[sflag:s31] =	ssyncadd.s32 $0xFFFFF800;
	s5 =	sadd.s32 s30, s15  }
0x136: {  	[tilespmem:s7], [sflag:$0x6] =	stream.linear.gather [hbm4b:s5+s6], $0x800, $0x38;
	[tilespmem:$0x1FD80] =	vst v63  }
0x137: {  	_ =	swait.ge [sflag:s31], $0x800  }
0x138: {  	[sflag:s31] =	ssyncset.done $0x0  }
0x139: {  	s10 =	simm.s32 $0x1F580;
	[sflag:s31] =	ssyncadd.s32 $0xFFFFF800  }
0x13a: {  	s19 =	simm.s32 $0x1F580;
	s5 =	simm.s32 $0x0;
	s6 =	simm.s32 $0x40;
	v0 =	vld [tilespmem:s10+$0xFFFFFFB0]  }
.LBB2_7:
0x13b: {  	p0 =	sne.s32 s6, $0x1C0;
	v1 =	vld [tilespmem:s5+$0x1FD00]  }
0x13c: {  	v2 =	vld [tilespmem:s10+$0xFFFFFF90]  }
0x13d: {  	v3 =	vld [tilespmem:s10+$0xFFFFFF80]  }
0x13e: {  	v4 =	vld [tilespmem:s10+$0xFFFFFFA0]  }
0x13f: {  	v5 =	vld [tilespmem:s10+$0xFFFFFFF0]  }
0x140: {  	v6 =	vbroadcast v1, $0x0;
	v7 =	vbroadcast v1, $0x1;
	v8 =	vld [tilespmem:s10+$0xFFFFFFD0]  }
0x141: {  	v9 =	vbroadcast v1, $0x2;
	v10 =	vbroadcast v1, $0x3;
	v11 =	vld [tilespmem:s10+$0xFFFFFFC0]  }
0x142: {  	v3 =	vmul.f32 v3, v6;
	v2 =	vmul.f32 v2, v7;
	v6 =	vld [tilespmem:s10+$0xFFFFFFE0]  }
0x143: {  	v0 =	vmul.f32 v0, v10;
	v4 =	vmul.f32 v4, v9;
	v7 =	vld [tilespmem:s10+$0x30]  }
0x144: {  	v9 =	vbroadcast v1, $0x5;
	[tilespmem:s10+$0xFFFFFF80] =	vst v3;
	v3 =	vbroadcast v1, $0x4;
	v10 =	vld [tilespmem:s10+$0x10]  }
0x145: {  	v12 =	vbroadcast v1, $0x7;
	[tilespmem:s10+$0xFFFFFF90] =	vst v2;
	v2 =	vbroadcast v1, $0x6;
	v13 =	vld [tilespmem:s10+$0x0]  }
0x146: {  	[tilespmem:s10+$0xFFFFFFA0] =	vst v4;
	v3 =	vmul.f32 v11, v3;
	v4 =	vmul.f32 v8, v9;
	v8 =	vld [tilespmem:s10+$0x20]  }
0x147: {  	[tilespmem:s10+$0xFFFFFFB0] =	vst v0;
	v0 =	vmul.f32 v6, v2;
	v2 =	vmul.f32 v5, v12;
	v5 =	vld [tilespmem:s10+$0x70]  }
0x148: {  	v6 =	vbroadcast v1, $0x9;
	[tilespmem:s10+$0xFFFFFFC0] =	vst v3;
	v3 =	vbroadcast v1, $0x8;
	v9 =	vld [tilespmem:s10+$0x50]  }
0x149: {  	v11 =	vbroadcast v1, $0xB;
	[tilespmem:s10+$0xFFFFFFD0] =	vst v4;
	v4 =	vbroadcast v1, $0xA;
	v12 =	vld [tilespmem:s10+$0x40]  }
0x14a: {  	[tilespmem:s10+$0xFFFFFFE0] =	vst v0;
	v0 =	vmul.f32 v13, v3;
	v3 =	vmul.f32 v10, v6;
	v6 =	vld [tilespmem:s10+$0x60]  }
0x14b: {  	[tilespmem:s10+$0xFFFFFFF0] =	vst v2;
	v2 =	vmul.f32 v8, v4;
	v4 =	vmul.f32 v7, v11  }
0x14c: {  	v7 =	vbroadcast v1, $0xD;
	[tilespmem:s10+$0x0] =	vst v0;
	v0 =	vbroadcast v1, $0xC  }
0x14d: {  	[tilespmem:s10+$0x10] =	vst v3;
	v3 =	vbroadcast v1, $0xE;
	v1 =	vbroadcast v1, $0xF  }
0x14e: {  	[tilespmem:s10+$0x20] =	vst v2;
	v0 =	vmul.f32 v12, v0;
	v2 =	vmul.f32 v9, v7  }
.Ltmp2:
0x14f: {  	[tilespmem:s10+$0x30] =	vst v4;
	v3 =	vmul.f32 v6, v3;
	v1 =	vmul.f32 v5, v1;
	(pc) =	sbr.rel @p0 .LBB2_7-.Ltmp2, $4  }
0x150: {  	[tilespmem:s10+$0x40] =	vst v0  }
0x151: {  	[tilespmem:s10+$0x50] =	vst v2  }
0x152: {  	s10 =	sadd.s32 $0x100, s10;
	[tilespmem:s19+$0x60] =	vst v3  }
0x153: {  	s5 =	sshra.s32 s6, $0x2;
	s6 =	sadd.s32 $0x40, s6;
	v0 =	vld [tilespmem:s10+$0xFFFFFFB0];
	[tilespmem:s19+$0x70] =	vst v1;
	s19 =	smov.u32 s10  }
0x154: {  	v1 =	vld [tilespmem:s5+$0x1FD00];
	_ =	sdelay $0x1  }
0x155: {  	v2 =	vld [tilespmem:s10+$0xFFFFFF80]  }
0x156: {  	v3 =	vld [tilespmem:s10+$0xFFFFFF90]  }
0x157: {  	v4 =	vld [tilespmem:s10+$0xFFFFFFA0]  }
0x158: {  	v5 =	vbroadcast v1, $0x0  }
0x159: {  	v8 =	vld [tilespmem:s10+$0xFFFFFFD0];
	v6 =	vbroadcast v1, $0x1  }
0x15a: {  	v43 =	vld [tilespmem:s10+$0xFFFFFFE0];
	v9 =	vbroadcast v1, $0x2;
	v2 =	vmul.f32 v2, v5  }
0x15b: {  	v47 =	vld [tilespmem:s10+$0x10];
	v42 =	vbroadcast v1, $0x3;
	v3 =	vmul.f32 v3, v6  }
0x15c: {  	v7 =	vld [tilespmem:s10+$0xFFFFFFC0];
	v45 =	vbroadcast v1, $0x5;
	v4 =	vmul.f32 v4, v9;
	[tilespmem:s10+$0xFFFFFF80] =	vst v2  }
0x15d: {  	v10 =	vld [tilespmem:s10+$0xFFFFFFF0];
	v11 =	vbroadcast v1, $0x6;
	v0 =	vmul.f32 v0, v42;
	[tilespmem:s10+$0xFFFFFF90] =	vst v3  }
0x15e: {  	v49 =	vld [tilespmem:s10+$0x20];
	v52 =	vbroadcast v1, $0x9;
	v5 =	vmul.f32 v8, v45;
	[tilespmem:s10+$0xFFFFFFA0] =	vst v4  }
0x15f: {  	v50 =	vld [tilespmem:s10+$0x30];
	v44 =	vbroadcast v1, $0x4;
	v6 =	vmul.f32 v43, v11;
	[tilespmem:s10+$0xFFFFFFB0] =	vst v0  }
0x160: {  	v46 =	vld [tilespmem:s10+$0x0];
	v48 =	vbroadcast v1, $0x7;
	v57 =	vmul.f32 v47, v52;
	[tilespmem:s10+$0xFFFFFFD0] =	vst v5  }
0x161: {  	v54 =	vld [tilespmem:s10+$0x50];
	v55 =	vbroadcast v1, $0xA;
	v2 =	vmul.f32 v7, v44;
	[tilespmem:s10+$0xFFFFFFE0] =	vst v6  }
0x162: {  	v53 =	vld [tilespmem:s10+$0x40];
	v56 =	vbroadcast v1, $0xB;
	v4 =	vmul.f32 v10, v48;
	[tilespmem:s10+$0x10] =	vst v57  }
0x163: {  	v58 =	vld [tilespmem:s10+$0x60];
	v51 =	vbroadcast v1, $0x8;
	v7 =	vmul.f32 v49, v55;
	[tilespmem:s10+$0xFFFFFFC0] =	vst v2  }
0x164: {  	v59 =	vld [tilespmem:s10+$0x70];
	v61 =	vbroadcast v1, $0xD;
	v0 =	vmul.f32 v50, v56;
	[tilespmem:s10+$0xFFFFFFF0] =	vst v4  }
0x165: {  	v60 =	vbroadcast v1, $0xC;
	v2 =	vmul.f32 v46, v51;
	[tilespmem:s10+$0x20] =	vst v7  }
0x166: {  	v62 =	vbroadcast v1, $0xE;
	v3 =	vmul.f32 v54, v61;
	[tilespmem:s10+$0x30] =	vst v0  }
0x167: {  	v1 =	vbroadcast v1, $0xF;
	[tilespmem:s10+$0x0] =	vst v2;
	v2 =	vmul.f32 v53, v60  }
0x168: {  	v63 =	vmul.f32 v58, v62;
	[tilespmem:s10+$0x50] =	vst v3  }
0x169: {  	s16 =	sadd.s32 $0x1, s16;
	v1 =	vmul.f32 v59, v1;
	[tilespmem:s10+$0x40] =	vst v2  }
0x16a: {  	s30 =	rddreg [dreg:$0x12];
	p0 =	sne.s32 s16, $0x32;
	[tilespmem:s19+$0x60] =	vst v63  }
.Ltmp3:
0x16b: {  	s5 =	sadd.s32 s30, s15;
	[tilespmem:s19+$0x70] =	vst v1;
	(pc) =	sbr.rel @p0 .LBB2_4-.Ltmp3, $4  }
0x16c: {  	[hbm4b:s5+s13] =	stream.linear.scatter [tilespmem:s7], [sflag:$0x6], $0x800, $0x38;
	[tilespmem:$0x1FD80] =	vst v63  }
0x16d: {  	_ =	swait.ge [sflag:s31], $0x800  }
0x16e: {  	[sflag:s31] =	ssyncset.done $0x0  }
0x16f: {  	[sflag:s31] =	ssyncadd.s32 $0xFFFFF800  }
0x170: {  	s5 =	rddreg [dreg:$0xe]  }
0x171: {  	s6 =	rddreg [dreg:$0x13]  }
0x172: {  	s0 =	rddreg [dreg:$0x1c]  }
0x173: {  	[spmem:s0], [sflag:s6] =	dma.local [hbm:s5], $0x320  }
0x174: {  	_ =	swait.ge [sflag:s31], $0x320  }
0x175: {  	[sflag:s31] =	ssyncset.done $0x0  }
0x176: {  	[sflag:s31] =	ssyncadd.s32 $0xFFFFFCE0  }
0x177: {  	[bflag:$0x0] =	sbarrier.arrive $0xFFFF  }
0x178: {  	s12 =	rddreg [dreg:$0x5]  }
0x179: {  	s10 =	simm.s32 $0x0;
	s9 =	sadd.s32 $0x0, s12  }
0x17a: {  	[tilespmem:s14], [sflag:$0x6] =	stream.linear.gather [hbm4b:s9+s10], $0x200, $0x38;
	[tilespmem:$0x1FD80] =	vst v63  }
0x17b: {  	_ =	swait.ge [sflag:s31], $0x200  }
0x17c: {  	[sflag:s31] =	ssyncset.done $0x0;
	s16 =	rddreg [dreg:$0x7]  }
0x17d: {  	[sflag:s31] =	ssyncadd.s32 $0xFFFFFE00;
	s17 =	sadd.s32 $0x0, s16  }
0x17e: {  	[tilespmem:s4], [sflag:$0x6] =	stream.linear.gather [hbm4b:s17+s10], $0x200, $0x38;
	[tilespmem:$0x1FD80] =	vst v63  }
0x17f: {  	_ =	swait.ge [sflag:s31], $0x200  }
0x180: {  	[sflag:s31] =	ssyncset.done $0x0  }
0x181: {  	s28 =	simm.s32 $0x1AD00;
	[sflag:s31] =	ssyncadd.s32 $0xFFFFFE00  }
0x182: {  	[tilespmem:s28], [sflag:$0x1] =	stream.indirect.gather [hbm4b:s20+s23], $0x10, s14, s23, $0xb8;
	[tilespmem:$0x1FD80] =	vst v63  }
0x183: {  	_ = 	snop  }
0x184: {  	[tilespmem:s3], [sflag:$0x1] =	stream.indirect.gather [hbm4b:s20+s23], $0x10, s8, s23, $0xb8;
	[tilespmem:$0x1FD80] =	vst v63  }
0x185: {  	s17 =	simm.s32 $0x1AA00;
	s8 =	simm.s32 $0x1BD00  }
0x186: {  	[tilespmem:s8], [sflag:$0x1] =	stream.indirect.gather [hbm4b:s20+s23], $0x10, s17, s23, $0xb8;
	[tilespmem:$0x1FD80] =	vst v63  }
0x187: {  	s24 =	simm.s32 $0x1C500  }
0x188: {  	[tilespmem:s24], [sflag:$0x1] =	stream.indirect.gather [hbm4b:s20+s23], $0x10, s18, s23, $0xb8;
	[tilespmem:$0x1FD80] =	vst v63  }
0x189: {  	s0 =	simm.s32 $0x1CD00  }
0x18a: {  	[tilespmem:s0], [sflag:$0x2] =	stream.indirect.gather [hbm4b:s21+s23], $0x1, s4, s23, $0xb8;
	[tilespmem:$0x1FD80] =	vst v63  }
0x18b: {  	s29 =	simm.s32 $0x1AB80;
	s3 =	simm.s32 $0x1CD80  }
0x18c: {  	[tilespmem:s3], [sflag:$0x2] =	stream.indirect.gather [hbm4b:s21+s23], $0x1, s29, s23, $0xb8;
	[tilespmem:$0x1FD80] =	vst v63  }
0x18d: {  	s26 =	simm.s32 $0x1AC00;
	s7 =	simm.s32 $0x1CE00  }
0x18e: {  	[tilespmem:s7], [sflag:$0x2] =	stream.indirect.gather [hbm4b:s21+s23], $0x1, s26, s23, $0xb8;
	[tilespmem:$0x1FD80] =	vst v63  }
0x18f: {  	s25 =	simm.s32 $0x1AC80;
	s9 =	simm.s32 $0x1CE80;
	s19 =	rddreg [dreg:$0x4]  }
0x190: {  	[tilespmem:s9], [sflag:$0x2] =	stream.indirect.gather [hbm4b:s21+s23], $0x1, s25, s23, $0xb8;
	[tilespmem:$0x1FD80] =	vst v63  }
0x191: {  	s13 =	simm.s32 $0x1CF00;
	s5 =	sadd.s32 $0x0, s19  }
0x192: {  	[tilespmem:s13], [sflag:$0x6] =	stream.linear.gather [hbm4b:s5+s10], $0x200, $0x38;
	[tilespmem:$0x1FD80] =	vst v63  }
0x193: {  	_ =	swait.ge [sflag:s31], $0x200  }
0x194: {  	[sflag:s31] =	ssyncset.done $0x0;
	s22 =	rddreg [dreg:$0x6]  }
0x195: {  	[sflag:s31] =	ssyncadd.s32 $0xFFFFFE00;
	s4 =	sadd.s32 $0x0, s22  }
0x196: {  	[tilespmem:s11], [sflag:$0x6] =	stream.linear.gather [hbm4b:s4+s10], $0x200, $0x38;
	[tilespmem:$0x1FD80] =	vst v63  }
0x197: {  	_ =	swait.ge [sflag:s31], $0x200  }
0x198: {  	[sflag:s31] =	ssyncset.done $0x0  }
0x199: {  	s5 =	simm.s32 $0x1D300;
	[sflag:s31] =	ssyncadd.s32 $0xFFFFFE00  }
0x19a: {  	[tilespmem:s5], [sflag:$0x3] =	stream.indirect.gather [hbm4b:s20+s23], $0x10, s13, s23, $0xb8;
	[tilespmem:$0x1FD80] =	vst v63  }
0x19b: {  	s6 =	simm.s32 $0x1CF80;
	s16 =	simm.s32 $0x1DB00  }
0x19c: {  	[tilespmem:s16], [sflag:$0x3] =	stream.indirect.gather [hbm4b:s20+s23], $0x10, s6, s23, $0xb8;
	[tilespmem:$0x1FD80] =	vst v63  }
0x19d: {  	s19 =	simm.s32 $0x1D000;
	s22 =	simm.s32 $0x1E300  }
0x19e: {  	[tilespmem:s22], [sflag:$0x3] =	stream.indirect.gather [hbm4b:s20+s23], $0x10, s19, s23, $0xb8;
	[tilespmem:$0x1FD80] =	vst v63  }
0x19f: {  	s19 =	simm.s32 $0x1D080;
	s22 =	simm.s32 $0x1EB00  }
0x1a0: {  	[tilespmem:s22], [sflag:$0x3] =	stream.indirect.gather [hbm4b:s20+s23], $0x10, s19, s23, $0xb8;
	[tilespmem:$0x1FD80] =	vst v63  }
0x1a1: {  	s30 =	simm.s32 $0x1F300;
	s10 =	simm.s32 $0x1D100  }
0x1a2: {  	[tilespmem:s30], [sflag:$0x4] =	stream.indirect.gather [hbm4b:s21+s23], $0x1, s10, s23, $0xb8;
	[tilespmem:$0x1FD80] =	vst v63  }
0x1a3: {  	s6 =	simm.s32 $0x1F380;
	s22 =	simm.s32 $0x1D180  }
0x1a4: {  	[tilespmem:s6], [sflag:$0x4] =	stream.indirect.gather [hbm4b:s21+s23], $0x1, s22, s23, $0xb8;
	[tilespmem:$0x1FD80] =	vst v63  }
0x1a5: {  	s4 =	simm.s32 $0x1F400;
	s19 =	simm.s32 $0x1D200  }
0x1a6: {  	[tilespmem:s4], [sflag:$0x4] =	stream.indirect.gather [hbm4b:s21+s23], $0x1, s19, s23, $0xb8;
	[tilespmem:$0x1FD80] =	vst v63  }
0x1a7: {  	s19 =	simm.s32 $0x1D280;
	s4 =	simm.s32 $0x1F480  }
0x1a8: {  	[tilespmem:s4], [sflag:$0x4] =	stream.indirect.gather [hbm4b:s21+s23], $0x1, s19, s23, $0xb8;
	[tilespmem:$0x1FD80] =	vst v63  }
0x1a9: {  	s19 =	simm.s32 $0x1  }
0x1aa: {  	_ =	swait.ge [sflag:s19], $0x800  }
0x1ab: {  	[sflag:s19] =	ssyncset.done $0x0  }
0x1ac: {  	[sflag:s19] =	ssyncadd.s32 $0xFFFFF800  }
0x1ad: {  	_ =	swait.ge [sflag:s19], $0x800  }
0x1ae: {  	[sflag:s19] =	ssyncset.done $0x0  }
0x1af: {  	[sflag:s19] =	ssyncadd.s32 $0xFFFFF800  }
0x1b0: {  	_ =	swait.ge [sflag:s19], $0x800  }
0x1b1: {  	[sflag:s19] =	ssyncset.done $0x0  }
0x1b2: {  	[sflag:s19] =	ssyncadd.s32 $0xFFFFF800  }
0x1b3: {  	_ =	swait.ge [sflag:s19], $0x800  }
0x1b4: {  	s4 =	smov.u32 s21;
	[sflag:s19] =	ssyncset.done $0x0  }
0x1b5: {  	s21 =	smov.u32 s20;
	s20 =	simm.s32 $0x2;
	[sflag:s19] =	ssyncadd.s32 $0xFFFFF800  }
0x1b6: {  	_ =	swait.ge [sflag:s20], $0x80  }
0x1b7: {  	[sflag:s20] =	ssyncset.done $0x0  }
0x1b8: {  	[sflag:s20] =	ssyncadd.s32 $0xFFFFFF80  }
0x1b9: {  	_ =	swait.ge [sflag:s20], $0x80  }
0x1ba: {  	[sflag:s20] =	ssyncset.done $0x0  }
0x1bb: {  	[sflag:s20] =	ssyncadd.s32 $0xFFFFFF80  }
0x1bc: {  	_ =	swait.ge [sflag:s20], $0x80  }
0x1bd: {  	[sflag:s20] =	ssyncset.done $0x0  }
0x1be: {  	[sflag:s20] =	ssyncadd.s32 $0xFFFFFF80  }
0x1bf: {  	_ =	swait.ge [sflag:s20], $0x80  }
0x1c0: {  	[sflag:s20] =	ssyncset.done $0x0  }
0x1c1: {  	s11 =	simm.s32 $0x1AB00;
	[sflag:s20] =	ssyncadd.s32 $0xFFFFFF80  }
0x1c2: {  	[spmem:s2] =	stream.indirect.scatter.add.f32 [tilespmem:s28], [sflag:$0x6], $0x10, s11, s23, $0xb8;
	[tilespmem:$0x1FD80] =	vst v63  }
0x1c3: {  	_ =	swait.ge [sflag:s31], $0x800  }
0x1c4: {  	[sflag:s31] =	ssyncset.done $0x0  }
0x1c5: {  	s15 =	simm.s32 $0x1A900;
	[sflag:s31] =	ssyncadd.s32 $0xFFFFF800  }
0x1c6: {  	[spmem:s1] =	stream.indirect.scatter.add.f32 [tilespmem:s0], [sflag:$0x6], $0x1, s15, s23, $0xb8;
	[tilespmem:$0x1FD80] =	vst v63  }
0x1c7: {  	_ =	swait.ge [sflag:s31], $0x80  }
0x1c8: {  	[sflag:s31] =	ssyncset.done $0x0  }
0x1c9: {  	s14 =	simm.s32 $0x1B500;
	[sflag:s31] =	ssyncadd.s32 $0xFFFFFF80  }
0x1ca: {  	[spmem:s2] =	stream.indirect.scatter.add.f32 [tilespmem:s14], [sflag:$0x6], $0x10, s29, s23, $0xb8;
	[tilespmem:$0x1FD80] =	vst v63  }
0x1cb: {  	_ =	swait.ge [sflag:s31], $0x800  }
0x1cc: {  	[sflag:s31] =	ssyncset.done $0x0  }
0x1cd: {  	s18 =	simm.s32 $0x1A980;
	[sflag:s31] =	ssyncadd.s32 $0xFFFFF800  }
0x1ce: {  	[spmem:s1] =	stream.indirect.scatter.add.f32 [tilespmem:s3], [sflag:$0x6], $0x1, s18, s23, $0xb8;
	[tilespmem:$0x1FD80] =	vst v63  }
0x1cf: {  	_ =	swait.ge [sflag:s31], $0x80  }
0x1d0: {  	[sflag:s31] =	ssyncset.done $0x0  }
0x1d1: {  	[sflag:s31] =	ssyncadd.s32 $0xFFFFFF80  }
0x1d2: {  	[spmem:s2] =	stream.indirect.scatter.add.f32 [tilespmem:s8], [sflag:$0x6], $0x10, s26, s23, $0xb8;
	[tilespmem:$0x1FD80] =	vst v63  }
0x1d3: {  	_ =	swait.ge [sflag:s31], $0x800  }
0x1d4: {  	[sflag:s31] =	ssyncset.done $0x0  }
0x1d5: {  	[sflag:s31] =	ssyncadd.s32 $0xFFFFF800  }
0x1d6: {  	[spmem:s1] =	stream.indirect.scatter.add.f32 [tilespmem:s7], [sflag:$0x6], $0x1, s17, s23, $0xb8;
	[tilespmem:$0x1FD80] =	vst v63  }
0x1d7: {  	_ =	swait.ge [sflag:s31], $0x80  }
0x1d8: {  	[sflag:s31] =	ssyncset.done $0x0  }
0x1d9: {  	[sflag:s31] =	ssyncadd.s32 $0xFFFFFF80  }
0x1da: {  	[spmem:s2] =	stream.indirect.scatter.add.f32 [tilespmem:s24], [sflag:$0x6], $0x10, s25, s23, $0xb8;
	[tilespmem:$0x1FD80] =	vst v63  }
0x1db: {  	_ =	swait.ge [sflag:s31], $0x800  }
0x1dc: {  	[sflag:s31] =	ssyncset.done $0x0  }
0x1dd: {  	s11 =	simm.s32 $0x1AA80;
	[sflag:s31] =	ssyncadd.s32 $0xFFFFF800  }
0x1de: {  	[spmem:s1] =	stream.indirect.scatter.add.f32 [tilespmem:s9], [sflag:$0x6], $0x1, s11, s23, $0xb8;
	[tilespmem:$0x1FD80] =	vst v63  }
0x1df: {  	_ =	swait.ge [sflag:s31], $0x80  }
0x1e0: {  	[sflag:s31] =	ssyncset.done $0x0  }
0x1e1: {  	s14 =	simm.s32 $0x3;
	[sflag:s31] =	ssyncadd.s32 $0xFFFFFF80  }
0x1e2: {  	_ =	swait.ge [sflag:s14], $0x800  }
0x1e3: {  	[sflag:s14] =	ssyncset.done $0x0  }
0x1e4: {  	[sflag:s14] =	ssyncadd.s32 $0xFFFFF800  }
0x1e5: {  	_ =	swait.ge [sflag:s14], $0x800  }
0x1e6: {  	[sflag:s14] =	ssyncset.done $0x0  }
0x1e7: {  	[sflag:s14] =	ssyncadd.s32 $0xFFFFF800  }
0x1e8: {  	_ =	swait.ge [sflag:s14], $0x800  }
0x1e9: {  	[sflag:s14] =	ssyncset.done $0x0  }
0x1ea: {  	[sflag:s14] =	ssyncadd.s32 $0xFFFFF800  }
0x1eb: {  	_ =	swait.ge [sflag:s14], $0x800  }
0x1ec: {  	[sflag:s14] =	ssyncset.done $0x0  }
0x1ed: {  	s15 =	simm.s32 $0x4;
	[sflag:s14] =	ssyncadd.s32 $0xFFFFF800  }
0x1ee: {  	_ =	swait.ge [sflag:s15], $0x80  }
0x1ef: {  	[sflag:s15] =	ssyncset.done $0x0  }
0x1f0: {  	[sflag:s15] =	ssyncadd.s32 $0xFFFFFF80  }
0x1f1: {  	_ =	swait.ge [sflag:s15], $0x80  }
0x1f2: {  	[sflag:s15] =	ssyncset.done $0x0  }
0x1f3: {  	[sflag:s15] =	ssyncadd.s32 $0xFFFFFF80  }
0x1f4: {  	_ =	swait.ge [sflag:s15], $0x80  }
0x1f5: {  	[sflag:s15] =	ssyncset.done $0x0  }
0x1f6: {  	[sflag:s15] =	ssyncadd.s32 $0xFFFFFF80  }
0x1f7: {  	_ =	swait.ge [sflag:s15], $0x80  }
0x1f8: {  	[sflag:s15] =	ssyncset.done $0x0  }
0x1f9: {  	[sflag:s15] =	ssyncadd.s32 $0xFFFFFF80  }
0x1fa: {  	[spmem:s2] =	stream.indirect.scatter.add.f32 [tilespmem:s5], [sflag:$0x6], $0x10, s10, s23, $0xb8;
	[tilespmem:$0x1FD80] =	vst v63  }
0x1fb: {  	_ =	swait.ge [sflag:s31], $0x800  }
0x1fc: {  	[sflag:s31] =	ssyncset.done $0x0  }
0x1fd: {  	[sflag:s31] =	ssyncadd.s32 $0xFFFFF800  }
0x1fe: {  	[spmem:s1] =	stream.indirect.scatter.add.f32 [tilespmem:s30], [sflag:$0x6], $0x1, s13, s23, $0xb8;
	[tilespmem:$0x1FD80] =	vst v63  }
0x1ff: {  	_ =	swait.ge [sflag:s31], $0x80  }
0x200: {  	[sflag:s31] =	ssyncset.done $0x0  }
0x201: {  	[sflag:s31] =	ssyncadd.s32 $0xFFFFFF80  }
0x202: {  	[spmem:s2] =	stream.indirect.scatter.add.f32 [tilespmem:s16], [sflag:$0x6], $0x10, s22, s23, $0xb8;
	[tilespmem:$0x1FD80] =	vst v63  }
0x203: {  	_ =	swait.ge [sflag:s31], $0x800  }
0x204: {  	[sflag:s31] =	ssyncset.done $0x0  }
0x205: {  	s17 =	simm.s32 $0x1CF80;
	[sflag:s31] =	ssyncadd.s32 $0xFFFFF800  }
0x206: {  	[spmem:s1] =	stream.indirect.scatter.add.f32 [tilespmem:s6], [sflag:$0x6], $0x1, s17, s23, $0xb8;
	[tilespmem:$0x1FD80] =	vst v63  }
0x207: {  	_ =	swait.ge [sflag:s31], $0x80  }
0x208: {  	[sflag:s31] =	ssyncset.done $0x0  }
0x209: {  	s20 =	simm.s32 $0x1D200;
	s18 =	simm.s32 $0x1E300;
	[sflag:s31] =	ssyncadd.s32 $0xFFFFFF80  }
0x20a: {  	[spmem:s2] =	stream.indirect.scatter.add.f32 [tilespmem:s18], [sflag:$0x6], $0x10, s20, s23, $0xb8;
	[tilespmem:$0x1FD80] =	vst v63  }
0x20b: {  	_ =	swait.ge [sflag:s31], $0x800  }
0x20c: {  	[sflag:s31] =	ssyncset.done $0x0  }
0x20d: {  	s24 =	simm.s32 $0x1F400;
	s22 =	simm.s32 $0x1D000;
	[sflag:s31] =	ssyncadd.s32 $0xFFFFF800  }
0x20e: {  	[spmem:s1] =	stream.indirect.scatter.add.f32 [tilespmem:s24], [sflag:$0x6], $0x1, s22, s23, $0xb8;
	[tilespmem:$0x1FD80] =	vst v63  }
0x20f: {  	_ =	swait.ge [sflag:s31], $0x80  }
0x210: {  	[sflag:s31] =	ssyncset.done $0x0  }
0x211: {  	s26 =	simm.s32 $0x1D280;
	s25 =	simm.s32 $0x1EB00;
	[sflag:s31] =	ssyncadd.s32 $0xFFFFFF80  }
0x212: {  	[spmem:s2] =	stream.indirect.scatter.add.f32 [tilespmem:s25], [sflag:$0x6], $0x10, s26, s23, $0xb8;
	[tilespmem:$0x1FD80] =	vst v63  }
0x213: {  	s28 =	simm.s32 $0x1D080;
	_ =	swait.ge [sflag:s31], $0x800  }
0x214: {  	s29 =	simm.s32 $0x1F480;
	s7 =	simm.s32 $0x1D100;
	[sflag:s31] =	ssyncset.done $0x0  }
0x215: {  	s10 =	simm.s32 $0x80;
	s5 =	simm.s32 $0x100;
	[sflag:s31] =	ssyncadd.s32 $0xFFFFF800  }
0x216: {  	[spmem:s1] =	stream.indirect.scatter.add.f32 [tilespmem:s29], [sflag:$0x6], $0x1, s28, s23, $0xb8;
	[tilespmem:$0x1FD80] =	vst v63  }
0x217: {  	s30 =	simm.s32 $0x2;
	s20 =	smov.u32 s21;
	_ =	swait.ge [sflag:s31], $0x80  }
0x218: {  	s21 =	smov.u32 s4;
	s25 =	simm.s32 $0x4;
	[sflag:s31] =	ssyncset.done $0x0  }
.LBB2_10:
0x219: {  	s6 =	sadd.s32 s10, s12;
	[sflag:s31] =	ssyncadd.s32 $0xFFFFFF80;
	s0 =	sadd.s32 $0x80, s5  }
0x21a: {  	s3 =	simm.s32 $0x1A900;
	s4 =	simm.s32 $0x0;
	[dreg:$0x8] =	wrdreg s0  }
0x21b: {  	[tilespmem:s3], [sflag:$0x6] =	stream.linear.gather [hbm4b:s6+s4], $0x200, $0x38;
	[tilespmem:$0x1FD80] =	vst v63  }
0x21c: {  	s12 =	smov.u32 s5;
	s16 =	rddreg [dreg:$0x4];
	_ =	swait.ge [sflag:s31], $0x200  }
0x21d: {  	p0 =	sne.s32 s5, $0x6180;
	[sflag:s31] =	ssyncset.done $0x0;
	s14 =	rddreg [dreg:$0x7]  }
0x21e: {  	s11 =	simm.s32 $0x1AB00;
	[sflag:s31] =	ssyncadd.s32 $0xFFFFFE00;
	s5 =	sadd.s32 s10, s14  }
0x21f: {  	[tilespmem:s11], [sflag:$0x6] =	stream.linear.gather [hbm4b:s5+s4], $0x200, $0x38;
	[tilespmem:$0x1FD80] =	vst v63  }
0x220: {  	_ =	swait.ge [sflag:s31], $0x200  }
0x221: {  	[sflag:s31] =	ssyncset.done $0x0  }
0x222: {  	s28 =	simm.s32 $0x1AD00;
	[sflag:s31] =	ssyncadd.s32 $0xFFFFFE00  }
0x223: {  	[tilespmem:s28], [sflag:$0x1] =	stream.indirect.gather [hbm4b:s20+s23], $0x10, s3, s23, $0xb8;
	[tilespmem:$0x1FD80] =	vst v63  }
0x224: {  	s0 =	simm.s32 $0x1B500;
	s6 =	simm.s32 $0x1A980  }
0x225: {  	[tilespmem:s0], [sflag:$0x1] =	stream.indirect.gather [hbm4b:s20+s23], $0x10, s6, s23, $0xb8;
	[tilespmem:$0x1FD80] =	vst v63  }
0x226: {  	s8 =	simm.s32 $0x1BD00;
	s17 =	simm.s32 $0x1AA00  }
0x227: {  	[tilespmem:s8], [sflag:$0x1] =	stream.indirect.gather [hbm4b:s20+s23], $0x10, s17, s23, $0xb8;
	[tilespmem:$0x1FD80] =	vst v63  }
0x228: {  	s9 =	simm.s32 $0x1C500;
	s15 =	simm.s32 $0x1AA80  }
0x229: {  	[tilespmem:s9], [sflag:$0x1] =	stream.indirect.gather [hbm4b:s20+s23], $0x10, s15, s23, $0xb8;
	[tilespmem:$0x1FD80] =	vst v63  }
0x22a: {  	s24 =	simm.s32 $0x1CD00  }
0x22b: {  	[tilespmem:s24], [sflag:$0x2] =	stream.indirect.gather [hbm4b:s21+s23], $0x1, s11, s23, $0xb8;
	[tilespmem:$0x1FD80] =	vst v63  }
0x22c: {  	s29 =	simm.s32 $0x1AB80;
	s18 =	simm.s32 $0x1CD80  }
0x22d: {  	[tilespmem:s18], [sflag:$0x2] =	stream.indirect.gather [hbm4b:s21+s23], $0x1, s29, s23, $0xb8;
	[tilespmem:$0x1FD80] =	vst v63  }
0x22e: {  	s9 =	simm.s32 $0x1AC00;
	s15 =	simm.s32 $0x1CE00  }
0x22f: {  	[tilespmem:s15], [sflag:$0x2] =	stream.indirect.gather [hbm4b:s21+s23], $0x1, s9, s23, $0xb8;
	[tilespmem:$0x1FD80] =	vst v63  }
0x230: {  	s26 =	simm.s32 $0x1AC80;
	s14 =	simm.s32 $0x1CE80  }
0x231: {  	[tilespmem:s14], [sflag:$0x2] =	stream.indirect.gather [hbm4b:s21+s23], $0x1, s26, s23, $0xb8;
	[tilespmem:$0x1FD80] =	vst v63  }
0x232: {  	s13 =	simm.s32 $0x1CF00;
	s22 =	smov.u32 s16;
	s16 =	sadd.s32 s10, s16  }
0x233: {  	[tilespmem:s13], [sflag:$0x6] =	stream.linear.gather [hbm4b:s16+s4], $0x200, $0x38;
	[tilespmem:$0x1FD80] =	vst v63  }
0x234: {  	_ =	swait.ge [sflag:s31], $0x200  }
0x235: {  	[sflag:s31] =	ssyncset.done $0x0;
	s13 =	rddreg [dreg:$0x6]  }
0x236: {  	[sflag:s31] =	ssyncadd.s32 $0xFFFFFE00;
	s5 =	sadd.s32 s10, s13  }
0x237: {  	[tilespmem:s7], [sflag:$0x6] =	stream.linear.gather [hbm4b:s5+s4], $0x200, $0x38;
	[tilespmem:$0x1FD80] =	vst v63  }
0x238: {  	s13 =	rddreg [dreg:$0x5];
	_ =	swait.ge [sflag:s31], $0x200  }
0x239: {  	[sflag:s31] =	ssyncset.done $0x0  }
0x23a: {  	s16 =	simm.s32 $0x1CF00;
	s5 =	simm.s32 $0x1D300;
	[sflag:s31] =	ssyncadd.s32 $0xFFFFFE00  }
0x23b: {  	[tilespmem:s5], [sflag:$0x3] =	stream.indirect.gather [hbm4b:s20+s23], $0x10, s16, s23, $0xb8;
	[tilespmem:$0x1FD80] =	vst v63  }
0x23c: {  	s4 =	simm.s32 $0x1DB00;
	s16 =	simm.s32 $0x1CF80  }
0x23d: {  	[tilespmem:s4], [sflag:$0x3] =	stream.indirect.gather [hbm4b:s20+s23], $0x10, s16, s23, $0xb8;
	[tilespmem:$0x1FD80] =	vst v63  }
0x23e: {  	s4 =	simm.s32 $0x1E300;
	s16 =	simm.s32 $0x1D000  }
0x23f: {  	[tilespmem:s4], [sflag:$0x3] =	stream.indirect.gather [hbm4b:s20+s23], $0x10, s16, s23, $0xb8;
	[tilespmem:$0x1FD80] =	vst v63  }
0x240: {  	s10 =	smov.u32 s12;
	s12 =	simm.s32 $0x1D080;
	s16 =	simm.s32 $0x1EB00  }
0x241: {  	[tilespmem:s16], [sflag:$0x3] =	stream.indirect.gather [hbm4b:s20+s23], $0x10, s12, s23, $0xb8;
	[tilespmem:$0x1FD80] =	vst v63  }
0x242: {  	s4 =	simm.s32 $0x1F300  }
0x243: {  	[tilespmem:s4], [sflag:$0x4] =	stream.indirect.gather [hbm4b:s21+s23], $0x1, s7, s23, $0xb8;
	[tilespmem:$0x1FD80] =	vst v63  }
0x244: {  	s16 =	simm.s32 $0x1D180;
	s12 =	simm.s32 $0x1F380  }
0x245: {  	[tilespmem:s12], [sflag:$0x4] =	stream.indirect.gather [hbm4b:s21+s23], $0x1, s16, s23, $0xb8;
	[tilespmem:$0x1FD80] =	vst v63  }
0x246: {  	s16 =	simm.s32 $0x1D200;
	s12 =	simm.s32 $0x1F400  }
0x247: {  	[tilespmem:s12], [sflag:$0x4] =	stream.indirect.gather [hbm4b:s21+s23], $0x1, s16, s23, $0xb8;
	[tilespmem:$0x1FD80] =	vst v63  }
0x248: {  	s12 =	simm.s32 $0x1D280;
	s16 =	simm.s32 $0x1F480  }
0x249: {  	[tilespmem:s16], [sflag:$0x4] =	stream.indirect.gather [hbm4b:s21+s23], $0x1, s12, s23, $0xb8;
	[tilespmem:$0x1FD80] =	vst v63  }
0x24a: {  	_ =	swait.ge [sflag:s19], $0x800  }
0x24b: {  	[sflag:s19] =	ssyncset.done $0x0  }
0x24c: {  	[sflag:s19] =	ssyncadd.s32 $0xFFFFF800  }
0x24d: {  	_ =	swait.ge [sflag:s19], $0x800  }
0x24e: {  	[sflag:s19] =	ssyncset.done $0x0  }
0x24f: {  	[sflag:s19] =	ssyncadd.s32 $0xFFFFF800  }
0x250: {  	_ =	swait.ge [sflag:s19], $0x800  }
0x251: {  	[sflag:s19] =	ssyncset.done $0x0  }
0x252: {  	[sflag:s19] =	ssyncadd.s32 $0xFFFFF800  }
0x253: {  	_ =	swait.ge [sflag:s19], $0x800  }
0x254: {  	[sflag:s19] =	ssyncset.done $0x0  }
0x255: {  	[sflag:s19] =	ssyncadd.s32 $0xFFFFF800  }
0x256: {  	_ =	swait.ge [sflag:s30], $0x80  }
0x257: {  	[sflag:s30] =	ssyncset.done $0x0  }
0x258: {  	[sflag:s30] =	ssyncadd.s32 $0xFFFFFF80  }
0x259: {  	_ =	swait.ge [sflag:s30], $0x80  }
0x25a: {  	[sflag:s30] =	ssyncset.done $0x0  }
0x25b: {  	[sflag:s30] =	ssyncadd.s32 $0xFFFFFF80  }
0x25c: {  	_ =	swait.ge [sflag:s30], $0x80  }
0x25d: {  	[sflag:s30] =	ssyncset.done $0x0  }
0x25e: {  	[sflag:s30] =	ssyncadd.s32 $0xFFFFFF80  }
0x25f: {  	_ =	swait.ge [sflag:s30], $0x80  }
0x260: {  	[sflag:s30] =	ssyncset.done $0x0  }
0x261: {  	[sflag:s30] =	ssyncadd.s32 $0xFFFFFF80  }
0x262: {  	[spmem:s2] =	stream.indirect.scatter.add.f32 [tilespmem:s28], [sflag:$0x6], $0x10, s11, s23, $0xb8;
	[tilespmem:$0x1FD80] =	vst v63  }
0x263: {  	_ =	swait.ge [sflag:s31], $0x800  }
0x264: {  	[sflag:s31] =	ssyncset.done $0x0  }
0x265: {  	[sflag:s31] =	ssyncadd.s32 $0xFFFFF800  }
0x266: {  	[spmem:s1] =	stream.indirect.scatter.add.f32 [tilespmem:s24], [sflag:$0x6], $0x1, s3, s23, $0xb8;
	[tilespmem:$0x1FD80] =	vst v63  }
0x267: {  	_ =	swait.ge [sflag:s31], $0x80  }
0x268: {  	[sflag:s31] =	ssyncset.done $0x0  }
0x269: {  	[sflag:s31] =	ssyncadd.s32 $0xFFFFFF80  }
0x26a: {  	[spmem:s2] =	stream.indirect.scatter.add.f32 [tilespmem:s0], [sflag:$0x6], $0x10, s29, s23, $0xb8;
	[tilespmem:$0x1FD80] =	vst v63  }
0x26b: {  	_ =	swait.ge [sflag:s31], $0x800  }
0x26c: {  	[sflag:s31] =	ssyncset.done $0x0  }
0x26d: {  	[sflag:s31] =	ssyncadd.s32 $0xFFFFF800  }
0x26e: {  	[spmem:s1] =	stream.indirect.scatter.add.f32 [tilespmem:s18], [sflag:$0x6], $0x1, s6, s23, $0xb8;
	[tilespmem:$0x1FD80] =	vst v63  }
0x26f: {  	_ =	swait.ge [sflag:s31], $0x80  }
0x270: {  	[sflag:s31] =	ssyncset.done $0x0  }
0x271: {  	[sflag:s31] =	ssyncadd.s32 $0xFFFFFF80  }
0x272: {  	[spmem:s2] =	stream.indirect.scatter.add.f32 [tilespmem:s8], [sflag:$0x6], $0x10, s9, s23, $0xb8;
	[tilespmem:$0x1FD80] =	vst v63  }
0x273: {  	_ =	swait.ge [sflag:s31], $0x800  }
0x274: {  	[sflag:s31] =	ssyncset.done $0x0  }
0x275: {  	[sflag:s31] =	ssyncadd.s32 $0xFFFFF800  }
0x276: {  	[spmem:s1] =	stream.indirect.scatter.add.f32 [tilespmem:s15], [sflag:$0x6], $0x1, s17, s23, $0xb8;
	[tilespmem:$0x1FD80] =	vst v63  }
0x277: {  	_ =	swait.ge [sflag:s31], $0x80  }
0x278: {  	[sflag:s31] =	ssyncset.done $0x0  }
0x279: {  	s28 =	simm.s32 $0x1C500;
	[sflag:s31] =	ssyncadd.s32 $0xFFFFFF80  }
0x27a: {  	[spmem:s2] =	stream.indirect.scatter.add.f32 [tilespmem:s28], [sflag:$0x6], $0x10, s26, s23, $0xb8;
	[tilespmem:$0x1FD80] =	vst v63  }
0x27b: {  	_ =	swait.ge [sflag:s31], $0x800  }
0x27c: {  	[sflag:s31] =	ssyncset.done $0x0  }
0x27d: {  	s3 =	simm.s32 $0x1AA80;
	[sflag:s31] =	ssyncadd.s32 $0xFFFFF800  }
0x27e: {  	[spmem:s1] =	stream.indirect.scatter.add.f32 [tilespmem:s14], [sflag:$0x6], $0x1, s3, s23, $0xb8;
	[tilespmem:$0x1FD80] =	vst v63  }
0x27f: {  	_ =	swait.ge [sflag:s31], $0x80  }
0x280: {  	[sflag:s31] =	ssyncset.done $0x0  }
0x281: {  	s29 =	simm.s32 $0x3;
	[sflag:s31] =	ssyncadd.s32 $0xFFFFFF80  }
0x282: {  	_ =	swait.ge [sflag:s29], $0x800  }
0x283: {  	[sflag:s29] =	ssyncset.done $0x0  }
0x284: {  	[sflag:s29] =	ssyncadd.s32 $0xFFFFF800  }
0x285: {  	_ =	swait.ge [sflag:s29], $0x800  }
0x286: {  	[sflag:s29] =	ssyncset.done $0x0  }
0x287: {  	[sflag:s29] =	ssyncadd.s32 $0xFFFFF800  }
0x288: {  	_ =	swait.ge [sflag:s29], $0x800  }
0x289: {  	[sflag:s29] =	ssyncset.done $0x0  }
0x28a: {  	[sflag:s29] =	ssyncadd.s32 $0xFFFFF800  }
0x28b: {  	_ =	swait.ge [sflag:s29], $0x800  }
0x28c: {  	[sflag:s29] =	ssyncset.done $0x0  }
0x28d: {  	[sflag:s29] =	ssyncadd.s32 $0xFFFFF800  }
0x28e: {  	_ =	swait.ge [sflag:s25], $0x80  }
0x28f: {  	[sflag:s25] =	ssyncset.done $0x0  }
0x290: {  	[sflag:s25] =	ssyncadd.s32 $0xFFFFFF80  }
0x291: {  	_ =	swait.ge [sflag:s25], $0x80  }
0x292: {  	[sflag:s25] =	ssyncset.done $0x0  }
0x293: {  	[sflag:s25] =	ssyncadd.s32 $0xFFFFFF80  }
0x294: {  	_ =	swait.ge [sflag:s25], $0x80  }
0x295: {  	[sflag:s25] =	ssyncset.done $0x0  }
0x296: {  	[sflag:s25] =	ssyncadd.s32 $0xFFFFFF80  }
0x297: {  	_ =	swait.ge [sflag:s25], $0x80  }
0x298: {  	[sflag:s25] =	ssyncset.done $0x0  }
0x299: {  	[sflag:s25] =	ssyncadd.s32 $0xFFFFFF80  }
0x29a: {  	[spmem:s2] =	stream.indirect.scatter.add.f32 [tilespmem:s5], [sflag:$0x6], $0x10, s7, s23, $0xb8;
	[tilespmem:$0x1FD80] =	vst v63  }
0x29b: {  	_ =	swait.ge [sflag:s31], $0x800  }
0x29c: {  	[sflag:s31] =	ssyncset.done $0x0  }
0x29d: {  	s6 =	simm.s32 $0x1CF00;
	[sflag:s31] =	ssyncadd.s32 $0xFFFFF800  }
0x29e: {  	[spmem:s1] =	stream.indirect.scatter.add.f32 [tilespmem:s4], [sflag:$0x6], $0x1, s6, s23, $0xb8;
	[tilespmem:$0x1FD80] =	vst v63  }
0x29f: {  	_ =	swait.ge [sflag:s31], $0x80  }
0x2a0: {  	[sflag:s31] =	ssyncset.done $0x0  }
0x2a1: {  	s8 =	simm.s32 $0x1DB00;
	s9 =	simm.s32 $0x1D180;
	[sflag:s31] =	ssyncadd.s32 $0xFFFFFF80  }
0x2a2: {  	[spmem:s2] =	stream.indirect.scatter.add.f32 [tilespmem:s8], [sflag:$0x6], $0x10, s9, s23, $0xb8;
	[tilespmem:$0x1FD80] =	vst v63  }
0x2a3: {  	_ =	swait.ge [sflag:s31], $0x800  }
0x2a4: {  	[sflag:s31] =	ssyncset.done $0x0  }
0x2a5: {  	s11 =	simm.s32 $0x1CF80;
	s14 =	simm.s32 $0x1F380;
	[sflag:s31] =	ssyncadd.s32 $0xFFFFF800  }
0x2a6: {  	[spmem:s1] =	stream.indirect.scatter.add.f32 [tilespmem:s14], [sflag:$0x6], $0x1, s11, s23, $0xb8;
	[tilespmem:$0x1FD80] =	vst v63  }
0x2a7: {  	_ =	swait.ge [sflag:s31], $0x80  }
0x2a8: {  	[sflag:s31] =	ssyncset.done $0x0  }
0x2a9: {  	s15 =	simm.s32 $0x1E300;
	s17 =	simm.s32 $0x1D200;
	[sflag:s31] =	ssyncadd.s32 $0xFFFFFF80  }
0x2aa: {  	[spmem:s2] =	stream.indirect.scatter.add.f32 [tilespmem:s15], [sflag:$0x6], $0x10, s17, s23, $0xb8;
	[tilespmem:$0x1FD80] =	vst v63  }
0x2ab: {  	_ =	swait.ge [sflag:s31], $0x800  }
0x2ac: {  	[sflag:s31] =	ssyncset.done $0x0  }
0x2ad: {  	s24 =	simm.s32 $0x1F400;
	s18 =	simm.s32 $0x1D000;
	[sflag:s31] =	ssyncadd.s32 $0xFFFFF800  }
0x2ae: {  	[spmem:s1] =	stream.indirect.scatter.add.f32 [tilespmem:s24], [sflag:$0x6], $0x1, s18, s23, $0xb8;
	[tilespmem:$0x1FD80] =	vst v63  }
0x2af: {  	_ =	swait.ge [sflag:s31], $0x80  }
0x2b0: {  	[sflag:s31] =	ssyncset.done $0x0  }
0x2b1: {  	s16 =	simm.s32 $0x1D280;
	s26 =	simm.s32 $0x1EB00;
	[sflag:s31] =	ssyncadd.s32 $0xFFFFFF80  }
0x2b2: {  	[spmem:s2] =	stream.indirect.scatter.add.f32 [tilespmem:s26], [sflag:$0x6], $0x10, s16, s23, $0xb8;
	[tilespmem:$0x1FD80] =	vst v63  }
0x2b3: {  	_ =	swait.ge [sflag:s31], $0x800  }
.Ltmp4:
0x2b4: {  	s12 =	smov.u32 s13;
	[sflag:s31] =	ssyncset.done $0x0;
	(pc) =	sbr.rel @p0 .LBB2_10-.Ltmp4, $4  }
0x2b5: {  	s13 =	simm.s32 $0x1F480;
	s28 =	simm.s32 $0x1D080;
	[sflag:s31] =	ssyncadd.s32 $0xFFFFF800  }
0x2b6: {  	[spmem:s1] =	stream.indirect.scatter.add.f32 [tilespmem:s13], [sflag:$0x6], $0x1, s28, s23, $0xb8;
	[tilespmem:$0x1FD80] =	vst v63  }
0x2b7: {  	_ =	swait.ge [sflag:s31], $0x80  }
0x2b8: {  	[sflag:s31] =	ssyncset.done $0x0;
	s5 =	rddreg [dreg:$0x8]  }
0x2b9: {  	s5 =	sadd.s32 s10, s12  }
0x2ba: {  	[sflag:s31] =	ssyncadd.s32 $0xFFFFFF80;
	s26 =	simm.s32 $0x1A900;
	s3 =	simm.s32 $0x0  }
0x2bb: {  	[tilespmem:s26], [sflag:$0x6] =	stream.linear.gather [hbm4b:s5+s3], $0x200, $0x38;
	[tilespmem:$0x1FD80] =	vst v63  }
0x2bc: {  	_ =	swait.ge [sflag:s31], $0x200  }
0x2bd: {  	[sflag:s31] =	ssyncset.done $0x0;
	s0 =	rddreg [dreg:$0x7]  }
0x2be: {  	s15 =	simm.s32 $0x1AB00;
	[sflag:s31] =	ssyncadd.s32 $0xFFFFFE00;
	s0 =	sadd.s32 s10, s0  }
0x2bf: {  	[tilespmem:s15], [sflag:$0x6] =	stream.linear.gather [hbm4b:s0+s3], $0x200, $0x38;
	[tilespmem:$0x1FD80] =	vst v63  }
0x2c0: {  	_ =	swait.ge [sflag:s31], $0x200  }
0x2c1: {  	[sflag:s31] =	ssyncset.done $0x0  }
0x2c2: {  	s4 =	simm.s32 $0x1AD00;
	[sflag:s31] =	ssyncadd.s32 $0xFFFFFE00  }
0x2c3: {  	[tilespmem:s4], [sflag:$0x1] =	stream.indirect.gather [hbm4b:s20+s23], $0x10, s26, s23, $0xb8;
	[tilespmem:$0x1FD80] =	vst v63  }
0x2c4: {  	s5 =	simm.s32 $0x1A980;
	s4 =	simm.s32 $0x1B500  }
0x2c5: {  	[tilespmem:s4], [sflag:$0x1] =	stream.indirect.gather [hbm4b:s20+s23], $0x10, s5, s23, $0xb8;
	[tilespmem:$0x1FD80] =	vst v63  }
0x2c6: {  	s6 =	simm.s32 $0x1BD00;
	s8 =	simm.s32 $0x1AA00  }
0x2c7: {  	[tilespmem:s6], [sflag:$0x1] =	stream.indirect.gather [hbm4b:s20+s23], $0x10, s8, s23, $0xb8;
	[tilespmem:$0x1FD80] =	vst v63  }
0x2c8: {  	s11 =	simm.s32 $0x1C500;
	s14 =	simm.s32 $0x1AA80  }
0x2c9: {  	[tilespmem:s11], [sflag:$0x1] =	stream.indirect.gather [hbm4b:s20+s23], $0x10, s14, s23, $0xb8;
	[tilespmem:$0x1FD80] =	vst v63  }
0x2ca: {  	s24 =	simm.s32 $0x1CD00  }
0x2cb: {  	[tilespmem:s24], [sflag:$0x2] =	stream.indirect.gather [hbm4b:s21+s23], $0x1, s15, s23, $0xb8;
	[tilespmem:$0x1FD80] =	vst v63  }
0x2cc: {  	s16 =	simm.s32 $0x1AB80;
	s4 =	simm.s32 $0x1CD80  }
0x2cd: {  	[tilespmem:s4], [sflag:$0x2] =	stream.indirect.gather [hbm4b:s21+s23], $0x1, s16, s23, $0xb8;
	[tilespmem:$0x1FD80] =	vst v63  }
0x2ce: {  	s17 =	simm.s32 $0x1AC00;
	s6 =	simm.s32 $0x1CE00  }
0x2cf: {  	[tilespmem:s6], [sflag:$0x2] =	stream.indirect.gather [hbm4b:s21+s23], $0x1, s17, s23, $0xb8;
	[tilespmem:$0x1FD80] =	vst v63  }
0x2d0: {  	s18 =	simm.s32 $0x1AC80;
	s8 =	simm.s32 $0x1CE80  }
0x2d1: {  	[tilespmem:s8], [sflag:$0x2] =	stream.indirect.gather [hbm4b:s21+s23], $0x1, s18, s23, $0xb8;
	[tilespmem:$0x1FD80] =	vst v63  }
0x2d2: {  	s14 =	simm.s32 $0x1CF00;
	s16 =	smov.u32 s22;
	s22 =	sadd.s32 s10, s22  }
0x2d3: {  	[tilespmem:s14], [sflag:$0x6] =	stream.linear.gather [hbm4b:s22+s3], $0x200, $0x38;
	[tilespmem:$0x1FD80] =	vst v63  }
0x2d4: {  	_ =	swait.ge [sflag:s31], $0x200  }
0x2d5: {  	[sflag:s31] =	ssyncset.done $0x0;
	s28 =	rddreg [dreg:$0x6]  }
0x2d6: {  	[sflag:s31] =	ssyncadd.s32 $0xFFFFFE00;
	s0 =	sadd.s32 s10, s28  }
0x2d7: {  	[tilespmem:s7], [sflag:$0x6] =	stream.linear.gather [hbm4b:s0+s3], $0x200, $0x38;
	[tilespmem:$0x1FD80] =	vst v63  }
0x2d8: {  	_ =	swait.ge [sflag:s31], $0x200  }
0x2d9: {  	[sflag:s31] =	ssyncset.done $0x0  }
0x2da: {  	s22 =	simm.s32 $0x1D300;
	[sflag:s31] =	ssyncadd.s32 $0xFFFFFE00  }
0x2db: {  	[tilespmem:s22], [sflag:$0x3] =	stream.indirect.gather [hbm4b:s20+s23], $0x10, s14, s23, $0xb8;
	[tilespmem:$0x1FD80] =	vst v63  }
0x2dc: {  	s18 =	simm.s32 $0x1CF80;
	s10 =	simm.s32 $0x1DB00  }
0x2dd: {  	[tilespmem:s10], [sflag:$0x3] =	stream.indirect.gather [hbm4b:s20+s23], $0x10, s18, s23, $0xb8;
	[tilespmem:$0x1FD80] =	vst v63  }
0x2de: {  	s10 =	simm.s32 $0x1E300;
	s18 =	simm.s32 $0x1D000  }
0x2df: {  	[tilespmem:s10], [sflag:$0x3] =	stream.indirect.gather [hbm4b:s20+s23], $0x10, s18, s23, $0xb8;
	[tilespmem:$0x1FD80] =	vst v63  }
0x2e0: {  	s0 =	simm.s32 $0x1EB00;
	s10 =	simm.s32 $0x1D080  }
0x2e1: {  	[tilespmem:s0], [sflag:$0x3] =	stream.indirect.gather [hbm4b:s20+s23], $0x10, s10, s23, $0xb8;
	[tilespmem:$0x1FD80] =	vst v63  }
0x2e2: {  	s5 =	simm.s32 $0x1F300  }
0x2e3: {  	[tilespmem:s5], [sflag:$0x4] =	stream.indirect.gather [hbm4b:s21+s23], $0x1, s7, s23, $0xb8;
	[tilespmem:$0x1FD80] =	vst v63  }
0x2e4: {  	s18 =	simm.s32 $0x1D180;
	s10 =	simm.s32 $0x1F380  }
0x2e5: {  	[tilespmem:s10], [sflag:$0x4] =	stream.indirect.gather [hbm4b:s21+s23], $0x1, s18, s23, $0xb8;
	[tilespmem:$0x1FD80] =	vst v63  }
0x2e6: {  	s20 =	simm.s32 $0x1D200;
	s18 =	simm.s32 $0x1F400  }
0x2e7: {  	[tilespmem:s18], [sflag:$0x4] =	stream.indirect.gather [hbm4b:s21+s23], $0x1, s20, s23, $0xb8;
	[tilespmem:$0x1FD80] =	vst v63  }
0x2e8: {  	s0 =	simm.s32 $0x1D280;
	s20 =	simm.s32 $0x1F480  }
0x2e9: {  	[tilespmem:s20], [sflag:$0x4] =	stream.indirect.gather [hbm4b:s21+s23], $0x1, s0, s23, $0xb8;
	[tilespmem:$0x1FD80] =	vst v63  }
0x2ea: {  	_ =	swait.ge [sflag:s19], $0x800  }
0x2eb: {  	[sflag:s19] =	ssyncset.done $0x0  }
0x2ec: {  	[sflag:s19] =	ssyncadd.s32 $0xFFFFF800  }
0x2ed: {  	_ =	swait.ge [sflag:s19], $0x800  }
0x2ee: {  	[sflag:s19] =	ssyncset.done $0x0  }
0x2ef: {  	[sflag:s19] =	ssyncadd.s32 $0xFFFFF800  }
0x2f0: {  	_ =	swait.ge [sflag:s19], $0x800  }
0x2f1: {  	[sflag:s19] =	ssyncset.done $0x0  }
0x2f2: {  	[sflag:s19] =	ssyncadd.s32 $0xFFFFF800  }
0x2f3: {  	_ =	swait.ge [sflag:s19], $0x800  }
0x2f4: {  	[sflag:s19] =	ssyncset.done $0x0  }
0x2f5: {  	[sflag:s19] =	ssyncadd.s32 $0xFFFFF800  }
0x2f6: {  	_ =	swait.ge [sflag:s30], $0x80  }
0x2f7: {  	[sflag:s30] =	ssyncset.done $0x0  }
0x2f8: {  	[sflag:s30] =	ssyncadd.s32 $0xFFFFFF80  }
0x2f9: {  	_ =	swait.ge [sflag:s30], $0x80  }
0x2fa: {  	[sflag:s30] =	ssyncset.done $0x0  }
0x2fb: {  	[sflag:s30] =	ssyncadd.s32 $0xFFFFFF80  }
0x2fc: {  	_ =	swait.ge [sflag:s30], $0x80  }
0x2fd: {  	[sflag:s30] =	ssyncset.done $0x0  }
0x2fe: {  	[sflag:s30] =	ssyncadd.s32 $0xFFFFFF80  }
0x2ff: {  	_ =	swait.ge [sflag:s30], $0x80  }
0x300: {  	[sflag:s30] =	ssyncset.done $0x0  }
0x301: {  	s9 =	simm.s32 $0x1AD00;
	[sflag:s30] =	ssyncadd.s32 $0xFFFFFF80  }
0x302: {  	[spmem:s2] =	stream.indirect.scatter.add.f32 [tilespmem:s9], [sflag:$0x6], $0x10, s15, s23, $0xb8;
	[tilespmem:$0x1FD80] =	vst v63  }
0x303: {  	_ =	swait.ge [sflag:s31], $0x800  }
0x304: {  	[sflag:s31] =	ssyncset.done $0x0  }
0x305: {  	[sflag:s31] =	ssyncadd.s32 $0xFFFFF800  }
0x306: {  	[spmem:s1] =	stream.indirect.scatter.add.f32 [tilespmem:s24], [sflag:$0x6], $0x1, s26, s23, $0xb8;
	[tilespmem:$0x1FD80] =	vst v63  }
0x307: {  	_ =	swait.ge [sflag:s31], $0x80  }
0x308: {  	[sflag:s31] =	ssyncset.done $0x0  }
0x309: {  	s13 =	simm.s32 $0x1B500;
	s11 =	simm.s32 $0x1AB80;
	[sflag:s31] =	ssyncadd.s32 $0xFFFFFF80  }
0x30a: {  	[spmem:s2] =	stream.indirect.scatter.add.f32 [tilespmem:s13], [sflag:$0x6], $0x10, s11, s23, $0xb8;
	[tilespmem:$0x1FD80] =	vst v63  }
0x30b: {  	_ =	swait.ge [sflag:s31], $0x800  }
0x30c: {  	[sflag:s31] =	ssyncset.done $0x0  }
0x30d: {  	s9 =	simm.s32 $0x1A980;
	[sflag:s31] =	ssyncadd.s32 $0xFFFFF800  }
0x30e: {  	[spmem:s1] =	stream.indirect.scatter.add.f32 [tilespmem:s4], [sflag:$0x6], $0x1, s9, s23, $0xb8;
	[tilespmem:$0x1FD80] =	vst v63  }
0x30f: {  	_ =	swait.ge [sflag:s31], $0x80  }
0x310: {  	[sflag:s31] =	ssyncset.done $0x0  }
0x311: {  	s17 =	simm.s32 $0x1AC00;
	s11 =	simm.s32 $0x1BD00;
	[sflag:s31] =	ssyncadd.s32 $0xFFFFFF80  }
0x312: {  	[spmem:s2] =	stream.indirect.scatter.add.f32 [tilespmem:s11], [sflag:$0x6], $0x10, s17, s23, $0xb8;
	[tilespmem:$0x1FD80] =	vst v63  }
0x313: {  	_ =	swait.ge [sflag:s31], $0x800  }
0x314: {  	[sflag:s31] =	ssyncset.done $0x0  }
0x315: {  	s13 =	simm.s32 $0x1AA00;
	[sflag:s31] =	ssyncadd.s32 $0xFFFFF800  }
0x316: {  	[spmem:s1] =	stream.indirect.scatter.add.f32 [tilespmem:s6], [sflag:$0x6], $0x1, s13, s23, $0xb8;
	[tilespmem:$0x1FD80] =	vst v63  }
0x317: {  	_ =	swait.ge [sflag:s31], $0x80  }
0x318: {  	[sflag:s31] =	ssyncset.done $0x0  }
0x319: {  	s21 =	simm.s32 $0x1C500;
	s17 =	simm.s32 $0x1AC80;
	[sflag:s31] =	ssyncadd.s32 $0xFFFFFF80  }
0x31a: {  	[spmem:s2] =	stream.indirect.scatter.add.f32 [tilespmem:s21], [sflag:$0x6], $0x10, s17, s23, $0xb8;
	[tilespmem:$0x1FD80] =	vst v63  }
0x31b: {  	_ =	swait.ge [sflag:s31], $0x800  }
0x31c: {  	[sflag:s31] =	ssyncset.done $0x0  }
0x31d: {  	s24 =	simm.s32 $0x1AA80;
	[sflag:s31] =	ssyncadd.s32 $0xFFFFF800  }
0x31e: {  	[spmem:s1] =	stream.indirect.scatter.add.f32 [tilespmem:s8], [sflag:$0x6], $0x1, s24, s23, $0xb8;
	[tilespmem:$0x1FD80] =	vst v63  }
0x31f: {  	_ =	swait.ge [sflag:s31], $0x80  }
0x320: {  	[sflag:s31] =	ssyncset.done $0x0  }
0x321: {  	[sflag:s31] =	ssyncadd.s32 $0xFFFFFF80  }
0x322: {  	_ =	swait.ge [sflag:s29], $0x800  }
0x323: {  	[sflag:s29] =	ssyncset.done $0x0  }
0x324: {  	[sflag:s29] =	ssyncadd.s32 $0xFFFFF800  }
0x325: {  	_ =	swait.ge [sflag:s29], $0x800  }
0x326: {  	[sflag:s29] =	ssyncset.done $0x0  }
0x327: {  	[sflag:s29] =	ssyncadd.s32 $0xFFFFF800  }
0x328: {  	_ =	swait.ge [sflag:s29], $0x800  }
0x329: {  	[sflag:s29] =	ssyncset.done $0x0  }
0x32a: {  	[sflag:s29] =	ssyncadd.s32 $0xFFFFF800  }
0x32b: {  	_ =	swait.ge [sflag:s29], $0x800  }
0x32c: {  	[sflag:s29] =	ssyncset.done $0x0  }
0x32d: {  	[sflag:s29] =	ssyncadd.s32 $0xFFFFF800  }
0x32e: {  	_ =	swait.ge [sflag:s25], $0x80  }
0x32f: {  	[sflag:s25] =	ssyncset.done $0x0  }
0x330: {  	[sflag:s25] =	ssyncadd.s32 $0xFFFFFF80  }
0x331: {  	_ =	swait.ge [sflag:s25], $0x80  }
0x332: {  	[sflag:s25] =	ssyncset.done $0x0  }
0x333: {  	[sflag:s25] =	ssyncadd.s32 $0xFFFFFF80  }
0x334: {  	_ =	swait.ge [sflag:s25], $0x80  }
0x335: {  	[sflag:s25] =	ssyncset.done $0x0  }
0x336: {  	[sflag:s25] =	ssyncadd.s32 $0xFFFFFF80  }
0x337: {  	_ =	swait.ge [sflag:s25], $0x80  }
0x338: {  	[sflag:s25] =	ssyncset.done $0x0  }
0x339: {  	[sflag:s25] =	ssyncadd.s32 $0xFFFFFF80  }
0x33a: {  	[spmem:s2] =	stream.indirect.scatter.add.f32 [tilespmem:s22], [sflag:$0x6], $0x10, s7, s23, $0xb8;
	[tilespmem:$0x1FD80] =	vst v63  }
0x33b: {  	_ =	swait.ge [sflag:s31], $0x800  }
0x33c: {  	[sflag:s31] =	ssyncset.done $0x0  }
0x33d: {  	[sflag:s31] =	ssyncadd.s32 $0xFFFFF800  }
0x33e: {  	[spmem:s1] =	stream.indirect.scatter.add.f32 [tilespmem:s5], [sflag:$0x6], $0x1, s14, s23, $0xb8;
	[tilespmem:$0x1FD80] =	vst v63  }
0x33f: {  	_ =	swait.ge [sflag:s31], $0x80  }
0x340: {  	[sflag:s31] =	ssyncset.done $0x0  }
0x341: {  	s21 =	simm.s32 $0x1D180;
	s24 =	simm.s32 $0x1DB00;
	[sflag:s31] =	ssyncadd.s32 $0xFFFFFF80  }
0x342: {  	[spmem:s2] =	stream.indirect.scatter.add.f32 [tilespmem:s24], [sflag:$0x6], $0x10, s21, s23, $0xb8;
	[tilespmem:$0x1FD80] =	vst v63  }
0x343: {  	_ =	swait.ge [sflag:s31], $0x800  }
0x344: {  	[sflag:s31] =	ssyncset.done $0x0  }
0x345: {  	s13 =	simm.s32 $0x1CF80;
	[sflag:s31] =	ssyncadd.s32 $0xFFFFF800  }
0x346: {  	[spmem:s1] =	stream.indirect.scatter.add.f32 [tilespmem:s10], [sflag:$0x6], $0x1, s13, s23, $0xb8;
	[tilespmem:$0x1FD80] =	vst v63  }
0x347: {  	_ =	swait.ge [sflag:s31], $0x80  }
0x348: {  	[sflag:s31] =	ssyncset.done $0x0  }
0x349: {  	s30 =	simm.s32 $0x1D200;
	s11 =	simm.s32 $0x1E300;
	[sflag:s31] =	ssyncadd.s32 $0xFFFFFF80  }
0x34a: {  	[spmem:s2] =	stream.indirect.scatter.add.f32 [tilespmem:s11], [sflag:$0x6], $0x10, s30, s23, $0xb8;
	[tilespmem:$0x1FD80] =	vst v63  }
0x34b: {  	_ =	swait.ge [sflag:s31], $0x800  }
0x34c: {  	[sflag:s31] =	ssyncset.done $0x0  }
0x34d: {  	s9 =	simm.s32 $0x1D000;
	[sflag:s31] =	ssyncadd.s32 $0xFFFFF800  }
0x34e: {  	[spmem:s1] =	stream.indirect.scatter.add.f32 [tilespmem:s18], [sflag:$0x6], $0x1, s9, s23, $0xb8;
	[tilespmem:$0x1FD80] =	vst v63  }
0x34f: {  	_ =	swait.ge [sflag:s31], $0x80  }
0x350: {  	[sflag:s31] =	ssyncset.done $0x0  }
0x351: {  	s6 =	simm.s32 $0x1EB00;
	s25 =	simm.s32 $0x1D280;
	[sflag:s31] =	ssyncadd.s32 $0xFFFFFF80  }
0x352: {  	[spmem:s2] =	stream.indirect.scatter.add.f32 [tilespmem:s6], [sflag:$0x6], $0x10, s25, s23, $0xb8;
	[tilespmem:$0x1FD80] =	vst v63  }
0x353: {  	_ =	swait.ge [sflag:s31], $0x800  }
0x354: {  	[sflag:s31] =	ssyncset.done $0x0  }
0x355: {  	s4 =	simm.s32 $0x1D080;
	[sflag:s31] =	ssyncadd.s32 $0xFFFFF800  }
0x356: {  	[spmem:s1] =	stream.indirect.scatter.add.f32 [tilespmem:s20], [sflag:$0x6], $0x1, s4, s23, $0xb8;
	[tilespmem:$0x1FD80] =	vst v63  }
0x357: {  	_ =	swait.ge [sflag:s31], $0x80  }
0x358: {  	[sflag:s31] =	ssyncset.done $0x0  }
0x359: {  	[sflag:s31] =	ssyncadd.s32 $0xFFFFFF80  }
0x35a: {  	[bflag:$0x0] =	sbarrier.arrive $0xFFFF  }
0x35b: {  	s0 =	rddreg [dreg:$0x14]  }
0x35c: {  	s20 =	rddreg [dreg:$0x13]  }
0x35d: {  	s25 =	rddreg [dreg:$0x17];
	s5 =	sshrl.u32 s0, $0x3  }
0x35e: {  	[hbm:s25], [sflag:s20] =	dma.local [spmem:s5], $0x3200  }
0x35f: {  	_ =	swait.ge [sflag:s31], $0x3200  }
0x360: {  	[sflag:s31] =	ssyncset.done $0x0;
	s0 =	rddreg [dreg:$0x15]  }
0x361: {  	s17 =	rddreg [dreg:$0x1c];
	[sflag:s31] =	ssyncadd.s32 $0xFFFFCE00  }
0x362: {  	[hbm:s0], [sflag:s20] =	dma.local [spmem:s17], $0x320  }
0x363: {  	_ =	swait.ge [sflag:s31], $0x320  }
0x364: {  	[sflag:s31] =	ssyncset.done $0x0;
	s18 =	rddreg [dreg:$0x16]  }
0x365: {  	[smem:$0x7FD] =	sst s5;
	[sflag:s31] =	ssyncadd.s32 $0xFFFFFCE0  }
0x366: {  	[spmem:s5], [sflag:s20] =	dma.local [hbm:s18], $0x3200  }
0x367: {  	_ =	swait.ge [sflag:s31], $0x3200  }
0x368: {  	[sflag:s31] =	ssyncset.done $0x0  }
0x369: {  	[sflag:s31] =	ssyncadd.s32 $0xFFFFCE00  }
0x36a: {  	s20 =	sadd.s32 $0x0, s12;
	[bflag:$0x0] =	sbarrier.arrive $0xFFFF  }
0x36b: {  	[tilespmem:s26], [sflag:$0x6] =	stream.linear.gather [hbm4b:s20+s3], $0x200, $0x38;
	[tilespmem:$0x1FD80] =	vst v63  }
0x36c: {  	_ =	swait.ge [sflag:s31], $0x200  }
0x36d: {  	[sflag:s31] =	ssyncset.done $0x0;
	s25 =	rddreg [dreg:$0x7]  }
0x36e: {  	[sflag:s31] =	ssyncadd.s32 $0xFFFFFE00;
	s0 =	sadd.s32 $0x0, s25  }
0x36f: {  	[tilespmem:s15], [sflag:$0x6] =	stream.linear.gather [hbm4b:s0+s3], $0x200, $0x38;
	[tilespmem:$0x1FD80] =	vst v63  }
0x370: {  	_ =	swait.ge [sflag:s31], $0x200  }
0x371: {  	[sflag:s31] =	ssyncset.done $0x0  }
0x372: {  	s18 =	simm.s32 $0x1AD00;
	s25 =	rddreg [dreg:$0x1f];
	[sflag:s31] =	ssyncadd.s32 $0xFFFFFE00  }
0x373: {  	[tilespmem:s18], [sflag:$0x1] =	stream.indirect.gather [hbm4b:s25+s23], $0x10, s26, s23, $0xb8;
	[tilespmem:$0x1FD80] =	vst v63  }
0x374: {  	s17 =	simm.s32 $0x1B500;
	s5 =	simm.s32 $0x1A980  }
0x375: {  	[tilespmem:s17], [sflag:$0x1] =	stream.indirect.gather [hbm4b:s25+s23], $0x10, s5, s23, $0xb8;
	[tilespmem:$0x1FD80] =	vst v63  }
0x376: {  	s8 =	simm.s32 $0x1AA00;
	s10 =	simm.s32 $0x1BD00  }
0x377: {  	[tilespmem:s10], [sflag:$0x1] =	stream.indirect.gather [hbm4b:s25+s23], $0x10, s8, s23, $0xb8;
	[tilespmem:$0x1FD80] =	vst v63  }
0x378: {  	s20 =	simm.s32 $0x1AA80;
	s8 =	simm.s32 $0x1C500  }
0x379: {  	[tilespmem:s8], [sflag:$0x1] =	stream.indirect.gather [hbm4b:s25+s23], $0x10, s20, s23, $0xb8;
	[tilespmem:$0x1FD80] =	vst v63  }
0x37a: {  	s26 =	sadd.s32 $0x0, s16  }
0x37b: {  	[tilespmem:s14], [sflag:$0x6] =	stream.linear.gather [hbm4b:s26+s3], $0x200, $0x38;
	[tilespmem:$0x1FD80] =	vst v63  }
0x37c: {  	_ =	swait.ge [sflag:s31], $0x200  }
0x37d: {  	[sflag:s31] =	ssyncset.done $0x0  }
0x37e: {  	s0 =	sadd.s32 $0x0, s28;
	[sflag:s31] =	ssyncadd.s32 $0xFFFFFE00  }
0x37f: {  	[tilespmem:s7], [sflag:$0x6] =	stream.linear.gather [hbm4b:s0+s3], $0x200, $0x38;
	[tilespmem:$0x1FD80] =	vst v63  }
0x380: {  	_ =	swait.ge [sflag:s31], $0x200  }
0x381: {  	[sflag:s31] =	ssyncset.done $0x0  }
0x382: {  	[sflag:s31] =	ssyncadd.s32 $0xFFFFFE00  }
0x383: {  	[tilespmem:s22], [sflag:$0x3] =	stream.indirect.gather [hbm4b:s25+s23], $0x10, s14, s23, $0xb8;
	[tilespmem:$0x1FD80] =	vst v63  }
0x384: {  	_ = 	snop  }
0x385: {  	[tilespmem:s24], [sflag:$0x3] =	stream.indirect.gather [hbm4b:s25+s23], $0x10, s13, s23, $0xb8;
	[tilespmem:$0x1FD80] =	vst v63  }
0x386: {  	_ = 	snop  }
0x387: {  	[tilespmem:s11], [sflag:$0x3] =	stream.indirect.gather [hbm4b:s25+s23], $0x10, s9, s23, $0xb8;
	[tilespmem:$0x1FD80] =	vst v63  }
0x388: {  	_ = 	snop  }
0x389: {  	[tilespmem:s6], [sflag:$0x3] =	stream.indirect.gather [hbm4b:s25+s23], $0x10, s4, s23, $0xb8;
	[tilespmem:$0x1FD80] =	vst v63  }
0x38a: {  	_ =	swait.ge [sflag:s19], $0x800  }
0x38b: {  	[sflag:s19] =	ssyncset.done $0x0  }
0x38c: {  	[sflag:s19] =	ssyncadd.s32 $0xFFFFF800  }
0x38d: {  	_ =	swait.ge [sflag:s19], $0x800  }
0x38e: {  	[sflag:s19] =	ssyncset.done $0x0  }
0x38f: {  	[sflag:s19] =	ssyncadd.s32 $0xFFFFF800  }
0x390: {  	_ =	swait.ge [sflag:s19], $0x800  }
0x391: {  	[sflag:s19] =	ssyncset.done $0x0  }
0x392: {  	[sflag:s19] =	ssyncadd.s32 $0xFFFFF800  }
0x393: {  	_ =	swait.ge [sflag:s19], $0x800  }
0x394: {  	[sflag:s19] =	ssyncset.done $0x0  }
0x395: {  	[sflag:s19] =	ssyncadd.s32 $0xFFFFF800  }
0x396: {  	[spmem:s2] =	stream.indirect.scatter.add.f32 [tilespmem:s18], [sflag:$0x6], $0x10, s15, s23, $0xb8;
	[tilespmem:$0x1FD80] =	vst v63  }
0x397: {  	_ =	swait.ge [sflag:s31], $0x800  }
0x398: {  	[sflag:s31] =	ssyncset.done $0x0  }
0x399: {  	s19 =	simm.s32 $0x1AB80;
	[sflag:s31] =	ssyncadd.s32 $0xFFFFF800  }
0x39a: {  	[spmem:s2] =	stream.indirect.scatter.add.f32 [tilespmem:s17], [sflag:$0x6], $0x10, s19, s23, $0xb8;
	[tilespmem:$0x1FD80] =	vst v63  }
0x39b: {  	_ =	swait.ge [sflag:s31], $0x800  }
0x39c: {  	[sflag:s31] =	ssyncset.done $0x0  }
0x39d: {  	s20 =	simm.s32 $0x1AC00;
	[sflag:s31] =	ssyncadd.s32 $0xFFFFF800  }
0x39e: {  	[spmem:s2] =	stream.indirect.scatter.add.f32 [tilespmem:s10], [sflag:$0x6], $0x10, s20, s23, $0xb8;
	[tilespmem:$0x1FD80] =	vst v63  }
0x39f: {  	_ =	swait.ge [sflag:s31], $0x800  }
0x3a0: {  	[sflag:s31] =	ssyncset.done $0x0  }
0x3a1: {  	s24 =	simm.s32 $0x1AC80;
	[sflag:s31] =	ssyncadd.s32 $0xFFFFF800  }
0x3a2: {  	[spmem:s2] =	stream.indirect.scatter.add.f32 [tilespmem:s8], [sflag:$0x6], $0x10, s24, s23, $0xb8;
	[tilespmem:$0x1FD80] =	vst v63  }
0x3a3: {  	_ =	swait.ge [sflag:s31], $0x800  }
0x3a4: {  	[sflag:s31] =	ssyncset.done $0x0  }
0x3a5: {  	[sflag:s31] =	ssyncadd.s32 $0xFFFFF800  }
0x3a6: {  	_ =	swait.ge [sflag:s29], $0x800  }
0x3a7: {  	[sflag:s29] =	ssyncset.done $0x0  }
0x3a8: {  	[sflag:s29] =	ssyncadd.s32 $0xFFFFF800  }
0x3a9: {  	_ =	swait.ge [sflag:s29], $0x800  }
0x3aa: {  	[sflag:s29] =	ssyncset.done $0x0  }
0x3ab: {  	[sflag:s29] =	ssyncadd.s32 $0xFFFFF800  }
0x3ac: {  	_ =	swait.ge [sflag:s29], $0x800  }
0x3ad: {  	[sflag:s29] =	ssyncset.done $0x0  }
0x3ae: {  	[sflag:s29] =	ssyncadd.s32 $0xFFFFF800  }
0x3af: {  	_ =	swait.ge [sflag:s29], $0x800  }
0x3b0: {  	[sflag:s29] =	ssyncset.done $0x0  }
0x3b1: {  	[sflag:s29] =	ssyncadd.s32 $0xFFFFF800  }
0x3b2: {  	[spmem:s2] =	stream.indirect.scatter.add.f32 [tilespmem:s22], [sflag:$0x6], $0x10, s7, s23, $0xb8;
	[tilespmem:$0x1FD80] =	vst v63  }
0x3b3: {  	_ =	swait.ge [sflag:s31], $0x800  }
0x3b4: {  	[sflag:s31] =	ssyncset.done $0x0  }
0x3b5: {  	s13 =	simm.s32 $0x1DB00;
	[sflag:s31] =	ssyncadd.s32 $0xFFFFF800  }
0x3b6: {  	[spmem:s2] =	stream.indirect.scatter.add.f32 [tilespmem:s13], [sflag:$0x6], $0x10, s21, s23, $0xb8;
	[tilespmem:$0x1FD80] =	vst v63  }
0x3b7: {  	s28 =	simm.s32 $0x1D280;
	s16 =	simm.s32 $0x1EB00;
	_ =	swait.ge [sflag:s31], $0x800  }
0x3b8: {  	s5 =	simm.s32 $0x100;
	s26 =	simm.s32 $0x1D280;
	[sflag:s31] =	ssyncset.done $0x0  }
0x3b9: {  	s0 =	simm.s32 $0x1AD00;
	s14 =	simm.s32 $0x1E300;
	[sflag:s31] =	ssyncadd.s32 $0xFFFFF800  }
0x3ba: {  	[spmem:s2] =	stream.indirect.scatter.add.f32 [tilespmem:s14], [sflag:$0x6], $0x10, s30, s23, $0xb8;
	[tilespmem:$0x1FD80] =	vst v63  }
0x3bb: {  	s9 =	simm.s32 $0x1A980;
	s15 =	simm.s32 $0x1AC00;
	_ =	swait.ge [sflag:s31], $0x800  }
0x3bc: {  	s18 =	simm.s32 $0x1B500;
	s10 =	simm.s32 $0x80;
	[sflag:s31] =	ssyncset.done $0x0  }
0x3bd: {  	s20 =	simm.s32 $0x1;
	s21 =	simm.s32 $0x1AB80;
	[sflag:s31] =	ssyncadd.s32 $0xFFFFF800  }
0x3be: {  	[spmem:s2] =	stream.indirect.scatter.add.f32 [tilespmem:s16], [sflag:$0x6], $0x10, s26, s23, $0xb8;
	[tilespmem:$0x1FD80] =	vst v63  }
0x3bf: {  	s30 =	simm.s32 $0x1D200;
	s14 =	simm.s32 $0x0;
	_ =	swait.ge [sflag:s31], $0x800  }
0x3c0: {  	s16 =	simm.s32 $0x1AC80;
	s26 =	simm.s32 $0x1D180;
	[sflag:s31] =	ssyncset.done $0x0  }
.LBB2_12:
0x3c1: {  	s6 =	sadd.s32 s10, s12  }
0x3c2: {  	[sflag:s31] =	ssyncadd.s32 $0xFFFFF800;
	s24 =	smov.u32 s5;
	s3 =	simm.s32 $0x1A900  }
0x3c3: {  	[tilespmem:s3], [sflag:$0x6] =	stream.linear.gather [hbm4b:s6+s14], $0x200, $0x38;
	[tilespmem:$0x1FD80] =	vst v63  }
0x3c4: {  	s19 =	sadd.s32 $0x80, s5;
	s6 =	rddreg [dreg:$0x4];
	_ =	swait.ge [sflag:s31], $0x200  }
0x3c5: {  	p0 =	sne.s32 s5, $0x6180;
	[sflag:s31] =	ssyncset.done $0x0;
	s4 =	rddreg [dreg:$0x7]  }
0x3c6: {  	s17 =	simm.s32 $0x1AB00;
	[sflag:s31] =	ssyncadd.s32 $0xFFFFFE00;
	s5 =	sadd.s32 s10, s4  }
0x3c7: {  	[tilespmem:s17], [sflag:$0x6] =	stream.linear.gather [hbm4b:s5+s14], $0x200, $0x38;
	[tilespmem:$0x1FD80] =	vst v63  }
0x3c8: {  	_ =	swait.ge [sflag:s31], $0x200  }
0x3c9: {  	[sflag:s31] =	ssyncset.done $0x0  }
0x3ca: {  	[sflag:s31] =	ssyncadd.s32 $0xFFFFFE00  }
0x3cb: {  	[tilespmem:s0], [sflag:$0x1] =	stream.indirect.gather [hbm4b:s25+s23], $0x10, s3, s23, $0xb8;
	[tilespmem:$0x1FD80] =	vst v63  }
0x3cc: {  	_ = 	snop  }
0x3cd: {  	[tilespmem:s18], [sflag:$0x1] =	stream.indirect.gather [hbm4b:s25+s23], $0x10, s9, s23, $0xb8;
	[tilespmem:$0x1FD80] =	vst v63  }
0x3ce: {  	s11 =	simm.s32 $0x1BD00;
	s4 =	simm.s32 $0x1AA00  }
0x3cf: {  	[tilespmem:s11], [sflag:$0x1] =	stream.indirect.gather [hbm4b:s25+s23], $0x10, s4, s23, $0xb8;
	[tilespmem:$0x1FD80] =	vst v63  }
0x3d0: {  	s8 =	simm.s32 $0x1C500;
	s5 =	simm.s32 $0x1AA80  }
0x3d1: {  	[tilespmem:s8], [sflag:$0x1] =	stream.indirect.gather [hbm4b:s25+s23], $0x10, s5, s23, $0xb8;
	[tilespmem:$0x1FD80] =	vst v63  }
0x3d2: {  	s22 =	simm.s32 $0x1CF00;
	s13 =	sadd.s32 s10, s6  }
0x3d3: {  	[tilespmem:s22], [sflag:$0x6] =	stream.linear.gather [hbm4b:s13+s14], $0x200, $0x38;
	[tilespmem:$0x1FD80] =	vst v63  }
0x3d4: {  	_ =	swait.ge [sflag:s31], $0x200  }
0x3d5: {  	[sflag:s31] =	ssyncset.done $0x0;
	s4 =	rddreg [dreg:$0x6]  }
0x3d6: {  	[sflag:s31] =	ssyncadd.s32 $0xFFFFFE00;
	s5 =	sadd.s32 s10, s4  }
0x3d7: {  	[tilespmem:s7], [sflag:$0x6] =	stream.linear.gather [hbm4b:s5+s14], $0x200, $0x38;
	[tilespmem:$0x1FD80] =	vst v63  }
0x3d8: {  	s12 =	rddreg [dreg:$0x5];
	_ =	swait.ge [sflag:s31], $0x200  }
0x3d9: {  	[sflag:s31] =	ssyncset.done $0x0  }
0x3da: {  	s7 =	simm.s32 $0x1D300;
	[sflag:s31] =	ssyncadd.s32 $0xFFFFFE00  }
0x3db: {  	[tilespmem:s7], [sflag:$0x3] =	stream.indirect.gather [hbm4b:s25+s23], $0x10, s22, s23, $0xb8;
	[tilespmem:$0x1FD80] =	vst v63  }
0x3dc: {  	s5 =	simm.s32 $0x1CF80;
	s22 =	simm.s32 $0x1DB00  }
0x3dd: {  	[tilespmem:s22], [sflag:$0x3] =	stream.indirect.gather [hbm4b:s25+s23], $0x10, s5, s23, $0xb8;
	[tilespmem:$0x1FD80] =	vst v63  }
0x3de: {  	s13 =	simm.s32 $0x1D000;
	s4 =	simm.s32 $0x1E300  }
0x3df: {  	[tilespmem:s4], [sflag:$0x3] =	stream.indirect.gather [hbm4b:s25+s23], $0x10, s13, s23, $0xb8;
	[tilespmem:$0x1FD80] =	vst v63  }
0x3e0: {  	s3 =	simm.s32 $0x1EB00;
	s13 =	simm.s32 $0x1D080  }
0x3e1: {  	[tilespmem:s3], [sflag:$0x3] =	stream.indirect.gather [hbm4b:s25+s23], $0x10, s13, s23, $0xb8;
	[tilespmem:$0x1FD80] =	vst v63  }
0x3e2: {  	_ =	swait.ge [sflag:s20], $0x800  }
0x3e3: {  	[sflag:s20] =	ssyncset.done $0x0  }
0x3e4: {  	[sflag:s20] =	ssyncadd.s32 $0xFFFFF800  }
0x3e5: {  	_ =	swait.ge [sflag:s20], $0x800  }
0x3e6: {  	[sflag:s20] =	ssyncset.done $0x0  }
0x3e7: {  	[sflag:s20] =	ssyncadd.s32 $0xFFFFF800  }
0x3e8: {  	_ =	swait.ge [sflag:s20], $0x800  }
0x3e9: {  	[sflag:s20] =	ssyncset.done $0x0  }
0x3ea: {  	[sflag:s20] =	ssyncadd.s32 $0xFFFFF800  }
0x3eb: {  	_ =	swait.ge [sflag:s20], $0x800  }
0x3ec: {  	[sflag:s20] =	ssyncset.done $0x0  }
0x3ed: {  	[sflag:s20] =	ssyncadd.s32 $0xFFFFF800  }
0x3ee: {  	[spmem:s2] =	stream.indirect.scatter.add.f32 [tilespmem:s0], [sflag:$0x6], $0x10, s17, s23, $0xb8;
	[tilespmem:$0x1FD80] =	vst v63  }
0x3ef: {  	_ =	swait.ge [sflag:s31], $0x800  }
0x3f0: {  	[sflag:s31] =	ssyncset.done $0x0  }
0x3f1: {  	[sflag:s31] =	ssyncadd.s32 $0xFFFFF800  }
0x3f2: {  	[spmem:s2] =	stream.indirect.scatter.add.f32 [tilespmem:s18], [sflag:$0x6], $0x10, s21, s23, $0xb8;
	[tilespmem:$0x1FD80] =	vst v63  }
0x3f3: {  	_ =	swait.ge [sflag:s31], $0x800  }
0x3f4: {  	[sflag:s31] =	ssyncset.done $0x0  }
0x3f5: {  	[sflag:s31] =	ssyncadd.s32 $0xFFFFF800  }
0x3f6: {  	[spmem:s2] =	stream.indirect.scatter.add.f32 [tilespmem:s11], [sflag:$0x6], $0x10, s15, s23, $0xb8;
	[tilespmem:$0x1FD80] =	vst v63  }
0x3f7: {  	_ =	swait.ge [sflag:s31], $0x800  }
0x3f8: {  	[sflag:s31] =	ssyncset.done $0x0  }
0x3f9: {  	[sflag:s31] =	ssyncadd.s32 $0xFFFFF800  }
0x3fa: {  	[spmem:s2] =	stream.indirect.scatter.add.f32 [tilespmem:s8], [sflag:$0x6], $0x10, s16, s23, $0xb8;
	[tilespmem:$0x1FD80] =	vst v63  }
0x3fb: {  	_ =	swait.ge [sflag:s31], $0x800  }
0x3fc: {  	[sflag:s31] =	ssyncset.done $0x0  }
0x3fd: {  	[sflag:s31] =	ssyncadd.s32 $0xFFFFF800  }
0x3fe: {  	_ =	swait.ge [sflag:s29], $0x800  }
0x3ff: {  	[sflag:s29] =	ssyncset.done $0x0  }
0x400: {  	[sflag:s29] =	ssyncadd.s32 $0xFFFFF800  }
0x401: {  	_ =	swait.ge [sflag:s29], $0x800  }
0x402: {  	[sflag:s29] =	ssyncset.done $0x0  }
0x403: {  	[sflag:s29] =	ssyncadd.s32 $0xFFFFF800  }
0x404: {  	_ =	swait.ge [sflag:s29], $0x800  }
0x405: {  	[sflag:s29] =	ssyncset.done $0x0  }
0x406: {  	[sflag:s29] =	ssyncadd.s32 $0xFFFFF800  }
0x407: {  	_ =	swait.ge [sflag:s29], $0x800  }
0x408: {  	[sflag:s29] =	ssyncset.done $0x0  }
0x409: {  	s10 =	smov.u32 s24;
	s24 =	simm.s32 $0x1D100;
	[sflag:s29] =	ssyncadd.s32 $0xFFFFF800  }
0x40a: {  	[spmem:s2] =	stream.indirect.scatter.add.f32 [tilespmem:s7], [sflag:$0x6], $0x10, s24, s23, $0xb8;
	[tilespmem:$0x1FD80] =	vst v63  }
0x40b: {  	_ =	swait.ge [sflag:s31], $0x800  }
0x40c: {  	[sflag:s31] =	ssyncset.done $0x0  }
0x40d: {  	[sflag:s31] =	ssyncadd.s32 $0xFFFFF800  }
0x40e: {  	[spmem:s2] =	stream.indirect.scatter.add.f32 [tilespmem:s22], [sflag:$0x6], $0x10, s26, s23, $0xb8;
	[tilespmem:$0x1FD80] =	vst v63  }
0x40f: {  	_ =	swait.ge [sflag:s31], $0x800  }
0x410: {  	[sflag:s31] =	ssyncset.done $0x0  }
0x411: {  	[sflag:s31] =	ssyncadd.s32 $0xFFFFF800  }
0x412: {  	[spmem:s2] =	stream.indirect.scatter.add.f32 [tilespmem:s4], [sflag:$0x6], $0x10, s30, s23, $0xb8;
	[tilespmem:$0x1FD80] =	vst v63  }
0x413: {  	_ =	swait.ge [sflag:s31], $0x800  }
.Ltmp5:
0x414: {  	[sflag:s31] =	ssyncset.done $0x0;
	(pc) =	sbr.rel @p0 .LBB2_12-.Ltmp5, $4  }
0x415: {  	[sflag:s31] =	ssyncadd.s32 $0xFFFFF800  }
0x416: {  	[spmem:s2] =	stream.indirect.scatter.add.f32 [tilespmem:s3], [sflag:$0x6], $0x10, s28, s23, $0xb8;
	[tilespmem:$0x1FD80] =	vst v63  }
0x417: {  	_ =	swait.ge [sflag:s31], $0x800  }
0x418: {  	s5 =	smov.u32 s19;
	s7 =	simm.s32 $0x1D100;
	[sflag:s31] =	ssyncset.done $0x0  }
0x419: {  	s5 =	sadd.s32 s10, s12;
	[sflag:s31] =	ssyncadd.s32 $0xFFFFF800;
	s3 =	simm.s32 $0x1A900  }
0x41a: {  	[tilespmem:s3], [sflag:$0x6] =	stream.linear.gather [hbm4b:s5+s14], $0x200, $0x38;
	[tilespmem:$0x1FD80] =	vst v63  }
0x41b: {  	_ =	swait.ge [sflag:s31], $0x200  }
0x41c: {  	[sflag:s31] =	ssyncset.done $0x0;
	s8 =	rddreg [dreg:$0x7]  }
0x41d: {  	s17 =	simm.s32 $0x1AB00;
	[sflag:s31] =	ssyncadd.s32 $0xFFFFFE00;
	s5 =	sadd.s32 s10, s8  }
0x41e: {  	[tilespmem:s17], [sflag:$0x6] =	stream.linear.gather [hbm4b:s5+s14], $0x200, $0x38;
	[tilespmem:$0x1FD80] =	vst v63  }
0x41f: {  	_ =	swait.ge [sflag:s31], $0x200  }
0x420: {  	[sflag:s31] =	ssyncset.done $0x0  }
0x421: {  	[sflag:s31] =	ssyncadd.s32 $0xFFFFFE00  }
0x422: {  	[tilespmem:s0], [sflag:$0x1] =	stream.indirect.gather [hbm4b:s25+s23], $0x10, s3, s23, $0xb8;
	[tilespmem:$0x1FD80] =	vst v63  }
0x423: {  	_ = 	snop  }
0x424: {  	[tilespmem:s18], [sflag:$0x1] =	stream.indirect.gather [hbm4b:s25+s23], $0x10, s9, s23, $0xb8;
	[tilespmem:$0x1FD80] =	vst v63  }
0x425: {  	s11 =	simm.s32 $0x1BD00;
	s4 =	simm.s32 $0x1AA00  }
0x426: {  	[tilespmem:s11], [sflag:$0x1] =	stream.indirect.gather [hbm4b:s25+s23], $0x10, s4, s23, $0xb8;
	[tilespmem:$0x1FD80] =	vst v63  }
0x427: {  	s8 =	simm.s32 $0x1C500;
	s9 =	simm.s32 $0x1AA80  }
0x428: {  	[tilespmem:s8], [sflag:$0x1] =	stream.indirect.gather [hbm4b:s25+s23], $0x10, s9, s23, $0xb8;
	[tilespmem:$0x1FD80] =	vst v63  }
0x429: {  	s12 =	sadd.s32 s10, s6;
	s13 =	simm.s32 $0x1CF00  }
0x42a: {  	[tilespmem:s13], [sflag:$0x6] =	stream.linear.gather [hbm4b:s12+s14], $0x200, $0x38;
	[tilespmem:$0x1FD80] =	vst v63  }
0x42b: {  	_ =	swait.ge [sflag:s31], $0x200  }
0x42c: {  	[sflag:s31] =	ssyncset.done $0x0;
	s19 =	rddreg [dreg:$0x6]  }
0x42d: {  	[sflag:s31] =	ssyncadd.s32 $0xFFFFFE00;
	s5 =	sadd.s32 s10, s19  }
0x42e: {  	[tilespmem:s7], [sflag:$0x6] =	stream.linear.gather [hbm4b:s5+s14], $0x200, $0x38;
	[tilespmem:$0x1FD80] =	vst v63  }
0x42f: {  	_ =	swait.ge [sflag:s31], $0x200  }
0x430: {  	[sflag:s31] =	ssyncset.done $0x0  }
0x431: {  	s24 =	simm.s32 $0x1D300;
	[sflag:s31] =	ssyncadd.s32 $0xFFFFFE00  }
0x432: {  	[tilespmem:s24], [sflag:$0x3] =	stream.indirect.gather [hbm4b:s25+s23], $0x10, s13, s23, $0xb8;
	[tilespmem:$0x1FD80] =	vst v63  }
0x433: {  	s3 =	simm.s32 $0x1DB00;
	s9 =	simm.s32 $0x1CF80  }
0x434: {  	[tilespmem:s3], [sflag:$0x3] =	stream.indirect.gather [hbm4b:s25+s23], $0x10, s9, s23, $0xb8;
	[tilespmem:$0x1FD80] =	vst v63  }
0x435: {  	s12 =	simm.s32 $0x1E300;
	s13 =	simm.s32 $0x1D000  }
0x436: {  	[tilespmem:s12], [sflag:$0x3] =	stream.indirect.gather [hbm4b:s25+s23], $0x10, s13, s23, $0xb8;
	[tilespmem:$0x1FD80] =	vst v63  }
0x437: {  	s19 =	simm.s32 $0x1EB00;
	s13 =	simm.s32 $0x1D080  }
0x438: {  	[tilespmem:s19], [sflag:$0x3] =	stream.indirect.gather [hbm4b:s25+s23], $0x10, s13, s23, $0xb8;
	[tilespmem:$0x1FD80] =	vst v63  }
0x439: {  	_ =	swait.ge [sflag:s20], $0x800  }
0x43a: {  	[sflag:s20] =	ssyncset.done $0x0  }
0x43b: {  	[sflag:s20] =	ssyncadd.s32 $0xFFFFF800  }
0x43c: {  	_ =	swait.ge [sflag:s20], $0x800  }
0x43d: {  	[sflag:s20] =	ssyncset.done $0x0  }
0x43e: {  	[sflag:s20] =	ssyncadd.s32 $0xFFFFF800  }
0x43f: {  	_ =	swait.ge [sflag:s20], $0x800  }
0x440: {  	[sflag:s20] =	ssyncset.done $0x0  }
0x441: {  	[sflag:s20] =	ssyncadd.s32 $0xFFFFF800  }
0x442: {  	_ =	swait.ge [sflag:s20], $0x800  }
0x443: {  	[sflag:s20] =	ssyncset.done $0x0  }
0x444: {  	[sflag:s20] =	ssyncadd.s32 $0xFFFFF800  }
0x445: {  	[spmem:s2] =	stream.indirect.scatter.add.f32 [tilespmem:s0], [sflag:$0x6], $0x10, s17, s23, $0xb8;
	[tilespmem:$0x1FD80] =	vst v63  }
0x446: {  	_ =	swait.ge [sflag:s31], $0x800  }
0x447: {  	[sflag:s31] =	ssyncset.done $0x0  }
0x448: {  	[sflag:s31] =	ssyncadd.s32 $0xFFFFF800  }
0x449: {  	[spmem:s2] =	stream.indirect.scatter.add.f32 [tilespmem:s18], [sflag:$0x6], $0x10, s21, s23, $0xb8;
	[tilespmem:$0x1FD80] =	vst v63  }
0x44a: {  	_ =	swait.ge [sflag:s31], $0x800  }
0x44b: {  	[sflag:s31] =	ssyncset.done $0x0  }
0x44c: {  	[sflag:s31] =	ssyncadd.s32 $0xFFFFF800  }
0x44d: {  	[spmem:s2] =	stream.indirect.scatter.add.f32 [tilespmem:s11], [sflag:$0x6], $0x10, s15, s23, $0xb8;
	[tilespmem:$0x1FD80] =	vst v63  }
0x44e: {  	_ =	swait.ge [sflag:s31], $0x800  }
0x44f: {  	[sflag:s31] =	ssyncset.done $0x0  }
0x450: {  	[sflag:s31] =	ssyncadd.s32 $0xFFFFF800  }
0x451: {  	[spmem:s2] =	stream.indirect.scatter.add.f32 [tilespmem:s8], [sflag:$0x6], $0x10, s16, s23, $0xb8;
	[tilespmem:$0x1FD80] =	vst v63  }
0x452: {  	_ =	swait.ge [sflag:s31], $0x800  }
0x453: {  	[sflag:s31] =	ssyncset.done $0x0  }
0x454: {  	[sflag:s31] =	ssyncadd.s32 $0xFFFFF800  }
0x455: {  	_ =	swait.ge [sflag:s29], $0x800  }
0x456: {  	[sflag:s29] =	ssyncset.done $0x0  }
0x457: {  	[sflag:s29] =	ssyncadd.s32 $0xFFFFF800  }
0x458: {  	_ =	swait.ge [sflag:s29], $0x800  }
0x459: {  	[sflag:s29] =	ssyncset.done $0x0  }
0x45a: {  	[sflag:s29] =	ssyncadd.s32 $0xFFFFF800  }
0x45b: {  	_ =	swait.ge [sflag:s29], $0x800  }
0x45c: {  	[sflag:s29] =	ssyncset.done $0x0  }
0x45d: {  	[sflag:s29] =	ssyncadd.s32 $0xFFFFF800  }
0x45e: {  	_ =	swait.ge [sflag:s29], $0x800  }
0x45f: {  	[sflag:s29] =	ssyncset.done $0x0  }
0x460: {  	s22 =	simm.s32 $0x1D100;
	[sflag:s29] =	ssyncadd.s32 $0xFFFFF800  }
0x461: {  	[spmem:s2] =	stream.indirect.scatter.add.f32 [tilespmem:s24], [sflag:$0x6], $0x10, s22, s23, $0xb8;
	[tilespmem:$0x1FD80] =	vst v63  }
0x462: {  	_ =	swait.ge [sflag:s31], $0x800  }
0x463: {  	[sflag:s31] =	ssyncset.done $0x0  }
0x464: {  	[sflag:s31] =	ssyncadd.s32 $0xFFFFF800  }
0x465: {  	[spmem:s2] =	stream.indirect.scatter.add.f32 [tilespmem:s3], [sflag:$0x6], $0x10, s26, s23, $0xb8;
	[tilespmem:$0x1FD80] =	vst v63  }
0x466: {  	_ =	swait.ge [sflag:s31], $0x800  }
0x467: {  	[sflag:s31] =	ssyncset.done $0x0  }
0x468: {  	[sflag:s31] =	ssyncadd.s32 $0xFFFFF800  }
0x469: {  	[spmem:s2] =	stream.indirect.scatter.add.f32 [tilespmem:s12], [sflag:$0x6], $0x10, s30, s23, $0xb8;
	[tilespmem:$0x1FD80] =	vst v63  }
0x46a: {  	_ =	swait.ge [sflag:s31], $0x800  }
0x46b: {  	[sflag:s31] =	ssyncset.done $0x0  }
0x46c: {  	[sflag:s31] =	ssyncadd.s32 $0xFFFFF800  }
0x46d: {  	[spmem:s2] =	stream.indirect.scatter.add.f32 [tilespmem:s19], [sflag:$0x6], $0x10, s28, s23, $0xb8;
	[tilespmem:$0x1FD80] =	vst v63  }
0x46e: {  	_ =	swait.ge [sflag:s31], $0x800  }
0x46f: {  	[sflag:s31] =	ssyncset.done $0x0  }
0x470: {  	[sflag:s31] =	ssyncadd.s32 $0xFFFFF800  }
0x471: {  	[bflag:$0x0] =	sbarrier.arrive $0xFFFF  }
0x472: {  	s24 =	sld [smem:$0x7FD]  }
0x473: {  	s6 =	rddreg [dreg:$0x13]  }
0x474: {  	s22 =	rddreg [dreg:$0x18]  }
0x475: {  	[hbm:s22], [sflag:s6] =	dma.local [spmem:s24], $0x3200  }
0x476: {  	_ =	swait.ge [sflag:s31], $0x3200  }
0x477: {  	s25 =	rddreg [dreg:$0x1b]  }
0x478: {  	s29 =	rddreg [dreg:$0x19];
	s13 =	sadd.s32 $0x1, s25  }
0x479: {  	p0 =	sne.s32 s13, s29  }
.Ltmp6:
0x47a: {  	_ = 	snop;
	(pc) =	sbr.rel @p0 .LBB2_1-.Ltmp6, $4  }
0x47b: {  	s4 =	simm.s32 $0x1AB00;
	s10 =	simm.s32 $0x1CD80;
	s7 =	simm.s32 $0x1CD00  }
0x47c: {  	s0 =	simm.s32 $0x1CE00;
	s18 =	simm.s32 $0x1CE80;
	s11 =	simm.s32 $0x1D100  }
0x47d: {  	s8 =	simm.s32 $0x1AB80;
	[sflag:s31] =	ssyncset.done $0x0;
	s20 =	rddreg [dreg:$0x1d]  }
0x47e: {  	s19 =	simm.s32 $0x5;
	s21 =	rddreg [dreg:$0x1e];
	[sflag:s31] =	ssyncadd.s32 $0xFFFFCE00  }
0x47f: {  	_ =	sfence.sel $0x180000  }
0x480: {  	[bflag:$0x0] =	sbarrier.arrive $0xFFFF  }
0x481: {  	_ =	strace $0x90000047  }
0x482: {  	s0 =	stileid.u32;
	[bflag:$0x2] =	sbarrier.arrive $0xFFFF  }
0x483: {  	p0 =	sne.s32 s0, $0x0;
	s0 =	rddreg [dreg:$0x3]  }
0x484: {  	s0 =	sadd.s32 @!p0 $0x100000, s0  }
0x485: {  	[sflag:s0] =	ssyncadd.tile.s32 @!p0 $0x1;
	_ =	shalt  }
.Lfunc_end2:
_tile_overlayer_lowered:
.L_overlay_start_2:
0x486: {  	(tag) =	ssettag $0x2  }
0x487: {  	s0 =	rddreg [dreg:$0x0];
	s2 =	stileid.u32  }
0x488: {  	s1 =	rddreg [dreg:$0x1];
	p0 =	sne.s32 s2, $0x0  }
0x489: {  	s3 =	rddreg [dreg:$0x2];
	[bflag:$0x3] =	sbarrier.arrive $0xFFFF;
	s2 =	simm.s32 @!p0 $0x1C06  }
0x48a: {  	[timem:s3], [sflag:s2] =	dma.local @!p0 [hbm:s0], s1  }
0x48b: {  	s0 =	simm.s32 @!p0 $0x6  }
0x48c: {  	_ =	swait.ge @!p0 [sflag:s0], s1  }
0x48d: {  	s1 =	ssub.s32 @!p0 $0x0, s1;
	[sflag:s0] =	ssyncset.done @!p0 $0x0  }
0x48e: {  	[sflag:s0] =	ssyncadd.s32 @!p0 s1  }
0x48f: {  	[bflag:$0x3] =	sbarrier.arrive $0xFFFF  }
0x490: {  	_ =	shalt  }

</sc_bundles>
